<compile_context>
chip_gen: v7x
topology: tpu7x:2x2x1
jax: 0.10.2.dev20260603
libtpu: 0.0.44.dev20260713+nightly
codegen_flags: <defaults>
</compile_context>

<pallas_src>
import jax
import jax.numpy as jnp
from jax import lax
from jax.experimental import pallas as pl
from jax.experimental.pallas import tpu as pltpu
from jax.experimental.pallas import tpu_sc as plsc

N_NODES = 10000
N_EDGES = 320000
EHALF = N_EDGES // 2
D = 128
NC = 2
NS = 16
NW = NC * NS
R = 320
GR = 2 * R
NPAD = NW * R
C = 1600
NCHUNK = EHALF // C
G = 64
NRING = 2
QCAP = 4096
QMASK = QCAP - 1
DRAIN_TO = QCAP - C - 2 * G
NEG = float("-inf")


def _lo_f32(v):
    return plsc.bitcast(lax.shift_left(v, 16), jnp.float32)


def _hi_f32(v):
    mask = jnp.full((16,), -65536, jnp.int32)
    return plsc.bitcast(lax.bitwise_and(v, mask), jnp.float32)


def _body(src_h, dst_h, x_h, wle_h, wlo_h, wre_h, wro_h, out_h,
          dstb, srcb, qsrc, qld, rowsb, acc, wv, outv, xs, msh,
          esem, gsem):
    cid = lax.axis_index("c")
    sid = lax.axis_index("s")
    half = lax.bitwise_and(sid, 1)
    p = lax.shift_right_logical(sid, 1)
    glo = (cid * (NS // 2) + p) * GR
    stage = NPAD // NS
    pltpu.sync_copy(x_h.at[pl.ds(sid * stage, stage)],
                    xs.at[pl.ds(sid * stage, stage)])
    lov = jnp.full((16,), glo, jnp.int32)
    hiv = lov + GR
    iota = lax.iota(jnp.int32, 16)
    qmaskv = jnp.full((16,), QMASK, jnp.int32)
    ebase = half * EHALF

    ninf2 = jnp.full((16,), -8323200, jnp.int32)

    def init_row(r, carry):
        for k in range(D // 32):
            acc[r, pl.ds(16 * k, 16)] = ninf2
        return carry
    lax.fori_loop(0, GR + 1, init_row, 0)
    plsc.subcore_barrier()

    pltpu.async_copy(dst_h.at[pl.ds(ebase, C)], dstb.at[0], esem.at[0])
    pltpu.async_copy(src_h.at[pl.ds(ebase, C)], srcb.at[0], esem.at[0])

    def maybe_issue(ig, pg, limit):
        can = jnp.logical_and(ig * G + G <= limit, ig - pg < NRING)

        @pl.when(can)
        def _():
            off = lax.bitwise_and(ig, QCAP // G - 1) * G
            b = lax.bitwise_and(ig, NRING - 1)
            pltpu.async_copy(xs.at[qsrc.at[pl.ds(off, G)]], rowsb.at[b],
                             gsem.at[b])
        return jnp.where(can, ig + 1, ig)

    def process(pg):
        b = lax.bitwise_and(pg, NRING - 1)
        pltpu.make_async_copy(xs.at[pl.ds(0, G)], rowsb.at[b],
                              gsem.at[b]).wait()
        qoff = lax.bitwise_and(pg, QCAP // G - 1) * G

        def sub_body(t, carry2):
            ldv = qld[pl.ds(qoff + t * 16, 16)]
            for j in range(16):
                ld = ldv[j]
                avs = [plsc.bitcast(acc[ld, pl.ds(16 * k, 16)],
                                    jnp.bfloat16)
                       for k in range(D // 32)]
                rvs = [plsc.bitcast(rowsb[b, t * 16 + j,
                                          pl.ds(16 * k, 16)],
                                    jnp.bfloat16)
                       for k in range(D // 32)]
                mxs = [jnp.maximum(a, r_) for a, r_ in zip(avs, rvs)]
                for k in range(D // 32):
                    acc[ld, pl.ds(16 * k, 16)] = plsc.bitcast(
                        mxs[k], jnp.int32)
            return carry2
        lax.fori_loop(0, G // 16, sub_body, 0)

    def chunk_body(c, carry):
        cursor, ig, pg = carry
        cp = lax.bitwise_and(c, 1)
        cq = 1 - cp

        @pl.when(c + 1 < NCHUNK)
        def _():
            off2 = ebase + (c + 1) * C
            pltpu.async_copy(dst_h.at[pl.ds(off2, C)], dstb.at[cq],
                             esem.at[cq])
            pltpu.async_copy(src_h.at[pl.ds(off2, C)], srcb.at[cq],
                             esem.at[cq])
        pltpu.make_async_copy(dst_h.at[pl.ds(0, C)], dstb.at[cp],
                              esem.at[cp]).wait()
        pltpu.make_async_copy(src_h.at[pl.ds(0, C)], srcb.at[cp],
                              esem.at[cp]).wait()

        cnt0 = jnp.max(cursor)

        def fill0_body(_, ig2):
            return maybe_issue(ig2, pg, cnt0)
        ig = lax.fori_loop(0, NRING, fill0_body, ig)

        def scan_body(i, cur):
            d = dstb[cp, pl.ds(i * 16, 16)]
            s = srcb[cp, pl.ds(i * 16, 16)]
            m = (d >= lov) & (d < hiv)
            mi = m.astype(jnp.int32)
            pos = lax.bitwise_and(cur + plsc.cumsum(mi) - mi, qmaskv)
            plsc.store_scatter(qsrc, [pos], s, mask=m)
            plsc.store_scatter(qld, [pos], d - lov, mask=m)
            return cur + plsc.all_reduce_population_count(m)
        cursor = lax.fori_loop(0, C // 16, scan_body, cursor)
        cnt = jnp.max(cursor)

        def fill_body(_, ig2):
            return maybe_issue(ig2, pg, cnt)
        ig = lax.fori_loop(0, NRING, fill_body, ig)

        def drain_cond(c2):
            _, pg2 = c2
            return cnt - pg2 * G > DRAIN_TO

        def drain_body(c2):
            ig2, pg2 = c2
            ig3 = maybe_issue(ig2, pg2, cnt)
            process(pg2)
            return ig3, pg2 + 1
        ig, pg = lax.while_loop(drain_cond, drain_body, (ig, pg))
        return cursor, ig, pg

    cursor, ig, pg = lax.fori_loop(
        0, NCHUNK, chunk_body,
        (jnp.zeros((16,), jnp.int32), jnp.int32(0), jnp.int32(0)))

    for t in range(G // 16):
        tpos = lax.bitwise_and(cursor + iota + (16 * t), qmaskv)
        plsc.store_scatter(qsrc, [tpos], jnp.zeros((16,), jnp.int32))
        plsc.store_scatter(qld, [tpos], jnp.full((16,), GR, jnp.int32))
    cnt = jnp.max(cursor)
    cntp = lax.bitwise_and(cnt + (G - 1), jnp.int32(-G))

    def fin_cond(c2):
        _, pg2 = c2
        return pg2 * G < cntp

    def fin_drain(c2):
        ig2, pg2 = c2
        ig3 = maybe_issue(ig2, pg2, cntp)
        process(pg2)
        return ig3, pg2 + 1
    ig, pg = lax.while_loop(fin_cond, fin_drain, (ig, pg))

    pub_base = jnp.where(half == 1, p * R, (NS // 2 + p) * R)
    rd_base = jnp.where(half == 0, p * R, (NS // 2 + p) * R)
    rb = half * R
    prb = (1 - half) * R
    pltpu.sync_copy(acc.at[pl.ds(prb, R)], msh.at[pl.ds(pub_base, R)])
    plsc.subcore_barrier()

    def merge_blk(bb, carry):
        pltpu.sync_copy(msh.at[pl.ds(rd_base + bb * G, G)], rowsb.at[0])

        def merge_row(j, carry2):
            rr = rb + bb * G + j
            avs = [plsc.bitcast(acc[rr, pl.ds(16 * k, 16)], jnp.bfloat16)
                   for k in range(D // 32)]
            bvs = [plsc.bitcast(rowsb[0, j, pl.ds(16 * k, 16)],
                                jnp.bfloat16)
                   for k in range(D // 32)]
            mxs = [jnp.maximum(a, b_) for a, b_ in zip(avs, bvs)]
            for k in range(D // 32):
                acc[rr, pl.ds(16 * k, 16)] = plsc.bitcast(mxs[k],
                                                          jnp.int32)
            return carry2
        lax.fori_loop(0, G, merge_row, 0)
        return carry
    lax.fori_loop(0, R // G, merge_blk, 0)

    lo_out = glo + rb
    pltpu.sync_copy(wle_h, wv.at[0])
    pltpu.sync_copy(wlo_h, wv.at[1])
    pltpu.sync_copy(wre_h, wv.at[2])
    pltpu.sync_copy(wro_h, wv.at[3])
    negv = jnp.full((16,), NEG, jnp.float32)
    zerov = jnp.zeros((16,), jnp.float32)

    def fin_blk(bb, carry):
        pltpu.sync_copy(x_h.at[pl.ds(lo_out + bb * G, G)], rowsb.at[1])

        def fin_row(j, carry2):
            r = bb * G + j
            t = zerov
            for k in range(D // 32):
                sl16 = pl.ds(16 * k, 16)
                av = acc[rb + r, sl16]
                ae = _lo_f32(av)
                ao = _hi_f32(av)
                ae = jnp.where(ae == negv, zerov, ae)
                ao = jnp.where(ao == negv, zerov, ao)
                xv = rowsb[1, j, sl16]
                t = (t + ae * wv[0, sl16] + ao * wv[1, sl16]
                     + _lo_f32(xv) * wv[2, sl16] + _hi_f32(xv) * wv[3, sl16])
            s = jnp.sum(t)
            plsc.store_scatter(outv, [jnp.full((16,), r, jnp.int32)],
                               jnp.full((16,), s, jnp.float32),
                               mask=iota == 0)
            return carry2
        lax.fori_loop(0, G, fin_row, 0)
        return carry
    lax.fori_loop(0, R // G, fin_blk, 0)
    pltpu.sync_copy(outv, out_h.at[pl.ds(lo_out, R)])


@jax.jit
def _sc_call(src, dst, xi, wle, wlo, wre, wro):
    mesh = plsc.VectorSubcoreMesh(core_axis_name="c", subcore_axis_name="s",
                                  num_cores=NC, num_subcores=NS)
    return pl.kernel(
        _body,
        out_type=jax.ShapeDtypeStruct((NPAD,), jnp.float32),
        mesh=mesh,
        compiler_params=pltpu.CompilerParams(needs_layout_passes=False,
                                             use_tc_tiling_on_sc=False),
        scratch_types=[
            pltpu.VMEM((2, C), jnp.int32),
            pltpu.VMEM((2, C), jnp.int32),
            pltpu.VMEM((QCAP,), jnp.int32),
            pltpu.VMEM((QCAP,), jnp.int32),
            pltpu.VMEM((NRING, G, D // 2), jnp.int32),
            pltpu.VMEM((GR + 1, D // 2), jnp.int32),
            pltpu.VMEM((4, D // 2), jnp.float32),
            pltpu.VMEM((R,), jnp.float32),
            pltpu.VMEM_SHARED((NPAD, D // 2), jnp.int32),
            pltpu.VMEM_SHARED((NS * R, D // 2), jnp.int32),
            pltpu.SemaphoreType.DMA((2,)),
            pltpu.SemaphoreType.DMA((NRING,)),
        ],
    )(src, dst, xi, wle, wlo, wre, wro)


def kernel(X, edge_index, W_l, b_l, W_r):
    ei = edge_index.astype(jnp.int32)
    src = ei[0]
    dst = ei[1]
    xbf = jnp.pad(X, ((0, NPAD - N_NODES), (0, 0))).astype(jnp.bfloat16)
    xi = jax.lax.bitcast_convert_type(xbf.reshape(NPAD, D // 2, 2),
                                      jnp.int32)
    wl = W_l.reshape(-1)
    wr = W_r.reshape(-1)
    out = _sc_call(src, dst, xi, wl[0::2], wl[1::2], wr[0::2], wr[1::2])
    return out[:N_NODES, None] + b_l[None, :]

# --- scband reference (transcript-rebuilt; emitter-appended) ---
"""Pipeline reference for scband-mcmhedge-decoder-69681549410498 (READ-ONLY COPY).

The authoritative reference and input builder live on the scoring server;
editing this copy changes nothing except your own understanding.
"""

import jax, jax.numpy as jnp
import numpy as np

N_NODES = 10000
N_EDGES = 320000
D_IN = 128
D_OUT = 1

def setup_inputs(seed: int = 0) -> dict:
    key = jax.random.key(seed)
    k1, k2, k3, k4, k5 = jax.random.split(key, 5)
    X = jax.random.normal(k1, (N_NODES, D_IN), dtype=jnp.float32)
    edge_index = jax.random.randint(k2, (2, N_EDGES), 0, N_NODES, dtype=jnp.int64)
    # SAGEConv params: lin_l (applied to aggregated neighbors, with bias),
    # lin_r (applied to root/self features, no bias)
    W_l = jax.random.normal(k3, (D_OUT, D_IN), dtype=jnp.float32) * (1.0 / np.sqrt(D_IN))
    b_l = jnp.zeros((D_OUT,), dtype=jnp.float32)
    W_r = jax.random.normal(k4, (D_OUT, D_IN), dtype=jnp.float32) * (1.0 / np.sqrt(D_IN))
    return {"X": X, "edge_index": edge_index, "W_l": W_l, "b_l": b_l, "W_r": W_r}

def reference(X, edge_index, W_l, b_l, W_r):
    # SAGEConv(aggr='max', normalize=False, root_weight=True)
    src = edge_index[0]
    dst = edge_index[1]
    msgs = jnp.take(X, src, axis=0)                       # gather x_j, [E, D_IN]
    agg = jax.ops.segment_max(msgs, dst, num_segments=X.shape[0])  # max aggregation at dst
    # PyG fills nodes with no incoming edges with 0 (scatter_reduce include_self=False on zeros)
    agg = jnp.where(jnp.isneginf(agg), 0.0, agg)
    out = agg @ W_l.T + b_l + X @ W_r.T
    return out

if __name__ == "__main__":
    import jax
    _d = setup_inputs()
    print(jax.jit(kernel)(*tuple(_d.values())))

</pallas_src>

<mosaic_0001>
#map = affine_map<(d0, d1) -> (0)>
#map1 = affine_map<(d0, d1) -> (0, 0)>
module attributes {stable_mosaic.version = 14 : i64} {
  func.func @_body(%arg0: i32, %arg1: i32, %arg2: memref<320000xi32, #tpu.memory_space<hbm>>, %arg3: memref<320000xi32, #tpu.memory_space<hbm>>, %arg4: memref<10240x64xi32, #tpu.memory_space<hbm>>, %arg5: memref<64xf32, #tpu.memory_space<hbm>>, %arg6: memref<64xf32, #tpu.memory_space<hbm>>, %arg7: memref<64xf32, #tpu.memory_space<hbm>>, %arg8: memref<64xf32, #tpu.memory_space<hbm>>, %arg9: memref<10240xf32, #tpu.memory_space<hbm>>, %arg10: memref<2x1600xi32, #tpu.memory_space<vmem>>, %arg11: memref<2x1600xi32, #tpu.memory_space<vmem>>, %arg12: memref<4096xi32, #tpu.memory_space<vmem>>, %arg13: memref<4096xi32, #tpu.memory_space<vmem>>, %arg14: memref<2x64x64xi32, #tpu.memory_space<vmem>>, %arg15: memref<641x64xi32, #tpu.memory_space<vmem>>, %arg16: memref<4x64xf32, #tpu.memory_space<vmem>>, %arg17: memref<320xf32, #tpu.memory_space<vmem>>, %arg18: memref<10240x64xi32, #tpu.memory_space<vmem_shared>>, %arg19: memref<5120x64xi32, #tpu.memory_space<vmem_shared>>, %arg20: memref<2x!tpu.dma_semaphore, #tpu.memory_space<semaphore_mem>>, %arg21: memref<2x!tpu.dma_semaphore, #tpu.memory_space<semaphore_mem>>) attributes {dimension_semantics = [#tpu.dimension_semantics<core_parallel>, #tpu.dimension_semantics<subcore_parallel>], iteration_bounds = array<i64: 2, 16>, scalar_prefetch = 0 : i64, scratch_operands = 12 : i64, tpu.core_type = #tpu.core_type<sc_vector_subcore>, window_params = [{transform_indices = #map}, {transform_indices = #map}, {transform_indices = #map1}, {transform_indices = #map}, {transform_indices = #map}, {transform_indices = #map}, {transform_indices = #map}, {transform_indices = #map}]} {
    %and3A = arith.constant 1 : i32
    %and3A_0 = arith.andi %arg1, %and3A : i32
    %shift_right_logical3A = arith.constant 1 : i32
    %shift_right_logical3A_1 = arith.shrui %arg1, %shift_right_logical3A : i32
    %mul3A = arith.constant 8 : i32
    %mul3A_2 = arith.muli %arg0, %mul3A : i32
    %add3A = arith.addi %mul3A_2, %shift_right_logical3A_1 : i32
    %mul3A_3 = arith.constant 640 : i32
    %mul3A_4 = arith.muli %add3A, %mul3A_3 : i32
    %mul3A_5 = arith.constant 640 : i32
    %mul3A_6 = arith.muli %arg1, %mul3A_5 : i32
    %mul3A_7 = arith.constant 640 : i32
    %mul3A_8 = arith.muli %arg1, %mul3A_7 : i32
    "tpu.region"() ({
      %run_scoped3A_145 = tpu.sem_alloc : memref<!tpu.dma_semaphore, #tpu.memory_space<semaphore_mem>>
      %dma_start3A_146 = arith.constant 0 : i32
      %dma_start3A_147 = tpu.memref_slice %arg18[%mul3A_8, %dma_start3A_146] : memref<10240x64xi32, #tpu.memory_space<vmem_shared>> -> memref<640x64xi32, #tpu.memory_space<vmem_shared>>
      %dma_start3A_148 = arith.constant 0 : i32
      %dma_start3A_149 = tpu.memref_slice %arg4[%mul3A_6, %dma_start3A_148] : memref<10240x64xi32, #tpu.memory_space<hbm>> -> memref<640x64xi32, #tpu.memory_space<hbm>>
      tpu.enqueue_dma source(%dma_start3A_149 : memref<640x64xi32, #tpu.memory_space<hbm>>) target(%dma_start3A_147 : memref<640x64xi32, #tpu.memory_space<vmem_shared>>) target_semaphore(%run_scoped3A_145 : memref<!tpu.dma_semaphore, #tpu.memory_space<semaphore_mem>>)
      %dma_wait3A = arith.constant 0 : i32
      %dma_wait3A_150 = tpu.memref_slice %arg18[%mul3A_8, %dma_wait3A] : memref<10240x64xi32, #tpu.memory_space<vmem_shared>> -> memref<640x64xi32, #tpu.memory_space<vmem_shared>>
      %dma_wait3A_151 = arith.constant 0 : i32
      %dma_wait3A_152 = tpu.memref_slice %arg4[%mul3A_6, %dma_wait3A_151] : memref<10240x64xi32, #tpu.memory_space<hbm>> -> memref<640x64xi32, #tpu.memory_space<hbm>>
      tpu.wait_dma2 semaphore(%run_scoped3A_145 : memref<!tpu.dma_semaphore, #tpu.memory_space<semaphore_mem>>) src(%dma_wait3A_152 : memref<640x64xi32, #tpu.memory_space<hbm>>) dst(%dma_wait3A_150 : memref<640x64xi32, #tpu.memory_space<vmem_shared>>)
      tpu.yield
    }) : () -> ()
    %broadcast_in_dim3A = vector.broadcast %mul3A_4 : i32 to vector<16xi32>
    %add3A_9 = arith.constant 640 : i32
    %add3A_10 = vector.broadcast %add3A_9 : i32 to vector<16xi32>
    %add3A_11 = arith.addi %broadcast_in_dim3A, %add3A_10 : vector<16xi32>
    %iota3A = tpu.iota {dimensions = array<i32: 0>} : vector<16xi32>
    %broadcast_in_dim3A_12 = arith.constant 4095 : i32
    %broadcast_in_dim3A_13 = vector.broadcast %broadcast_in_dim3A_12 : i32 to vector<16xi32>
    %mul3A_14 = arith.constant 160000 : i32
    %mul3A_15 = arith.muli %and3A_0, %mul3A_14 : i32
    %broadcast_in_dim3A_16 = arith.constant -8323200 : i32
    %broadcast_in_dim3A_17 = vector.broadcast %broadcast_in_dim3A_16 : i32 to vector<16xi32>
    %scan3A = arith.constant 0 : i32
    %scan3A_18 = arith.constant 0 : i32
    %scan3A_19 = arith.constant 641 : i32
    %scan3A_20 = arith.addi %scan3A_18, %scan3A_19 : i32
    %scan3A_21 = arith.constant 1 : i32
    scf.for %scan3A_145 = %scan3A_18 to %scan3A_20 step %scan3A_21  : i32 {
      %swap3A = arith.index_cast %scan3A_145 : i32 to index
      %swap3A_146 = arith.constant 0 : index
      %swap3A_147 = tpu.vector_load %arg15[%swap3A, %swap3A_146] {strides = array<i32>} : memref<641x64xi32, #tpu.memory_space<vmem>>, vector<16xi32>,
      tpu.vector_store %arg15[%swap3A, %swap3A_146], %broadcast_in_dim3A_17 {strides = array<i32>} : memref<641x64xi32, #tpu.memory_space<vmem>>, vector<16xi32>,
      %swap3A_148 = arith.index_cast %scan3A_145 : i32 to index
      %swap3A_149 = arith.constant 16 : index
      %swap3A_150 = tpu.vector_load %arg15[%swap3A_148, %swap3A_149] {strides = array<i32>} : memref<641x64xi32, #tpu.memory_space<vmem>>, vector<16xi32>,
      tpu.vector_store %arg15[%swap3A_148, %swap3A_149], %broadcast_in_dim3A_17 {strides = array<i32>} : memref<641x64xi32, #tpu.memory_space<vmem>>, vector<16xi32>,
      %swap3A_151 = arith.index_cast %scan3A_145 : i32 to index
      %swap3A_152 = arith.constant 32 : index
      %swap3A_153 = tpu.vector_load %arg15[%swap3A_151, %swap3A_152] {strides = array<i32>} : memref<641x64xi32, #tpu.memory_space<vmem>>, vector<16xi32>,
      tpu.vector_store %arg15[%swap3A_151, %swap3A_152], %broadcast_in_dim3A_17 {strides = array<i32>} : memref<641x64xi32, #tpu.memory_space<vmem>>, vector<16xi32>,
      %swap3A_154 = arith.index_cast %scan3A_145 : i32 to index
      %swap3A_155 = arith.constant 48 : index
      %swap3A_156 = tpu.vector_load %arg15[%swap3A_154, %swap3A_155] {strides = array<i32>} : memref<641x64xi32, #tpu.memory_space<vmem>>, vector<16xi32>,
      tpu.vector_store %arg15[%swap3A_154, %swap3A_155], %broadcast_in_dim3A_17 {strides = array<i32>} : memref<641x64xi32, #tpu.memory_space<vmem>>, vector<16xi32>,
    }
    %scan3A_22 = arith.constant 641 : i32
    %barrier3A = arith.constant 0 : index
    tpu.barrier barrier_id(%barrier3A)
    %dma_start3A = arith.constant 0 : i32
    %dma_start3A_23 = arith.constant 0 : i32
    %dma_start3A_24 = arith.constant 0 : i32
    %dma_start3A_25 = tpu.memref_slice %arg10[%dma_start3A, %dma_start3A_24] : memref<2x1600xi32, #tpu.memory_space<vmem>> -> memref<1x1600xi32, #tpu.memory_space<vmem>>
    %dma_start3A_26 = tpu.memref_squeeze %dma_start3A_25 : memref<1x1600xi32, #tpu.memory_space<vmem>> -> memref<1600xi32, #tpu.memory_space<vmem>>
    %dma_start3A_27 = tpu.memref_slice %arg3[%mul3A_15] : memref<320000xi32, #tpu.memory_space<hbm>> -> memref<1600xi32, #tpu.memory_space<hbm>>
    %dma_start3A_28 = tpu.memref_slice %arg20[%dma_start3A_23] : memref<2x!tpu.dma_semaphore, #tpu.memory_space<semaphore_mem>> -> memref<1x!tpu.dma_semaphore, #tpu.memory_space<semaphore_mem>>
    %dma_start3A_29 = tpu.memref_squeeze %dma_start3A_28 : memref<1x!tpu.dma_semaphore, #tpu.memory_space<semaphore_mem>> -> memref<!tpu.dma_semaphore, #tpu.memory_space<semaphore_mem>>
    %dma_start3A_30 = arith.constant 0 : i32
    %dma_start3A_31 = tpu.memref_slice %arg10[%dma_start3A, %dma_start3A_30] : memref<2x1600xi32, #tpu.memory_space<vmem>> -> memref<1x1600xi32, #tpu.memory_space<vmem>>
    %dma_start3A_32 = tpu.memref_squeeze %dma_start3A_31 : memref<1x1600xi32, #tpu.memory_space<vmem>> -> memref<1600xi32, #tpu.memory_space<vmem>>
    %dma_start3A_33 = tpu.memref_slice %arg3[%mul3A_15] : memref<320000xi32, #tpu.memory_space<hbm>> -> memref<1600xi32, #tpu.memory_space<hbm>>
    tpu.enqueue_dma source(%dma_start3A_33 : memref<1600xi32, #tpu.memory_space<hbm>>) target(%dma_start3A_32 : memref<1600xi32, #tpu.memory_space<vmem>>) target_semaphore(%dma_start3A_29 : memref<!tpu.dma_semaphore, #tpu.memory_space<semaphore_mem>>)
    %dma_start3A_34 = arith.constant 0 : i32
    %dma_start3A_35 = arith.constant 0 : i32
    %dma_start3A_36 = arith.constant 0 : i32
    %dma_start3A_37 = tpu.memref_slice %arg11[%dma_start3A_34, %dma_start3A_36] : memref<2x1600xi32, #tpu.memory_space<vmem>> -> memref<1x1600xi32, #tpu.memory_space<vmem>>
    %dma_start3A_38 = tpu.memref_squeeze %dma_start3A_37 : memref<1x1600xi32, #tpu.memory_space<vmem>> -> memref<1600xi32, #tpu.memory_space<vmem>>
    %dma_start3A_39 = tpu.memref_slice %arg2[%mul3A_15] : memref<320000xi32, #tpu.memory_space<hbm>> -> memref<1600xi32, #tpu.memory_space<hbm>>
    %dma_start3A_40 = tpu.memref_slice %arg20[%dma_start3A_35] : memref<2x!tpu.dma_semaphore, #tpu.memory_space<semaphore_mem>> -> memref<1x!tpu.dma_semaphore, #tpu.memory_space<semaphore_mem>>
    %dma_start3A_41 = tpu.memref_squeeze %dma_start3A_40 : memref<1x!tpu.dma_semaphore, #tpu.memory_space<semaphore_mem>> -> memref<!tpu.dma_semaphore, #tpu.memory_space<semaphore_mem>>
    %dma_start3A_42 = arith.constant 0 : i32
    %dma_start3A_43 = tpu.memref_slice %arg11[%dma_start3A_34, %dma_start3A_42] : memref<2x1600xi32, #tpu.memory_space<vmem>> -> memref<1x1600xi32, #tpu.memory_space<vmem>>
    %dma_start3A_44 = tpu.memref_squeeze %dma_start3A_43 : memref<1x1600xi32, #tpu.memory_space<vmem>> -> memref<1600xi32, #tpu.memory_space<vmem>>
    %dma_start3A_45 = tpu.memref_slice %arg2[%mul3A_15] : memref<320000xi32, #tpu.memory_space<hbm>> -> memref<1600xi32, #tpu.memory_space<hbm>>
    tpu.enqueue_dma source(%dma_start3A_45 : memref<1600xi32, #tpu.memory_space<hbm>>) target(%dma_start3A_44 : memref<1600xi32, #tpu.memory_space<vmem>>) target_semaphore(%dma_start3A_41 : memref<!tpu.dma_semaphore, #tpu.memory_space<semaphore_mem>>)
    %broadcast_in_dim3A_46 = arith.constant 0 : i32
    %broadcast_in_dim3A_47 = vector.broadcast %broadcast_in_dim3A_46 : i32 to vector<16xi32>
    %scan3A_48 = arith.constant 0 : i32
    %scan3A_49 = arith.constant 0 : i32
    %scan3A_50 = arith.constant 0 : i32
    %scan3A_51 = arith.constant 100 : i32
    %scan3A_52 = arith.addi %scan3A_50, %scan3A_51 : i32
    %scan3A_53 = arith.constant 1 : i32
    %scan3A_54:3 = scf.for %scan3A_145 = %scan3A_50 to %scan3A_52 step %scan3A_53 iter_args(%scan3A_146 = %broadcast_in_dim3A_47, %scan3A_147 = %scan3A_48, %scan3A_148 = %scan3A_49) -> (vector<16xi32>, i32, i32)  : i32 {
      %and3A_149 = arith.constant 1 : i32
      %and3A_150 = arith.andi %scan3A_145, %and3A_149 : i32
      %sub3A_151 = arith.constant 1 : i32
      %sub3A_152 = arith.subi %sub3A_151, %and3A_150 : i32
      %add3A_153 = arith.constant 1 : i32
      %add3A_154 = arith.addi %scan3A_145, %add3A_153 : i32
      %lt3A = arith.constant 100 : i32
      %lt3A_155 = arith.cmpi slt, %add3A_154, %lt3A : i32
      %convert_element_type3A = arith.extui %lt3A_155 : i1 to i32
      %cond3A = arith.constant 0 : i32
      %cond3A_156 = arith.cmpi ne, %convert_element_type3A, %cond3A : i32
      scf.if %cond3A_156 {
        %add3A_215 = arith.constant 1 : i32
        %add3A_216 = arith.addi %scan3A_145, %add3A_215 : i32
        %mul3A_217 = arith.constant 1600 : i32
        %mul3A_218 = arith.muli %add3A_216, %mul3A_217 : i32
        %add3A_219 = arith.addi %mul3A_15, %mul3A_218 : i32
        %dma_start3A_220 = arith.constant 0 : i32
        %dma_start3A_221 = tpu.memref_slice %arg10[%sub3A_152, %dma_start3A_220] : memref<2x1600xi32, #tpu.memory_space<vmem>> -> memref<1x1600xi32, #tpu.memory_space<vmem>>
        %dma_start3A_222 = tpu.memref_squeeze %dma_start3A_221 : memref<1x1600xi32, #tpu.memory_space<vmem>> -> memref<1600xi32, #tpu.memory_space<vmem>>
        %dma_start3A_223 = tpu.memref_slice %arg3[%add3A_219] : memref<320000xi32, #tpu.memory_space<hbm>> -> memref<1600xi32, #tpu.memory_space<hbm>>
        %dma_start3A_224 = tpu.memref_slice %arg20[%sub3A_152] : memref<2x!tpu.dma_semaphore, #tpu.memory_space<semaphore_mem>> -> memref<1x!tpu.dma_semaphore, #tpu.memory_space<semaphore_mem>>
        %dma_start3A_225 = tpu.memref_squeeze %dma_start3A_224 : memref<1x!tpu.dma_semaphore, #tpu.memory_space<semaphore_mem>> -> memref<!tpu.dma_semaphore, #tpu.memory_space<semaphore_mem>>
        %dma_start3A_226 = arith.constant 0 : i32
        %dma_start3A_227 = tpu.memref_slice %arg10[%sub3A_152, %dma_start3A_226] : memref<2x1600xi32, #tpu.memory_space<vmem>> -> memref<1x1600xi32, #tpu.memory_space<vmem>>
        %dma_start3A_228 = tpu.memref_squeeze %dma_start3A_227 : memref<1x1600xi32, #tpu.memory_space<vmem>> -> memref<1600xi32, #tpu.memory_space<vmem>>
        %dma_start3A_229 = tpu.memref_slice %arg3[%add3A_219] : memref<320000xi32, #tpu.memory_space<hbm>> -> memref<1600xi32, #tpu.memory_space<hbm>>
        tpu.enqueue_dma source(%dma_start3A_229 : memref<1600xi32, #tpu.memory_space<hbm>>) target(%dma_start3A_228 : memref<1600xi32, #tpu.memory_space<vmem>>) target_semaphore(%dma_start3A_225 : memref<!tpu.dma_semaphore, #tpu.memory_space<semaphore_mem>>)
        %dma_start3A_230 = arith.constant 0 : i32
        %dma_start3A_231 = tpu.memref_slice %arg11[%sub3A_152, %dma_start3A_230] : memref<2x1600xi32, #tpu.memory_space<vmem>> -> memref<1x1600xi32, #tpu.memory_space<vmem>>
        %dma_start3A_232 = tpu.memref_squeeze %dma_start3A_231 : memref<1x1600xi32, #tpu.memory_space<vmem>> -> memref<1600xi32, #tpu.memory_space<vmem>>
        %dma_start3A_233 = tpu.memref_slice %arg2[%add3A_219] : memref<320000xi32, #tpu.memory_space<hbm>> -> memref<1600xi32, #tpu.memory_space<hbm>>
        %dma_start3A_234 = tpu.memref_slice %arg20[%sub3A_152] : memref<2x!tpu.dma_semaphore, #tpu.memory_space<semaphore_mem>> -> memref<1x!tpu.dma_semaphore, #tpu.memory_space<semaphore_mem>>
        %dma_start3A_235 = tpu.memref_squeeze %dma_start3A_234 : memref<1x!tpu.dma_semaphore, #tpu.memory_space<semaphore_mem>> -> memref<!tpu.dma_semaphore, #tpu.memory_space<semaphore_mem>>
        %dma_start3A_236 = arith.constant 0 : i32
        %dma_start3A_237 = tpu.memref_slice %arg11[%sub3A_152, %dma_start3A_236] : memref<2x1600xi32, #tpu.memory_space<vmem>> -> memref<1x1600xi32, #tpu.memory_space<vmem>>
        %dma_start3A_238 = tpu.memref_squeeze %dma_start3A_237 : memref<1x1600xi32, #tpu.memory_space<vmem>> -> memref<1600xi32, #tpu.memory_space<vmem>>
        %dma_start3A_239 = tpu.memref_slice %arg2[%add3A_219] : memref<320000xi32, #tpu.memory_space<hbm>> -> memref<1600xi32, #tpu.memory_space<hbm>>
        tpu.enqueue_dma source(%dma_start3A_239 : memref<1600xi32, #tpu.memory_space<hbm>>) target(%dma_start3A_238 : memref<1600xi32, #tpu.memory_space<vmem>>) target_semaphore(%dma_start3A_235 : memref<!tpu.dma_semaphore, #tpu.memory_space<semaphore_mem>>)
      } else {
      }
      %dma_wait3A = arith.constant 0 : i32
      %dma_wait3A_157 = tpu.memref_slice %arg10[%and3A_150, %dma_wait3A] : memref<2x1600xi32, #tpu.memory_space<vmem>> -> memref<1x1600xi32, #tpu.memory_space<vmem>>
      %dma_wait3A_158 = tpu.memref_squeeze %dma_wait3A_157 : memref<1x1600xi32, #tpu.memory_space<vmem>> -> memref<1600xi32, #tpu.memory_space<vmem>>
      %dma_wait3A_159 = arith.constant 0 : i32
      %dma_wait3A_160 = tpu.memref_slice %arg3[%dma_wait3A_159] : memref<320000xi32, #tpu.memory_space<hbm>> -> memref<1600xi32, #tpu.memory_space<hbm>>
      %dma_wait3A_161 = tpu.memref_slice %arg20[%and3A_150] : memref<2x!tpu.dma_semaphore, #tpu.memory_space<semaphore_mem>> -> memref<1x!tpu.dma_semaphore, #tpu.memory_space<semaphore_mem>>
      %dma_wait3A_162 = tpu.memref_squeeze %dma_wait3A_161 : memref<1x!tpu.dma_semaphore, #tpu.memory_space<semaphore_mem>> -> memref<!tpu.dma_semaphore, #tpu.memory_space<semaphore_mem>>
      %dma_wait3A_163 = arith.constant 0 : i32
      %dma_wait3A_164 = tpu.memref_slice %arg10[%and3A_150, %dma_wait3A_163] : memref<2x1600xi32, #tpu.memory_space<vmem>> -> memref<1x1600xi32, #tpu.memory_space<vmem>>
      %dma_wait3A_165 = tpu.memref_squeeze %dma_wait3A_164 : memref<1x1600xi32, #tpu.memory_space<vmem>> -> memref<1600xi32, #tpu.memory_space<vmem>>
      %dma_wait3A_166 = arith.constant 0 : i32
      %dma_wait3A_167 = tpu.memref_slice %arg3[%dma_wait3A_166] : memref<320000xi32, #tpu.memory_space<hbm>> -> memref<1600xi32, #tpu.memory_space<hbm>>
      tpu.wait_dma2 semaphore(%dma_wait3A_162 : memref<!tpu.dma_semaphore, #tpu.memory_space<semaphore_mem>>) src(%dma_wait3A_167 : memref<1600xi32, #tpu.memory_space<hbm>>) dst(%dma_wait3A_165 : memref<1600xi32, #tpu.memory_space<vmem>>)
      %dma_wait3A_168 = arith.constant 0 : i32
      %dma_wait3A_169 = tpu.memref_slice %arg11[%and3A_150, %dma_wait3A_168] : memref<2x1600xi32, #tpu.memory_space<vmem>> -> memref<1x1600xi32, #tpu.memory_space<vmem>>
      %dma_wait3A_170 = tpu.memref_squeeze %dma_wait3A_169 : memref<1x1600xi32, #tpu.memory_space<vmem>> -> memref<1600xi32, #tpu.memory_space<vmem>>
      %dma_wait3A_171 = arith.constant 0 : i32
      %dma_wait3A_172 = tpu.memref_slice %arg2[%dma_wait3A_171] : memref<320000xi32, #tpu.memory_space<hbm>> -> memref<1600xi32, #tpu.memory_space<hbm>>
      %dma_wait3A_173 = tpu.memref_slice %arg20[%and3A_150] : memref<2x!tpu.dma_semaphore, #tpu.memory_space<semaphore_mem>> -> memref<1x!tpu.dma_semaphore, #tpu.memory_space<semaphore_mem>>
      %dma_wait3A_174 = tpu.memref_squeeze %dma_wait3A_173 : memref<1x!tpu.dma_semaphore, #tpu.memory_space<semaphore_mem>> -> memref<!tpu.dma_semaphore, #tpu.memory_space<semaphore_mem>>
      %dma_wait3A_175 = arith.constant 0 : i32
      %dma_wait3A_176 = tpu.memref_slice %arg11[%and3A_150, %dma_wait3A_175] : memref<2x1600xi32, #tpu.memory_space<vmem>> -> memref<1x1600xi32, #tpu.memory_space<vmem>>
      %dma_wait3A_177 = tpu.memref_squeeze %dma_wait3A_176 : memref<1x1600xi32, #tpu.memory_space<vmem>> -> memref<1600xi32, #tpu.memory_space<vmem>>
      %dma_wait3A_178 = arith.constant 0 : i32
      %dma_wait3A_179 = tpu.memref_slice %arg2[%dma_wait3A_178] : memref<320000xi32, #tpu.memory_space<hbm>> -> memref<1600xi32, #tpu.memory_space<hbm>>
      tpu.wait_dma2 semaphore(%dma_wait3A_174 : memref<!tpu.dma_semaphore, #tpu.memory_space<semaphore_mem>>) src(%dma_wait3A_179 : memref<1600xi32, #tpu.memory_space<hbm>>) dst(%dma_wait3A_177 : memref<1600xi32, #tpu.memory_space<vmem>>)
      %reduce_max3A_180 = arith.constant true
      %reduce_max3A_181 = vector.broadcast %reduce_max3A_180 : i1 to vector<16xi1>
      %reduce_max3A_182 = arith.constant -2147483648 : i32
      %reduce_max3A_183 = vector.broadcast %reduce_max3A_182 : i32 to vector<16xi32>
      %reduce_max3A_184 = arith.xori %scan3A_146, %reduce_max3A_183 : vector<16xi32>
      %reduce_max3A_185 = tpu.scan <max>, %reduce_max3A_184 masked %reduce_max3A_181 : vector<16xi32>, vector<16xi1> -> vector<16xi32>
      %reduce_max3A_186 = arith.xori %reduce_max3A_185, %reduce_max3A_183 : vector<16xi32>
      %reduce_max3A_187 = vector.extract %reduce_max3A_186[15] : i32 from vector<16xi32>
      %scan3A_188 = arith.constant 0 : i32
      %scan3A_189 = arith.constant 2 : i32
      %scan3A_190 = arith.addi %scan3A_188, %scan3A_189 : i32
      %scan3A_191 = arith.constant 1 : i32
      %scan3A_192 = scf.for %scan3A_215 = %scan3A_188 to %scan3A_190 step %scan3A_191 iter_args(%scan3A_216 = %scan3A_147) -> (i32)  : i32 {
        %mul3A_217 = arith.constant 64 : i32
        %mul3A_218 = arith.muli %scan3A_216, %mul3A_217 : i32
        %add3A_219 = arith.constant 64 : i32
        %add3A_220 = arith.addi %mul3A_218, %add3A_219 : i32
        %le3A = arith.cmpi sle, %add3A_220, %reduce_max3A_187 : i32
        %sub3A_221 = arith.subi %scan3A_216, %scan3A_148 : i32
        %lt3A_222 = arith.constant 2 : i32
        %lt3A_223 = arith.cmpi slt, %sub3A_221, %lt3A_222 : i32
        %and3A_224 = arith.andi %le3A, %lt3A_223 : i1
        %convert_element_type3A_225 = arith.extui %and3A_224 : i1 to i32
        %cond3A_226 = arith.constant 0 : i32
        %cond3A_227 = arith.cmpi ne, %convert_element_type3A_225, %cond3A_226 : i32
        scf.if %cond3A_227 {
          %and3A_231 = arith.constant 63 : i32
          %and3A_232 = arith.andi %scan3A_216, %and3A_231 : i32
          %mul3A_233 = arith.constant 64 : i32
          %mul3A_234 = arith.muli %and3A_232, %mul3A_233 : i32
          %and3A_235 = arith.constant 1 : i32
          %and3A_236 = arith.andi %scan3A_216, %and3A_235 : i32
          %dma_start3A_237 = arith.constant 0 : i32
          %dma_start3A_238 = arith.constant 0 : i32
          %dma_start3A_239 = tpu.memref_slice %arg14[%and3A_236, %dma_start3A_237, %dma_start3A_238] : memref<2x64x64xi32, #tpu.memory_space<vmem>> -> memref<1x64x64xi32, #tpu.memory_space<vmem>>
          %dma_start3A_240 = tpu.memref_squeeze %dma_start3A_239 : memref<1x64x64xi32, #tpu.memory_space<vmem>> -> memref<64x64xi32, #tpu.memory_space<vmem>>
          %dma_start3A_241 = tpu.memref_slice %arg12[%mul3A_234] : memref<4096xi32, #tpu.memory_space<vmem>> -> memref<64xi32, #tpu.memory_space<vmem>>
          %dma_start3A_242 = arith.constant 0 : i32
          %dma_start3A_243 = arith.constant 0 : i32
          %dma_start3A_244 = tpu.memref_slice %arg18[%dma_start3A_242, %dma_start3A_243] : memref<10240x64xi32, #tpu.memory_space<vmem_shared>> -> memref<10240x64xi32, #tpu.memory_space<vmem_shared>>
          %dma_start3A_245 = tpu.memref_slice %arg21[%and3A_236] : memref<2x!tpu.dma_semaphore, #tpu.memory_space<semaphore_mem>> -> memref<1x!tpu.dma_semaphore, #tpu.memory_space<semaphore_mem>>
          %dma_start3A_246 = tpu.memref_squeeze %dma_start3A_245 : memref<1x!tpu.dma_semaphore, #tpu.memory_space<semaphore_mem>> -> memref<!tpu.dma_semaphore, #tpu.memory_space<semaphore_mem>>
          tpu.enqueue_indirect_dma source(%dma_start3A_244 : memref<10240x64xi32, #tpu.memory_space<vmem_shared>>) target(%dma_start3A_240 : memref<64x64xi32, #tpu.memory_space<vmem>>) offsets(%dma_start3A_241 : memref<64xi32, #tpu.memory_space<vmem>>) semaphore(%dma_start3A_246 : memref<!tpu.dma_semaphore, #tpu.memory_space<semaphore_mem>>)
        } else {
        }
        %add3A_228 = arith.constant 1 : i32
        %add3A_229 = arith.addi %scan3A_216, %add3A_228 : i32
        %select_n3A_230 = arith.select %and3A_224, %add3A_229, %scan3A_216 : i32
        scf.yield %select_n3A_230 : i32
      }
      %scan3A_193 = arith.constant 2 : i32
      %scan3A_194 = arith.constant 0 : i32
      %scan3A_195 = arith.constant 100 : i32
      %scan3A_196 = arith.addi %scan3A_194, %scan3A_195 : i32
      %scan3A_197 = arith.constant 1 : i32
      %scan3A_198 = scf.for %scan3A_215 = %scan3A_194 to %scan3A_196 step %scan3A_197 iter_args(%scan3A_216 = %scan3A_146) -> (vector<16xi32>)  : i32 {
        %mul3A_217 = arith.constant 16 : i32
        %mul3A_218 = arith.muli %scan3A_215, %mul3A_217 : i32
        %get3A = arith.index_cast %and3A_150 : i32 to index
        %get3A_219 = arith.index_cast %mul3A_218 : i32 to index
        %get3A_220 = tpu.vector_load %arg10[%get3A, %get3A_219] {strides = array<i32>} : memref<2x1600xi32, #tpu.memory_space<vmem>>, vector<16xi32>,
        %mul3A_221 = arith.constant 16 : i32
        %mul3A_222 = arith.muli %scan3A_215, %mul3A_221 : i32
        %get3A_223 = arith.index_cast %and3A_150 : i32 to index
        %get3A_224 = arith.index_cast %mul3A_222 : i32 to index
        %get3A_225 = tpu.vector_load %arg11[%get3A_223, %get3A_224] {strides = array<i32>} : memref<2x1600xi32, #tpu.memory_space<vmem>>, vector<16xi32>,
        %ge3A = arith.cmpi sge, %get3A_220, %broadcast_in_dim3A : vector<16xi32>
        %lt3A_226 = arith.cmpi slt, %get3A_220, %add3A_11 : vector<16xi32>
        %and3A_227 = arith.andi %ge3A, %lt3A_226 : vector<16xi1>
        %convert_element_type3A_228 = arith.extui %and3A_227 : vector<16xi1> to vector<16xi32>
        %broadcast_in_dim3A_229 = arith.constant true
        %broadcast_in_dim3A_230 = vector.broadcast %broadcast_in_dim3A_229 : i1 to vector<16xi1>
        %masked_cumsum3A = tpu.scan <sum>, %convert_element_type3A_228 masked %broadcast_in_dim3A_230 : vector<16xi32>, vector<16xi1> -> vector<16xi32>
        %add3A_231 = arith.addi %scan3A_216, %masked_cumsum3A : vector<16xi32>
        %sub3A_232 = arith.subi %add3A_231, %convert_element_type3A_228 : vector<16xi32>
        %and3A_233 = arith.andi %sub3A_232, %broadcast_in_dim3A_13 : vector<16xi32>
        tpu.vector_store_idx %arg12[%and3A_233], %get3A_225 masked %and3A_227 : memref<4096xi32, #tpu.memory_space<vmem>>[vector<16xi32>], vector<16xi32>, vector<16xi1>
        %sub3A_234 = arith.subi %get3A_220, %broadcast_in_dim3A : vector<16xi32>
        tpu.vector_store_idx %arg13[%and3A_233], %sub3A_234 masked %and3A_227 : memref<4096xi32, #tpu.memory_space<vmem>>[vector<16xi32>], vector<16xi32>, vector<16xi1>
        %all_reduce_population_count3A = tpu.all_reduce %and3A_227 {dim = 0 : i64, kind = #tpu.reduction_kind<sum>} : vector<16xi1> -> vector<16xi32>
        %add3A_235 = arith.addi %scan3A_216, %all_reduce_population_count3A : vector<16xi32>
        scf.yield %add3A_235 : vector<16xi32>
      }
      %scan3A_199 = arith.constant 100 : i32
      %reduce_max3A_200 = arith.constant true
      %reduce_max3A_201 = vector.broadcast %reduce_max3A_200 : i1 to vector<16xi1>
      %reduce_max3A_202 = arith.constant -2147483648 : i32
      %reduce_max3A_203 = vector.broadcast %reduce_max3A_202 : i32 to vector<16xi32>
      %reduce_max3A_204 = arith.xori %scan3A_198, %reduce_max3A_203 : vector<16xi32>
      %reduce_max3A_205 = tpu.scan <max>, %reduce_max3A_204 masked %reduce_max3A_201 : vector<16xi32>, vector<16xi1> -> vector<16xi32>
      %reduce_max3A_206 = arith.xori %reduce_max3A_205, %reduce_max3A_203 : vector<16xi32>
      %reduce_max3A_207 = vector.extract %reduce_max3A_206[15] : i32 from vector<16xi32>
      %scan3A_208 = arith.constant 0 : i32
      %scan3A_209 = arith.constant 2 : i32
      %scan3A_210 = arith.addi %scan3A_208, %scan3A_209 : i32
      %scan3A_211 = arith.constant 1 : i32
      %scan3A_212 = scf.for %scan3A_215 = %scan3A_208 to %scan3A_210 step %scan3A_211 iter_args(%scan3A_216 = %scan3A_192) -> (i32)  : i32 {
        %mul3A_217 = arith.constant 64 : i32
        %mul3A_218 = arith.muli %scan3A_216, %mul3A_217 : i32
        %add3A_219 = arith.constant 64 : i32
        %add3A_220 = arith.addi %mul3A_218, %add3A_219 : i32
        %le3A = arith.cmpi sle, %add3A_220, %reduce_max3A_207 : i32
        %sub3A_221 = arith.subi %scan3A_216, %scan3A_148 : i32
        %lt3A_222 = arith.constant 2 : i32
        %lt3A_223 = arith.cmpi slt, %sub3A_221, %lt3A_222 : i32
        %and3A_224 = arith.andi %le3A, %lt3A_223 : i1
        %convert_element_type3A_225 = arith.extui %and3A_224 : i1 to i32
        %cond3A_226 = arith.constant 0 : i32
        %cond3A_227 = arith.cmpi ne, %convert_element_type3A_225, %cond3A_226 : i32
        scf.if %cond3A_227 {
          %and3A_231 = arith.constant 63 : i32
          %and3A_232 = arith.andi %scan3A_216, %and3A_231 : i32
          %mul3A_233 = arith.constant 64 : i32
          %mul3A_234 = arith.muli %and3A_232, %mul3A_233 : i32
          %and3A_235 = arith.constant 1 : i32
          %and3A_236 = arith.andi %scan3A_216, %and3A_235 : i32
          %dma_start3A_237 = arith.constant 0 : i32
          %dma_start3A_238 = arith.constant 0 : i32
          %dma_start3A_239 = tpu.memref_slice %arg14[%and3A_236, %dma_start3A_237, %dma_start3A_238] : memref<2x64x64xi32, #tpu.memory_space<vmem>> -> memref<1x64x64xi32, #tpu.memory_space<vmem>>
          %dma_start3A_240 = tpu.memref_squeeze %dma_start3A_239 : memref<1x64x64xi32, #tpu.memory_space<vmem>> -> memref<64x64xi32, #tpu.memory_space<vmem>>
          %dma_start3A_241 = tpu.memref_slice %arg12[%mul3A_234] : memref<4096xi32, #tpu.memory_space<vmem>> -> memref<64xi32, #tpu.memory_space<vmem>>
          %dma_start3A_242 = arith.constant 0 : i32
          %dma_start3A_243 = arith.constant 0 : i32
          %dma_start3A_244 = tpu.memref_slice %arg18[%dma_start3A_242, %dma_start3A_243] : memref<10240x64xi32, #tpu.memory_space<vmem_shared>> -> memref<10240x64xi32, #tpu.memory_space<vmem_shared>>
          %dma_start3A_245 = tpu.memref_slice %arg21[%and3A_236] : memref<2x!tpu.dma_semaphore, #tpu.memory_space<semaphore_mem>> -> memref<1x!tpu.dma_semaphore, #tpu.memory_space<semaphore_mem>>
          %dma_start3A_246 = tpu.memref_squeeze %dma_start3A_245 : memref<1x!tpu.dma_semaphore, #tpu.memory_space<semaphore_mem>> -> memref<!tpu.dma_semaphore, #tpu.memory_space<semaphore_mem>>
          tpu.enqueue_indirect_dma source(%dma_start3A_244 : memref<10240x64xi32, #tpu.memory_space<vmem_shared>>) target(%dma_start3A_240 : memref<64x64xi32, #tpu.memory_space<vmem>>) offsets(%dma_start3A_241 : memref<64xi32, #tpu.memory_space<vmem>>) semaphore(%dma_start3A_246 : memref<!tpu.dma_semaphore, #tpu.memory_space<semaphore_mem>>)
        } else {
        }
        %add3A_228 = arith.constant 1 : i32
        %add3A_229 = arith.addi %scan3A_216, %add3A_228 : i32
        %select_n3A_230 = arith.select %and3A_224, %add3A_229, %scan3A_216 : i32
        scf.yield %select_n3A_230 : i32
      }
      %scan3A_213 = arith.constant 2 : i32
      %while3A_214:2 = scf.while (%while3A_215 = %scan3A_212, %while3A_216 = %scan3A_148) : (i32, i32) -> (i32, i32) {
        %mul3A_217 = arith.constant 64 : i32
        %mul3A_218 = arith.muli %while3A_216, %mul3A_217 : i32
        %sub3A_219 = arith.subi %reduce_max3A_207, %mul3A_218 : i32
        %gt3A = arith.constant 2368 : i32
        %gt3A_220 = arith.cmpi sgt, %sub3A_219, %gt3A : i32
        scf.condition(%gt3A_220) %while3A_215, %while3A_216 : i32, i32
      } do {
      ^bb0(%while3A_215: i32, %while3A_216: i32):
        %mul3A_217 = arith.constant 64 : i32
        %mul3A_218 = arith.muli %while3A_215, %mul3A_217 : i32
        %add3A_219 = arith.constant 64 : i32
        %add3A_220 = arith.addi %mul3A_218, %add3A_219 : i32
        %le3A = arith.cmpi sle, %add3A_220, %reduce_max3A_207 : i32
        %sub3A_221 = arith.subi %while3A_215, %while3A_216 : i32
        %lt3A_222 = arith.constant 2 : i32
        %lt3A_223 = arith.cmpi slt, %sub3A_221, %lt3A_222 : i32
        %and3A_224 = arith.andi %le3A, %lt3A_223 : i1
        %convert_element_type3A_225 = arith.extui %and3A_224 : i1 to i32
        %cond3A_226 = arith.constant 0 : i32
        %cond3A_227 = arith.cmpi ne, %convert_element_type3A_225, %cond3A_226 : i32
        scf.if %cond3A_227 {
          %and3A_261 = arith.constant 63 : i32
          %and3A_262 = arith.andi %while3A_215, %and3A_261 : i32
          %mul3A_263 = arith.constant 64 : i32
          %mul3A_264 = arith.muli %and3A_262, %mul3A_263 : i32
          %and3A_265 = arith.constant 1 : i32
          %and3A_266 = arith.andi %while3A_215, %and3A_265 : i32
          %dma_start3A_267 = arith.constant 0 : i32
          %dma_start3A_268 = arith.constant 0 : i32
          %dma_start3A_269 = tpu.memref_slice %arg14[%and3A_266, %dma_start3A_267, %dma_start3A_268] : memref<2x64x64xi32, #tpu.memory_space<vmem>> -> memref<1x64x64xi32, #tpu.memory_space<vmem>>
          %dma_start3A_270 = tpu.memref_squeeze %dma_start3A_269 : memref<1x64x64xi32, #tpu.memory_space<vmem>> -> memref<64x64xi32, #tpu.memory_space<vmem>>
          %dma_start3A_271 = tpu.memref_slice %arg12[%mul3A_264] : memref<4096xi32, #tpu.memory_space<vmem>> -> memref<64xi32, #tpu.memory_space<vmem>>
          %dma_start3A_272 = arith.constant 0 : i32
          %dma_start3A_273 = arith.constant 0 : i32
          %dma_start3A_274 = tpu.memref_slice %arg18[%dma_start3A_272, %dma_start3A_273] : memref<10240x64xi32, #tpu.memory_space<vmem_shared>> -> memref<10240x64xi32, #tpu.memory_space<vmem_shared>>
          %dma_start3A_275 = tpu.memref_slice %arg21[%and3A_266] : memref<2x!tpu.dma_semaphore, #tpu.memory_space<semaphore_mem>> -> memref<1x!tpu.dma_semaphore, #tpu.memory_space<semaphore_mem>>
          %dma_start3A_276 = tpu.memref_squeeze %dma_start3A_275 : memref<1x!tpu.dma_semaphore, #tpu.memory_space<semaphore_mem>> -> memref<!tpu.dma_semaphore, #tpu.memory_space<semaphore_mem>>
          tpu.enqueue_indirect_dma source(%dma_start3A_274 : memref<10240x64xi32, #tpu.memory_space<vmem_shared>>) target(%dma_start3A_270 : memref<64x64xi32, #tpu.memory_space<vmem>>) offsets(%dma_start3A_271 : memref<64xi32, #tpu.memory_space<vmem>>) semaphore(%dma_start3A_276 : memref<!tpu.dma_semaphore, #tpu.memory_space<semaphore_mem>>)
        } else {
        }
        %add3A_228 = arith.constant 1 : i32
        %add3A_229 = arith.addi %while3A_215, %add3A_228 : i32
        %select_n3A_230 = arith.select %and3A_224, %add3A_229, %while3A_215 : i32
        %and3A_231 = arith.constant 1 : i32
        %and3A_232 = arith.andi %while3A_216, %and3A_231 : i32
        %dma_wait3A_233 = arith.constant 0 : i32
        %dma_wait3A_234 = arith.constant 0 : i32
        %dma_wait3A_235 = tpu.memref_slice %arg14[%and3A_232, %dma_wait3A_233, %dma_wait3A_234] : memref<2x64x64xi32, #tpu.memory_space<vmem>> -> memref<1x64x64xi32, #tpu.memory_space<vmem>>
        %dma_wait3A_236 = tpu.memref_squeeze %dma_wait3A_235 : memref<1x64x64xi32, #tpu.memory_space<vmem>> -> memref<64x64xi32, #tpu.memory_space<vmem>>
        %dma_wait3A_237 = arith.constant 0 : i32
        %dma_wait3A_238 = arith.constant 0 : i32
        %dma_wait3A_239 = tpu.memref_slice %arg18[%dma_wait3A_237, %dma_wait3A_238] : memref<10240x64xi32, #tpu.memory_space<vmem_shared>> -> memref<64x64xi32, #tpu.memory_space<vmem_shared>>
        %dma_wait3A_240 = tpu.memref_slice %arg21[%and3A_232] : memref<2x!tpu.dma_semaphore, #tpu.memory_space<semaphore_mem>> -> memref<1x!tpu.dma_semaphore, #tpu.memory_space<semaphore_mem>>
        %dma_wait3A_241 = tpu.memref_squeeze %dma_wait3A_240 : memref<1x!tpu.dma_semaphore, #tpu.memory_space<semaphore_mem>> -> memref<!tpu.dma_semaphore, #tpu.memory_space<semaphore_mem>>
        %dma_wait3A_242 = arith.constant 0 : i32
        %dma_wait3A_243 = arith.constant 0 : i32
        %dma_wait3A_244 = tpu.memref_slice %arg14[%and3A_232, %dma_wait3A_242, %dma_wait3A_243] : memref<2x64x64xi32, #tpu.memory_space<vmem>> -> memref<1x64x64xi32, #tpu.memory_space<vmem>>
        %dma_wait3A_245 = tpu.memref_squeeze %dma_wait3A_244 : memref<1x64x64xi32, #tpu.memory_space<vmem>> -> memref<64x64xi32, #tpu.memory_space<vmem>>
        %dma_wait3A_246 = arith.constant 0 : i32
        %dma_wait3A_247 = arith.constant 0 : i32
        %dma_wait3A_248 = tpu.memref_slice %arg18[%dma_wait3A_246, %dma_wait3A_247] : memref<10240x64xi32, #tpu.memory_space<vmem_shared>> -> memref<64x64xi32, #tpu.memory_space<vmem_shared>>
        tpu.wait_dma2 semaphore(%dma_wait3A_241 : memref<!tpu.dma_semaphore, #tpu.memory_space<semaphore_mem>>) src(%dma_wait3A_248 : memref<64x64xi32, #tpu.memory_space<vmem_shared>>) dst(%dma_wait3A_245 : memref<64x64xi32, #tpu.memory_space<vmem>>)
        %and3A_249 = arith.constant 63 : i32
        %and3A_250 = arith.andi %while3A_216, %and3A_249 : i32
        %mul3A_251 = arith.constant 64 : i32
        %mul3A_252 = arith.muli %and3A_250, %mul3A_251 : i32
        %scan3A_253 = arith.constant 0 : i32
        %scan3A_254 = arith.constant 0 : i32
        %scan3A_255 = arith.constant 4 : i32
        %scan3A_256 = arith.addi %scan3A_254, %scan3A_255 : i32
        %scan3A_257 = arith.constant 1 : i32
        scf.for %scan3A_261 = %scan3A_254 to %scan3A_256 step %scan3A_257  : i32 {
          %mul3A_262 = arith.constant 16 : i32
          %mul3A_263 = arith.muli %scan3A_261, %mul3A_262 : i32
          %add3A_264 = arith.addi %mul3A_252, %mul3A_263 : i32
          %get3A = arith.index_cast %add3A_264 : i32 to index
          %get3A_265 = tpu.vector_load %arg13[%get3A] {strides = array<i32>} : memref<4096xi32, #tpu.memory_space<vmem>>, vector<16xi32>,
          %slice3A = vector.extract_strided_slice %get3A_265 {offsets = [0], sizes = [1], strides = [1]} : vector<16xi32> to vector<1xi32>
          %squeeze3A = vector.extract %slice3A[0] : i32 from vector<1xi32>
          %get3A_266 = arith.index_cast %squeeze3A : i32 to index
          %get3A_267 = arith.constant 0 : index
          %get3A_268 = tpu.vector_load %arg15[%get3A_266, %get3A_267] {strides = array<i32>} : memref<641x64xi32, #tpu.memory_space<vmem>>, vector<16xi32>,
          %bitcast3A = vector.bitcast %get3A_268 : vector<16xi32> to vector<32xbf16>
          %get3A_269 = arith.index_cast %squeeze3A : i32 to index
          %get3A_270 = arith.constant 16 : index
          %get3A_271 = tpu.vector_load %arg15[%get3A_269, %get3A_270] {strides = array<i32>} : memref<641x64xi32, #tpu.memory_space<vmem>>, vector<16xi32>,
          %bitcast3A_272 = vector.bitcast %get3A_271 : vector<16xi32> to vector<32xbf16>
          %get3A_273 = arith.index_cast %squeeze3A : i32 to index
          %get3A_274 = arith.constant 32 : index
          %get3A_275 = tpu.vector_load %arg15[%get3A_273, %get3A_274] {strides = array<i32>} : memref<641x64xi32, #tpu.memory_space<vmem>>, vector<16xi32>,
          %bitcast3A_276 = vector.bitcast %get3A_275 : vector<16xi32> to vector<32xbf16>
          %get3A_277 = arith.index_cast %squeeze3A : i32 to index
          %get3A_278 = arith.constant 48 : index
          %get3A_279 = tpu.vector_load %arg15[%get3A_277, %get3A_278] {strides = array<i32>} : memref<641x64xi32, #tpu.memory_space<vmem>>, vector<16xi32>,
          %bitcast3A_280 = vector.bitcast %get3A_279 : vector<16xi32> to vector<32xbf16>
          %mul3A_281 = arith.constant 16 : i32
          %mul3A_282 = arith.muli %scan3A_261, %mul3A_281 : i32
          %add3A_283 = arith.constant 0 : i32
          %add3A_284 = arith.addi %mul3A_282, %add3A_283 : i32
          %get3A_285 = arith.index_cast %and3A_232 : i32 to index
          %get3A_286 = arith.index_cast %add3A_284 : i32 to index
          %get3A_287 = arith.constant 0 : index
          %get3A_288 = tpu.vector_load %arg14[%get3A_285, %get3A_286, %get3A_287] {strides = array<i32>} : memref<2x64x64xi32, #tpu.memory_space<vmem>>, vector<16xi32>,
          %bitcast3A_289 = vector.bitcast %get3A_288 : vector<16xi32> to vector<32xbf16>
          %mul3A_290 = arith.constant 16 : i32
          %mul3A_291 = arith.muli %scan3A_261, %mul3A_290 : i32
          %add3A_292 = arith.constant 0 : i32
          %add3A_293 = arith.addi %mul3A_291, %add3A_292 : i32
          %get3A_294 = arith.index_cast %and3A_232 : i32 to index
          %get3A_295 = arith.index_cast %add3A_293 : i32 to index
          %get3A_296 = arith.constant 16 : index
          %get3A_297 = tpu.vector_load %arg14[%get3A_294, %get3A_295, %get3A_296] {strides = array<i32>} : memref<2x64x64xi32, #tpu.memory_space<vmem>>, vector<16xi32>,
          %bitcast3A_298 = vector.bitcast %get3A_297 : vector<16xi32> to vector<32xbf16>
          %mul3A_299 = arith.constant 16 : i32
          %mul3A_300 = arith.muli %scan3A_261, %mul3A_299 : i32
          %add3A_301 = arith.constant 0 : i32
          %add3A_302 = arith.addi %mul3A_300, %add3A_301 : i32
          %get3A_303 = arith.index_cast %and3A_232 : i32 to index
          %get3A_304 = arith.index_cast %add3A_302 : i32 to index
          %get3A_305 = arith.constant 32 : index
          %get3A_306 = tpu.vector_load %arg14[%get3A_303, %get3A_304, %get3A_305] {strides = array<i32>} : memref<2x64x64xi32, #tpu.memory_space<vmem>>, vector<16xi32>,
          %bitcast3A_307 = vector.bitcast %get3A_306 : vector<16xi32> to vector<32xbf16>
          %mul3A_308 = arith.constant 16 : i32
          %mul3A_309 = arith.muli %scan3A_261, %mul3A_308 : i32
          %add3A_310 = arith.constant 0 : i32
          %add3A_311 = arith.addi %mul3A_309, %add3A_310 : i32
          %get3A_312 = arith.index_cast %and3A_232 : i32 to index
          %get3A_313 = arith.index_cast %add3A_311 : i32 to index
          %get3A_314 = arith.constant 48 : index
          %get3A_315 = tpu.vector_load %arg14[%get3A_312, %get3A_313, %get3A_314] {strides = array<i32>} : memref<2x64x64xi32, #tpu.memory_space<vmem>>, vector<16xi32>,
          %bitcast3A_316 = vector.bitcast %get3A_315 : vector<16xi32> to vector<32xbf16>
          %max3A = arith.maximumf %bitcast3A, %bitcast3A_289 : vector<32xbf16>
          %max3A_317 = arith.maximumf %bitcast3A_272, %bitcast3A_298 : vector<32xbf16>
          %max3A_318 = arith.maximumf %bitcast3A_276, %bitcast3A_307 : vector<32xbf16>
          %max3A_319 = arith.maximumf %bitcast3A_280, %bitcast3A_316 : vector<32xbf16>
          %bitcast3A_320 = vector.bitcast %max3A : vector<32xbf16> to vector<16xi32>
          %swap3A = arith.index_cast %squeeze3A : i32 to index
          %swap3A_321 = arith.constant 0 : index
          %swap3A_322 = tpu.vector_load %arg15[%swap3A, %swap3A_321] {strides = array<i32>} : memref<641x64xi32, #tpu.memory_space<vmem>>, vector<16xi32>,
          tpu.vector_store %arg15[%swap3A, %swap3A_321], %bitcast3A_320 {strides = array<i32>} : memref<641x64xi32, #tpu.memory_space<vmem>>, vector<16xi32>,
          %bitcast3A_323 = vector.bitcast %max3A_317 : vector<32xbf16> to vector<16xi32>
          %swap3A_324 = arith.index_cast %squeeze3A : i32 to index
          %swap3A_325 = arith.constant 16 : index
          %swap3A_326 = tpu.vector_load %arg15[%swap3A_324, %swap3A_325] {strides = array<i32>} : memref<641x64xi32, #tpu.memory_space<vmem>>, vector<16xi32>,
          tpu.vector_store %arg15[%swap3A_324, %swap3A_325], %bitcast3A_323 {strides = array<i32>} : memref<641x64xi32, #tpu.memory_space<vmem>>, vector<16xi32>,
          %bitcast3A_327 = vector.bitcast %max3A_318 : vector<32xbf16> to vector<16xi32>
          %swap3A_328 = arith.index_cast %squeeze3A : i32 to index
          %swap3A_329 = arith.constant 32 : index
          %swap3A_330 = tpu.vector_load %arg15[%swap3A_328, %swap3A_329] {strides = array<i32>} : memref<641x64xi32, #tpu.memory_space<vmem>>, vector<16xi32>,
          tpu.vector_store %arg15[%swap3A_328, %swap3A_329], %bitcast3A_327 {strides = array<i32>} : memref<641x64xi32, #tpu.memory_space<vmem>>, vector<16xi32>,
          %bitcast3A_331 = vector.bitcast %max3A_319 : vector<32xbf16> to vector<16xi32>
          %swap3A_332 = arith.index_cast %squeeze3A : i32 to index
          %swap3A_333 = arith.constant 48 : index
          %swap3A_334 = tpu.vector_load %arg15[%swap3A_332, %swap3A_333] {strides = array<i32>} : memref<641x64xi32, #tpu.memory_space<vmem>>, vector<16xi32>,
          tpu.vector_store %arg15[%swap3A_332, %swap3A_333], %bitcast3A_331 {strides = array<i32>} : memref<641x64xi32, #tpu.memory_space<vmem>>, vector<16xi32>,
          %slice3A_335 = vector.extract_strided_slice %get3A_265 {offsets = [1], sizes = [1], strides = [1]} : vector<16xi32> to vector<1xi32>
          %squeeze3A_336 = vector.extract %slice3A_335[0] : i32 from vector<1xi32>
          %get3A_337 = arith.index_cast %squeeze3A_336 : i32 to index
          %get3A_338 = arith.constant 0 : index
          %get3A_339 = tpu.vector_load %arg15[%get3A_337, %get3A_338] {strides = array<i32>} : memref<641x64xi32, #tpu.memory_space<vmem>>, vector<16xi32>,
          %bitcast3A_340 = vector.bitcast %get3A_339 : vector<16xi32> to vector<32xbf16>
          %get3A_341 = arith.index_cast %squeeze3A_336 : i32 to index
          %get3A_342 = arith.constant 16 : index
          %get3A_343 = tpu.vector_load %arg15[%get3A_341, %get3A_342] {strides = array<i32>} : memref<641x64xi32, #tpu.memory_space<vmem>>, vector<16xi32>,
          %bitcast3A_344 = vector.bitcast %get3A_343 : vector<16xi32> to vector<32xbf16>
          %get3A_345 = arith.index_cast %squeeze3A_336 : i32 to index
          %get3A_346 = arith.constant 32 : index
          %get3A_347 = tpu.vector_load %arg15[%get3A_345, %get3A_346] {strides = array<i32>} : memref<641x64xi32, #tpu.memory_space<vmem>>, vector<16xi32>,
          %bitcast3A_348 = vector.bitcast %get3A_347 : vector<16xi32> to vector<32xbf16>
          %get3A_349 = arith.index_cast %squeeze3A_336 : i32 to index
          %get3A_350 = arith.constant 48 : index
          %get3A_351 = tpu.vector_load %arg15[%get3A_349, %get3A_350] {strides = array<i32>} : memref<641x64xi32, #tpu.memory_space<vmem>>, vector<16xi32>,
          %bitcast3A_352 = vector.bitcast %get3A_351 : vector<16xi32> to vector<32xbf16>
          %mul3A_353 = arith.constant 16 : i32
          %mul3A_354 = arith.muli %scan3A_261, %mul3A_353 : i32
          %add3A_355 = arith.constant 1 : i32
          %add3A_356 = arith.addi %mul3A_354, %add3A_355 : i32
          %get3A_357 = arith.index_cast %and3A_232 : i32 to index
          %get3A_358 = arith.index_cast %add3A_356 : i32 to index
          %get3A_359 = arith.constant 0 : index
          %get3A_360 = tpu.vector_load %arg14[%get3A_357, %get3A_358, %get3A_359] {strides = array<i32>} : memref<2x64x64xi32, #tpu.memory_space<vmem>>, vector<16xi32>,
          %bitcast3A_361 = vector.bitcast %get3A_360 : vector<16xi32> to vector<32xbf16>
          %mul3A_362 = arith.constant 16 : i32
          %mul3A_363 = arith.muli %scan3A_261, %mul3A_362 : i32
          %add3A_364 = arith.constant 1 : i32
          %add3A_365 = arith.addi %mul3A_363, %add3A_364 : i32
          %get3A_366 = arith.index_cast %and3A_232 : i32 to index
          %get3A_367 = arith.index_cast %add3A_365 : i32 to index
          %get3A_368 = arith.constant 16 : index
          %get3A_369 = tpu.vector_load %arg14[%get3A_366, %get3A_367, %get3A_368] {strides = array<i32>} : memref<2x64x64xi32, #tpu.memory_space<vmem>>, vector<16xi32>,
          %bitcast3A_370 = vector.bitcast %get3A_369 : vector<16xi32> to vector<32xbf16>
          %mul3A_371 = arith.constant 16 : i32
          %mul3A_372 = arith.muli %scan3A_261, %mul3A_371 : i32
          %add3A_373 = arith.constant 1 : i32
          %add3A_374 = arith.addi %mul3A_372, %add3A_373 : i32
          %get3A_375 = arith.index_cast %and3A_232 : i32 to index
          %get3A_376 = arith.index_cast %add3A_374 : i32 to index
          %get3A_377 = arith.constant 32 : index
          %get3A_378 = tpu.vector_load %arg14[%get3A_375, %get3A_376, %get3A_377] {strides = array<i32>} : memref<2x64x64xi32, #tpu.memory_space<vmem>>, vector<16xi32>,
          %bitcast3A_379 = vector.bitcast %get3A_378 : vector<16xi32> to vector<32xbf16>
          %mul3A_380 = arith.constant 16 : i32
          %mul3A_381 = arith.muli %scan3A_261, %mul3A_380 : i32
          %add3A_382 = arith.constant 1 : i32
          %add3A_383 = arith.addi %mul3A_381, %add3A_382 : i32
          %get3A_384 = arith.index_cast %and3A_232 : i32 to index
          %get3A_385 = arith.index_cast %add3A_383 : i32 to index
          %get3A_386 = arith.constant 48 : index
          %get3A_387 = tpu.vector_load %arg14[%get3A_384, %get3A_385, %get3A_386] {strides = array<i32>} : memref<2x64x64xi32, #tpu.memory_space<vmem>>, vector<16xi32>,
          %bitcast3A_388 = vector.bitcast %get3A_387 : vector<16xi32> to vector<32xbf16>
          %max3A_389 = arith.maximumf %bitcast3A_340, %bitcast3A_361 : vector<32xbf16>
          %max3A_390 = arith.maximumf %bitcast3A_344, %bitcast3A_370 : vector<32xbf16>
          %max3A_391 = arith.maximumf %bitcast3A_348, %bitcast3A_379 : vector<32xbf16>
          %max3A_392 = arith.maximumf %bitcast3A_352, %bitcast3A_388 : vector<32xbf16>
          %bitcast3A_393 = vector.bitcast %max3A_389 : vector<32xbf16> to vector<16xi32>
          %swap3A_394 = arith.index_cast %squeeze3A_336 : i32 to index
          %swap3A_395 = arith.constant 0 : index
          %swap3A_396 = tpu.vector_load %arg15[%swap3A_394, %swap3A_395] {strides = array<i32>} : memref<641x64xi32, #tpu.memory_space<vmem>>, vector<16xi32>,
          tpu.vector_store %arg15[%swap3A_394, %swap3A_395], %bitcast3A_393 {strides = array<i32>} : memref<641x64xi32, #tpu.memory_space<vmem>>, vector<16xi32>,
          %bitcast3A_397 = vector.bitcast %max3A_390 : vector<32xbf16> to vector<16xi32>
          %swap3A_398 = arith.index_cast %squeeze3A_336 : i32 to index
          %swap3A_399 = arith.constant 16 : index
          %swap3A_400 = tpu.vector_load %arg15[%swap3A_398, %swap3A_399] {strides = array<i32>} : memref<641x64xi32, #tpu.memory_space<vmem>>, vector<16xi32>,
          tpu.vector_store %arg15[%swap3A_398, %swap3A_399], %bitcast3A_397 {strides = array<i32>} : memref<641x64xi32, #tpu.memory_space<vmem>>, vector<16xi32>,
          %bitcast3A_401 = vector.bitcast %max3A_391 : vector<32xbf16> to vector<16xi32>
          %swap3A_402 = arith.index_cast %squeeze3A_336 : i32 to index
          %swap3A_403 = arith.constant 32 : index
          %swap3A_404 = tpu.vector_load %arg15[%swap3A_402, %swap3A_403] {strides = array<i32>} : memref<641x64xi32, #tpu.memory_space<vmem>>, vector<16xi32>,
          tpu.vector_store %arg15[%swap3A_402, %swap3A_403], %bitcast3A_401 {strides = array<i32>} : memref<641x64xi32, #tpu.memory_space<vmem>>, vector<16xi32>,
          %bitcast3A_405 = vector.bitcast %max3A_392 : vector<32xbf16> to vector<16xi32>
          %swap3A_406 = arith.index_cast %squeeze3A_336 : i32 to index
          %swap3A_407 = arith.constant 48 : index
          %swap3A_408 = tpu.vector_load %arg15[%swap3A_406, %swap3A_407] {strides = array<i32>} : memref<641x64xi32, #tpu.memory_space<vmem>>, vector<16xi32>,
          tpu.vector_store %arg15[%swap3A_406, %swap3A_407], %bitcast3A_405 {strides = array<i32>} : memref<641x64xi32, #tpu.memory_space<vmem>>, vector<16xi32>,
          %slice3A_409 = vector.extract_strided_slice %get3A_265 {offsets = [2], sizes = [1], strides = [1]} : vector<16xi32> to vector<1xi32>
          %squeeze3A_410 = vector.extract %slice3A_409[0] : i32 from vector<1xi32>
          %get3A_411 = arith.index_cast %squeeze3A_410 : i32 to index
          %get3A_412 = arith.constant 0 : index
          %get3A_413 = tpu.vector_load %arg15[%get3A_411, %get3A_412] {strides = array<i32>} : memref<641x64xi32, #tpu.memory_space<vmem>>, vector<16xi32>,
          %bitcast3A_414 = vector.bitcast %get3A_413 : vector<16xi32> to vector<32xbf16>
          %get3A_415 = arith.index_cast %squeeze3A_410 : i32 to index
          %get3A_416 = arith.constant 16 : index
          %get3A_417 = tpu.vector_load %arg15[%get3A_415, %get3A_416] {strides = array<i32>} : memref<641x64xi32, #tpu.memory_space<vmem>>, vector<16xi32>,
          %bitcast3A_418 = vector.bitcast %get3A_417 : vector<16xi32> to vector<32xbf16>
          %get3A_419 = arith.index_cast %squeeze3A_410 : i32 to index
          %get3A_420 = arith.constant 32 : index
          %get3A_421 = tpu.vector_load %arg15[%get3A_419, %get3A_420] {strides = array<i32>} : memref<641x64xi32, #tpu.memory_space<vmem>>, vector<16xi32>,
          %bitcast3A_422 = vector.bitcast %get3A_421 : vector<16xi32> to vector<32xbf16>
          %get3A_423 = arith.index_cast %squeeze3A_410 : i32 to index
          %get3A_424 = arith.constant 48 : index
          %get3A_425 = tpu.vector_load %arg15[%get3A_423, %get3A_424] {strides = array<i32>} : memref<641x64xi32, #tpu.memory_space<vmem>>, vector<16xi32>,
          %bitcast3A_426 = vector.bitcast %get3A_425 : vector<16xi32> to vector<32xbf16>
          %mul3A_427 = arith.constant 16 : i32
          %mul3A_428 = arith.muli %scan3A_261, %mul3A_427 : i32
          %add3A_429 = arith.constant 2 : i32
          %add3A_430 = arith.addi %mul3A_428, %add3A_429 : i32
          %get3A_431 = arith.index_cast %and3A_232 : i32 to index
          %get3A_432 = arith.index_cast %add3A_430 : i32 to index
          %get3A_433 = arith.constant 0 : index
          %get3A_434 = tpu.vector_load %arg14[%get3A_431, %get3A_432, %get3A_433] {strides = array<i32>} : memref<2x64x64xi32, #tpu.memory_space<vmem>>, vector<16xi32>,
          %bitcast3A_435 = vector.bitcast %get3A_434 : vector<16xi32> to vector<32xbf16>
          %mul3A_436 = arith.constant 16 : i32
          %mul3A_437 = arith.muli %scan3A_261, %mul3A_436 : i32
          %add3A_438 = arith.constant 2 : i32
          %add3A_439 = arith.addi %mul3A_437, %add3A_438 : i32
          %get3A_440 = arith.index_cast %and3A_232 : i32 to index
          %get3A_441 = arith.index_cast %add3A_439 : i32 to index
          %get3A_442 = arith.constant 16 : index
          %get3A_443 = tpu.vector_load %arg14[%get3A_440, %get3A_441, %get3A_442] {strides = array<i32>} : memref<2x64x64xi32, #tpu.memory_space<vmem>>, vector<16xi32>,
          %bitcast3A_444 = vector.bitcast %get3A_443 : vector<16xi32> to vector<32xbf16>
          %mul3A_445 = arith.constant 16 : i32
          %mul3A_446 = arith.muli %scan3A_261, %mul3A_445 : i32
          %add3A_447 = arith.constant 2 : i32
          %add3A_448 = arith.addi %mul3A_446, %add3A_447 : i32
          %get3A_449 = arith.index_cast %and3A_232 : i32 to index
          %get3A_450 = arith.index_cast %add3A_448 : i32 to index
          %get3A_451 = arith.constant 32 : index
          %get3A_452 = tpu.vector_load %arg14[%get3A_449, %get3A_450, %get3A_451] {strides = array<i32>} : memref<2x64x64xi32, #tpu.memory_space<vmem>>, vector<16xi32>,
          %bitcast3A_453 = vector.bitcast %get3A_452 : vector<16xi32> to vector<32xbf16>
          %mul3A_454 = arith.constant 16 : i32
          %mul3A_455 = arith.muli %scan3A_261, %mul3A_454 : i32
          %add3A_456 = arith.constant 2 : i32
          %add3A_457 = arith.addi %mul3A_455, %add3A_456 : i32
          %get3A_458 = arith.index_cast %and3A_232 : i32 to index
          %get3A_459 = arith.index_cast %add3A_457 : i32 to index
          %get3A_460 = arith.constant 48 : index
          %get3A_461 = tpu.vector_load %arg14[%get3A_458, %get3A_459, %get3A_460] {strides = array<i32>} : memref<2x64x64xi32, #tpu.memory_space<vmem>>, vector<16xi32>,
          %bitcast3A_462 = vector.bitcast %get3A_461 : vector<16xi32> to vector<32xbf16>
          %max3A_463 = arith.maximumf %bitcast3A_414, %bitcast3A_435 : vector<32xbf16>
          %max3A_464 = arith.maximumf %bitcast3A_418, %bitcast3A_444 : vector<32xbf16>
          %max3A_465 = arith.maximumf %bitcast3A_422, %bitcast3A_453 : vector<32xbf16>
          %max3A_466 = arith.maximumf %bitcast3A_426, %bitcast3A_462 : vector<32xbf16>
          %bitcast3A_467 = vector.bitcast %max3A_463 : vector<32xbf16> to vector<16xi32>
          %swap3A_468 = arith.index_cast %squeeze3A_410 : i32 to index
          %swap3A_469 = arith.constant 0 : index
          %swap3A_470 = tpu.vector_load %arg15[%swap3A_468, %swap3A_469] {strides = array<i32>} : memref<641x64xi32, #tpu.memory_space<vmem>>, vector<16xi32>,
          tpu.vector_store %arg15[%swap3A_468, %swap3A_469], %bitcast3A_467 {strides = array<i32>} : memref<641x64xi32, #tpu.memory_space<vmem>>, vector<16xi32>,
          %bitcast3A_471 = vector.bitcast %max3A_464 : vector<32xbf16> to vector<16xi32>
          %swap3A_472 = arith.index_cast %squeeze3A_410 : i32 to index
          %swap3A_473 = arith.constant 16 : index
          %swap3A_474 = tpu.vector_load %arg15[%swap3A_472, %swap3A_473] {strides = array<i32>} : memref<641x64xi32, #tpu.memory_space<vmem>>, vector<16xi32>,
          tpu.vector_store %arg15[%swap3A_472, %swap3A_473], %bitcast3A_471 {strides = array<i32>} : memref<641x64xi32, #tpu.memory_space<vmem>>, vector<16xi32>,
          %bitcast3A_475 = vector.bitcast %max3A_465 : vector<32xbf16> to vector<16xi32>
          %swap3A_476 = arith.index_cast %squeeze3A_410 : i32 to index
          %swap3A_477 = arith.constant 32 : index
          %swap3A_478 = tpu.vector_load %arg15[%swap3A_476, %swap3A_477] {strides = array<i32>} : memref<641x64xi32, #tpu.memory_space<vmem>>, vector<16xi32>,
          tpu.vector_store %arg15[%swap3A_476, %swap3A_477], %bitcast3A_475 {strides = array<i32>} : memref<641x64xi32, #tpu.memory_space<vmem>>, vector<16xi32>,
          %bitcast3A_479 = vector.bitcast %max3A_466 : vector<32xbf16> to vector<16xi32>
          %swap3A_480 = arith.index_cast %squeeze3A_410 : i32 to index
          %swap3A_481 = arith.constant 48 : index
          %swap3A_482 = tpu.vector_load %arg15[%swap3A_480, %swap3A_481] {strides = array<i32>} : memref<641x64xi32, #tpu.memory_space<vmem>>, vector<16xi32>,
          tpu.vector_store %arg15[%swap3A_480, %swap3A_481], %bitcast3A_479 {strides = array<i32>} : memref<641x64xi32, #tpu.memory_space<vmem>>, vector<16xi32>,
          %slice3A_483 = vector.extract_strided_slice %get3A_265 {offsets = [3], sizes = [1], strides = [1]} : vector<16xi32> to vector<1xi32>
          %squeeze3A_484 = vector.extract %slice3A_483[0] : i32 from vector<1xi32>
          %get3A_485 = arith.index_cast %squeeze3A_484 : i32 to index
          %get3A_486 = arith.constant 0 : index
          %get3A_487 = tpu.vector_load %arg15[%get3A_485, %get3A_486] {strides = array<i32>} : memref<641x64xi32, #tpu.memory_space<vmem>>, vector<16xi32>,
          %bitcast3A_488 = vector.bitcast %get3A_487 : vector<16xi32> to vector<32xbf16>
          %get3A_489 = arith.index_cast %squeeze3A_484 : i32 to index
          %get3A_490 = arith.constant 16 : index
          %get3A_491 = tpu.vector_load %arg15[%get3A_489, %get3A_490] {strides = array<i32>} : memref<641x64xi32, #tpu.memory_space<vmem>>, vector<16xi32>,
          %bitcast3A_492 = vector.bitcast %get3A_491 : vector<16xi32> to vector<32xbf16>
          %get3A_493 = arith.index_cast %squeeze3A_484 : i32 to index
          %get3A_494 = arith.constant 32 : index
          %get3A_495 = tpu.vector_load %arg15[%get3A_493, %get3A_494] {strides = array<i32>} : memref<641x64xi32, #tpu.memory_space<vmem>>, vector<16xi32>,
          %bitcast3A_496 = vector.bitcast %get3A_495 : vector<16xi32> to vector<32xbf16>
          %get3A_497 = arith.index_cast %squeeze3A_484 : i32 to index
          %get3A_498 = arith.constant 48 : index
          %get3A_499 = tpu.vector_load %arg15[%get3A_497, %get3A_498] {strides = array<i32>} : memref<641x64xi32, #tpu.memory_space<vmem>>, vector<16xi32>,
          %bitcast3A_500 = vector.bitcast %get3A_499 : vector<16xi32> to vector<32xbf16>
          %mul3A_501 = arith.constant 16 : i32
          %mul3A_502 = arith.muli %scan3A_261, %mul3A_501 : i32
          %add3A_503 = arith.constant 3 : i32
          %add3A_504 = arith.addi %mul3A_502, %add3A_503 : i32
          %get3A_505 = arith.index_cast %and3A_232 : i32 to index
          %get3A_506 = arith.index_cast %add3A_504 : i32 to index
          %get3A_507 = arith.constant 0 : index
          %get3A_508 = tpu.vector_load %arg14[%get3A_505, %get3A_506, %get3A_507] {strides = array<i32>} : memref<2x64x64xi32, #tpu.memory_space<vmem>>, vector<16xi32>,
          %bitcast3A_509 = vector.bitcast %get3A_508 : vector<16xi32> to vector<32xbf16>
          %mul3A_510 = arith.constant 16 : i32
          %mul3A_511 = arith.muli %scan3A_261, %mul3A_510 : i32
          %add3A_512 = arith.constant 3 : i32
          %add3A_513 = arith.addi %mul3A_511, %add3A_512 : i32
          %get3A_514 = arith.index_cast %and3A_232 : i32 to index
          %get3A_515 = arith.index_cast %add3A_513 : i32 to index
          %get3A_516 = arith.constant 16 : index
          %get3A_517 = tpu.vector_load %arg14[%get3A_514, %get3A_515, %get3A_516] {strides = array<i32>} : memref<2x64x64xi32, #tpu.memory_space<vmem>>, vector<16xi32>,
          %bitcast3A_518 = vector.bitcast %get3A_517 : vector<16xi32> to vector<32xbf16>
          %mul3A_519 = arith.constant 16 : i32
          %mul3A_520 = arith.muli %scan3A_261, %mul3A_519 : i32
          %add3A_521 = arith.constant 3 : i32
          %add3A_522 = arith.addi %mul3A_520, %add3A_521 : i32
          %get3A_523 = arith.index_cast %and3A_232 : i32 to index
          %get3A_524 = arith.index_cast %add3A_522 : i32 to index
          %get3A_525 = arith.constant 32 : index
          %get3A_526 = tpu.vector_load %arg14[%get3A_523, %get3A_524, %get3A_525] {strides = array<i32>} : memref<2x64x64xi32, #tpu.memory_space<vmem>>, vector<16xi32>,
          %bitcast3A_527 = vector.bitcast %get3A_526 : vector<16xi32> to vector<32xbf16>
          %mul3A_528 = arith.constant 16 : i32
          %mul3A_529 = arith.muli %scan3A_261, %mul3A_528 : i32
          %add3A_530 = arith.constant 3 : i32
          %add3A_531 = arith.addi %mul3A_529, %add3A_530 : i32
          %get3A_532 = arith.index_cast %and3A_232 : i32 to index
          %get3A_533 = arith.index_cast %add3A_531 : i32 to index
          %get3A_534 = arith.constant 48 : index
          %get3A_535 = tpu.vector_load %arg14[%get3A_532, %get3A_533, %get3A_534] {strides = array<i32>} : memref<2x64x64xi32, #tpu.memory_space<vmem>>, vector<16xi32>,
          %bitcast3A_536 = vector.bitcast %get3A_535 : vector<16xi32> to vector<32xbf16>
          %max3A_537 = arith.maximumf %bitcast3A_488, %bitcast3A_509 : vector<32xbf16>
          %max3A_538 = arith.maximumf %bitcast3A_492, %bitcast3A_518 : vector<32xbf16>
          %max3A_539 = arith.maximumf %bitcast3A_496, %bitcast3A_527 : vector<32xbf16>
          %max3A_540 = arith.maximumf %bitcast3A_500, %bitcast3A_536 : vector<32xbf16>
          %bitcast3A_541 = vector.bitcast %max3A_537 : vector<32xbf16> to vector<16xi32>
          %swap3A_542 = arith.index_cast %squeeze3A_484 : i32 to index
          %swap3A_543 = arith.constant 0 : index
          %swap3A_544 = tpu.vector_load %arg15[%swap3A_542, %swap3A_543] {strides = array<i32>} : memref<641x64xi32, #tpu.memory_space<vmem>>, vector<16xi32>,
          tpu.vector_store %arg15[%swap3A_542, %swap3A_543], %bitcast3A_541 {strides = array<i32>} : memref<641x64xi32, #tpu.memory_space<vmem>>, vector<16xi32>,
          %bitcast3A_545 = vector.bitcast %max3A_538 : vector<32xbf16> to vector<16xi32>
          %swap3A_546 = arith.index_cast %squeeze3A_484 : i32 to index
          %swap3A_547 = arith.constant 16 : index
          %swap3A_548 = tpu.vector_load %arg15[%swap3A_546, %swap3A_547] {strides = array<i32>} : memref<641x64xi32, #tpu.memory_space<vmem>>, vector<16xi32>,
          tpu.vector_store %arg15[%swap3A_546, %swap3A_547], %bitcast3A_545 {strides = array<i32>} : memref<641x64xi32, #tpu.memory_space<vmem>>, vector<16xi32>,
          %bitcast3A_549 = vector.bitcast %max3A_539 : vector<32xbf16> to vector<16xi32>
          %swap3A_550 = arith.index_cast %squeeze3A_484 : i32 to index
          %swap3A_551 = arith.constant 32 : index
          %swap3A_552 = tpu.vector_load %arg15[%swap3A_550, %swap3A_551] {strides = array<i32>} : memref<641x64xi32, #tpu.memory_space<vmem>>, vector<16xi32>,
          tpu.vector_store %arg15[%swap3A_550, %swap3A_551], %bitcast3A_549 {strides = array<i32>} : memref<641x64xi32, #tpu.memory_space<vmem>>, vector<16xi32>,
          %bitcast3A_553 = vector.bitcast %max3A_540 : vector<32xbf16> to vector<16xi32>
          %swap3A_554 = arith.index_cast %squeeze3A_484 : i32 to index
          %swap3A_555 = arith.constant 48 : index
          %swap3A_556 = tpu.vector_load %arg15[%swap3A_554, %swap3A_555] {strides = array<i32>} : memref<641x64xi32, #tpu.memory_space<vmem>>, vector<16xi32>,
          tpu.vector_store %arg15[%swap3A_554, %swap3A_555], %bitcast3A_553 {strides = array<i32>} : memref<641x64xi32, #tpu.memory_space<vmem>>, vector<16xi32>,
          %slice3A_557 = vector.extract_strided_slice %get3A_265 {offsets = [4], sizes = [1], strides = [1]} : vector<16xi32> to vector<1xi32>
          %squeeze3A_558 = vector.extract %slice3A_557[0] : i32 from vector<1xi32>
          %get3A_559 = arith.index_cast %squeeze3A_558 : i32 to index
          %get3A_560 = arith.constant 0 : index
          %get3A_561 = tpu.vector_load %arg15[%get3A_559, %get3A_560] {strides = array<i32>} : memref<641x64xi32, #tpu.memory_space<vmem>>, vector<16xi32>,
          %bitcast3A_562 = vector.bitcast %get3A_561 : vector<16xi32> to vector<32xbf16>
          %get3A_563 = arith.index_cast %squeeze3A_558 : i32 to index
          %get3A_564 = arith.constant 16 : index
          %get3A_565 = tpu.vector_load %arg15[%get3A_563, %get3A_564] {strides = array<i32>} : memref<641x64xi32, #tpu.memory_space<vmem>>, vector<16xi32>,
          %bitcast3A_566 = vector.bitcast %get3A_565 : vector<16xi32> to vector<32xbf16>
          %get3A_567 = arith.index_cast %squeeze3A_558 : i32 to index
          %get3A_568 = arith.constant 32 : index
          %get3A_569 = tpu.vector_load %arg15[%get3A_567, %get3A_568] {strides = array<i32>} : memref<641x64xi32, #tpu.memory_space<vmem>>, vector<16xi32>,
          %bitcast3A_570 = vector.bitcast %get3A_569 : vector<16xi32> to vector<32xbf16>
          %get3A_571 = arith.index_cast %squeeze3A_558 : i32 to index
          %get3A_572 = arith.constant 48 : index
          %get3A_573 = tpu.vector_load %arg15[%get3A_571, %get3A_572] {strides = array<i32>} : memref<641x64xi32, #tpu.memory_space<vmem>>, vector<16xi32>,
          %bitcast3A_574 = vector.bitcast %get3A_573 : vector<16xi32> to vector<32xbf16>
          %mul3A_575 = arith.constant 16 : i32
          %mul3A_576 = arith.muli %scan3A_261, %mul3A_575 : i32
          %add3A_577 = arith.constant 4 : i32
          %add3A_578 = arith.addi %mul3A_576, %add3A_577 : i32
          %get3A_579 = arith.index_cast %and3A_232 : i32 to index
          %get3A_580 = arith.index_cast %add3A_578 : i32 to index
          %get3A_581 = arith.constant 0 : index
          %get3A_582 = tpu.vector_load %arg14[%get3A_579, %get3A_580, %get3A_581] {strides = array<i32>} : memref<2x64x64xi32, #tpu.memory_space<vmem>>, vector<16xi32>,
          %bitcast3A_583 = vector.bitcast %get3A_582 : vector<16xi32> to vector<32xbf16>
          %mul3A_584 = arith.constant 16 : i32
          %mul3A_585 = arith.muli %scan3A_261, %mul3A_584 : i32
          %add3A_586 = arith.constant 4 : i32
          %add3A_587 = arith.addi %mul3A_585, %add3A_586 : i32
          %get3A_588 = arith.index_cast %and3A_232 : i32 to index
          %get3A_589 = arith.index_cast %add3A_587 : i32 to index
          %get3A_590 = arith.constant 16 : index
          %get3A_591 = tpu.vector_load %arg14[%get3A_588, %get3A_589, %get3A_590] {strides = array<i32>} : memref<2x64x64xi32, #tpu.memory_space<vmem>>, vector<16xi32>,
          %bitcast3A_592 = vector.bitcast %get3A_591 : vector<16xi32> to vector<32xbf16>
          %mul3A_593 = arith.constant 16 : i32
          %mul3A_594 = arith.muli %scan3A_261, %mul3A_593 : i32
          %add3A_595 = arith.constant 4 : i32
          %add3A_596 = arith.addi %mul3A_594, %add3A_595 : i32
          %get3A_597 = arith.index_cast %and3A_232 : i32 to index
          %get3A_598 = arith.index_cast %add3A_596 : i32 to index
          %get3A_599 = arith.constant 32 : index
          %get3A_600 = tpu.vector_load %arg14[%get3A_597, %get3A_598, %get3A_599] {strides = array<i32>} : memref<2x64x64xi32, #tpu.memory_space<vmem>>, vector<16xi32>,
          %bitcast3A_601 = vector.bitcast %get3A_600 : vector<16xi32> to vector<32xbf16>
          %mul3A_602 = arith.constant 16 : i32
          %mul3A_603 = arith.muli %scan3A_261, %mul3A_602 : i32
          %add3A_604 = arith.constant 4 : i32
          %add3A_605 = arith.addi %mul3A_603, %add3A_604 : i32
          %get3A_606 = arith.index_cast %and3A_232 : i32 to index
          %get3A_607 = arith.index_cast %add3A_605 : i32 to index
          %get3A_608 = arith.constant 48 : index
          %get3A_609 = tpu.vector_load %arg14[%get3A_606, %get3A_607, %get3A_608] {strides = array<i32>} : memref<2x64x64xi32, #tpu.memory_space<vmem>>, vector<16xi32>,
          %bitcast3A_610 = vector.bitcast %get3A_609 : vector<16xi32> to vector<32xbf16>
          %max3A_611 = arith.maximumf %bitcast3A_562, %bitcast3A_583 : vector<32xbf16>
          %max3A_612 = arith.maximumf %bitcast3A_566, %bitcast3A_592 : vector<32xbf16>
          %max3A_613 = arith.maximumf %bitcast3A_570, %bitcast3A_601 : vector<32xbf16>
          %max3A_614 = arith.maximumf %bitcast3A_574, %bitcast3A_610 : vector<32xbf16>
          %bitcast3A_615 = vector.bitcast %max3A_611 : vector<32xbf16> to vector<16xi32>
          %swap3A_616 = arith.index_cast %squeeze3A_558 : i32 to index
          %swap3A_617 = arith.constant 0 : index
          %swap3A_618 = tpu.vector_load %arg15[%swap3A_616, %swap3A_617] {strides = array<i32>} : memref<641x64xi32, #tpu.memory_space<vmem>>, vector<16xi32>,
          tpu.vector_store %arg15[%swap3A_616, %swap3A_617], %bitcast3A_615 {strides = array<i32>} : memref<641x64xi32, #tpu.memory_space<vmem>>, vector<16xi32>,
          %bitcast3A_619 = vector.bitcast %max3A_612 : vector<32xbf16> to vector<16xi32>
          %swap3A_620 = arith.index_cast %squeeze3A_558 : i32 to index
          %swap3A_621 = arith.constant 16 : index
          %swap3A_622 = tpu.vector_load %arg15[%swap3A_620, %swap3A_621] {strides = array<i32>} : memref<641x64xi32, #tpu.memory_space<vmem>>, vector<16xi32>,
          tpu.vector_store %arg15[%swap3A_620, %swap3A_621], %bitcast3A_619 {strides = array<i32>} : memref<641x64xi32, #tpu.memory_space<vmem>>, vector<16xi32>,
          %bitcast3A_623 = vector.bitcast %max3A_613 : vector<32xbf16> to vector<16xi32>
          %swap3A_624 = arith.index_cast %squeeze3A_558 : i32 to index
          %swap3A_625 = arith.constant 32 : index
          %swap3A_626 = tpu.vector_load %arg15[%swap3A_624, %swap3A_625] {strides = array<i32>} : memref<641x64xi32, #tpu.memory_space<vmem>>, vector<16xi32>,
          tpu.vector_store %arg15[%swap3A_624, %swap3A_625], %bitcast3A_623 {strides = array<i32>} : memref<641x64xi32, #tpu.memory_space<vmem>>, vector<16xi32>,
          %bitcast3A_627 = vector.bitcast %max3A_614 : vector<32xbf16> to vector<16xi32>
          %swap3A_628 = arith.index_cast %squeeze3A_558 : i32 to index
          %swap3A_629 = arith.constant 48 : index
          %swap3A_630 = tpu.vector_load %arg15[%swap3A_628, %swap3A_629] {strides = array<i32>} : memref<641x64xi32, #tpu.memory_space<vmem>>, vector<16xi32>,
          tpu.vector_store %arg15[%swap3A_628, %swap3A_629], %bitcast3A_627 {strides = array<i32>} : memref<641x64xi32, #tpu.memory_space<vmem>>, vector<16xi32>,
          %slice3A_631 = vector.extract_strided_slice %get3A_265 {offsets = [5], sizes = [1], strides = [1]} : vector<16xi32> to vector<1xi32>
          %squeeze3A_632 = vector.extract %slice3A_631[0] : i32 from vector<1xi32>
          %get3A_633 = arith.index_cast %squeeze3A_632 : i32 to index
          %get3A_634 = arith.constant 0 : index
          %get3A_635 = tpu.vector_load %arg15[%get3A_633, %get3A_634] {strides = array<i32>} : memref<641x64xi32, #tpu.memory_space<vmem>>, vector<16xi32>,
          %bitcast3A_636 = vector.bitcast %get3A_635 : vector<16xi32> to vector<32xbf16>
          %get3A_637 = arith.index_cast %squeeze3A_632 : i32 to index
          %get3A_638 = arith.constant 16 : index
          %get3A_639 = tpu.vector_load %arg15[%get3A_637, %get3A_638] {strides = array<i32>} : memref<641x64xi32, #tpu.memory_space<vmem>>, vector<16xi32>,
          %bitcast3A_640 = vector.bitcast %get3A_639 : vector<16xi32> to vector<32xbf16>
          %get3A_641 = arith.index_cast %squeeze3A_632 : i32 to index
          %get3A_642 = arith.constant 32 : index
          %get3A_643 = tpu.vector_load %arg15[%get3A_641, %get3A_642] {strides = array<i32>} : memref<641x64xi32, #tpu.memory_space<vmem>>, vector<16xi32>,
          %bitcast3A_644 = vector.bitcast %get3A_643 : vector<16xi32> to vector<32xbf16>
          %get3A_645 = arith.index_cast %squeeze3A_632 : i32 to index
          %get3A_646 = arith.constant 48 : index
          %get3A_647 = tpu.vector_load %arg15[%get3A_645, %get3A_646] {strides = array<i32>} : memref<641x64xi32, #tpu.memory_space<vmem>>, vector<16xi32>,
          %bitcast3A_648 = vector.bitcast %get3A_647 : vector<16xi32> to vector<32xbf16>
          %mul3A_649 = arith.constant 16 : i32
          %mul3A_650 = arith.muli %scan3A_261, %mul3A_649 : i32
          %add3A_651 = arith.constant 5 : i32
          %add3A_652 = arith.addi %mul3A_650, %add3A_651 : i32
          %get3A_653 = arith.index_cast %and3A_232 : i32 to index
          %get3A_654 = arith.index_cast %add3A_652 : i32 to index
          %get3A_655 = arith.constant 0 : index
          %get3A_656 = tpu.vector_load %arg14[%get3A_653, %get3A_654, %get3A_655] {strides = array<i32>} : memref<2x64x64xi32, #tpu.memory_space<vmem>>, vector<16xi32>,
          %bitcast3A_657 = vector.bitcast %get3A_656 : vector<16xi32> to vector<32xbf16>
          %mul3A_658 = arith.constant 16 : i32
          %mul3A_659 = arith.muli %scan3A_261, %mul3A_658 : i32
          %add3A_660 = arith.constant 5 : i32
          %add3A_661 = arith.addi %mul3A_659, %add3A_660 : i32
          %get3A_662 = arith.index_cast %and3A_232 : i32 to index
          %get3A_663 = arith.index_cast %add3A_661 : i32 to index
          %get3A_664 = arith.constant 16 : index
          %get3A_665 = tpu.vector_load %arg14[%get3A_662, %get3A_663, %get3A_664] {strides = array<i32>} : memref<2x64x64xi32, #tpu.memory_space<vmem>>, vector<16xi32>,
          %bitcast3A_666 = vector.bitcast %get3A_665 : vector<16xi32> to vector<32xbf16>
          %mul3A_667 = arith.constant 16 : i32
          %mul3A_668 = arith.muli %scan3A_261, %mul3A_667 : i32
          %add3A_669 = arith.constant 5 : i32
          %add3A_670 = arith.addi %mul3A_668, %add3A_669 : i32
          %get3A_671 = arith.index_cast %and3A_232 : i32 to index
          %get3A_672 = arith.index_cast %add3A_670 : i32 to index
          %get3A_673 = arith.constant 32 : index
          %get3A_674 = tpu.vector_load %arg14[%get3A_671, %get3A_672, %get3A_673] {strides = array<i32>} : memref<2x64x64xi32, #tpu.memory_space<vmem>>, vector<16xi32>,
          %bitcast3A_675 = vector.bitcast %get3A_674 : vector<16xi32> to vector<32xbf16>
          %mul3A_676 = arith.constant 16 : i32
          %mul3A_677 = arith.muli %scan3A_261, %mul3A_676 : i32
          %add3A_678 = arith.constant 5 : i32
          %add3A_679 = arith.addi %mul3A_677, %add3A_678 : i32
          %get3A_680 = arith.index_cast %and3A_232 : i32 to index
          %get3A_681 = arith.index_cast %add3A_679 : i32 to index
          %get3A_682 = arith.constant 48 : index
          %get3A_683 = tpu.vector_load %arg14[%get3A_680, %get3A_681, %get3A_682] {strides = array<i32>} : memref<2x64x64xi32, #tpu.memory_space<vmem>>, vector<16xi32>,
          %bitcast3A_684 = vector.bitcast %get3A_683 : vector<16xi32> to vector<32xbf16>
          %max3A_685 = arith.maximumf %bitcast3A_636, %bitcast3A_657 : vector<32xbf16>
          %max3A_686 = arith.maximumf %bitcast3A_640, %bitcast3A_666 : vector<32xbf16>
          %max3A_687 = arith.maximumf %bitcast3A_644, %bitcast3A_675 : vector<32xbf16>
          %max3A_688 = arith.maximumf %bitcast3A_648, %bitcast3A_684 : vector<32xbf16>
          %bitcast3A_689 = vector.bitcast %max3A_685 : vector<32xbf16> to vector<16xi32>
          %swap3A_690 = arith.index_cast %squeeze3A_632 : i32 to index
          %swap3A_691 = arith.constant 0 : index
          %swap3A_692 = tpu.vector_load %arg15[%swap3A_690, %swap3A_691] {strides = array<i32>} : memref<641x64xi32, #tpu.memory_space<vmem>>, vector<16xi32>,
          tpu.vector_store %arg15[%swap3A_690, %swap3A_691], %bitcast3A_689 {strides = array<i32>} : memref<641x64xi32, #tpu.memory_space<vmem>>, vector<16xi32>,
          %bitcast3A_693 = vector.bitcast %max3A_686 : vector<32xbf16> to vector<16xi32>
          %swap3A_694 = arith.index_cast %squeeze3A_632 : i32 to index
          %swap3A_695 = arith.constant 16 : index
          %swap3A_696 = tpu.vector_load %arg15[%swap3A_694, %swap3A_695] {strides = array<i32>} : memref<641x64xi32, #tpu.memory_space<vmem>>, vector<16xi32>,
          tpu.vector_store %arg15[%swap3A_694, %swap3A_695], %bitcast3A_693 {strides = array<i32>} : memref<641x64xi32, #tpu.memory_space<vmem>>, vector<16xi32>,
          %bitcast3A_697 = vector.bitcast %max3A_687 : vector<32xbf16> to vector<16xi32>
          %swap3A_698 = arith.index_cast %squeeze3A_632 : i32 to index
          %swap3A_699 = arith.constant 32 : index
          %swap3A_700 = tpu.vector_load %arg15[%swap3A_698, %swap3A_699] {strides = array<i32>} : memref<641x64xi32, #tpu.memory_space<vmem>>, vector<16xi32>,
          tpu.vector_store %arg15[%swap3A_698, %swap3A_699], %bitcast3A_697 {strides = array<i32>} : memref<641x64xi32, #tpu.memory_space<vmem>>, vector<16xi32>,
          %bitcast3A_701 = vector.bitcast %max3A_688 : vector<32xbf16> to vector<16xi32>
          %swap3A_702 = arith.index_cast %squeeze3A_632 : i32 to index
          %swap3A_703 = arith.constant 48 : index
          %swap3A_704 = tpu.vector_load %arg15[%swap3A_702, %swap3A_703] {strides = array<i32>} : memref<641x64xi32, #tpu.memory_space<vmem>>, vector<16xi32>,
          tpu.vector_store %arg15[%swap3A_702, %swap3A_703], %bitcast3A_701 {strides = array<i32>} : memref<641x64xi32, #tpu.memory_space<vmem>>, vector<16xi32>,
          %slice3A_705 = vector.extract_strided_slice %get3A_265 {offsets = [6], sizes = [1], strides = [1]} : vector<16xi32> to vector<1xi32>
          %squeeze3A_706 = vector.extract %slice3A_705[0] : i32 from vector<1xi32>
          %get3A_707 = arith.index_cast %squeeze3A_706 : i32 to index
          %get3A_708 = arith.constant 0 : index
          %get3A_709 = tpu.vector_load %arg15[%get3A_707, %get3A_708] {strides = array<i32>} : memref<641x64xi32, #tpu.memory_space<vmem>>, vector<16xi32>,
          %bitcast3A_710 = vector.bitcast %get3A_709 : vector<16xi32> to vector<32xbf16>
          %get3A_711 = arith.index_cast %squeeze3A_706 : i32 to index
          %get3A_712 = arith.constant 16 : index
          %get3A_713 = tpu.vector_load %arg15[%get3A_711, %get3A_712] {strides = array<i32>} : memref<641x64xi32, #tpu.memory_space<vmem>>, vector<16xi32>,
          %bitcast3A_714 = vector.bitcast %get3A_713 : vector<16xi32> to vector<32xbf16>
          %get3A_715 = arith.index_cast %squeeze3A_706 : i32 to index
          %get3A_716 = arith.constant 32 : index
          %get3A_717 = tpu.vector_load %arg15[%get3A_715, %get3A_716] {strides = array<i32>} : memref<641x64xi32, #tpu.memory_space<vmem>>, vector<16xi32>,
          %bitcast3A_718 = vector.bitcast %get3A_717 : vector<16xi32> to vector<32xbf16>
          %get3A_719 = arith.index_cast %squeeze3A_706 : i32 to index
          %get3A_720 = arith.constant 48 : index
          %get3A_721 = tpu.vector_load %arg15[%get3A_719, %get3A_720] {strides = array<i32>} : memref<641x64xi32, #tpu.memory_space<vmem>>, vector<16xi32>,
          %bitcast3A_722 = vector.bitcast %get3A_721 : vector<16xi32> to vector<32xbf16>
          %mul3A_723 = arith.constant 16 : i32
          %mul3A_724 = arith.muli %scan3A_261, %mul3A_723 : i32
          %add3A_725 = arith.constant 6 : i32
          %add3A_726 = arith.addi %mul3A_724, %add3A_725 : i32
          %get3A_727 = arith.index_cast %and3A_232 : i32 to index
          %get3A_728 = arith.index_cast %add3A_726 : i32 to index
          %get3A_729 = arith.constant 0 : index
          %get3A_730 = tpu.vector_load %arg14[%get3A_727, %get3A_728, %get3A_729] {strides = array<i32>} : memref<2x64x64xi32, #tpu.memory_space<vmem>>, vector<16xi32>,
          %bitcast3A_731 = vector.bitcast %get3A_730 : vector<16xi32> to vector<32xbf16>
          %mul3A_732 = arith.constant 16 : i32
          %mul3A_733 = arith.muli %scan3A_261, %mul3A_732 : i32
          %add3A_734 = arith.constant 6 : i32
          %add3A_735 = arith.addi %mul3A_733, %add3A_734 : i32
          %get3A_736 = arith.index_cast %and3A_232 : i32 to index
          %get3A_737 = arith.index_cast %add3A_735 : i32 to index
          %get3A_738 = arith.constant 16 : index
          %get3A_739 = tpu.vector_load %arg14[%get3A_736, %get3A_737, %get3A_738] {strides = array<i32>} : memref<2x64x64xi32, #tpu.memory_space<vmem>>, vector<16xi32>,
          %bitcast3A_740 = vector.bitcast %get3A_739 : vector<16xi32> to vector<32xbf16>
          %mul3A_741 = arith.constant 16 : i32
          %mul3A_742 = arith.muli %scan3A_261, %mul3A_741 : i32
          %add3A_743 = arith.constant 6 : i32
          %add3A_744 = arith.addi %mul3A_742, %add3A_743 : i32
          %get3A_745 = arith.index_cast %and3A_232 : i32 to index
          %get3A_746 = arith.index_cast %add3A_744 : i32 to index
          %get3A_747 = arith.constant 32 : index
          %get3A_748 = tpu.vector_load %arg14[%get3A_745, %get3A_746, %get3A_747] {strides = array<i32>} : memref<2x64x64xi32, #tpu.memory_space<vmem>>, vector<16xi32>,
          %bitcast3A_749 = vector.bitcast %get3A_748 : vector<16xi32> to vector<32xbf16>
          %mul3A_750 = arith.constant 16 : i32
          %mul3A_751 = arith.muli %scan3A_261, %mul3A_750 : i32
          %add3A_752 = arith.constant 6 : i32
          %add3A_753 = arith.addi %mul3A_751, %add3A_752 : i32
          %get3A_754 = arith.index_cast %and3A_232 : i32 to index
          %get3A_755 = arith.index_cast %add3A_753 : i32 to index
          %get3A_756 = arith.constant 48 : index
          %get3A_757 = tpu.vector_load %arg14[%get3A_754, %get3A_755, %get3A_756] {strides = array<i32>} : memref<2x64x64xi32, #tpu.memory_space<vmem>>, vector<16xi32>,
          %bitcast3A_758 = vector.bitcast %get3A_757 : vector<16xi32> to vector<32xbf16>
          %max3A_759 = arith.maximumf %bitcast3A_710, %bitcast3A_731 : vector<32xbf16>
          %max3A_760 = arith.maximumf %bitcast3A_714, %bitcast3A_740 : vector<32xbf16>
          %max3A_761 = arith.maximumf %bitcast3A_718, %bitcast3A_749 : vector<32xbf16>
          %max3A_762 = arith.maximumf %bitcast3A_722, %bitcast3A_758 : vector<32xbf16>
          %bitcast3A_763 = vector.bitcast %max3A_759 : vector<32xbf16> to vector<16xi32>
          %swap3A_764 = arith.index_cast %squeeze3A_706 : i32 to index
          %swap3A_765 = arith.constant 0 : index
          %swap3A_766 = tpu.vector_load %arg15[%swap3A_764, %swap3A_765] {strides = array<i32>} : memref<641x64xi32, #tpu.memory_space<vmem>>, vector<16xi32>,
          tpu.vector_store %arg15[%swap3A_764, %swap3A_765], %bitcast3A_763 {strides = array<i32>} : memref<641x64xi32, #tpu.memory_space<vmem>>, vector<16xi32>,
          %bitcast3A_767 = vector.bitcast %max3A_760 : vector<32xbf16> to vector<16xi32>
          %swap3A_768 = arith.index_cast %squeeze3A_706 : i32 to index
          %swap3A_769 = arith.constant 16 : index
          %swap3A_770 = tpu.vector_load %arg15[%swap3A_768, %swap3A_769] {strides = array<i32>} : memref<641x64xi32, #tpu.memory_space<vmem>>, vector<16xi32>,
          tpu.vector_store %arg15[%swap3A_768, %swap3A_769], %bitcast3A_767 {strides = array<i32>} : memref<641x64xi32, #tpu.memory_space<vmem>>, vector<16xi32>,
          %bitcast3A_771 = vector.bitcast %max3A_761 : vector<32xbf16> to vector<16xi32>
          %swap3A_772 = arith.index_cast %squeeze3A_706 : i32 to index
          %swap3A_773 = arith.constant 32 : index
          %swap3A_774 = tpu.vector_load %arg15[%swap3A_772, %swap3A_773] {strides = array<i32>} : memref<641x64xi32, #tpu.memory_space<vmem>>, vector<16xi32>,
          tpu.vector_store %arg15[%swap3A_772, %swap3A_773], %bitcast3A_771 {strides = array<i32>} : memref<641x64xi32, #tpu.memory_space<vmem>>, vector<16xi32>,
          %bitcast3A_775 = vector.bitcast %max3A_762 : vector<32xbf16> to vector<16xi32>
          %swap3A_776 = arith.index_cast %squeeze3A_706 : i32 to index
          %swap3A_777 = arith.constant 48 : index
          %swap3A_778 = tpu.vector_load %arg15[%swap3A_776, %swap3A_777] {strides = array<i32>} : memref<641x64xi32, #tpu.memory_space<vmem>>, vector<16xi32>,
          tpu.vector_store %arg15[%swap3A_776, %swap3A_777], %bitcast3A_775 {strides = array<i32>} : memref<641x64xi32, #tpu.memory_space<vmem>>, vector<16xi32>,
          %slice3A_779 = vector.extract_strided_slice %get3A_265 {offsets = [7], sizes = [1], strides = [1]} : vector<16xi32> to vector<1xi32>
          %squeeze3A_780 = vector.extract %slice3A_779[0] : i32 from vector<1xi32>
          %get3A_781 = arith.index_cast %squeeze3A_780 : i32 to index
          %get3A_782 = arith.constant 0 : index
          %get3A_783 = tpu.vector_load %arg15[%get3A_781, %get3A_782] {strides = array<i32>} : memref<641x64xi32, #tpu.memory_space<vmem>>, vector<16xi32>,
          %bitcast3A_784 = vector.bitcast %get3A_783 : vector<16xi32> to vector<32xbf16>
          %get3A_785 = arith.index_cast %squeeze3A_780 : i32 to index
          %get3A_786 = arith.constant 16 : index
          %get3A_787 = tpu.vector_load %arg15[%get3A_785, %get3A_786] {strides = array<i32>} : memref<641x64xi32, #tpu.memory_space<vmem>>, vector<16xi32>,
          %bitcast3A_788 = vector.bitcast %get3A_787 : vector<16xi32> to vector<32xbf16>
          %get3A_789 = arith.index_cast %squeeze3A_780 : i32 to index
          %get3A_790 = arith.constant 32 : index
          %get3A_791 = tpu.vector_load %arg15[%get3A_789, %get3A_790] {strides = array<i32>} : memref<641x64xi32, #tpu.memory_space<vmem>>, vector<16xi32>,
          %bitcast3A_792 = vector.bitcast %get3A_791 : vector<16xi32> to vector<32xbf16>
          %get3A_793 = arith.index_cast %squeeze3A_780 : i32 to index
          %get3A_794 = arith.constant 48 : index
          %get3A_795 = tpu.vector_load %arg15[%get3A_793, %get3A_794] {strides = array<i32>} : memref<641x64xi32, #tpu.memory_space<vmem>>, vector<16xi32>,
          %bitcast3A_796 = vector.bitcast %get3A_795 : vector<16xi32> to vector<32xbf16>
          %mul3A_797 = arith.constant 16 : i32
          %mul3A_798 = arith.muli %scan3A_261, %mul3A_797 : i32
          %add3A_799 = arith.constant 7 : i32
          %add3A_800 = arith.addi %mul3A_798, %add3A_799 : i32
          %get3A_801 = arith.index_cast %and3A_232 : i32 to index
          %get3A_802 = arith.index_cast %add3A_800 : i32 to index
          %get3A_803 = arith.constant 0 : index
          %get3A_804 = tpu.vector_load %arg14[%get3A_801, %get3A_802, %get3A_803] {strides = array<i32>} : memref<2x64x64xi32, #tpu.memory_space<vmem>>, vector<16xi32>,
          %bitcast3A_805 = vector.bitcast %get3A_804 : vector<16xi32> to vector<32xbf16>
          %mul3A_806 = arith.constant 16 : i32
          %mul3A_807 = arith.muli %scan3A_261, %mul3A_806 : i32
          %add3A_808 = arith.constant 7 : i32
          %add3A_809 = arith.addi %mul3A_807, %add3A_808 : i32
          %get3A_810 = arith.index_cast %and3A_232 : i32 to index
          %get3A_811 = arith.index_cast %add3A_809 : i32 to index
          %get3A_812 = arith.constant 16 : index
          %get3A_813 = tpu.vector_load %arg14[%get3A_810, %get3A_811, %get3A_812] {strides = array<i32>} : memref<2x64x64xi32, #tpu.memory_space<vmem>>, vector<16xi32>,
          %bitcast3A_814 = vector.bitcast %get3A_813 : vector<16xi32> to vector<32xbf16>
          %mul3A_815 = arith.constant 16 : i32
          %mul3A_816 = arith.muli %scan3A_261, %mul3A_815 : i32
          %add3A_817 = arith.constant 7 : i32
          %add3A_818 = arith.addi %mul3A_816, %add3A_817 : i32
          %get3A_819 = arith.index_cast %and3A_232 : i32 to index
          %get3A_820 = arith.index_cast %add3A_818 : i32 to index
          %get3A_821 = arith.constant 32 : index
          %get3A_822 = tpu.vector_load %arg14[%get3A_819, %get3A_820, %get3A_821] {strides = array<i32>} : memref<2x64x64xi32, #tpu.memory_space<vmem>>, vector<16xi32>,
          %bitcast3A_823 = vector.bitcast %get3A_822 : vector<16xi32> to vector<32xbf16>
          %mul3A_824 = arith.constant 16 : i32
          %mul3A_825 = arith.muli %scan3A_261, %mul3A_824 : i32
          %add3A_826 = arith.constant 7 : i32
          %add3A_827 = arith.addi %mul3A_825, %add3A_826 : i32
          %get3A_828 = arith.index_cast %and3A_232 : i32 to index
          %get3A_829 = arith.index_cast %add3A_827 : i32 to index
          %get3A_830 = arith.constant 48 : index
          %get3A_831 = tpu.vector_load %arg14[%get3A_828, %get3A_829, %get3A_830] {strides = array<i32>} : memref<2x64x64xi32, #tpu.memory_space<vmem>>, vector<16xi32>,
          %bitcast3A_832 = vector.bitcast %get3A_831 : vector<16xi32> to vector<32xbf16>
          %max3A_833 = arith.maximumf %bitcast3A_784, %bitcast3A_805 : vector<32xbf16>
          %max3A_834 = arith.maximumf %bitcast3A_788, %bitcast3A_814 : vector<32xbf16>
          %max3A_835 = arith.maximumf %bitcast3A_792, %bitcast3A_823 : vector<32xbf16>
          %max3A_836 = arith.maximumf %bitcast3A_796, %bitcast3A_832 : vector<32xbf16>
          %bitcast3A_837 = vector.bitcast %max3A_833 : vector<32xbf16> to vector<16xi32>
          %swap3A_838 = arith.index_cast %squeeze3A_780 : i32 to index
          %swap3A_839 = arith.constant 0 : index
          %swap3A_840 = tpu.vector_load %arg15[%swap3A_838, %swap3A_839] {strides = array<i32>} : memref<641x64xi32, #tpu.memory_space<vmem>>, vector<16xi32>,
          tpu.vector_store %arg15[%swap3A_838, %swap3A_839], %bitcast3A_837 {strides = array<i32>} : memref<641x64xi32, #tpu.memory_space<vmem>>, vector<16xi32>,
          %bitcast3A_841 = vector.bitcast %max3A_834 : vector<32xbf16> to vector<16xi32>
          %swap3A_842 = arith.index_cast %squeeze3A_780 : i32 to index
          %swap3A_843 = arith.constant 16 : index
          %swap3A_844 = tpu.vector_load %arg15[%swap3A_842, %swap3A_843] {strides = array<i32>} : memref<641x64xi32, #tpu.memory_space<vmem>>, vector<16xi32>,
          tpu.vector_store %arg15[%swap3A_842, %swap3A_843], %bitcast3A_841 {strides = array<i32>} : memref<641x64xi32, #tpu.memory_space<vmem>>, vector<16xi32>,
          %bitcast3A_845 = vector.bitcast %max3A_835 : vector<32xbf16> to vector<16xi32>
          %swap3A_846 = arith.index_cast %squeeze3A_780 : i32 to index
          %swap3A_847 = arith.constant 32 : index
          %swap3A_848 = tpu.vector_load %arg15[%swap3A_846, %swap3A_847] {strides = array<i32>} : memref<641x64xi32, #tpu.memory_space<vmem>>, vector<16xi32>,
          tpu.vector_store %arg15[%swap3A_846, %swap3A_847], %bitcast3A_845 {strides = array<i32>} : memref<641x64xi32, #tpu.memory_space<vmem>>, vector<16xi32>,
          %bitcast3A_849 = vector.bitcast %max3A_836 : vector<32xbf16> to vector<16xi32>
          %swap3A_850 = arith.index_cast %squeeze3A_780 : i32 to index
          %swap3A_851 = arith.constant 48 : index
          %swap3A_852 = tpu.vector_load %arg15[%swap3A_850, %swap3A_851] {strides = array<i32>} : memref<641x64xi32, #tpu.memory_space<vmem>>, vector<16xi32>,
          tpu.vector_store %arg15[%swap3A_850, %swap3A_851], %bitcast3A_849 {strides = array<i32>} : memref<641x64xi32, #tpu.memory_space<vmem>>, vector<16xi32>,
          %slice3A_853 = vector.extract_strided_slice %get3A_265 {offsets = [8], sizes = [1], strides = [1]} : vector<16xi32> to vector<1xi32>
          %squeeze3A_854 = vector.extract %slice3A_853[0] : i32 from vector<1xi32>
          %get3A_855 = arith.index_cast %squeeze3A_854 : i32 to index
          %get3A_856 = arith.constant 0 : index
          %get3A_857 = tpu.vector_load %arg15[%get3A_855, %get3A_856] {strides = array<i32>} : memref<641x64xi32, #tpu.memory_space<vmem>>, vector<16xi32>,
          %bitcast3A_858 = vector.bitcast %get3A_857 : vector<16xi32> to vector<32xbf16>
          %get3A_859 = arith.index_cast %squeeze3A_854 : i32 to index
          %get3A_860 = arith.constant 16 : index
          %get3A_861 = tpu.vector_load %arg15[%get3A_859, %get3A_860] {strides = array<i32>} : memref<641x64xi32, #tpu.memory_space<vmem>>, vector<16xi32>,
          %bitcast3A_862 = vector.bitcast %get3A_861 : vector<16xi32> to vector<32xbf16>
          %get3A_863 = arith.index_cast %squeeze3A_854 : i32 to index
          %get3A_864 = arith.constant 32 : index
          %get3A_865 = tpu.vector_load %arg15[%get3A_863, %get3A_864] {strides = array<i32>} : memref<641x64xi32, #tpu.memory_space<vmem>>, vector<16xi32>,
          %bitcast3A_866 = vector.bitcast %get3A_865 : vector<16xi32> to vector<32xbf16>
          %get3A_867 = arith.index_cast %squeeze3A_854 : i32 to index
          %get3A_868 = arith.constant 48 : index
          %get3A_869 = tpu.vector_load %arg15[%get3A_867, %get3A_868] {strides = array<i32>} : memref<641x64xi32, #tpu.memory_space<vmem>>, vector<16xi32>,
          %bitcast3A_870 = vector.bitcast %get3A_869 : vector<16xi32> to vector<32xbf16>
          %mul3A_871 = arith.constant 16 : i32
          %mul3A_872 = arith.muli %scan3A_261, %mul3A_871 : i32
          %add3A_873 = arith.constant 8 : i32
          %add3A_874 = arith.addi %mul3A_872, %add3A_873 : i32
          %get3A_875 = arith.index_cast %and3A_232 : i32 to index
          %get3A_876 = arith.index_cast %add3A_874 : i32 to index
          %get3A_877 = arith.constant 0 : index
          %get3A_878 = tpu.vector_load %arg14[%get3A_875, %get3A_876, %get3A_877] {strides = array<i32>} : memref<2x64x64xi32, #tpu.memory_space<vmem>>, vector<16xi32>,
          %bitcast3A_879 = vector.bitcast %get3A_878 : vector<16xi32> to vector<32xbf16>
          %mul3A_880 = arith.constant 16 : i32
          %mul3A_881 = arith.muli %scan3A_261, %mul3A_880 : i32
          %add3A_882 = arith.constant 8 : i32
          %add3A_883 = arith.addi %mul3A_881, %add3A_882 : i32
          %get3A_884 = arith.index_cast %and3A_232 : i32 to index
          %get3A_885 = arith.index_cast %add3A_883 : i32 to index
          %get3A_886 = arith.constant 16 : index
          %get3A_887 = tpu.vector_load %arg14[%get3A_884, %get3A_885, %get3A_886] {strides = array<i32>} : memref<2x64x64xi32, #tpu.memory_space<vmem>>, vector<16xi32>,
          %bitcast3A_888 = vector.bitcast %get3A_887 : vector<16xi32> to vector<32xbf16>
          %mul3A_889 = arith.constant 16 : i32
          %mul3A_890 = arith.muli %scan3A_261, %mul3A_889 : i32
          %add3A_891 = arith.constant 8 : i32
          %add3A_892 = arith.addi %mul3A_890, %add3A_891 : i32
          %get3A_893 = arith.index_cast %and3A_232 : i32 to index
          %get3A_894 = arith.index_cast %add3A_892 : i32 to index
          %get3A_895 = arith.constant 32 : index
          %get3A_896 = tpu.vector_load %arg14[%get3A_893, %get3A_894, %get3A_895] {strides = array<i32>} : memref<2x64x64xi32, #tpu.memory_space<vmem>>, vector<16xi32>,
          %bitcast3A_897 = vector.bitcast %get3A_896 : vector<16xi32> to vector<32xbf16>
          %mul3A_898 = arith.constant 16 : i32
          %mul3A_899 = arith.muli %scan3A_261, %mul3A_898 : i32
          %add3A_900 = arith.constant 8 : i32
          %add3A_901 = arith.addi %mul3A_899, %add3A_900 : i32
          %get3A_902 = arith.index_cast %and3A_232 : i32 to index
          %get3A_903 = arith.index_cast %add3A_901 : i32 to index
          %get3A_904 = arith.constant 48 : index
          %get3A_905 = tpu.vector_load %arg14[%get3A_902, %get3A_903, %get3A_904] {strides = array<i32>} : memref<2x64x64xi32, #tpu.memory_space<vmem>>, vector<16xi32>,
          %bitcast3A_906 = vector.bitcast %get3A_905 : vector<16xi32> to vector<32xbf16>
          %max3A_907 = arith.maximumf %bitcast3A_858, %bitcast3A_879 : vector<32xbf16>
          %max3A_908 = arith.maximumf %bitcast3A_862, %bitcast3A_888 : vector<32xbf16>
          %max3A_909 = arith.maximumf %bitcast3A_866, %bitcast3A_897 : vector<32xbf16>
          %max3A_910 = arith.maximumf %bitcast3A_870, %bitcast3A_906 : vector<32xbf16>
          %bitcast3A_911 = vector.bitcast %max3A_907 : vector<32xbf16> to vector<16xi32>
          %swap3A_912 = arith.index_cast %squeeze3A_854 : i32 to index
          %swap3A_913 = arith.constant 0 : index
          %swap3A_914 = tpu.vector_load %arg15[%swap3A_912, %swap3A_913] {strides = array<i32>} : memref<641x64xi32, #tpu.memory_space<vmem>>, vector<16xi32>,
          tpu.vector_store %arg15[%swap3A_912, %swap3A_913], %bitcast3A_911 {strides = array<i32>} : memref<641x64xi32, #tpu.memory_space<vmem>>, vector<16xi32>,
          %bitcast3A_915 = vector.bitcast %max3A_908 : vector<32xbf16> to vector<16xi32>
          %swap3A_916 = arith.index_cast %squeeze3A_854 : i32 to index
          %swap3A_917 = arith.constant 16 : index
          %swap3A_918 = tpu.vector_load %arg15[%swap3A_916, %swap3A_917] {strides = array<i32>} : memref<641x64xi32, #tpu.memory_space<vmem>>, vector<16xi32>,
          tpu.vector_store %arg15[%swap3A_916, %swap3A_917], %bitcast3A_915 {strides = array<i32>} : memref<641x64xi32, #tpu.memory_space<vmem>>, vector<16xi32>,
          %bitcast3A_919 = vector.bitcast %max3A_909 : vector<32xbf16> to vector<16xi32>
          %swap3A_920 = arith.index_cast %squeeze3A_854 : i32 to index
          %swap3A_921 = arith.constant 32 : index
          %swap3A_922 = tpu.vector_load %arg15[%swap3A_920, %swap3A_921] {strides = array<i32>} : memref<641x64xi32, #tpu.memory_space<vmem>>, vector<16xi32>,
          tpu.vector_store %arg15[%swap3A_920, %swap3A_921], %bitcast3A_919 {strides = array<i32>} : memref<641x64xi32, #tpu.memory_space<vmem>>, vector<16xi32>,
          %bitcast3A_923 = vector.bitcast %max3A_910 : vector<32xbf16> to vector<16xi32>
          %swap3A_924 = arith.index_cast %squeeze3A_854 : i32 to index
          %swap3A_925 = arith.constant 48 : index
          %swap3A_926 = tpu.vector_load %arg15[%swap3A_924, %swap3A_925] {strides = array<i32>} : memref<641x64xi32, #tpu.memory_space<vmem>>, vector<16xi32>,
          tpu.vector_store %arg15[%swap3A_924, %swap3A_925], %bitcast3A_923 {strides = array<i32>} : memref<641x64xi32, #tpu.memory_space<vmem>>, vector<16xi32>,
          %slice3A_927 = vector.extract_strided_slice %get3A_265 {offsets = [9], sizes = [1], strides = [1]} : vector<16xi32> to vector<1xi32>
          %squeeze3A_928 = vector.extract %slice3A_927[0] : i32 from vector<1xi32>
          %get3A_929 = arith.index_cast %squeeze3A_928 : i32 to index
          %get3A_930 = arith.constant 0 : index
          %get3A_931 = tpu.vector_load %arg15[%get3A_929, %get3A_930] {strides = array<i32>} : memref<641x64xi32, #tpu.memory_space<vmem>>, vector<16xi32>,
          %bitcast3A_932 = vector.bitcast %get3A_931 : vector<16xi32> to vector<32xbf16>
          %get3A_933 = arith.index_cast %squeeze3A_928 : i32 to index
          %get3A_934 = arith.constant 16 : index
          %get3A_935 = tpu.vector_load %arg15[%get3A_933, %get3A_934] {strides = array<i32>} : memref<641x64xi32, #tpu.memory_space<vmem>>, vector<16xi32>,
          %bitcast3A_936 = vector.bitcast %get3A_935 : vector<16xi32> to vector<32xbf16>
          %get3A_937 = arith.index_cast %squeeze3A_928 : i32 to index
          %get3A_938 = arith.constant 32 : index
          %get3A_939 = tpu.vector_load %arg15[%get3A_937, %get3A_938] {strides = array<i32>} : memref<641x64xi32, #tpu.memory_space<vmem>>, vector<16xi32>,
          %bitcast3A_940 = vector.bitcast %get3A_939 : vector<16xi32> to vector<32xbf16>
          %get3A_941 = arith.index_cast %squeeze3A_928 : i32 to index
          %get3A_942 = arith.constant 48 : index
          %get3A_943 = tpu.vector_load %arg15[%get3A_941, %get3A_942] {strides = array<i32>} : memref<641x64xi32, #tpu.memory_space<vmem>>, vector<16xi32>,
          %bitcast3A_944 = vector.bitcast %get3A_943 : vector<16xi32> to vector<32xbf16>
          %mul3A_945 = arith.constant 16 : i32
          %mul3A_946 = arith.muli %scan3A_261, %mul3A_945 : i32
          %add3A_947 = arith.constant 9 : i32
          %add3A_948 = arith.addi %mul3A_946, %add3A_947 : i32
          %get3A_949 = arith.index_cast %and3A_232 : i32 to index
          %get3A_950 = arith.index_cast %add3A_948 : i32 to index
          %get3A_951 = arith.constant 0 : index
          %get3A_952 = tpu.vector_load %arg14[%get3A_949, %get3A_950, %get3A_951] {strides = array<i32>} : memref<2x64x64xi32, #tpu.memory_space<vmem>>, vector<16xi32>,
          %bitcast3A_953 = vector.bitcast %get3A_952 : vector<16xi32> to vector<32xbf16>
          %mul3A_954 = arith.constant 16 : i32
          %mul3A_955 = arith.muli %scan3A_261, %mul3A_954 : i32
          %add3A_956 = arith.constant 9 : i32
          %add3A_957 = arith.addi %mul3A_955, %add3A_956 : i32
          %get3A_958 = arith.index_cast %and3A_232 : i32 to index
          %get3A_959 = arith.index_cast %add3A_957 : i32 to index
          %get3A_960 = arith.constant 16 : index
          %get3A_961 = tpu.vector_load %arg14[%get3A_958, %get3A_959, %get3A_960] {strides = array<i32>} : memref<2x64x64xi32, #tpu.memory_space<vmem>>, vector<16xi32>,
          %bitcast3A_962 = vector.bitcast %get3A_961 : vector<16xi32> to vector<32xbf16>
          %mul3A_963 = arith.constant 16 : i32
          %mul3A_964 = arith.muli %scan3A_261, %mul3A_963 : i32
          %add3A_965 = arith.constant 9 : i32
          %add3A_966 = arith.addi %mul3A_964, %add3A_965 : i32
          %get3A_967 = arith.index_cast %and3A_232 : i32 to index
          %get3A_968 = arith.index_cast %add3A_966 : i32 to index
          %get3A_969 = arith.constant 32 : index
          %get3A_970 = tpu.vector_load %arg14[%get3A_967, %get3A_968, %get3A_969] {strides = array<i32>} : memref<2x64x64xi32, #tpu.memory_space<vmem>>, vector<16xi32>,
          %bitcast3A_971 = vector.bitcast %get3A_970 : vector<16xi32> to vector<32xbf16>
          %mul3A_972 = arith.constant 16 : i32
          %mul3A_973 = arith.muli %scan3A_261, %mul3A_972 : i32
          %add3A_974 = arith.constant 9 : i32
          %add3A_975 = arith.addi %mul3A_973, %add3A_974 : i32
          %get3A_976 = arith.index_cast %and3A_232 : i32 to index
          %get3A_977 = arith.index_cast %add3A_975 : i32 to index
          %get3A_978 = arith.constant 48 : index
          %get3A_979 = tpu.vector_load %arg14[%get3A_976, %get3A_977, %get3A_978] {strides = array<i32>} : memref<2x64x64xi32, #tpu.memory_space<vmem>>, vector<16xi32>,
          %bitcast3A_980 = vector.bitcast %get3A_979 : vector<16xi32> to vector<32xbf16>
          %max3A_981 = arith.maximumf %bitcast3A_932, %bitcast3A_953 : vector<32xbf16>
          %max3A_982 = arith.maximumf %bitcast3A_936, %bitcast3A_962 : vector<32xbf16>
          %max3A_983 = arith.maximumf %bitcast3A_940, %bitcast3A_971 : vector<32xbf16>
          %max3A_984 = arith.maximumf %bitcast3A_944, %bitcast3A_980 : vector<32xbf16>
          %bitcast3A_985 = vector.bitcast %max3A_981 : vector<32xbf16> to vector<16xi32>
          %swap3A_986 = arith.index_cast %squeeze3A_928 : i32 to index
          %swap3A_987 = arith.constant 0 : index
          %swap3A_988 = tpu.vector_load %arg15[%swap3A_986, %swap3A_987] {strides = array<i32>} : memref<641x64xi32, #tpu.memory_space<vmem>>, vector<16xi32>,
          tpu.vector_store %arg15[%swap3A_986, %swap3A_987], %bitcast3A_985 {strides = array<i32>} : memref<641x64xi32, #tpu.memory_space<vmem>>, vector<16xi32>,
          %bitcast3A_989 = vector.bitcast %max3A_982 : vector<32xbf16> to vector<16xi32>
          %swap3A_990 = arith.index_cast %squeeze3A_928 : i32 to index
          %swap3A_991 = arith.constant 16 : index
          %swap3A_992 = tpu.vector_load %arg15[%swap3A_990, %swap3A_991] {strides = array<i32>} : memref<641x64xi32, #tpu.memory_space<vmem>>, vector<16xi32>,
          tpu.vector_store %arg15[%swap3A_990, %swap3A_991], %bitcast3A_989 {strides = array<i32>} : memref<641x64xi32, #tpu.memory_space<vmem>>, vector<16xi32>,
          %bitcast3A_993 = vector.bitcast %max3A_983 : vector<32xbf16> to vector<16xi32>
          %swap3A_994 = arith.index_cast %squeeze3A_928 : i32 to index
          %swap3A_995 = arith.constant 32 : index
          %swap3A_996 = tpu.vector_load %arg15[%swap3A_994, %swap3A_995] {strides = array<i32>} : memref<641x64xi32, #tpu.memory_space<vmem>>, vector<16xi32>,
          tpu.vector_store %arg15[%swap3A_994, %swap3A_995], %bitcast3A_993 {strides = array<i32>} : memref<641x64xi32, #tpu.memory_space<vmem>>, vector<16xi32>,
          %bitcast3A_997 = vector.bitcast %max3A_984 : vector<32xbf16> to vector<16xi32>
          %swap3A_998 = arith.index_cast %squeeze3A_928 : i32 to index
          %swap3A_999 = arith.constant 48 : index
          %swap3A_1000 = tpu.vector_load %arg15[%swap3A_998, %swap3A_999] {strides = array<i32>} : memref<641x64xi32, #tpu.memory_space<vmem>>, vector<16xi32>,
          tpu.vector_store %arg15[%swap3A_998, %swap3A_999], %bitcast3A_997 {strides = array<i32>} : memref<641x64xi32, #tpu.memory_space<vmem>>, vector<16xi32>,
          %slice3A_1001 = vector.extract_strided_slice %get3A_265 {offsets = [10], sizes = [1], strides = [1]} : vector<16xi32> to vector<1xi32>
          %squeeze3A_1002 = vector.extract %slice3A_1001[0] : i32 from vector<1xi32>
          %get3A_1003 = arith.index_cast %squeeze3A_1002 : i32 to index
          %get3A_1004 = arith.constant 0 : index
          %get3A_1005 = tpu.vector_load %arg15[%get3A_1003, %get3A_1004] {strides = array<i32>} : memref<641x64xi32, #tpu.memory_space<vmem>>, vector<16xi32>,
          %bitcast3A_1006 = vector.bitcast %get3A_1005 : vector<16xi32> to vector<32xbf16>
          %get3A_1007 = arith.index_cast %squeeze3A_1002 : i32 to index
          %get3A_1008 = arith.constant 16 : index
          %get3A_1009 = tpu.vector_load %arg15[%get3A_1007, %get3A_1008] {strides = array<i32>} : memref<641x64xi32, #tpu.memory_space<vmem>>, vector<16xi32>,
          %bitcast3A_1010 = vector.bitcast %get3A_1009 : vector<16xi32> to vector<32xbf16>
          %get3A_1011 = arith.index_cast %squeeze3A_1002 : i32 to index
          %get3A_1012 = arith.constant 32 : index
          %get3A_1013 = tpu.vector_load %arg15[%get3A_1011, %get3A_1012] {strides = array<i32>} : memref<641x64xi32, #tpu.memory_space<vmem>>, vector<16xi32>,
          %bitcast3A_1014 = vector.bitcast %get3A_1013 : vector<16xi32> to vector<32xbf16>
          %get3A_1015 = arith.index_cast %squeeze3A_1002 : i32 to index
          %get3A_1016 = arith.constant 48 : index
          %get3A_1017 = tpu.vector_load %arg15[%get3A_1015, %get3A_1016] {strides = array<i32>} : memref<641x64xi32, #tpu.memory_space<vmem>>, vector<16xi32>,
          %bitcast3A_1018 = vector.bitcast %get3A_1017 : vector<16xi32> to vector<32xbf16>
          %mul3A_1019 = arith.constant 16 : i32
          %mul3A_1020 = arith.muli %scan3A_261, %mul3A_1019 : i32
          %add3A_1021 = arith.constant 10 : i32
          %add3A_1022 = arith.addi %mul3A_1020, %add3A_1021 : i32
          %get3A_1023 = arith.index_cast %and3A_232 : i32 to index
          %get3A_1024 = arith.index_cast %add3A_1022 : i32 to index
          %get3A_1025 = arith.constant 0 : index
          %get3A_1026 = tpu.vector_load %arg14[%get3A_1023, %get3A_1024, %get3A_1025] {strides = array<i32>} : memref<2x64x64xi32, #tpu.memory_space<vmem>>, vector<16xi32>,
          %bitcast3A_1027 = vector.bitcast %get3A_1026 : vector<16xi32> to vector<32xbf16>
          %mul3A_1028 = arith.constant 16 : i32
          %mul3A_1029 = arith.muli %scan3A_261, %mul3A_1028 : i32
          %add3A_1030 = arith.constant 10 : i32
          %add3A_1031 = arith.addi %mul3A_1029, %add3A_1030 : i32
          %get3A_1032 = arith.index_cast %and3A_232 : i32 to index
          %get3A_1033 = arith.index_cast %add3A_1031 : i32 to index
          %get3A_1034 = arith.constant 16 : index
          %get3A_1035 = tpu.vector_load %arg14[%get3A_1032, %get3A_1033, %get3A_1034] {strides = array<i32>} : memref<2x64x64xi32, #tpu.memory_space<vmem>>, vector<16xi32>,
          %bitcast3A_1036 = vector.bitcast %get3A_1035 : vector<16xi32> to vector<32xbf16>
          %mul3A_1037 = arith.constant 16 : i32
          %mul3A_1038 = arith.muli %scan3A_261, %mul3A_1037 : i32
          %add3A_1039 = arith.constant 10 : i32
          %add3A_1040 = arith.addi %mul3A_1038, %add3A_1039 : i32
          %get3A_1041 = arith.index_cast %and3A_232 : i32 to index
          %get3A_1042 = arith.index_cast %add3A_1040 : i32 to index
          %get3A_1043 = arith.constant 32 : index
          %get3A_1044 = tpu.vector_load %arg14[%get3A_1041, %get3A_1042, %get3A_1043] {strides = array<i32>} : memref<2x64x64xi32, #tpu.memory_space<vmem>>, vector<16xi32>,
          %bitcast3A_1045 = vector.bitcast %get3A_1044 : vector<16xi32> to vector<32xbf16>
          %mul3A_1046 = arith.constant 16 : i32
          %mul3A_1047 = arith.muli %scan3A_261, %mul3A_1046 : i32
          %add3A_1048 = arith.constant 10 : i32
          %add3A_1049 = arith.addi %mul3A_1047, %add3A_1048 : i32
          %get3A_1050 = arith.index_cast %and3A_232 : i32 to index
          %get3A_1051 = arith.index_cast %add3A_1049 : i32 to index
          %get3A_1052 = arith.constant 48 : index
          %get3A_1053 = tpu.vector_load %arg14[%get3A_1050, %get3A_1051, %get3A_1052] {strides = array<i32>} : memref<2x64x64xi32, #tpu.memory_space<vmem>>, vector<16xi32>,
          %bitcast3A_1054 = vector.bitcast %get3A_1053 : vector<16xi32> to vector<32xbf16>
          %max3A_1055 = arith.maximumf %bitcast3A_1006, %bitcast3A_1027 : vector<32xbf16>
          %max3A_1056 = arith.maximumf %bitcast3A_1010, %bitcast3A_1036 : vector<32xbf16>
          %max3A_1057 = arith.maximumf %bitcast3A_1014, %bitcast3A_1045 : vector<32xbf16>
          %max3A_1058 = arith.maximumf %bitcast3A_1018, %bitcast3A_1054 : vector<32xbf16>
          %bitcast3A_1059 = vector.bitcast %max3A_1055 : vector<32xbf16> to vector<16xi32>
          %swap3A_1060 = arith.index_cast %squeeze3A_1002 : i32 to index
          %swap3A_1061 = arith.constant 0 : index
          %swap3A_1062 = tpu.vector_load %arg15[%swap3A_1060, %swap3A_1061] {strides = array<i32>} : memref<641x64xi32, #tpu.memory_space<vmem>>, vector<16xi32>,
          tpu.vector_store %arg15[%swap3A_1060, %swap3A_1061], %bitcast3A_1059 {strides = array<i32>} : memref<641x64xi32, #tpu.memory_space<vmem>>, vector<16xi32>,
          %bitcast3A_1063 = vector.bitcast %max3A_1056 : vector<32xbf16> to vector<16xi32>
          %swap3A_1064 = arith.index_cast %squeeze3A_1002 : i32 to index
          %swap3A_1065 = arith.constant 16 : index
          %swap3A_1066 = tpu.vector_load %arg15[%swap3A_1064, %swap3A_1065] {strides = array<i32>} : memref<641x64xi32, #tpu.memory_space<vmem>>, vector<16xi32>,
          tpu.vector_store %arg15[%swap3A_1064, %swap3A_1065], %bitcast3A_1063 {strides = array<i32>} : memref<641x64xi32, #tpu.memory_space<vmem>>, vector<16xi32>,
          %bitcast3A_1067 = vector.bitcast %max3A_1057 : vector<32xbf16> to vector<16xi32>
          %swap3A_1068 = arith.index_cast %squeeze3A_1002 : i32 to index
          %swap3A_1069 = arith.constant 32 : index
          %swap3A_1070 = tpu.vector_load %arg15[%swap3A_1068, %swap3A_1069] {strides = array<i32>} : memref<641x64xi32, #tpu.memory_space<vmem>>, vector<16xi32>,
          tpu.vector_store %arg15[%swap3A_1068, %swap3A_1069], %bitcast3A_1067 {strides = array<i32>} : memref<641x64xi32, #tpu.memory_space<vmem>>, vector<16xi32>,
          %bitcast3A_1071 = vector.bitcast %max3A_1058 : vector<32xbf16> to vector<16xi32>
          %swap3A_1072 = arith.index_cast %squeeze3A_1002 : i32 to index
          %swap3A_1073 = arith.constant 48 : index
          %swap3A_1074 = tpu.vector_load %arg15[%swap3A_1072, %swap3A_1073] {strides = array<i32>} : memref<641x64xi32, #tpu.memory_space<vmem>>, vector<16xi32>,
          tpu.vector_store %arg15[%swap3A_1072, %swap3A_1073], %bitcast3A_1071 {strides = array<i32>} : memref<641x64xi32, #tpu.memory_space<vmem>>, vector<16xi32>,
          %slice3A_1075 = vector.extract_strided_slice %get3A_265 {offsets = [11], sizes = [1], strides = [1]} : vector<16xi32> to vector<1xi32>
          %squeeze3A_1076 = vector.extract %slice3A_1075[0] : i32 from vector<1xi32>
          %get3A_1077 = arith.index_cast %squeeze3A_1076 : i32 to index
          %get3A_1078 = arith.constant 0 : index
          %get3A_1079 = tpu.vector_load %arg15[%get3A_1077, %get3A_1078] {strides = array<i32>} : memref<641x64xi32, #tpu.memory_space<vmem>>, vector<16xi32>,
          %bitcast3A_1080 = vector.bitcast %get3A_1079 : vector<16xi32> to vector<32xbf16>
          %get3A_1081 = arith.index_cast %squeeze3A_1076 : i32 to index
          %get3A_1082 = arith.constant 16 : index
          %get3A_1083 = tpu.vector_load %arg15[%get3A_1081, %get3A_1082] {strides = array<i32>} : memref<641x64xi32, #tpu.memory_space<vmem>>, vector<16xi32>,
          %bitcast3A_1084 = vector.bitcast %get3A_1083 : vector<16xi32> to vector<32xbf16>
          %get3A_1085 = arith.index_cast %squeeze3A_1076 : i32 to index
          %get3A_1086 = arith.constant 32 : index
          %get3A_1087 = tpu.vector_load %arg15[%get3A_1085, %get3A_1086] {strides = array<i32>} : memref<641x64xi32, #tpu.memory_space<vmem>>, vector<16xi32>,
          %bitcast3A_1088 = vector.bitcast %get3A_1087 : vector<16xi32> to vector<32xbf16>
          %get3A_1089 = arith.index_cast %squeeze3A_1076 : i32 to index
          %get3A_1090 = arith.constant 48 : index
          %get3A_1091 = tpu.vector_load %arg15[%get3A_1089, %get3A_1090] {strides = array<i32>} : memref<641x64xi32, #tpu.memory_space<vmem>>, vector<16xi32>,
          %bitcast3A_1092 = vector.bitcast %get3A_1091 : vector<16xi32> to vector<32xbf16>
          %mul3A_1093 = arith.constant 16 : i32
          %mul3A_1094 = arith.muli %scan3A_261, %mul3A_1093 : i32
          %add3A_1095 = arith.constant 11 : i32
          %add3A_1096 = arith.addi %mul3A_1094, %add3A_1095 : i32
          %get3A_1097 = arith.index_cast %and3A_232 : i32 to index
          %get3A_1098 = arith.index_cast %add3A_1096 : i32 to index
          %get3A_1099 = arith.constant 0 : index
          %get3A_1100 = tpu.vector_load %arg14[%get3A_1097, %get3A_1098, %get3A_1099] {strides = array<i32>} : memref<2x64x64xi32, #tpu.memory_space<vmem>>, vector<16xi32>,
          %bitcast3A_1101 = vector.bitcast %get3A_1100 : vector<16xi32> to vector<32xbf16>
          %mul3A_1102 = arith.constant 16 : i32
          %mul3A_1103 = arith.muli %scan3A_261, %mul3A_1102 : i32
          %add3A_1104 = arith.constant 11 : i32
          %add3A_1105 = arith.addi %mul3A_1103, %add3A_1104 : i32
          %get3A_1106 = arith.index_cast %and3A_232 : i32 to index
          %get3A_1107 = arith.index_cast %add3A_1105 : i32 to index
          %get3A_1108 = arith.constant 16 : index
          %get3A_1109 = tpu.vector_load %arg14[%get3A_1106, %get3A_1107, %get3A_1108] {strides = array<i32>} : memref<2x64x64xi32, #tpu.memory_space<vmem>>, vector<16xi32>,
          %bitcast3A_1110 = vector.bitcast %get3A_1109 : vector<16xi32> to vector<32xbf16>
          %mul3A_1111 = arith.constant 16 : i32
          %mul3A_1112 = arith.muli %scan3A_261, %mul3A_1111 : i32
          %add3A_1113 = arith.constant 11 : i32
          %add3A_1114 = arith.addi %mul3A_1112, %add3A_1113 : i32
          %get3A_1115 = arith.index_cast %and3A_232 : i32 to index
          %get3A_1116 = arith.index_cast %add3A_1114 : i32 to index
          %get3A_1117 = arith.constant 32 : index
          %get3A_1118 = tpu.vector_load %arg14[%get3A_1115, %get3A_1116, %get3A_1117] {strides = array<i32>} : memref<2x64x64xi32, #tpu.memory_space<vmem>>, vector<16xi32>,
          %bitcast3A_1119 = vector.bitcast %get3A_1118 : vector<16xi32> to vector<32xbf16>
          %mul3A_1120 = arith.constant 16 : i32
          %mul3A_1121 = arith.muli %scan3A_261, %mul3A_1120 : i32
          %add3A_1122 = arith.constant 11 : i32
          %add3A_1123 = arith.addi %mul3A_1121, %add3A_1122 : i32
          %get3A_1124 = arith.index_cast %and3A_232 : i32 to index
          %get3A_1125 = arith.index_cast %add3A_1123 : i32 to index
          %get3A_1126 = arith.constant 48 : index
          %get3A_1127 = tpu.vector_load %arg14[%get3A_1124, %get3A_1125, %get3A_1126] {strides = array<i32>} : memref<2x64x64xi32, #tpu.memory_space<vmem>>, vector<16xi32>,
          %bitcast3A_1128 = vector.bitcast %get3A_1127 : vector<16xi32> to vector<32xbf16>
          %max3A_1129 = arith.maximumf %bitcast3A_1080, %bitcast3A_1101 : vector<32xbf16>
          %max3A_1130 = arith.maximumf %bitcast3A_1084, %bitcast3A_1110 : vector<32xbf16>
          %max3A_1131 = arith.maximumf %bitcast3A_1088, %bitcast3A_1119 : vector<32xbf16>
          %max3A_1132 = arith.maximumf %bitcast3A_1092, %bitcast3A_1128 : vector<32xbf16>
          %bitcast3A_1133 = vector.bitcast %max3A_1129 : vector<32xbf16> to vector<16xi32>
          %swap3A_1134 = arith.index_cast %squeeze3A_1076 : i32 to index
          %swap3A_1135 = arith.constant 0 : index
          %swap3A_1136 = tpu.vector_load %arg15[%swap3A_1134, %swap3A_1135] {strides = array<i32>} : memref<641x64xi32, #tpu.memory_space<vmem>>, vector<16xi32>,
          tpu.vector_store %arg15[%swap3A_1134, %swap3A_1135], %bitcast3A_1133 {strides = array<i32>} : memref<641x64xi32, #tpu.memory_space<vmem>>, vector<16xi32>,
          %bitcast3A_1137 = vector.bitcast %max3A_1130 : vector<32xbf16> to vector<16xi32>
          %swap3A_1138 = arith.index_cast %squeeze3A_1076 : i32 to index
          %swap3A_1139 = arith.constant 16 : index
          %swap3A_1140 = tpu.vector_load %arg15[%swap3A_1138, %swap3A_1139] {strides = array<i32>} : memref<641x64xi32, #tpu.memory_space<vmem>>, vector<16xi32>,
          tpu.vector_store %arg15[%swap3A_1138, %swap3A_1139], %bitcast3A_1137 {strides = array<i32>} : memref<641x64xi32, #tpu.memory_space<vmem>>, vector<16xi32>,
          %bitcast3A_1141 = vector.bitcast %max3A_1131 : vector<32xbf16> to vector<16xi32>
          %swap3A_1142 = arith.index_cast %squeeze3A_1076 : i32 to index
          %swap3A_1143 = arith.constant 32 : index
          %swap3A_1144 = tpu.vector_load %arg15[%swap3A_1142, %swap3A_1143] {strides = array<i32>} : memref<641x64xi32, #tpu.memory_space<vmem>>, vector<16xi32>,
          tpu.vector_store %arg15[%swap3A_1142, %swap3A_1143], %bitcast3A_1141 {strides = array<i32>} : memref<641x64xi32, #tpu.memory_space<vmem>>, vector<16xi32>,
          %bitcast3A_1145 = vector.bitcast %max3A_1132 : vector<32xbf16> to vector<16xi32>
          %swap3A_1146 = arith.index_cast %squeeze3A_1076 : i32 to index
          %swap3A_1147 = arith.constant 48 : index
          %swap3A_1148 = tpu.vector_load %arg15[%swap3A_1146, %swap3A_1147] {strides = array<i32>} : memref<641x64xi32, #tpu.memory_space<vmem>>, vector<16xi32>,
          tpu.vector_store %arg15[%swap3A_1146, %swap3A_1147], %bitcast3A_1145 {strides = array<i32>} : memref<641x64xi32, #tpu.memory_space<vmem>>, vector<16xi32>,
          %slice3A_1149 = vector.extract_strided_slice %get3A_265 {offsets = [12], sizes = [1], strides = [1]} : vector<16xi32> to vector<1xi32>
          %squeeze3A_1150 = vector.extract %slice3A_1149[0] : i32 from vector<1xi32>
          %get3A_1151 = arith.index_cast %squeeze3A_1150 : i32 to index
          %get3A_1152 = arith.constant 0 : index
          %get3A_1153 = tpu.vector_load %arg15[%get3A_1151, %get3A_1152] {strides = array<i32>} : memref<641x64xi32, #tpu.memory_space<vmem>>, vector<16xi32>,
          %bitcast3A_1154 = vector.bitcast %get3A_1153 : vector<16xi32> to vector<32xbf16>
          %get3A_1155 = arith.index_cast %squeeze3A_1150 : i32 to index
          %get3A_1156 = arith.constant 16 : index
          %get3A_1157 = tpu.vector_load %arg15[%get3A_1155, %get3A_1156] {strides = array<i32>} : memref<641x64xi32, #tpu.memory_space<vmem>>, vector<16xi32>,
          %bitcast3A_1158 = vector.bitcast %get3A_1157 : vector<16xi32> to vector<32xbf16>
          %get3A_1159 = arith.index_cast %squeeze3A_1150 : i32 to index
          %get3A_1160 = arith.constant 32 : index
          %get3A_1161 = tpu.vector_load %arg15[%get3A_1159, %get3A_1160] {strides = array<i32>} : memref<641x64xi32, #tpu.memory_space<vmem>>, vector<16xi32>,
          %bitcast3A_1162 = vector.bitcast %get3A_1161 : vector<16xi32> to vector<32xbf16>
          %get3A_1163 = arith.index_cast %squeeze3A_1150 : i32 to index
          %get3A_1164 = arith.constant 48 : index
          %get3A_1165 = tpu.vector_load %arg15[%get3A_1163, %get3A_1164] {strides = array<i32>} : memref<641x64xi32, #tpu.memory_space<vmem>>, vector<16xi32>,
          %bitcast3A_1166 = vector.bitcast %get3A_1165 : vector<16xi32> to vector<32xbf16>
          %mul3A_1167 = arith.constant 16 : i32
          %mul3A_1168 = arith.muli %scan3A_261, %mul3A_1167 : i32
          %add3A_1169 = arith.constant 12 : i32
          %add3A_1170 = arith.addi %mul3A_1168, %add3A_1169 : i32
          %get3A_1171 = arith.index_cast %and3A_232 : i32 to index
          %get3A_1172 = arith.index_cast %add3A_1170 : i32 to index
          %get3A_1173 = arith.constant 0 : index
          %get3A_1174 = tpu.vector_load %arg14[%get3A_1171, %get3A_1172, %get3A_1173] {strides = array<i32>} : memref<2x64x64xi32, #tpu.memory_space<vmem>>, vector<16xi32>,
          %bitcast3A_1175 = vector.bitcast %get3A_1174 : vector<16xi32> to vector<32xbf16>
          %mul3A_1176 = arith.constant 16 : i32
          %mul3A_1177 = arith.muli %scan3A_261, %mul3A_1176 : i32
          %add3A_1178 = arith.constant 12 : i32
          %add3A_1179 = arith.addi %mul3A_1177, %add3A_1178 : i32
          %get3A_1180 = arith.index_cast %and3A_232 : i32 to index
          %get3A_1181 = arith.index_cast %add3A_1179 : i32 to index
          %get3A_1182 = arith.constant 16 : index
          %get3A_1183 = tpu.vector_load %arg14[%get3A_1180, %get3A_1181, %get3A_1182] {strides = array<i32>} : memref<2x64x64xi32, #tpu.memory_space<vmem>>, vector<16xi32>,
          %bitcast3A_1184 = vector.bitcast %get3A_1183 : vector<16xi32> to vector<32xbf16>
          %mul3A_1185 = arith.constant 16 : i32
          %mul3A_1186 = arith.muli %scan3A_261, %mul3A_1185 : i32
          %add3A_1187 = arith.constant 12 : i32
          %add3A_1188 = arith.addi %mul3A_1186, %add3A_1187 : i32
          %get3A_1189 = arith.index_cast %and3A_232 : i32 to index
          %get3A_1190 = arith.index_cast %add3A_1188 : i32 to index
          %get3A_1191 = arith.constant 32 : index
          %get3A_1192 = tpu.vector_load %arg14[%get3A_1189, %get3A_1190, %get3A_1191] {strides = array<i32>} : memref<2x64x64xi32, #tpu.memory_space<vmem>>, vector<16xi32>,
          %bitcast3A_1193 = vector.bitcast %get3A_1192 : vector<16xi32> to vector<32xbf16>
          %mul3A_1194 = arith.constant 16 : i32
          %mul3A_1195 = arith.muli %scan3A_261, %mul3A_1194 : i32
          %add3A_1196 = arith.constant 12 : i32
          %add3A_1197 = arith.addi %mul3A_1195, %add3A_1196 : i32
          %get3A_1198 = arith.index_cast %and3A_232 : i32 to index
          %get3A_1199 = arith.index_cast %add3A_1197 : i32 to index
          %get3A_1200 = arith.constant 48 : index
          %get3A_1201 = tpu.vector_load %arg14[%get3A_1198, %get3A_1199, %get3A_1200] {strides = array<i32>} : memref<2x64x64xi32, #tpu.memory_space<vmem>>, vector<16xi32>,
          %bitcast3A_1202 = vector.bitcast %get3A_1201 : vector<16xi32> to vector<32xbf16>
          %max3A_1203 = arith.maximumf %bitcast3A_1154, %bitcast3A_1175 : vector<32xbf16>
          %max3A_1204 = arith.maximumf %bitcast3A_1158, %bitcast3A_1184 : vector<32xbf16>
          %max3A_1205 = arith.maximumf %bitcast3A_1162, %bitcast3A_1193 : vector<32xbf16>
          %max3A_1206 = arith.maximumf %bitcast3A_1166, %bitcast3A_1202 : vector<32xbf16>
          %bitcast3A_1207 = vector.bitcast %max3A_1203 : vector<32xbf16> to vector<16xi32>
          %swap3A_1208 = arith.index_cast %squeeze3A_1150 : i32 to index
          %swap3A_1209 = arith.constant 0 : index
          %swap3A_1210 = tpu.vector_load %arg15[%swap3A_1208, %swap3A_1209] {strides = array<i32>} : memref<641x64xi32, #tpu.memory_space<vmem>>, vector<16xi32>,
          tpu.vector_store %arg15[%swap3A_1208, %swap3A_1209], %bitcast3A_1207 {strides = array<i32>} : memref<641x64xi32, #tpu.memory_space<vmem>>, vector<16xi32>,
          %bitcast3A_1211 = vector.bitcast %max3A_1204 : vector<32xbf16> to vector<16xi32>
          %swap3A_1212 = arith.index_cast %squeeze3A_1150 : i32 to index
          %swap3A_1213 = arith.constant 16 : index
          %swap3A_1214 = tpu.vector_load %arg15[%swap3A_1212, %swap3A_1213] {strides = array<i32>} : memref<641x64xi32, #tpu.memory_space<vmem>>, vector<16xi32>,
          tpu.vector_store %arg15[%swap3A_1212, %swap3A_1213], %bitcast3A_1211 {strides = array<i32>} : memref<641x64xi32, #tpu.memory_space<vmem>>, vector<16xi32>,
          %bitcast3A_1215 = vector.bitcast %max3A_1205 : vector<32xbf16> to vector<16xi32>
          %swap3A_1216 = arith.index_cast %squeeze3A_1150 : i32 to index
          %swap3A_1217 = arith.constant 32 : index
          %swap3A_1218 = tpu.vector_load %arg15[%swap3A_1216, %swap3A_1217] {strides = array<i32>} : memref<641x64xi32, #tpu.memory_space<vmem>>, vector<16xi32>,
          tpu.vector_store %arg15[%swap3A_1216, %swap3A_1217], %bitcast3A_1215 {strides = array<i32>} : memref<641x64xi32, #tpu.memory_space<vmem>>, vector<16xi32>,
          %bitcast3A_1219 = vector.bitcast %max3A_1206 : vector<32xbf16> to vector<16xi32>
          %swap3A_1220 = arith.index_cast %squeeze3A_1150 : i32 to index
          %swap3A_1221 = arith.constant 48 : index
          %swap3A_1222 = tpu.vector_load %arg15[%swap3A_1220, %swap3A_1221] {strides = array<i32>} : memref<641x64xi32, #tpu.memory_space<vmem>>, vector<16xi32>,
          tpu.vector_store %arg15[%swap3A_1220, %swap3A_1221], %bitcast3A_1219 {strides = array<i32>} : memref<641x64xi32, #tpu.memory_space<vmem>>, vector<16xi32>,
          %slice3A_1223 = vector.extract_strided_slice %get3A_265 {offsets = [13], sizes = [1], strides = [1]} : vector<16xi32> to vector<1xi32>
          %squeeze3A_1224 = vector.extract %slice3A_1223[0] : i32 from vector<1xi32>
          %get3A_1225 = arith.index_cast %squeeze3A_1224 : i32 to index
          %get3A_1226 = arith.constant 0 : index
          %get3A_1227 = tpu.vector_load %arg15[%get3A_1225, %get3A_1226] {strides = array<i32>} : memref<641x64xi32, #tpu.memory_space<vmem>>, vector<16xi32>,
          %bitcast3A_1228 = vector.bitcast %get3A_1227 : vector<16xi32> to vector<32xbf16>
          %get3A_1229 = arith.index_cast %squeeze3A_1224 : i32 to index
          %get3A_1230 = arith.constant 16 : index
          %get3A_1231 = tpu.vector_load %arg15[%get3A_1229, %get3A_1230] {strides = array<i32>} : memref<641x64xi32, #tpu.memory_space<vmem>>, vector<16xi32>,
          %bitcast3A_1232 = vector.bitcast %get3A_1231 : vector<16xi32> to vector<32xbf16>
          %get3A_1233 = arith.index_cast %squeeze3A_1224 : i32 to index
          %get3A_1234 = arith.constant 32 : index
          %get3A_1235 = tpu.vector_load %arg15[%get3A_1233, %get3A_1234] {strides = array<i32>} : memref<641x64xi32, #tpu.memory_space<vmem>>, vector<16xi32>,
          %bitcast3A_1236 = vector.bitcast %get3A_1235 : vector<16xi32> to vector<32xbf16>
          %get3A_1237 = arith.index_cast %squeeze3A_1224 : i32 to index
          %get3A_1238 = arith.constant 48 : index
          %get3A_1239 = tpu.vector_load %arg15[%get3A_1237, %get3A_1238] {strides = array<i32>} : memref<641x64xi32, #tpu.memory_space<vmem>>, vector<16xi32>,
          %bitcast3A_1240 = vector.bitcast %get3A_1239 : vector<16xi32> to vector<32xbf16>
          %mul3A_1241 = arith.constant 16 : i32
          %mul3A_1242 = arith.muli %scan3A_261, %mul3A_1241 : i32
          %add3A_1243 = arith.constant 13 : i32
          %add3A_1244 = arith.addi %mul3A_1242, %add3A_1243 : i32
          %get3A_1245 = arith.index_cast %and3A_232 : i32 to index
          %get3A_1246 = arith.index_cast %add3A_1244 : i32 to index
          %get3A_1247 = arith.constant 0 : index
          %get3A_1248 = tpu.vector_load %arg14[%get3A_1245, %get3A_1246, %get3A_1247] {strides = array<i32>} : memref<2x64x64xi32, #tpu.memory_space<vmem>>, vector<16xi32>,
          %bitcast3A_1249 = vector.bitcast %get3A_1248 : vector<16xi32> to vector<32xbf16>
          %mul3A_1250 = arith.constant 16 : i32
          %mul3A_1251 = arith.muli %scan3A_261, %mul3A_1250 : i32
          %add3A_1252 = arith.constant 13 : i32
          %add3A_1253 = arith.addi %mul3A_1251, %add3A_1252 : i32
          %get3A_1254 = arith.index_cast %and3A_232 : i32 to index
          %get3A_1255 = arith.index_cast %add3A_1253 : i32 to index
          %get3A_1256 = arith.constant 16 : index
          %get3A_1257 = tpu.vector_load %arg14[%get3A_1254, %get3A_1255, %get3A_1256] {strides = array<i32>} : memref<2x64x64xi32, #tpu.memory_space<vmem>>, vector<16xi32>,
          %bitcast3A_1258 = vector.bitcast %get3A_1257 : vector<16xi32> to vector<32xbf16>
          %mul3A_1259 = arith.constant 16 : i32
          %mul3A_1260 = arith.muli %scan3A_261, %mul3A_1259 : i32
          %add3A_1261 = arith.constant 13 : i32
          %add3A_1262 = arith.addi %mul3A_1260, %add3A_1261 : i32
          %get3A_1263 = arith.index_cast %and3A_232 : i32 to index
          %get3A_1264 = arith.index_cast %add3A_1262 : i32 to index
          %get3A_1265 = arith.constant 32 : index
          %get3A_1266 = tpu.vector_load %arg14[%get3A_1263, %get3A_1264, %get3A_1265] {strides = array<i32>} : memref<2x64x64xi32, #tpu.memory_space<vmem>>, vector<16xi32>,
          %bitcast3A_1267 = vector.bitcast %get3A_1266 : vector<16xi32> to vector<32xbf16>
          %mul3A_1268 = arith.constant 16 : i32
          %mul3A_1269 = arith.muli %scan3A_261, %mul3A_1268 : i32
          %add3A_1270 = arith.constant 13 : i32
          %add3A_1271 = arith.addi %mul3A_1269, %add3A_1270 : i32
          %get3A_1272 = arith.index_cast %and3A_232 : i32 to index
          %get3A_1273 = arith.index_cast %add3A_1271 : i32 to index
          %get3A_1274 = arith.constant 48 : index
          %get3A_1275 = tpu.vector_load %arg14[%get3A_1272, %get3A_1273, %get3A_1274] {strides = array<i32>} : memref<2x64x64xi32, #tpu.memory_space<vmem>>, vector<16xi32>,
          %bitcast3A_1276 = vector.bitcast %get3A_1275 : vector<16xi32> to vector<32xbf16>
          %max3A_1277 = arith.maximumf %bitcast3A_1228, %bitcast3A_1249 : vector<32xbf16>
          %max3A_1278 = arith.maximumf %bitcast3A_1232, %bitcast3A_1258 : vector<32xbf16>
          %max3A_1279 = arith.maximumf %bitcast3A_1236, %bitcast3A_1267 : vector<32xbf16>
          %max3A_1280 = arith.maximumf %bitcast3A_1240, %bitcast3A_1276 : vector<32xbf16>
          %bitcast3A_1281 = vector.bitcast %max3A_1277 : vector<32xbf16> to vector<16xi32>
          %swap3A_1282 = arith.index_cast %squeeze3A_1224 : i32 to index
          %swap3A_1283 = arith.constant 0 : index
          %swap3A_1284 = tpu.vector_load %arg15[%swap3A_1282, %swap3A_1283] {strides = array<i32>} : memref<641x64xi32, #tpu.memory_space<vmem>>, vector<16xi32>,
          tpu.vector_store %arg15[%swap3A_1282, %swap3A_1283], %bitcast3A_1281 {strides = array<i32>} : memref<641x64xi32, #tpu.memory_space<vmem>>, vector<16xi32>,
          %bitcast3A_1285 = vector.bitcast %max3A_1278 : vector<32xbf16> to vector<16xi32>
          %swap3A_1286 = arith.index_cast %squeeze3A_1224 : i32 to index
          %swap3A_1287 = arith.constant 16 : index
          %swap3A_1288 = tpu.vector_load %arg15[%swap3A_1286, %swap3A_1287] {strides = array<i32>} : memref<641x64xi32, #tpu.memory_space<vmem>>, vector<16xi32>,
          tpu.vector_store %arg15[%swap3A_1286, %swap3A_1287], %bitcast3A_1285 {strides = array<i32>} : memref<641x64xi32, #tpu.memory_space<vmem>>, vector<16xi32>,
          %bitcast3A_1289 = vector.bitcast %max3A_1279 : vector<32xbf16> to vector<16xi32>
          %swap3A_1290 = arith.index_cast %squeeze3A_1224 : i32 to index
          %swap3A_1291 = arith.constant 32 : index
          %swap3A_1292 = tpu.vector_load %arg15[%swap3A_1290, %swap3A_1291] {strides = array<i32>} : memref<641x64xi32, #tpu.memory_space<vmem>>, vector<16xi32>,
          tpu.vector_store %arg15[%swap3A_1290, %swap3A_1291], %bitcast3A_1289 {strides = array<i32>} : memref<641x64xi32, #tpu.memory_space<vmem>>, vector<16xi32>,
          %bitcast3A_1293 = vector.bitcast %max3A_1280 : vector<32xbf16> to vector<16xi32>
          %swap3A_1294 = arith.index_cast %squeeze3A_1224 : i32 to index
          %swap3A_1295 = arith.constant 48 : index
          %swap3A_1296 = tpu.vector_load %arg15[%swap3A_1294, %swap3A_1295] {strides = array<i32>} : memref<641x64xi32, #tpu.memory_space<vmem>>, vector<16xi32>,
          tpu.vector_store %arg15[%swap3A_1294, %swap3A_1295], %bitcast3A_1293 {strides = array<i32>} : memref<641x64xi32, #tpu.memory_space<vmem>>, vector<16xi32>,
          %slice3A_1297 = vector.extract_strided_slice %get3A_265 {offsets = [14], sizes = [1], strides = [1]} : vector<16xi32> to vector<1xi32>
          %squeeze3A_1298 = vector.extract %slice3A_1297[0] : i32 from vector<1xi32>
          %get3A_1299 = arith.index_cast %squeeze3A_1298 : i32 to index
          %get3A_1300 = arith.constant 0 : index
          %get3A_1301 = tpu.vector_load %arg15[%get3A_1299, %get3A_1300] {strides = array<i32>} : memref<641x64xi32, #tpu.memory_space<vmem>>, vector<16xi32>,
          %bitcast3A_1302 = vector.bitcast %get3A_1301 : vector<16xi32> to vector<32xbf16>
          %get3A_1303 = arith.index_cast %squeeze3A_1298 : i32 to index
          %get3A_1304 = arith.constant 16 : index
          %get3A_1305 = tpu.vector_load %arg15[%get3A_1303, %get3A_1304] {strides = array<i32>} : memref<641x64xi32, #tpu.memory_space<vmem>>, vector<16xi32>,
          %bitcast3A_1306 = vector.bitcast %get3A_1305 : vector<16xi32> to vector<32xbf16>
          %get3A_1307 = arith.index_cast %squeeze3A_1298 : i32 to index
          %get3A_1308 = arith.constant 32 : index
          %get3A_1309 = tpu.vector_load %arg15[%get3A_1307, %get3A_1308] {strides = array<i32>} : memref<641x64xi32, #tpu.memory_space<vmem>>, vector<16xi32>,
          %bitcast3A_1310 = vector.bitcast %get3A_1309 : vector<16xi32> to vector<32xbf16>
          %get3A_1311 = arith.index_cast %squeeze3A_1298 : i32 to index
          %get3A_1312 = arith.constant 48 : index
          %get3A_1313 = tpu.vector_load %arg15[%get3A_1311, %get3A_1312] {strides = array<i32>} : memref<641x64xi32, #tpu.memory_space<vmem>>, vector<16xi32>,
          %bitcast3A_1314 = vector.bitcast %get3A_1313 : vector<16xi32> to vector<32xbf16>
          %mul3A_1315 = arith.constant 16 : i32
          %mul3A_1316 = arith.muli %scan3A_261, %mul3A_1315 : i32
          %add3A_1317 = arith.constant 14 : i32
          %add3A_1318 = arith.addi %mul3A_1316, %add3A_1317 : i32
          %get3A_1319 = arith.index_cast %and3A_232 : i32 to index
          %get3A_1320 = arith.index_cast %add3A_1318 : i32 to index
          %get3A_1321 = arith.constant 0 : index
          %get3A_1322 = tpu.vector_load %arg14[%get3A_1319, %get3A_1320, %get3A_1321] {strides = array<i32>} : memref<2x64x64xi32, #tpu.memory_space<vmem>>, vector<16xi32>,
          %bitcast3A_1323 = vector.bitcast %get3A_1322 : vector<16xi32> to vector<32xbf16>
          %mul3A_1324 = arith.constant 16 : i32
          %mul3A_1325 = arith.muli %scan3A_261, %mul3A_1324 : i32
          %add3A_1326 = arith.constant 14 : i32
          %add3A_1327 = arith.addi %mul3A_1325, %add3A_1326 : i32
          %get3A_1328 = arith.index_cast %and3A_232 : i32 to index
          %get3A_1329 = arith.index_cast %add3A_1327 : i32 to index
          %get3A_1330 = arith.constant 16 : index
          %get3A_1331 = tpu.vector_load %arg14[%get3A_1328, %get3A_1329, %get3A_1330] {strides = array<i32>} : memref<2x64x64xi32, #tpu.memory_space<vmem>>, vector<16xi32>,
          %bitcast3A_1332 = vector.bitcast %get3A_1331 : vector<16xi32> to vector<32xbf16>
          %mul3A_1333 = arith.constant 16 : i32
          %mul3A_1334 = arith.muli %scan3A_261, %mul3A_1333 : i32
          %add3A_1335 = arith.constant 14 : i32
          %add3A_1336 = arith.addi %mul3A_1334, %add3A_1335 : i32
          %get3A_1337 = arith.index_cast %and3A_232 : i32 to index
          %get3A_1338 = arith.index_cast %add3A_1336 : i32 to index
          %get3A_1339 = arith.constant 32 : index
          %get3A_1340 = tpu.vector_load %arg14[%get3A_1337, %get3A_1338, %get3A_1339] {strides = array<i32>} : memref<2x64x64xi32, #tpu.memory_space<vmem>>, vector<16xi32>,
          %bitcast3A_1341 = vector.bitcast %get3A_1340 : vector<16xi32> to vector<32xbf16>
          %mul3A_1342 = arith.constant 16 : i32
          %mul3A_1343 = arith.muli %scan3A_261, %mul3A_1342 : i32
          %add3A_1344 = arith.constant 14 : i32
          %add3A_1345 = arith.addi %mul3A_1343, %add3A_1344 : i32
          %get3A_1346 = arith.index_cast %and3A_232 : i32 to index
          %get3A_1347 = arith.index_cast %add3A_1345 : i32 to index
          %get3A_1348 = arith.constant 48 : index
          %get3A_1349 = tpu.vector_load %arg14[%get3A_1346, %get3A_1347, %get3A_1348] {strides = array<i32>} : memref<2x64x64xi32, #tpu.memory_space<vmem>>, vector<16xi32>,
          %bitcast3A_1350 = vector.bitcast %get3A_1349 : vector<16xi32> to vector<32xbf16>
          %max3A_1351 = arith.maximumf %bitcast3A_1302, %bitcast3A_1323 : vector<32xbf16>
          %max3A_1352 = arith.maximumf %bitcast3A_1306, %bitcast3A_1332 : vector<32xbf16>
          %max3A_1353 = arith.maximumf %bitcast3A_1310, %bitcast3A_1341 : vector<32xbf16>
          %max3A_1354 = arith.maximumf %bitcast3A_1314, %bitcast3A_1350 : vector<32xbf16>
          %bitcast3A_1355 = vector.bitcast %max3A_1351 : vector<32xbf16> to vector<16xi32>
          %swap3A_1356 = arith.index_cast %squeeze3A_1298 : i32 to index
          %swap3A_1357 = arith.constant 0 : index
          %swap3A_1358 = tpu.vector_load %arg15[%swap3A_1356, %swap3A_1357] {strides = array<i32>} : memref<641x64xi32, #tpu.memory_space<vmem>>, vector<16xi32>,
          tpu.vector_store %arg15[%swap3A_1356, %swap3A_1357], %bitcast3A_1355 {strides = array<i32>} : memref<641x64xi32, #tpu.memory_space<vmem>>, vector<16xi32>,
          %bitcast3A_1359 = vector.bitcast %max3A_1352 : vector<32xbf16> to vector<16xi32>
          %swap3A_1360 = arith.index_cast %squeeze3A_1298 : i32 to index
          %swap3A_1361 = arith.constant 16 : index
          %swap3A_1362 = tpu.vector_load %arg15[%swap3A_1360, %swap3A_1361] {strides = array<i32>} : memref<641x64xi32, #tpu.memory_space<vmem>>, vector<16xi32>,
          tpu.vector_store %arg15[%swap3A_1360, %swap3A_1361], %bitcast3A_1359 {strides = array<i32>} : memref<641x64xi32, #tpu.memory_space<vmem>>, vector<16xi32>,
          %bitcast3A_1363 = vector.bitcast %max3A_1353 : vector<32xbf16> to vector<16xi32>
          %swap3A_1364 = arith.index_cast %squeeze3A_1298 : i32 to index
          %swap3A_1365 = arith.constant 32 : index
          %swap3A_1366 = tpu.vector_load %arg15[%swap3A_1364, %swap3A_1365] {strides = array<i32>} : memref<641x64xi32, #tpu.memory_space<vmem>>, vector<16xi32>,
          tpu.vector_store %arg15[%swap3A_1364, %swap3A_1365], %bitcast3A_1363 {strides = array<i32>} : memref<641x64xi32, #tpu.memory_space<vmem>>, vector<16xi32>,
          %bitcast3A_1367 = vector.bitcast %max3A_1354 : vector<32xbf16> to vector<16xi32>
          %swap3A_1368 = arith.index_cast %squeeze3A_1298 : i32 to index
          %swap3A_1369 = arith.constant 48 : index
          %swap3A_1370 = tpu.vector_load %arg15[%swap3A_1368, %swap3A_1369] {strides = array<i32>} : memref<641x64xi32, #tpu.memory_space<vmem>>, vector<16xi32>,
          tpu.vector_store %arg15[%swap3A_1368, %swap3A_1369], %bitcast3A_1367 {strides = array<i32>} : memref<641x64xi32, #tpu.memory_space<vmem>>, vector<16xi32>,
          %slice3A_1371 = vector.extract_strided_slice %get3A_265 {offsets = [15], sizes = [1], strides = [1]} : vector<16xi32> to vector<1xi32>
          %squeeze3A_1372 = vector.extract %slice3A_1371[0] : i32 from vector<1xi32>
          %get3A_1373 = arith.index_cast %squeeze3A_1372 : i32 to index
          %get3A_1374 = arith.constant 0 : index
          %get3A_1375 = tpu.vector_load %arg15[%get3A_1373, %get3A_1374] {strides = array<i32>} : memref<641x64xi32, #tpu.memory_space<vmem>>, vector<16xi32>,
          %bitcast3A_1376 = vector.bitcast %get3A_1375 : vector<16xi32> to vector<32xbf16>
          %get3A_1377 = arith.index_cast %squeeze3A_1372 : i32 to index
          %get3A_1378 = arith.constant 16 : index
          %get3A_1379 = tpu.vector_load %arg15[%get3A_1377, %get3A_1378] {strides = array<i32>} : memref<641x64xi32, #tpu.memory_space<vmem>>, vector<16xi32>,
          %bitcast3A_1380 = vector.bitcast %get3A_1379 : vector<16xi32> to vector<32xbf16>
          %get3A_1381 = arith.index_cast %squeeze3A_1372 : i32 to index
          %get3A_1382 = arith.constant 32 : index
          %get3A_1383 = tpu.vector_load %arg15[%get3A_1381, %get3A_1382] {strides = array<i32>} : memref<641x64xi32, #tpu.memory_space<vmem>>, vector<16xi32>,
          %bitcast3A_1384 = vector.bitcast %get3A_1383 : vector<16xi32> to vector<32xbf16>
          %get3A_1385 = arith.index_cast %squeeze3A_1372 : i32 to index
          %get3A_1386 = arith.constant 48 : index
          %get3A_1387 = tpu.vector_load %arg15[%get3A_1385, %get3A_1386] {strides = array<i32>} : memref<641x64xi32, #tpu.memory_space<vmem>>, vector<16xi32>,
          %bitcast3A_1388 = vector.bitcast %get3A_1387 : vector<16xi32> to vector<32xbf16>
          %mul3A_1389 = arith.constant 16 : i32
          %mul3A_1390 = arith.muli %scan3A_261, %mul3A_1389 : i32
          %add3A_1391 = arith.constant 15 : i32
          %add3A_1392 = arith.addi %mul3A_1390, %add3A_1391 : i32
          %get3A_1393 = arith.index_cast %and3A_232 : i32 to index
          %get3A_1394 = arith.index_cast %add3A_1392 : i32 to index
          %get3A_1395 = arith.constant 0 : index
          %get3A_1396 = tpu.vector_load %arg14[%get3A_1393, %get3A_1394, %get3A_1395] {strides = array<i32>} : memref<2x64x64xi32, #tpu.memory_space<vmem>>, vector<16xi32>,
          %bitcast3A_1397 = vector.bitcast %get3A_1396 : vector<16xi32> to vector<32xbf16>
          %mul3A_1398 = arith.constant 16 : i32
          %mul3A_1399 = arith.muli %scan3A_261, %mul3A_1398 : i32
          %add3A_1400 = arith.constant 15 : i32
          %add3A_1401 = arith.addi %mul3A_1399, %add3A_1400 : i32
          %get3A_1402 = arith.index_cast %and3A_232 : i32 to index
          %get3A_1403 = arith.index_cast %add3A_1401 : i32 to index
          %get3A_1404 = arith.constant 16 : index
          %get3A_1405 = tpu.vector_load %arg14[%get3A_1402, %get3A_1403, %get3A_1404] {strides = array<i32>} : memref<2x64x64xi32, #tpu.memory_space<vmem>>, vector<16xi32>,
          %bitcast3A_1406 = vector.bitcast %get3A_1405 : vector<16xi32> to vector<32xbf16>
          %mul3A_1407 = arith.constant 16 : i32
          %mul3A_1408 = arith.muli %scan3A_261, %mul3A_1407 : i32
          %add3A_1409 = arith.constant 15 : i32
          %add3A_1410 = arith.addi %mul3A_1408, %add3A_1409 : i32
          %get3A_1411 = arith.index_cast %and3A_232 : i32 to index
          %get3A_1412 = arith.index_cast %add3A_1410 : i32 to index
          %get3A_1413 = arith.constant 32 : index
          %get3A_1414 = tpu.vector_load %arg14[%get3A_1411, %get3A_1412, %get3A_1413] {strides = array<i32>} : memref<2x64x64xi32, #tpu.memory_space<vmem>>, vector<16xi32>,
          %bitcast3A_1415 = vector.bitcast %get3A_1414 : vector<16xi32> to vector<32xbf16>
          %mul3A_1416 = arith.constant 16 : i32
          %mul3A_1417 = arith.muli %scan3A_261, %mul3A_1416 : i32
          %add3A_1418 = arith.constant 15 : i32
          %add3A_1419 = arith.addi %mul3A_1417, %add3A_1418 : i32
          %get3A_1420 = arith.index_cast %and3A_232 : i32 to index
          %get3A_1421 = arith.index_cast %add3A_1419 : i32 to index
          %get3A_1422 = arith.constant 48 : index
          %get3A_1423 = tpu.vector_load %arg14[%get3A_1420, %get3A_1421, %get3A_1422] {strides = array<i32>} : memref<2x64x64xi32, #tpu.memory_space<vmem>>, vector<16xi32>,
          %bitcast3A_1424 = vector.bitcast %get3A_1423 : vector<16xi32> to vector<32xbf16>
          %max3A_1425 = arith.maximumf %bitcast3A_1376, %bitcast3A_1397 : vector<32xbf16>
          %max3A_1426 = arith.maximumf %bitcast3A_1380, %bitcast3A_1406 : vector<32xbf16>
          %max3A_1427 = arith.maximumf %bitcast3A_1384, %bitcast3A_1415 : vector<32xbf16>
          %max3A_1428 = arith.maximumf %bitcast3A_1388, %bitcast3A_1424 : vector<32xbf16>
          %bitcast3A_1429 = vector.bitcast %max3A_1425 : vector<32xbf16> to vector<16xi32>
          %swap3A_1430 = arith.index_cast %squeeze3A_1372 : i32 to index
          %swap3A_1431 = arith.constant 0 : index
          %swap3A_1432 = tpu.vector_load %arg15[%swap3A_1430, %swap3A_1431] {strides = array<i32>} : memref<641x64xi32, #tpu.memory_space<vmem>>, vector<16xi32>,
          tpu.vector_store %arg15[%swap3A_1430, %swap3A_1431], %bitcast3A_1429 {strides = array<i32>} : memref<641x64xi32, #tpu.memory_space<vmem>>, vector<16xi32>,
          %bitcast3A_1433 = vector.bitcast %max3A_1426 : vector<32xbf16> to vector<16xi32>
          %swap3A_1434 = arith.index_cast %squeeze3A_1372 : i32 to index
          %swap3A_1435 = arith.constant 16 : index
          %swap3A_1436 = tpu.vector_load %arg15[%swap3A_1434, %swap3A_1435] {strides = array<i32>} : memref<641x64xi32, #tpu.memory_space<vmem>>, vector<16xi32>,
          tpu.vector_store %arg15[%swap3A_1434, %swap3A_1435], %bitcast3A_1433 {strides = array<i32>} : memref<641x64xi32, #tpu.memory_space<vmem>>, vector<16xi32>,
          %bitcast3A_1437 = vector.bitcast %max3A_1427 : vector<32xbf16> to vector<16xi32>
          %swap3A_1438 = arith.index_cast %squeeze3A_1372 : i32 to index
          %swap3A_1439 = arith.constant 32 : index
          %swap3A_1440 = tpu.vector_load %arg15[%swap3A_1438, %swap3A_1439] {strides = array<i32>} : memref<641x64xi32, #tpu.memory_space<vmem>>, vector<16xi32>,
          tpu.vector_store %arg15[%swap3A_1438, %swap3A_1439], %bitcast3A_1437 {strides = array<i32>} : memref<641x64xi32, #tpu.memory_space<vmem>>, vector<16xi32>,
          %bitcast3A_1441 = vector.bitcast %max3A_1428 : vector<32xbf16> to vector<16xi32>
          %swap3A_1442 = arith.index_cast %squeeze3A_1372 : i32 to index
          %swap3A_1443 = arith.constant 48 : index
          %swap3A_1444 = tpu.vector_load %arg15[%swap3A_1442, %swap3A_1443] {strides = array<i32>} : memref<641x64xi32, #tpu.memory_space<vmem>>, vector<16xi32>,
          tpu.vector_store %arg15[%swap3A_1442, %swap3A_1443], %bitcast3A_1441 {strides = array<i32>} : memref<641x64xi32, #tpu.memory_space<vmem>>, vector<16xi32>,
        }
        %scan3A_258 = arith.constant 4 : i32
        %add3A_259 = arith.constant 1 : i32
        %add3A_260 = arith.addi %while3A_216, %add3A_259 : i32
        scf.yield %select_n3A_230, %add3A_260 : i32, i32
      }
      scf.yield %scan3A_198, %while3A_214#0, %while3A_214#1 : vector<16xi32>, i32, i32
    }
    %scan3A_55 = arith.constant 100 : i32
    %add3A_56 = arith.addi %scan3A_54#0, %iota3A : vector<16xi32>
    %add3A_57 = arith.constant 0 : i32
    %add3A_58 = vector.broadcast %add3A_57 : i32 to vector<16xi32>
    %add3A_59 = arith.addi %add3A_56, %add3A_58 : vector<16xi32>
    %and3A_60 = arith.andi %add3A_59, %broadcast_in_dim3A_13 : vector<16xi32>
    %broadcast_in_dim3A_61 = arith.constant 0 : i32
    %broadcast_in_dim3A_62 = vector.broadcast %broadcast_in_dim3A_61 : i32 to vector<16xi32>
    tpu.vector_store_idx %arg12[%and3A_60], %broadcast_in_dim3A_62 : memref<4096xi32, #tpu.memory_space<vmem>>[vector<16xi32>], vector<16xi32>,
    %broadcast_in_dim3A_63 = arith.constant 640 : i32
    %broadcast_in_dim3A_64 = vector.broadcast %broadcast_in_dim3A_63 : i32 to vector<16xi32>
    tpu.vector_store_idx %arg13[%and3A_60], %broadcast_in_dim3A_64 : memref<4096xi32, #tpu.memory_space<vmem>>[vector<16xi32>], vector<16xi32>,
    %add3A_65 = arith.addi %scan3A_54#0, %iota3A : vector<16xi32>
    %add3A_66 = arith.constant 16 : i32
    %add3A_67 = vector.broadcast %add3A_66 : i32 to vector<16xi32>
    %add3A_68 = arith.addi %add3A_65, %add3A_67 : vector<16xi32>
    %and3A_69 = arith.andi %add3A_68, %broadcast_in_dim3A_13 : vector<16xi32>
    %broadcast_in_dim3A_70 = arith.constant 0 : i32
    %broadcast_in_dim3A_71 = vector.broadcast %broadcast_in_dim3A_70 : i32 to vector<16xi32>
    tpu.vector_store_idx %arg12[%and3A_69], %broadcast_in_dim3A_71 : memref<4096xi32, #tpu.memory_space<vmem>>[vector<16xi32>], vector<16xi32>,
    %broadcast_in_dim3A_72 = arith.constant 640 : i32
    %broadcast_in_dim3A_73 = vector.broadcast %broadcast_in_dim3A_72 : i32 to vector<16xi32>
    tpu.vector_store_idx %arg13[%and3A_69], %broadcast_in_dim3A_73 : memref<4096xi32, #tpu.memory_space<vmem>>[vector<16xi32>], vector<16xi32>,
    %add3A_74 = arith.addi %scan3A_54#0, %iota3A : vector<16xi32>
    %add3A_75 = arith.constant 32 : i32
    %add3A_76 = vector.broadcast %add3A_75 : i32 to vector<16xi32>
    %add3A_77 = arith.addi %add3A_74, %add3A_76 : vector<16xi32>
    %and3A_78 = arith.andi %add3A_77, %broadcast_in_dim3A_13 : vector<16xi32>
    %broadcast_in_dim3A_79 = arith.constant 0 : i32
    %broadcast_in_dim3A_80 = vector.broadcast %broadcast_in_dim3A_79 : i32 to vector<16xi32>
    tpu.vector_store_idx %arg12[%and3A_78], %broadcast_in_dim3A_80 : memref<4096xi32, #tpu.memory_space<vmem>>[vector<16xi32>], vector<16xi32>,
    %broadcast_in_dim3A_81 = arith.constant 640 : i32
    %broadcast_in_dim3A_82 = vector.broadcast %broadcast_in_dim3A_81 : i32 to vector<16xi32>
    tpu.vector_store_idx %arg13[%and3A_78], %broadcast_in_dim3A_82 : memref<4096xi32, #tpu.memory_space<vmem>>[vector<16xi32>], vector<16xi32>,
    %add3A_83 = arith.addi %scan3A_54#0, %iota3A : vector<16xi32>
    %add3A_84 = arith.constant 48 : i32
    %add3A_85 = vector.broadcast %add3A_84 : i32 to vector<16xi32>
    %add3A_86 = arith.addi %add3A_83, %add3A_85 : vector<16xi32>
    %and3A_87 = arith.andi %add3A_86, %broadcast_in_dim3A_13 : vector<16xi32>
    %broadcast_in_dim3A_88 = arith.constant 0 : i32
    %broadcast_in_dim3A_89 = vector.broadcast %broadcast_in_dim3A_88 : i32 to vector<16xi32>
    tpu.vector_store_idx %arg12[%and3A_87], %broadcast_in_dim3A_89 : memref<4096xi32, #tpu.memory_space<vmem>>[vector<16xi32>], vector<16xi32>,
    %broadcast_in_dim3A_90 = arith.constant 640 : i32
    %broadcast_in_dim3A_91 = vector.broadcast %broadcast_in_dim3A_90 : i32 to vector<16xi32>
    tpu.vector_store_idx %arg13[%and3A_87], %broadcast_in_dim3A_91 : memref<4096xi32, #tpu.memory_space<vmem>>[vector<16xi32>], vector<16xi32>,
    %reduce_max3A = arith.constant true
    %reduce_max3A_92 = vector.broadcast %reduce_max3A : i1 to vector<16xi1>
    %reduce_max3A_93 = arith.constant -2147483648 : i32
    %reduce_max3A_94 = vector.broadcast %reduce_max3A_93 : i32 to vector<16xi32>
    %reduce_max3A_95 = arith.xori %scan3A_54#0, %reduce_max3A_94 : vector<16xi32>
    %reduce_max3A_96 = tpu.scan <max>, %reduce_max3A_95 masked %reduce_max3A_92 : vector<16xi32>, vector<16xi1> -> vector<16xi32>
    %reduce_max3A_97 = arith.xori %reduce_max3A_96, %reduce_max3A_94 : vector<16xi32>
    %reduce_max3A_98 = vector.extract %reduce_max3A_97[15] : i32 from vector<16xi32>
    %add3A_99 = arith.constant 63 : i32
    %add3A_100 = arith.addi %reduce_max3A_98, %add3A_99 : i32
    %and3A_101 = arith.constant -64 : i32
    %and3A_102 = arith.andi %add3A_100, %and3A_101 : i32
    %while3A:2 = scf.while (%while3A_145 = %scan3A_54#1, %while3A_146 = %scan3A_54#2) : (i32, i32) -> (i32, i32) {
      %mul3A_147 = arith.constant 64 : i32
      %mul3A_148 = arith.muli %while3A_146, %mul3A_147 : i32
      %lt3A = arith.cmpi slt, %mul3A_148, %and3A_102 : i32
      scf.condition(%lt3A) %while3A_145, %while3A_146 : i32, i32
    } do {
    ^bb0(%while3A_145: i32, %while3A_146: i32):
      %mul3A_147 = arith.constant 64 : i32
      %mul3A_148 = arith.muli %while3A_145, %mul3A_147 : i32
      %add3A_149 = arith.constant 64 : i32
      %add3A_150 = arith.addi %mul3A_148, %add3A_149 : i32
      %le3A = arith.cmpi sle, %add3A_150, %and3A_102 : i32
      %sub3A_151 = arith.subi %while3A_145, %while3A_146 : i32
      %lt3A = arith.constant 2 : i32
      %lt3A_152 = arith.cmpi slt, %sub3A_151, %lt3A : i32
      %and3A_153 = arith.andi %le3A, %lt3A_152 : i1
      %convert_element_type3A = arith.extui %and3A_153 : i1 to i32
      %cond3A = arith.constant 0 : i32
      %cond3A_154 = arith.cmpi ne, %convert_element_type3A, %cond3A : i32
      scf.if %cond3A_154 {
        %and3A_187 = arith.constant 63 : i32
        %and3A_188 = arith.andi %while3A_145, %and3A_187 : i32
        %mul3A_189 = arith.constant 64 : i32
        %mul3A_190 = arith.muli %and3A_188, %mul3A_189 : i32
        %and3A_191 = arith.constant 1 : i32
        %and3A_192 = arith.andi %while3A_145, %and3A_191 : i32
        %dma_start3A_193 = arith.constant 0 : i32
        %dma_start3A_194 = arith.constant 0 : i32
        %dma_start3A_195 = tpu.memref_slice %arg14[%and3A_192, %dma_start3A_193, %dma_start3A_194] : memref<2x64x64xi32, #tpu.memory_space<vmem>> -> memref<1x64x64xi32, #tpu.memory_space<vmem>>
        %dma_start3A_196 = tpu.memref_squeeze %dma_start3A_195 : memref<1x64x64xi32, #tpu.memory_space<vmem>> -> memref<64x64xi32, #tpu.memory_space<vmem>>
        %dma_start3A_197 = tpu.memref_slice %arg12[%mul3A_190] : memref<4096xi32, #tpu.memory_space<vmem>> -> memref<64xi32, #tpu.memory_space<vmem>>
        %dma_start3A_198 = arith.constant 0 : i32
        %dma_start3A_199 = arith.constant 0 : i32
        %dma_start3A_200 = tpu.memref_slice %arg18[%dma_start3A_198, %dma_start3A_199] : memref<10240x64xi32, #tpu.memory_space<vmem_shared>> -> memref<10240x64xi32, #tpu.memory_space<vmem_shared>>
        %dma_start3A_201 = tpu.memref_slice %arg21[%and3A_192] : memref<2x!tpu.dma_semaphore, #tpu.memory_space<semaphore_mem>> -> memref<1x!tpu.dma_semaphore, #tpu.memory_space<semaphore_mem>>
        %dma_start3A_202 = tpu.memref_squeeze %dma_start3A_201 : memref<1x!tpu.dma_semaphore, #tpu.memory_space<semaphore_mem>> -> memref<!tpu.dma_semaphore, #tpu.memory_space<semaphore_mem>>
        tpu.enqueue_indirect_dma source(%dma_start3A_200 : memref<10240x64xi32, #tpu.memory_space<vmem_shared>>) target(%dma_start3A_196 : memref<64x64xi32, #tpu.memory_space<vmem>>) offsets(%dma_start3A_197 : memref<64xi32, #tpu.memory_space<vmem>>) semaphore(%dma_start3A_202 : memref<!tpu.dma_semaphore, #tpu.memory_space<semaphore_mem>>)
      } else {
      }
      %add3A_155 = arith.constant 1 : i32
      %add3A_156 = arith.addi %while3A_145, %add3A_155 : i32
      %select_n3A_157 = arith.select %and3A_153, %add3A_156, %while3A_145 : i32
      %and3A_158 = arith.constant 1 : i32
      %and3A_159 = arith.andi %while3A_146, %and3A_158 : i32
      %dma_wait3A = arith.constant 0 : i32
      %dma_wait3A_160 = arith.constant 0 : i32
      %dma_wait3A_161 = tpu.memref_slice %arg14[%and3A_159, %dma_wait3A, %dma_wait3A_160] : memref<2x64x64xi32, #tpu.memory_space<vmem>> -> memref<1x64x64xi32, #tpu.memory_space<vmem>>
      %dma_wait3A_162 = tpu.memref_squeeze %dma_wait3A_161 : memref<1x64x64xi32, #tpu.memory_space<vmem>> -> memref<64x64xi32, #tpu.memory_space<vmem>>
      %dma_wait3A_163 = arith.constant 0 : i32
      %dma_wait3A_164 = arith.constant 0 : i32
      %dma_wait3A_165 = tpu.memref_slice %arg18[%dma_wait3A_163, %dma_wait3A_164] : memref<10240x64xi32, #tpu.memory_space<vmem_shared>> -> memref<64x64xi32, #tpu.memory_space<vmem_shared>>
      %dma_wait3A_166 = tpu.memref_slice %arg21[%and3A_159] : memref<2x!tpu.dma_semaphore, #tpu.memory_space<semaphore_mem>> -> memref<1x!tpu.dma_semaphore, #tpu.memory_space<semaphore_mem>>
      %dma_wait3A_167 = tpu.memref_squeeze %dma_wait3A_166 : memref<1x!tpu.dma_semaphore, #tpu.memory_space<semaphore_mem>> -> memref<!tpu.dma_semaphore, #tpu.memory_space<semaphore_mem>>
      %dma_wait3A_168 = arith.constant 0 : i32
      %dma_wait3A_169 = arith.constant 0 : i32
      %dma_wait3A_170 = tpu.memref_slice %arg14[%and3A_159, %dma_wait3A_168, %dma_wait3A_169] : memref<2x64x64xi32, #tpu.memory_space<vmem>> -> memref<1x64x64xi32, #tpu.memory_space<vmem>>
      %dma_wait3A_171 = tpu.memref_squeeze %dma_wait3A_170 : memref<1x64x64xi32, #tpu.memory_space<vmem>> -> memref<64x64xi32, #tpu.memory_space<vmem>>
      %dma_wait3A_172 = arith.constant 0 : i32
      %dma_wait3A_173 = arith.constant 0 : i32
      %dma_wait3A_174 = tpu.memref_slice %arg18[%dma_wait3A_172, %dma_wait3A_173] : memref<10240x64xi32, #tpu.memory_space<vmem_shared>> -> memref<64x64xi32, #tpu.memory_space<vmem_shared>>
      tpu.wait_dma2 semaphore(%dma_wait3A_167 : memref<!tpu.dma_semaphore, #tpu.memory_space<semaphore_mem>>) src(%dma_wait3A_174 : memref<64x64xi32, #tpu.memory_space<vmem_shared>>) dst(%dma_wait3A_171 : memref<64x64xi32, #tpu.memory_space<vmem>>)
      %and3A_175 = arith.constant 63 : i32
      %and3A_176 = arith.andi %while3A_146, %and3A_175 : i32
      %mul3A_177 = arith.constant 64 : i32
      %mul3A_178 = arith.muli %and3A_176, %mul3A_177 : i32
      %scan3A_179 = arith.constant 0 : i32
      %scan3A_180 = arith.constant 0 : i32
      %scan3A_181 = arith.constant 4 : i32
      %scan3A_182 = arith.addi %scan3A_180, %scan3A_181 : i32
      %scan3A_183 = arith.constant 1 : i32
      scf.for %scan3A_187 = %scan3A_180 to %scan3A_182 step %scan3A_183  : i32 {
        %mul3A_188 = arith.constant 16 : i32
        %mul3A_189 = arith.muli %scan3A_187, %mul3A_188 : i32
        %add3A_190 = arith.addi %mul3A_178, %mul3A_189 : i32
        %get3A = arith.index_cast %add3A_190 : i32 to index
        %get3A_191 = tpu.vector_load %arg13[%get3A] {strides = array<i32>} : memref<4096xi32, #tpu.memory_space<vmem>>, vector<16xi32>,
        %slice3A = vector.extract_strided_slice %get3A_191 {offsets = [0], sizes = [1], strides = [1]} : vector<16xi32> to vector<1xi32>
        %squeeze3A = vector.extract %slice3A[0] : i32 from vector<1xi32>
        %get3A_192 = arith.index_cast %squeeze3A : i32 to index
        %get3A_193 = arith.constant 0 : index
        %get3A_194 = tpu.vector_load %arg15[%get3A_192, %get3A_193] {strides = array<i32>} : memref<641x64xi32, #tpu.memory_space<vmem>>, vector<16xi32>,
        %bitcast3A = vector.bitcast %get3A_194 : vector<16xi32> to vector<32xbf16>
        %get3A_195 = arith.index_cast %squeeze3A : i32 to index
        %get3A_196 = arith.constant 16 : index
        %get3A_197 = tpu.vector_load %arg15[%get3A_195, %get3A_196] {strides = array<i32>} : memref<641x64xi32, #tpu.memory_space<vmem>>, vector<16xi32>,
        %bitcast3A_198 = vector.bitcast %get3A_197 : vector<16xi32> to vector<32xbf16>
        %get3A_199 = arith.index_cast %squeeze3A : i32 to index
        %get3A_200 = arith.constant 32 : index
        %get3A_201 = tpu.vector_load %arg15[%get3A_199, %get3A_200] {strides = array<i32>} : memref<641x64xi32, #tpu.memory_space<vmem>>, vector<16xi32>,
        %bitcast3A_202 = vector.bitcast %get3A_201 : vector<16xi32> to vector<32xbf16>
        %get3A_203 = arith.index_cast %squeeze3A : i32 to index
        %get3A_204 = arith.constant 48 : index
        %get3A_205 = tpu.vector_load %arg15[%get3A_203, %get3A_204] {strides = array<i32>} : memref<641x64xi32, #tpu.memory_space<vmem>>, vector<16xi32>,
        %bitcast3A_206 = vector.bitcast %get3A_205 : vector<16xi32> to vector<32xbf16>
        %mul3A_207 = arith.constant 16 : i32
        %mul3A_208 = arith.muli %scan3A_187, %mul3A_207 : i32
        %add3A_209 = arith.constant 0 : i32
        %add3A_210 = arith.addi %mul3A_208, %add3A_209 : i32
        %get3A_211 = arith.index_cast %and3A_159 : i32 to index
        %get3A_212 = arith.index_cast %add3A_210 : i32 to index
        %get3A_213 = arith.constant 0 : index
        %get3A_214 = tpu.vector_load %arg14[%get3A_211, %get3A_212, %get3A_213] {strides = array<i32>} : memref<2x64x64xi32, #tpu.memory_space<vmem>>, vector<16xi32>,
        %bitcast3A_215 = vector.bitcast %get3A_214 : vector<16xi32> to vector<32xbf16>
        %mul3A_216 = arith.constant 16 : i32
        %mul3A_217 = arith.muli %scan3A_187, %mul3A_216 : i32
        %add3A_218 = arith.constant 0 : i32
        %add3A_219 = arith.addi %mul3A_217, %add3A_218 : i32
        %get3A_220 = arith.index_cast %and3A_159 : i32 to index
        %get3A_221 = arith.index_cast %add3A_219 : i32 to index
        %get3A_222 = arith.constant 16 : index
        %get3A_223 = tpu.vector_load %arg14[%get3A_220, %get3A_221, %get3A_222] {strides = array<i32>} : memref<2x64x64xi32, #tpu.memory_space<vmem>>, vector<16xi32>,
        %bitcast3A_224 = vector.bitcast %get3A_223 : vector<16xi32> to vector<32xbf16>
        %mul3A_225 = arith.constant 16 : i32
        %mul3A_226 = arith.muli %scan3A_187, %mul3A_225 : i32
        %add3A_227 = arith.constant 0 : i32
        %add3A_228 = arith.addi %mul3A_226, %add3A_227 : i32
        %get3A_229 = arith.index_cast %and3A_159 : i32 to index
        %get3A_230 = arith.index_cast %add3A_228 : i32 to index
        %get3A_231 = arith.constant 32 : index
        %get3A_232 = tpu.vector_load %arg14[%get3A_229, %get3A_230, %get3A_231] {strides = array<i32>} : memref<2x64x64xi32, #tpu.memory_space<vmem>>, vector<16xi32>,
        %bitcast3A_233 = vector.bitcast %get3A_232 : vector<16xi32> to vector<32xbf16>
        %mul3A_234 = arith.constant 16 : i32
        %mul3A_235 = arith.muli %scan3A_187, %mul3A_234 : i32
        %add3A_236 = arith.constant 0 : i32
        %add3A_237 = arith.addi %mul3A_235, %add3A_236 : i32
        %get3A_238 = arith.index_cast %and3A_159 : i32 to index
        %get3A_239 = arith.index_cast %add3A_237 : i32 to index
        %get3A_240 = arith.constant 48 : index
        %get3A_241 = tpu.vector_load %arg14[%get3A_238, %get3A_239, %get3A_240] {strides = array<i32>} : memref<2x64x64xi32, #tpu.memory_space<vmem>>, vector<16xi32>,
        %bitcast3A_242 = vector.bitcast %get3A_241 : vector<16xi32> to vector<32xbf16>
        %max3A = arith.maximumf %bitcast3A, %bitcast3A_215 : vector<32xbf16>
        %max3A_243 = arith.maximumf %bitcast3A_198, %bitcast3A_224 : vector<32xbf16>
        %max3A_244 = arith.maximumf %bitcast3A_202, %bitcast3A_233 : vector<32xbf16>
        %max3A_245 = arith.maximumf %bitcast3A_206, %bitcast3A_242 : vector<32xbf16>
        %bitcast3A_246 = vector.bitcast %max3A : vector<32xbf16> to vector<16xi32>
        %swap3A = arith.index_cast %squeeze3A : i32 to index
        %swap3A_247 = arith.constant 0 : index
        %swap3A_248 = tpu.vector_load %arg15[%swap3A, %swap3A_247] {strides = array<i32>} : memref<641x64xi32, #tpu.memory_space<vmem>>, vector<16xi32>,
        tpu.vector_store %arg15[%swap3A, %swap3A_247], %bitcast3A_246 {strides = array<i32>} : memref<641x64xi32, #tpu.memory_space<vmem>>, vector<16xi32>,
        %bitcast3A_249 = vector.bitcast %max3A_243 : vector<32xbf16> to vector<16xi32>
        %swap3A_250 = arith.index_cast %squeeze3A : i32 to index
        %swap3A_251 = arith.constant 16 : index
        %swap3A_252 = tpu.vector_load %arg15[%swap3A_250, %swap3A_251] {strides = array<i32>} : memref<641x64xi32, #tpu.memory_space<vmem>>, vector<16xi32>,
        tpu.vector_store %arg15[%swap3A_250, %swap3A_251], %bitcast3A_249 {strides = array<i32>} : memref<641x64xi32, #tpu.memory_space<vmem>>, vector<16xi32>,
        %bitcast3A_253 = vector.bitcast %max3A_244 : vector<32xbf16> to vector<16xi32>
        %swap3A_254 = arith.index_cast %squeeze3A : i32 to index
        %swap3A_255 = arith.constant 32 : index
        %swap3A_256 = tpu.vector_load %arg15[%swap3A_254, %swap3A_255] {strides = array<i32>} : memref<641x64xi32, #tpu.memory_space<vmem>>, vector<16xi32>,
        tpu.vector_store %arg15[%swap3A_254, %swap3A_255], %bitcast3A_253 {strides = array<i32>} : memref<641x64xi32, #tpu.memory_space<vmem>>, vector<16xi32>,
        %bitcast3A_257 = vector.bitcast %max3A_245 : vector<32xbf16> to vector<16xi32>
        %swap3A_258 = arith.index_cast %squeeze3A : i32 to index
        %swap3A_259 = arith.constant 48 : index
        %swap3A_260 = tpu.vector_load %arg15[%swap3A_258, %swap3A_259] {strides = array<i32>} : memref<641x64xi32, #tpu.memory_space<vmem>>, vector<16xi32>,
        tpu.vector_store %arg15[%swap3A_258, %swap3A_259], %bitcast3A_257 {strides = array<i32>} : memref<641x64xi32, #tpu.memory_space<vmem>>, vector<16xi32>,
        %slice3A_261 = vector.extract_strided_slice %get3A_191 {offsets = [1], sizes = [1], strides = [1]} : vector<16xi32> to vector<1xi32>
        %squeeze3A_262 = vector.extract %slice3A_261[0] : i32 from vector<1xi32>
        %get3A_263 = arith.index_cast %squeeze3A_262 : i32 to index
        %get3A_264 = arith.constant 0 : index
        %get3A_265 = tpu.vector_load %arg15[%get3A_263, %get3A_264] {strides = array<i32>} : memref<641x64xi32, #tpu.memory_space<vmem>>, vector<16xi32>,
        %bitcast3A_266 = vector.bitcast %get3A_265 : vector<16xi32> to vector<32xbf16>
        %get3A_267 = arith.index_cast %squeeze3A_262 : i32 to index
        %get3A_268 = arith.constant 16 : index
        %get3A_269 = tpu.vector_load %arg15[%get3A_267, %get3A_268] {strides = array<i32>} : memref<641x64xi32, #tpu.memory_space<vmem>>, vector<16xi32>,
        %bitcast3A_270 = vector.bitcast %get3A_269 : vector<16xi32> to vector<32xbf16>
        %get3A_271 = arith.index_cast %squeeze3A_262 : i32 to index
        %get3A_272 = arith.constant 32 : index
        %get3A_273 = tpu.vector_load %arg15[%get3A_271, %get3A_272] {strides = array<i32>} : memref<641x64xi32, #tpu.memory_space<vmem>>, vector<16xi32>,
        %bitcast3A_274 = vector.bitcast %get3A_273 : vector<16xi32> to vector<32xbf16>
        %get3A_275 = arith.index_cast %squeeze3A_262 : i32 to index
        %get3A_276 = arith.constant 48 : index
        %get3A_277 = tpu.vector_load %arg15[%get3A_275, %get3A_276] {strides = array<i32>} : memref<641x64xi32, #tpu.memory_space<vmem>>, vector<16xi32>,
        %bitcast3A_278 = vector.bitcast %get3A_277 : vector<16xi32> to vector<32xbf16>
        %mul3A_279 = arith.constant 16 : i32
        %mul3A_280 = arith.muli %scan3A_187, %mul3A_279 : i32
        %add3A_281 = arith.constant 1 : i32
        %add3A_282 = arith.addi %mul3A_280, %add3A_281 : i32
        %get3A_283 = arith.index_cast %and3A_159 : i32 to index
        %get3A_284 = arith.index_cast %add3A_282 : i32 to index
        %get3A_285 = arith.constant 0 : index
        %get3A_286 = tpu.vector_load %arg14[%get3A_283, %get3A_284, %get3A_285] {strides = array<i32>} : memref<2x64x64xi32, #tpu.memory_space<vmem>>, vector<16xi32>,
        %bitcast3A_287 = vector.bitcast %get3A_286 : vector<16xi32> to vector<32xbf16>
        %mul3A_288 = arith.constant 16 : i32
        %mul3A_289 = arith.muli %scan3A_187, %mul3A_288 : i32
        %add3A_290 = arith.constant 1 : i32
        %add3A_291 = arith.addi %mul3A_289, %add3A_290 : i32
        %get3A_292 = arith.index_cast %and3A_159 : i32 to index
        %get3A_293 = arith.index_cast %add3A_291 : i32 to index
        %get3A_294 = arith.constant 16 : index
        %get3A_295 = tpu.vector_load %arg14[%get3A_292, %get3A_293, %get3A_294] {strides = array<i32>} : memref<2x64x64xi32, #tpu.memory_space<vmem>>, vector<16xi32>,
        %bitcast3A_296 = vector.bitcast %get3A_295 : vector<16xi32> to vector<32xbf16>
        %mul3A_297 = arith.constant 16 : i32
        %mul3A_298 = arith.muli %scan3A_187, %mul3A_297 : i32
        %add3A_299 = arith.constant 1 : i32
        %add3A_300 = arith.addi %mul3A_298, %add3A_299 : i32
        %get3A_301 = arith.index_cast %and3A_159 : i32 to index
        %get3A_302 = arith.index_cast %add3A_300 : i32 to index
        %get3A_303 = arith.constant 32 : index
        %get3A_304 = tpu.vector_load %arg14[%get3A_301, %get3A_302, %get3A_303] {strides = array<i32>} : memref<2x64x64xi32, #tpu.memory_space<vmem>>, vector<16xi32>,
        %bitcast3A_305 = vector.bitcast %get3A_304 : vector<16xi32> to vector<32xbf16>
        %mul3A_306 = arith.constant 16 : i32
        %mul3A_307 = arith.muli %scan3A_187, %mul3A_306 : i32
        %add3A_308 = arith.constant 1 : i32
        %add3A_309 = arith.addi %mul3A_307, %add3A_308 : i32
        %get3A_310 = arith.index_cast %and3A_159 : i32 to index
        %get3A_311 = arith.index_cast %add3A_309 : i32 to index
        %get3A_312 = arith.constant 48 : index
        %get3A_313 = tpu.vector_load %arg14[%get3A_310, %get3A_311, %get3A_312] {strides = array<i32>} : memref<2x64x64xi32, #tpu.memory_space<vmem>>, vector<16xi32>,
        %bitcast3A_314 = vector.bitcast %get3A_313 : vector<16xi32> to vector<32xbf16>
        %max3A_315 = arith.maximumf %bitcast3A_266, %bitcast3A_287 : vector<32xbf16>
        %max3A_316 = arith.maximumf %bitcast3A_270, %bitcast3A_296 : vector<32xbf16>
        %max3A_317 = arith.maximumf %bitcast3A_274, %bitcast3A_305 : vector<32xbf16>
        %max3A_318 = arith.maximumf %bitcast3A_278, %bitcast3A_314 : vector<32xbf16>
        %bitcast3A_319 = vector.bitcast %max3A_315 : vector<32xbf16> to vector<16xi32>
        %swap3A_320 = arith.index_cast %squeeze3A_262 : i32 to index
        %swap3A_321 = arith.constant 0 : index
        %swap3A_322 = tpu.vector_load %arg15[%swap3A_320, %swap3A_321] {strides = array<i32>} : memref<641x64xi32, #tpu.memory_space<vmem>>, vector<16xi32>,
        tpu.vector_store %arg15[%swap3A_320, %swap3A_321], %bitcast3A_319 {strides = array<i32>} : memref<641x64xi32, #tpu.memory_space<vmem>>, vector<16xi32>,
        %bitcast3A_323 = vector.bitcast %max3A_316 : vector<32xbf16> to vector<16xi32>
        %swap3A_324 = arith.index_cast %squeeze3A_262 : i32 to index
        %swap3A_325 = arith.constant 16 : index
        %swap3A_326 = tpu.vector_load %arg15[%swap3A_324, %swap3A_325] {strides = array<i32>} : memref<641x64xi32, #tpu.memory_space<vmem>>, vector<16xi32>,
        tpu.vector_store %arg15[%swap3A_324, %swap3A_325], %bitcast3A_323 {strides = array<i32>} : memref<641x64xi32, #tpu.memory_space<vmem>>, vector<16xi32>,
        %bitcast3A_327 = vector.bitcast %max3A_317 : vector<32xbf16> to vector<16xi32>
        %swap3A_328 = arith.index_cast %squeeze3A_262 : i32 to index
        %swap3A_329 = arith.constant 32 : index
        %swap3A_330 = tpu.vector_load %arg15[%swap3A_328, %swap3A_329] {strides = array<i32>} : memref<641x64xi32, #tpu.memory_space<vmem>>, vector<16xi32>,
        tpu.vector_store %arg15[%swap3A_328, %swap3A_329], %bitcast3A_327 {strides = array<i32>} : memref<641x64xi32, #tpu.memory_space<vmem>>, vector<16xi32>,
        %bitcast3A_331 = vector.bitcast %max3A_318 : vector<32xbf16> to vector<16xi32>
        %swap3A_332 = arith.index_cast %squeeze3A_262 : i32 to index
        %swap3A_333 = arith.constant 48 : index
        %swap3A_334 = tpu.vector_load %arg15[%swap3A_332, %swap3A_333] {strides = array<i32>} : memref<641x64xi32, #tpu.memory_space<vmem>>, vector<16xi32>,
        tpu.vector_store %arg15[%swap3A_332, %swap3A_333], %bitcast3A_331 {strides = array<i32>} : memref<641x64xi32, #tpu.memory_space<vmem>>, vector<16xi32>,
        %slice3A_335 = vector.extract_strided_slice %get3A_191 {offsets = [2], sizes = [1], strides = [1]} : vector<16xi32> to vector<1xi32>
        %squeeze3A_336 = vector.extract %slice3A_335[0] : i32 from vector<1xi32>
        %get3A_337 = arith.index_cast %squeeze3A_336 : i32 to index
        %get3A_338 = arith.constant 0 : index
        %get3A_339 = tpu.vector_load %arg15[%get3A_337, %get3A_338] {strides = array<i32>} : memref<641x64xi32, #tpu.memory_space<vmem>>, vector<16xi32>,
        %bitcast3A_340 = vector.bitcast %get3A_339 : vector<16xi32> to vector<32xbf16>
        %get3A_341 = arith.index_cast %squeeze3A_336 : i32 to index
        %get3A_342 = arith.constant 16 : index
        %get3A_343 = tpu.vector_load %arg15[%get3A_341, %get3A_342] {strides = array<i32>} : memref<641x64xi32, #tpu.memory_space<vmem>>, vector<16xi32>,
        %bitcast3A_344 = vector.bitcast %get3A_343 : vector<16xi32> to vector<32xbf16>
        %get3A_345 = arith.index_cast %squeeze3A_336 : i32 to index
        %get3A_346 = arith.constant 32 : index
        %get3A_347 = tpu.vector_load %arg15[%get3A_345, %get3A_346] {strides = array<i32>} : memref<641x64xi32, #tpu.memory_space<vmem>>, vector<16xi32>,
        %bitcast3A_348 = vector.bitcast %get3A_347 : vector<16xi32> to vector<32xbf16>
        %get3A_349 = arith.index_cast %squeeze3A_336 : i32 to index
        %get3A_350 = arith.constant 48 : index
        %get3A_351 = tpu.vector_load %arg15[%get3A_349, %get3A_350] {strides = array<i32>} : memref<641x64xi32, #tpu.memory_space<vmem>>, vector<16xi32>,
        %bitcast3A_352 = vector.bitcast %get3A_351 : vector<16xi32> to vector<32xbf16>
        %mul3A_353 = arith.constant 16 : i32
        %mul3A_354 = arith.muli %scan3A_187, %mul3A_353 : i32
        %add3A_355 = arith.constant 2 : i32
        %add3A_356 = arith.addi %mul3A_354, %add3A_355 : i32
        %get3A_357 = arith.index_cast %and3A_159 : i32 to index
        %get3A_358 = arith.index_cast %add3A_356 : i32 to index
        %get3A_359 = arith.constant 0 : index
        %get3A_360 = tpu.vector_load %arg14[%get3A_357, %get3A_358, %get3A_359] {strides = array<i32>} : memref<2x64x64xi32, #tpu.memory_space<vmem>>, vector<16xi32>,
        %bitcast3A_361 = vector.bitcast %get3A_360 : vector<16xi32> to vector<32xbf16>
        %mul3A_362 = arith.constant 16 : i32
        %mul3A_363 = arith.muli %scan3A_187, %mul3A_362 : i32
        %add3A_364 = arith.constant 2 : i32
        %add3A_365 = arith.addi %mul3A_363, %add3A_364 : i32
        %get3A_366 = arith.index_cast %and3A_159 : i32 to index
        %get3A_367 = arith.index_cast %add3A_365 : i32 to index
        %get3A_368 = arith.constant 16 : index
        %get3A_369 = tpu.vector_load %arg14[%get3A_366, %get3A_367, %get3A_368] {strides = array<i32>} : memref<2x64x64xi32, #tpu.memory_space<vmem>>, vector<16xi32>,
        %bitcast3A_370 = vector.bitcast %get3A_369 : vector<16xi32> to vector<32xbf16>
        %mul3A_371 = arith.constant 16 : i32
        %mul3A_372 = arith.muli %scan3A_187, %mul3A_371 : i32
        %add3A_373 = arith.constant 2 : i32
        %add3A_374 = arith.addi %mul3A_372, %add3A_373 : i32
        %get3A_375 = arith.index_cast %and3A_159 : i32 to index
        %get3A_376 = arith.index_cast %add3A_374 : i32 to index
        %get3A_377 = arith.constant 32 : index
        %get3A_378 = tpu.vector_load %arg14[%get3A_375, %get3A_376, %get3A_377] {strides = array<i32>} : memref<2x64x64xi32, #tpu.memory_space<vmem>>, vector<16xi32>,
        %bitcast3A_379 = vector.bitcast %get3A_378 : vector<16xi32> to vector<32xbf16>
        %mul3A_380 = arith.constant 16 : i32
        %mul3A_381 = arith.muli %scan3A_187, %mul3A_380 : i32
        %add3A_382 = arith.constant 2 : i32
        %add3A_383 = arith.addi %mul3A_381, %add3A_382 : i32
        %get3A_384 = arith.index_cast %and3A_159 : i32 to index
        %get3A_385 = arith.index_cast %add3A_383 : i32 to index
        %get3A_386 = arith.constant 48 : index
        %get3A_387 = tpu.vector_load %arg14[%get3A_384, %get3A_385, %get3A_386] {strides = array<i32>} : memref<2x64x64xi32, #tpu.memory_space<vmem>>, vector<16xi32>,
        %bitcast3A_388 = vector.bitcast %get3A_387 : vector<16xi32> to vector<32xbf16>
        %max3A_389 = arith.maximumf %bitcast3A_340, %bitcast3A_361 : vector<32xbf16>
        %max3A_390 = arith.maximumf %bitcast3A_344, %bitcast3A_370 : vector<32xbf16>
        %max3A_391 = arith.maximumf %bitcast3A_348, %bitcast3A_379 : vector<32xbf16>
        %max3A_392 = arith.maximumf %bitcast3A_352, %bitcast3A_388 : vector<32xbf16>
        %bitcast3A_393 = vector.bitcast %max3A_389 : vector<32xbf16> to vector<16xi32>
        %swap3A_394 = arith.index_cast %squeeze3A_336 : i32 to index
        %swap3A_395 = arith.constant 0 : index
        %swap3A_396 = tpu.vector_load %arg15[%swap3A_394, %swap3A_395] {strides = array<i32>} : memref<641x64xi32, #tpu.memory_space<vmem>>, vector<16xi32>,
        tpu.vector_store %arg15[%swap3A_394, %swap3A_395], %bitcast3A_393 {strides = array<i32>} : memref<641x64xi32, #tpu.memory_space<vmem>>, vector<16xi32>,
        %bitcast3A_397 = vector.bitcast %max3A_390 : vector<32xbf16> to vector<16xi32>
        %swap3A_398 = arith.index_cast %squeeze3A_336 : i32 to index
        %swap3A_399 = arith.constant 16 : index
        %swap3A_400 = tpu.vector_load %arg15[%swap3A_398, %swap3A_399] {strides = array<i32>} : memref<641x64xi32, #tpu.memory_space<vmem>>, vector<16xi32>,
        tpu.vector_store %arg15[%swap3A_398, %swap3A_399], %bitcast3A_397 {strides = array<i32>} : memref<641x64xi32, #tpu.memory_space<vmem>>, vector<16xi32>,
        %bitcast3A_401 = vector.bitcast %max3A_391 : vector<32xbf16> to vector<16xi32>
        %swap3A_402 = arith.index_cast %squeeze3A_336 : i32 to index
        %swap3A_403 = arith.constant 32 : index
        %swap3A_404 = tpu.vector_load %arg15[%swap3A_402, %swap3A_403] {strides = array<i32>} : memref<641x64xi32, #tpu.memory_space<vmem>>, vector<16xi32>,
        tpu.vector_store %arg15[%swap3A_402, %swap3A_403], %bitcast3A_401 {strides = array<i32>} : memref<641x64xi32, #tpu.memory_space<vmem>>, vector<16xi32>,
        %bitcast3A_405 = vector.bitcast %max3A_392 : vector<32xbf16> to vector<16xi32>
        %swap3A_406 = arith.index_cast %squeeze3A_336 : i32 to index
        %swap3A_407 = arith.constant 48 : index
        %swap3A_408 = tpu.vector_load %arg15[%swap3A_406, %swap3A_407] {strides = array<i32>} : memref<641x64xi32, #tpu.memory_space<vmem>>, vector<16xi32>,
        tpu.vector_store %arg15[%swap3A_406, %swap3A_407], %bitcast3A_405 {strides = array<i32>} : memref<641x64xi32, #tpu.memory_space<vmem>>, vector<16xi32>,
        %slice3A_409 = vector.extract_strided_slice %get3A_191 {offsets = [3], sizes = [1], strides = [1]} : vector<16xi32> to vector<1xi32>
        %squeeze3A_410 = vector.extract %slice3A_409[0] : i32 from vector<1xi32>
        %get3A_411 = arith.index_cast %squeeze3A_410 : i32 to index
        %get3A_412 = arith.constant 0 : index
        %get3A_413 = tpu.vector_load %arg15[%get3A_411, %get3A_412] {strides = array<i32>} : memref<641x64xi32, #tpu.memory_space<vmem>>, vector<16xi32>,
        %bitcast3A_414 = vector.bitcast %get3A_413 : vector<16xi32> to vector<32xbf16>
        %get3A_415 = arith.index_cast %squeeze3A_410 : i32 to index
        %get3A_416 = arith.constant 16 : index
        %get3A_417 = tpu.vector_load %arg15[%get3A_415, %get3A_416] {strides = array<i32>} : memref<641x64xi32, #tpu.memory_space<vmem>>, vector<16xi32>,
        %bitcast3A_418 = vector.bitcast %get3A_417 : vector<16xi32> to vector<32xbf16>
        %get3A_419 = arith.index_cast %squeeze3A_410 : i32 to index
        %get3A_420 = arith.constant 32 : index
        %get3A_421 = tpu.vector_load %arg15[%get3A_419, %get3A_420] {strides = array<i32>} : memref<641x64xi32, #tpu.memory_space<vmem>>, vector<16xi32>,
        %bitcast3A_422 = vector.bitcast %get3A_421 : vector<16xi32> to vector<32xbf16>
        %get3A_423 = arith.index_cast %squeeze3A_410 : i32 to index
        %get3A_424 = arith.constant 48 : index
        %get3A_425 = tpu.vector_load %arg15[%get3A_423, %get3A_424] {strides = array<i32>} : memref<641x64xi32, #tpu.memory_space<vmem>>, vector<16xi32>,
        %bitcast3A_426 = vector.bitcast %get3A_425 : vector<16xi32> to vector<32xbf16>
        %mul3A_427 = arith.constant 16 : i32
        %mul3A_428 = arith.muli %scan3A_187, %mul3A_427 : i32
        %add3A_429 = arith.constant 3 : i32
        %add3A_430 = arith.addi %mul3A_428, %add3A_429 : i32
        %get3A_431 = arith.index_cast %and3A_159 : i32 to index
        %get3A_432 = arith.index_cast %add3A_430 : i32 to index
        %get3A_433 = arith.constant 0 : index
        %get3A_434 = tpu.vector_load %arg14[%get3A_431, %get3A_432, %get3A_433] {strides = array<i32>} : memref<2x64x64xi32, #tpu.memory_space<vmem>>, vector<16xi32>,
        %bitcast3A_435 = vector.bitcast %get3A_434 : vector<16xi32> to vector<32xbf16>
        %mul3A_436 = arith.constant 16 : i32
        %mul3A_437 = arith.muli %scan3A_187, %mul3A_436 : i32
        %add3A_438 = arith.constant 3 : i32
        %add3A_439 = arith.addi %mul3A_437, %add3A_438 : i32
        %get3A_440 = arith.index_cast %and3A_159 : i32 to index
        %get3A_441 = arith.index_cast %add3A_439 : i32 to index
        %get3A_442 = arith.constant 16 : index
        %get3A_443 = tpu.vector_load %arg14[%get3A_440, %get3A_441, %get3A_442] {strides = array<i32>} : memref<2x64x64xi32, #tpu.memory_space<vmem>>, vector<16xi32>,
        %bitcast3A_444 = vector.bitcast %get3A_443 : vector<16xi32> to vector<32xbf16>
        %mul3A_445 = arith.constant 16 : i32
        %mul3A_446 = arith.muli %scan3A_187, %mul3A_445 : i32
        %add3A_447 = arith.constant 3 : i32
        %add3A_448 = arith.addi %mul3A_446, %add3A_447 : i32
        %get3A_449 = arith.index_cast %and3A_159 : i32 to index
        %get3A_450 = arith.index_cast %add3A_448 : i32 to index
        %get3A_451 = arith.constant 32 : index
        %get3A_452 = tpu.vector_load %arg14[%get3A_449, %get3A_450, %get3A_451] {strides = array<i32>} : memref<2x64x64xi32, #tpu.memory_space<vmem>>, vector<16xi32>,
        %bitcast3A_453 = vector.bitcast %get3A_452 : vector<16xi32> to vector<32xbf16>
        %mul3A_454 = arith.constant 16 : i32
        %mul3A_455 = arith.muli %scan3A_187, %mul3A_454 : i32
        %add3A_456 = arith.constant 3 : i32
        %add3A_457 = arith.addi %mul3A_455, %add3A_456 : i32
        %get3A_458 = arith.index_cast %and3A_159 : i32 to index
        %get3A_459 = arith.index_cast %add3A_457 : i32 to index
        %get3A_460 = arith.constant 48 : index
        %get3A_461 = tpu.vector_load %arg14[%get3A_458, %get3A_459, %get3A_460] {strides = array<i32>} : memref<2x64x64xi32, #tpu.memory_space<vmem>>, vector<16xi32>,
        %bitcast3A_462 = vector.bitcast %get3A_461 : vector<16xi32> to vector<32xbf16>
        %max3A_463 = arith.maximumf %bitcast3A_414, %bitcast3A_435 : vector<32xbf16>
        %max3A_464 = arith.maximumf %bitcast3A_418, %bitcast3A_444 : vector<32xbf16>
        %max3A_465 = arith.maximumf %bitcast3A_422, %bitcast3A_453 : vector<32xbf16>
        %max3A_466 = arith.maximumf %bitcast3A_426, %bitcast3A_462 : vector<32xbf16>
        %bitcast3A_467 = vector.bitcast %max3A_463 : vector<32xbf16> to vector<16xi32>
        %swap3A_468 = arith.index_cast %squeeze3A_410 : i32 to index
        %swap3A_469 = arith.constant 0 : index
        %swap3A_470 = tpu.vector_load %arg15[%swap3A_468, %swap3A_469] {strides = array<i32>} : memref<641x64xi32, #tpu.memory_space<vmem>>, vector<16xi32>,
        tpu.vector_store %arg15[%swap3A_468, %swap3A_469], %bitcast3A_467 {strides = array<i32>} : memref<641x64xi32, #tpu.memory_space<vmem>>, vector<16xi32>,
        %bitcast3A_471 = vector.bitcast %max3A_464 : vector<32xbf16> to vector<16xi32>
        %swap3A_472 = arith.index_cast %squeeze3A_410 : i32 to index
        %swap3A_473 = arith.constant 16 : index
        %swap3A_474 = tpu.vector_load %arg15[%swap3A_472, %swap3A_473] {strides = array<i32>} : memref<641x64xi32, #tpu.memory_space<vmem>>, vector<16xi32>,
        tpu.vector_store %arg15[%swap3A_472, %swap3A_473], %bitcast3A_471 {strides = array<i32>} : memref<641x64xi32, #tpu.memory_space<vmem>>, vector<16xi32>,
        %bitcast3A_475 = vector.bitcast %max3A_465 : vector<32xbf16> to vector<16xi32>
        %swap3A_476 = arith.index_cast %squeeze3A_410 : i32 to index
        %swap3A_477 = arith.constant 32 : index
        %swap3A_478 = tpu.vector_load %arg15[%swap3A_476, %swap3A_477] {strides = array<i32>} : memref<641x64xi32, #tpu.memory_space<vmem>>, vector<16xi32>,
        tpu.vector_store %arg15[%swap3A_476, %swap3A_477], %bitcast3A_475 {strides = array<i32>} : memref<641x64xi32, #tpu.memory_space<vmem>>, vector<16xi32>,
        %bitcast3A_479 = vector.bitcast %max3A_466 : vector<32xbf16> to vector<16xi32>
        %swap3A_480 = arith.index_cast %squeeze3A_410 : i32 to index
        %swap3A_481 = arith.constant 48 : index
        %swap3A_482 = tpu.vector_load %arg15[%swap3A_480, %swap3A_481] {strides = array<i32>} : memref<641x64xi32, #tpu.memory_space<vmem>>, vector<16xi32>,
        tpu.vector_store %arg15[%swap3A_480, %swap3A_481], %bitcast3A_479 {strides = array<i32>} : memref<641x64xi32, #tpu.memory_space<vmem>>, vector<16xi32>,
        %slice3A_483 = vector.extract_strided_slice %get3A_191 {offsets = [4], sizes = [1], strides = [1]} : vector<16xi32> to vector<1xi32>
        %squeeze3A_484 = vector.extract %slice3A_483[0] : i32 from vector<1xi32>
        %get3A_485 = arith.index_cast %squeeze3A_484 : i32 to index
        %get3A_486 = arith.constant 0 : index
        %get3A_487 = tpu.vector_load %arg15[%get3A_485, %get3A_486] {strides = array<i32>} : memref<641x64xi32, #tpu.memory_space<vmem>>, vector<16xi32>,
        %bitcast3A_488 = vector.bitcast %get3A_487 : vector<16xi32> to vector<32xbf16>
        %get3A_489 = arith.index_cast %squeeze3A_484 : i32 to index
        %get3A_490 = arith.constant 16 : index
        %get3A_491 = tpu.vector_load %arg15[%get3A_489, %get3A_490] {strides = array<i32>} : memref<641x64xi32, #tpu.memory_space<vmem>>, vector<16xi32>,
        %bitcast3A_492 = vector.bitcast %get3A_491 : vector<16xi32> to vector<32xbf16>
        %get3A_493 = arith.index_cast %squeeze3A_484 : i32 to index
        %get3A_494 = arith.constant 32 : index
        %get3A_495 = tpu.vector_load %arg15[%get3A_493, %get3A_494] {strides = array<i32>} : memref<641x64xi32, #tpu.memory_space<vmem>>, vector<16xi32>,
        %bitcast3A_496 = vector.bitcast %get3A_495 : vector<16xi32> to vector<32xbf16>
        %get3A_497 = arith.index_cast %squeeze3A_484 : i32 to index
        %get3A_498 = arith.constant 48 : index
        %get3A_499 = tpu.vector_load %arg15[%get3A_497, %get3A_498] {strides = array<i32>} : memref<641x64xi32, #tpu.memory_space<vmem>>, vector<16xi32>,
        %bitcast3A_500 = vector.bitcast %get3A_499 : vector<16xi32> to vector<32xbf16>
        %mul3A_501 = arith.constant 16 : i32
        %mul3A_502 = arith.muli %scan3A_187, %mul3A_501 : i32
        %add3A_503 = arith.constant 4 : i32
        %add3A_504 = arith.addi %mul3A_502, %add3A_503 : i32
        %get3A_505 = arith.index_cast %and3A_159 : i32 to index
        %get3A_506 = arith.index_cast %add3A_504 : i32 to index
        %get3A_507 = arith.constant 0 : index
        %get3A_508 = tpu.vector_load %arg14[%get3A_505, %get3A_506, %get3A_507] {strides = array<i32>} : memref<2x64x64xi32, #tpu.memory_space<vmem>>, vector<16xi32>,
        %bitcast3A_509 = vector.bitcast %get3A_508 : vector<16xi32> to vector<32xbf16>
        %mul3A_510 = arith.constant 16 : i32
        %mul3A_511 = arith.muli %scan3A_187, %mul3A_510 : i32
        %add3A_512 = arith.constant 4 : i32
        %add3A_513 = arith.addi %mul3A_511, %add3A_512 : i32
        %get3A_514 = arith.index_cast %and3A_159 : i32 to index
        %get3A_515 = arith.index_cast %add3A_513 : i32 to index
        %get3A_516 = arith.constant 16 : index
        %get3A_517 = tpu.vector_load %arg14[%get3A_514, %get3A_515, %get3A_516] {strides = array<i32>} : memref<2x64x64xi32, #tpu.memory_space<vmem>>, vector<16xi32>,
        %bitcast3A_518 = vector.bitcast %get3A_517 : vector<16xi32> to vector<32xbf16>
        %mul3A_519 = arith.constant 16 : i32
        %mul3A_520 = arith.muli %scan3A_187, %mul3A_519 : i32
        %add3A_521 = arith.constant 4 : i32
        %add3A_522 = arith.addi %mul3A_520, %add3A_521 : i32
        %get3A_523 = arith.index_cast %and3A_159 : i32 to index
        %get3A_524 = arith.index_cast %add3A_522 : i32 to index
        %get3A_525 = arith.constant 32 : index
        %get3A_526 = tpu.vector_load %arg14[%get3A_523, %get3A_524, %get3A_525] {strides = array<i32>} : memref<2x64x64xi32, #tpu.memory_space<vmem>>, vector<16xi32>,
        %bitcast3A_527 = vector.bitcast %get3A_526 : vector<16xi32> to vector<32xbf16>
        %mul3A_528 = arith.constant 16 : i32
        %mul3A_529 = arith.muli %scan3A_187, %mul3A_528 : i32
        %add3A_530 = arith.constant 4 : i32
        %add3A_531 = arith.addi %mul3A_529, %add3A_530 : i32
        %get3A_532 = arith.index_cast %and3A_159 : i32 to index
        %get3A_533 = arith.index_cast %add3A_531 : i32 to index
        %get3A_534 = arith.constant 48 : index
        %get3A_535 = tpu.vector_load %arg14[%get3A_532, %get3A_533, %get3A_534] {strides = array<i32>} : memref<2x64x64xi32, #tpu.memory_space<vmem>>, vector<16xi32>,
        %bitcast3A_536 = vector.bitcast %get3A_535 : vector<16xi32> to vector<32xbf16>
        %max3A_537 = arith.maximumf %bitcast3A_488, %bitcast3A_509 : vector<32xbf16>
        %max3A_538 = arith.maximumf %bitcast3A_492, %bitcast3A_518 : vector<32xbf16>
        %max3A_539 = arith.maximumf %bitcast3A_496, %bitcast3A_527 : vector<32xbf16>
        %max3A_540 = arith.maximumf %bitcast3A_500, %bitcast3A_536 : vector<32xbf16>
        %bitcast3A_541 = vector.bitcast %max3A_537 : vector<32xbf16> to vector<16xi32>
        %swap3A_542 = arith.index_cast %squeeze3A_484 : i32 to index
        %swap3A_543 = arith.constant 0 : index
        %swap3A_544 = tpu.vector_load %arg15[%swap3A_542, %swap3A_543] {strides = array<i32>} : memref<641x64xi32, #tpu.memory_space<vmem>>, vector<16xi32>,
        tpu.vector_store %arg15[%swap3A_542, %swap3A_543], %bitcast3A_541 {strides = array<i32>} : memref<641x64xi32, #tpu.memory_space<vmem>>, vector<16xi32>,
        %bitcast3A_545 = vector.bitcast %max3A_538 : vector<32xbf16> to vector<16xi32>
        %swap3A_546 = arith.index_cast %squeeze3A_484 : i32 to index
        %swap3A_547 = arith.constant 16 : index
        %swap3A_548 = tpu.vector_load %arg15[%swap3A_546, %swap3A_547] {strides = array<i32>} : memref<641x64xi32, #tpu.memory_space<vmem>>, vector<16xi32>,
        tpu.vector_store %arg15[%swap3A_546, %swap3A_547], %bitcast3A_545 {strides = array<i32>} : memref<641x64xi32, #tpu.memory_space<vmem>>, vector<16xi32>,
        %bitcast3A_549 = vector.bitcast %max3A_539 : vector<32xbf16> to vector<16xi32>
        %swap3A_550 = arith.index_cast %squeeze3A_484 : i32 to index
        %swap3A_551 = arith.constant 32 : index
        %swap3A_552 = tpu.vector_load %arg15[%swap3A_550, %swap3A_551] {strides = array<i32>} : memref<641x64xi32, #tpu.memory_space<vmem>>, vector<16xi32>,
        tpu.vector_store %arg15[%swap3A_550, %swap3A_551], %bitcast3A_549 {strides = array<i32>} : memref<641x64xi32, #tpu.memory_space<vmem>>, vector<16xi32>,
        %bitcast3A_553 = vector.bitcast %max3A_540 : vector<32xbf16> to vector<16xi32>
        %swap3A_554 = arith.index_cast %squeeze3A_484 : i32 to index
        %swap3A_555 = arith.constant 48 : index
        %swap3A_556 = tpu.vector_load %arg15[%swap3A_554, %swap3A_555] {strides = array<i32>} : memref<641x64xi32, #tpu.memory_space<vmem>>, vector<16xi32>,
        tpu.vector_store %arg15[%swap3A_554, %swap3A_555], %bitcast3A_553 {strides = array<i32>} : memref<641x64xi32, #tpu.memory_space<vmem>>, vector<16xi32>,
        %slice3A_557 = vector.extract_strided_slice %get3A_191 {offsets = [5], sizes = [1], strides = [1]} : vector<16xi32> to vector<1xi32>
        %squeeze3A_558 = vector.extract %slice3A_557[0] : i32 from vector<1xi32>
        %get3A_559 = arith.index_cast %squeeze3A_558 : i32 to index
        %get3A_560 = arith.constant 0 : index
        %get3A_561 = tpu.vector_load %arg15[%get3A_559, %get3A_560] {strides = array<i32>} : memref<641x64xi32, #tpu.memory_space<vmem>>, vector<16xi32>,
        %bitcast3A_562 = vector.bitcast %get3A_561 : vector<16xi32> to vector<32xbf16>
        %get3A_563 = arith.index_cast %squeeze3A_558 : i32 to index
        %get3A_564 = arith.constant 16 : index
        %get3A_565 = tpu.vector_load %arg15[%get3A_563, %get3A_564] {strides = array<i32>} : memref<641x64xi32, #tpu.memory_space<vmem>>, vector<16xi32>,
        %bitcast3A_566 = vector.bitcast %get3A_565 : vector<16xi32> to vector<32xbf16>
        %get3A_567 = arith.index_cast %squeeze3A_558 : i32 to index
        %get3A_568 = arith.constant 32 : index
        %get3A_569 = tpu.vector_load %arg15[%get3A_567, %get3A_568] {strides = array<i32>} : memref<641x64xi32, #tpu.memory_space<vmem>>, vector<16xi32>,
        %bitcast3A_570 = vector.bitcast %get3A_569 : vector<16xi32> to vector<32xbf16>
        %get3A_571 = arith.index_cast %squeeze3A_558 : i32 to index
        %get3A_572 = arith.constant 48 : index
        %get3A_573 = tpu.vector_load %arg15[%get3A_571, %get3A_572] {strides = array<i32>} : memref<641x64xi32, #tpu.memory_space<vmem>>, vector<16xi32>,
        %bitcast3A_574 = vector.bitcast %get3A_573 : vector<16xi32> to vector<32xbf16>
        %mul3A_575 = arith.constant 16 : i32
        %mul3A_576 = arith.muli %scan3A_187, %mul3A_575 : i32
        %add3A_577 = arith.constant 5 : i32
        %add3A_578 = arith.addi %mul3A_576, %add3A_577 : i32
        %get3A_579 = arith.index_cast %and3A_159 : i32 to index
        %get3A_580 = arith.index_cast %add3A_578 : i32 to index
        %get3A_581 = arith.constant 0 : index
        %get3A_582 = tpu.vector_load %arg14[%get3A_579, %get3A_580, %get3A_581] {strides = array<i32>} : memref<2x64x64xi32, #tpu.memory_space<vmem>>, vector<16xi32>,
        %bitcast3A_583 = vector.bitcast %get3A_582 : vector<16xi32> to vector<32xbf16>
        %mul3A_584 = arith.constant 16 : i32
        %mul3A_585 = arith.muli %scan3A_187, %mul3A_584 : i32
        %add3A_586 = arith.constant 5 : i32
        %add3A_587 = arith.addi %mul3A_585, %add3A_586 : i32
        %get3A_588 = arith.index_cast %and3A_159 : i32 to index
        %get3A_589 = arith.index_cast %add3A_587 : i32 to index
        %get3A_590 = arith.constant 16 : index
        %get3A_591 = tpu.vector_load %arg14[%get3A_588, %get3A_589, %get3A_590] {strides = array<i32>} : memref<2x64x64xi32, #tpu.memory_space<vmem>>, vector<16xi32>,
        %bitcast3A_592 = vector.bitcast %get3A_591 : vector<16xi32> to vector<32xbf16>
        %mul3A_593 = arith.constant 16 : i32
        %mul3A_594 = arith.muli %scan3A_187, %mul3A_593 : i32
        %add3A_595 = arith.constant 5 : i32
        %add3A_596 = arith.addi %mul3A_594, %add3A_595 : i32
        %get3A_597 = arith.index_cast %and3A_159 : i32 to index
        %get3A_598 = arith.index_cast %add3A_596 : i32 to index
        %get3A_599 = arith.constant 32 : index
        %get3A_600 = tpu.vector_load %arg14[%get3A_597, %get3A_598, %get3A_599] {strides = array<i32>} : memref<2x64x64xi32, #tpu.memory_space<vmem>>, vector<16xi32>,
        %bitcast3A_601 = vector.bitcast %get3A_600 : vector<16xi32> to vector<32xbf16>
        %mul3A_602 = arith.constant 16 : i32
        %mul3A_603 = arith.muli %scan3A_187, %mul3A_602 : i32
        %add3A_604 = arith.constant 5 : i32
        %add3A_605 = arith.addi %mul3A_603, %add3A_604 : i32
        %get3A_606 = arith.index_cast %and3A_159 : i32 to index
        %get3A_607 = arith.index_cast %add3A_605 : i32 to index
        %get3A_608 = arith.constant 48 : index
        %get3A_609 = tpu.vector_load %arg14[%get3A_606, %get3A_607, %get3A_608] {strides = array<i32>} : memref<2x64x64xi32, #tpu.memory_space<vmem>>, vector<16xi32>,
        %bitcast3A_610 = vector.bitcast %get3A_609 : vector<16xi32> to vector<32xbf16>
        %max3A_611 = arith.maximumf %bitcast3A_562, %bitcast3A_583 : vector<32xbf16>
        %max3A_612 = arith.maximumf %bitcast3A_566, %bitcast3A_592 : vector<32xbf16>
        %max3A_613 = arith.maximumf %bitcast3A_570, %bitcast3A_601 : vector<32xbf16>
        %max3A_614 = arith.maximumf %bitcast3A_574, %bitcast3A_610 : vector<32xbf16>
        %bitcast3A_615 = vector.bitcast %max3A_611 : vector<32xbf16> to vector<16xi32>
        %swap3A_616 = arith.index_cast %squeeze3A_558 : i32 to index
        %swap3A_617 = arith.constant 0 : index
        %swap3A_618 = tpu.vector_load %arg15[%swap3A_616, %swap3A_617] {strides = array<i32>} : memref<641x64xi32, #tpu.memory_space<vmem>>, vector<16xi32>,
        tpu.vector_store %arg15[%swap3A_616, %swap3A_617], %bitcast3A_615 {strides = array<i32>} : memref<641x64xi32, #tpu.memory_space<vmem>>, vector<16xi32>,
        %bitcast3A_619 = vector.bitcast %max3A_612 : vector<32xbf16> to vector<16xi32>
        %swap3A_620 = arith.index_cast %squeeze3A_558 : i32 to index
        %swap3A_621 = arith.constant 16 : index
        %swap3A_622 = tpu.vector_load %arg15[%swap3A_620, %swap3A_621] {strides = array<i32>} : memref<641x64xi32, #tpu.memory_space<vmem>>, vector<16xi32>,
        tpu.vector_store %arg15[%swap3A_620, %swap3A_621], %bitcast3A_619 {strides = array<i32>} : memref<641x64xi32, #tpu.memory_space<vmem>>, vector<16xi32>,
        %bitcast3A_623 = vector.bitcast %max3A_613 : vector<32xbf16> to vector<16xi32>
        %swap3A_624 = arith.index_cast %squeeze3A_558 : i32 to index
        %swap3A_625 = arith.constant 32 : index
        %swap3A_626 = tpu.vector_load %arg15[%swap3A_624, %swap3A_625] {strides = array<i32>} : memref<641x64xi32, #tpu.memory_space<vmem>>, vector<16xi32>,
        tpu.vector_store %arg15[%swap3A_624, %swap3A_625], %bitcast3A_623 {strides = array<i32>} : memref<641x64xi32, #tpu.memory_space<vmem>>, vector<16xi32>,
        %bitcast3A_627 = vector.bitcast %max3A_614 : vector<32xbf16> to vector<16xi32>
        %swap3A_628 = arith.index_cast %squeeze3A_558 : i32 to index
        %swap3A_629 = arith.constant 48 : index
        %swap3A_630 = tpu.vector_load %arg15[%swap3A_628, %swap3A_629] {strides = array<i32>} : memref<641x64xi32, #tpu.memory_space<vmem>>, vector<16xi32>,
        tpu.vector_store %arg15[%swap3A_628, %swap3A_629], %bitcast3A_627 {strides = array<i32>} : memref<641x64xi32, #tpu.memory_space<vmem>>, vector<16xi32>,
        %slice3A_631 = vector.extract_strided_slice %get3A_191 {offsets = [6], sizes = [1], strides = [1]} : vector<16xi32> to vector<1xi32>
        %squeeze3A_632 = vector.extract %slice3A_631[0] : i32 from vector<1xi32>
        %get3A_633 = arith.index_cast %squeeze3A_632 : i32 to index
        %get3A_634 = arith.constant 0 : index
        %get3A_635 = tpu.vector_load %arg15[%get3A_633, %get3A_634] {strides = array<i32>} : memref<641x64xi32, #tpu.memory_space<vmem>>, vector<16xi32>,
        %bitcast3A_636 = vector.bitcast %get3A_635 : vector<16xi32> to vector<32xbf16>
        %get3A_637 = arith.index_cast %squeeze3A_632 : i32 to index
        %get3A_638 = arith.constant 16 : index
        %get3A_639 = tpu.vector_load %arg15[%get3A_637, %get3A_638] {strides = array<i32>} : memref<641x64xi32, #tpu.memory_space<vmem>>, vector<16xi32>,
        %bitcast3A_640 = vector.bitcast %get3A_639 : vector<16xi32> to vector<32xbf16>
        %get3A_641 = arith.index_cast %squeeze3A_632 : i32 to index
        %get3A_642 = arith.constant 32 : index
        %get3A_643 = tpu.vector_load %arg15[%get3A_641, %get3A_642] {strides = array<i32>} : memref<641x64xi32, #tpu.memory_space<vmem>>, vector<16xi32>,
        %bitcast3A_644 = vector.bitcast %get3A_643 : vector<16xi32> to vector<32xbf16>
        %get3A_645 = arith.index_cast %squeeze3A_632 : i32 to index
        %get3A_646 = arith.constant 48 : index
        %get3A_647 = tpu.vector_load %arg15[%get3A_645, %get3A_646] {strides = array<i32>} : memref<641x64xi32, #tpu.memory_space<vmem>>, vector<16xi32>,
        %bitcast3A_648 = vector.bitcast %get3A_647 : vector<16xi32> to vector<32xbf16>
        %mul3A_649 = arith.constant 16 : i32
        %mul3A_650 = arith.muli %scan3A_187, %mul3A_649 : i32
        %add3A_651 = arith.constant 6 : i32
        %add3A_652 = arith.addi %mul3A_650, %add3A_651 : i32
        %get3A_653 = arith.index_cast %and3A_159 : i32 to index
        %get3A_654 = arith.index_cast %add3A_652 : i32 to index
        %get3A_655 = arith.constant 0 : index
        %get3A_656 = tpu.vector_load %arg14[%get3A_653, %get3A_654, %get3A_655] {strides = array<i32>} : memref<2x64x64xi32, #tpu.memory_space<vmem>>, vector<16xi32>,
        %bitcast3A_657 = vector.bitcast %get3A_656 : vector<16xi32> to vector<32xbf16>
        %mul3A_658 = arith.constant 16 : i32
        %mul3A_659 = arith.muli %scan3A_187, %mul3A_658 : i32
        %add3A_660 = arith.constant 6 : i32
        %add3A_661 = arith.addi %mul3A_659, %add3A_660 : i32
        %get3A_662 = arith.index_cast %and3A_159 : i32 to index
        %get3A_663 = arith.index_cast %add3A_661 : i32 to index
        %get3A_664 = arith.constant 16 : index
        %get3A_665 = tpu.vector_load %arg14[%get3A_662, %get3A_663, %get3A_664] {strides = array<i32>} : memref<2x64x64xi32, #tpu.memory_space<vmem>>, vector<16xi32>,
        %bitcast3A_666 = vector.bitcast %get3A_665 : vector<16xi32> to vector<32xbf16>
        %mul3A_667 = arith.constant 16 : i32
        %mul3A_668 = arith.muli %scan3A_187, %mul3A_667 : i32
        %add3A_669 = arith.constant 6 : i32
        %add3A_670 = arith.addi %mul3A_668, %add3A_669 : i32
        %get3A_671 = arith.index_cast %and3A_159 : i32 to index
        %get3A_672 = arith.index_cast %add3A_670 : i32 to index
        %get3A_673 = arith.constant 32 : index
        %get3A_674 = tpu.vector_load %arg14[%get3A_671, %get3A_672, %get3A_673] {strides = array<i32>} : memref<2x64x64xi32, #tpu.memory_space<vmem>>, vector<16xi32>,
        %bitcast3A_675 = vector.bitcast %get3A_674 : vector<16xi32> to vector<32xbf16>
        %mul3A_676 = arith.constant 16 : i32
        %mul3A_677 = arith.muli %scan3A_187, %mul3A_676 : i32
        %add3A_678 = arith.constant 6 : i32
        %add3A_679 = arith.addi %mul3A_677, %add3A_678 : i32
        %get3A_680 = arith.index_cast %and3A_159 : i32 to index
        %get3A_681 = arith.index_cast %add3A_679 : i32 to index
        %get3A_682 = arith.constant 48 : index
        %get3A_683 = tpu.vector_load %arg14[%get3A_680, %get3A_681, %get3A_682] {strides = array<i32>} : memref<2x64x64xi32, #tpu.memory_space<vmem>>, vector<16xi32>,
        %bitcast3A_684 = vector.bitcast %get3A_683 : vector<16xi32> to vector<32xbf16>
        %max3A_685 = arith.maximumf %bitcast3A_636, %bitcast3A_657 : vector<32xbf16>
        %max3A_686 = arith.maximumf %bitcast3A_640, %bitcast3A_666 : vector<32xbf16>
        %max3A_687 = arith.maximumf %bitcast3A_644, %bitcast3A_675 : vector<32xbf16>
        %max3A_688 = arith.maximumf %bitcast3A_648, %bitcast3A_684 : vector<32xbf16>
        %bitcast3A_689 = vector.bitcast %max3A_685 : vector<32xbf16> to vector<16xi32>
        %swap3A_690 = arith.index_cast %squeeze3A_632 : i32 to index
        %swap3A_691 = arith.constant 0 : index
        %swap3A_692 = tpu.vector_load %arg15[%swap3A_690, %swap3A_691] {strides = array<i32>} : memref<641x64xi32, #tpu.memory_space<vmem>>, vector<16xi32>,
        tpu.vector_store %arg15[%swap3A_690, %swap3A_691], %bitcast3A_689 {strides = array<i32>} : memref<641x64xi32, #tpu.memory_space<vmem>>, vector<16xi32>,
        %bitcast3A_693 = vector.bitcast %max3A_686 : vector<32xbf16> to vector<16xi32>
        %swap3A_694 = arith.index_cast %squeeze3A_632 : i32 to index
        %swap3A_695 = arith.constant 16 : index
        %swap3A_696 = tpu.vector_load %arg15[%swap3A_694, %swap3A_695] {strides = array<i32>} : memref<641x64xi32, #tpu.memory_space<vmem>>, vector<16xi32>,
        tpu.vector_store %arg15[%swap3A_694, %swap3A_695], %bitcast3A_693 {strides = array<i32>} : memref<641x64xi32, #tpu.memory_space<vmem>>, vector<16xi32>,
        %bitcast3A_697 = vector.bitcast %max3A_687 : vector<32xbf16> to vector<16xi32>
        %swap3A_698 = arith.index_cast %squeeze3A_632 : i32 to index
        %swap3A_699 = arith.constant 32 : index
        %swap3A_700 = tpu.vector_load %arg15[%swap3A_698, %swap3A_699] {strides = array<i32>} : memref<641x64xi32, #tpu.memory_space<vmem>>, vector<16xi32>,
        tpu.vector_store %arg15[%swap3A_698, %swap3A_699], %bitcast3A_697 {strides = array<i32>} : memref<641x64xi32, #tpu.memory_space<vmem>>, vector<16xi32>,
        %bitcast3A_701 = vector.bitcast %max3A_688 : vector<32xbf16> to vector<16xi32>
        %swap3A_702 = arith.index_cast %squeeze3A_632 : i32 to index
        %swap3A_703 = arith.constant 48 : index
        %swap3A_704 = tpu.vector_load %arg15[%swap3A_702, %swap3A_703] {strides = array<i32>} : memref<641x64xi32, #tpu.memory_space<vmem>>, vector<16xi32>,
        tpu.vector_store %arg15[%swap3A_702, %swap3A_703], %bitcast3A_701 {strides = array<i32>} : memref<641x64xi32, #tpu.memory_space<vmem>>, vector<16xi32>,
        %slice3A_705 = vector.extract_strided_slice %get3A_191 {offsets = [7], sizes = [1], strides = [1]} : vector<16xi32> to vector<1xi32>
        %squeeze3A_706 = vector.extract %slice3A_705[0] : i32 from vector<1xi32>
        %get3A_707 = arith.index_cast %squeeze3A_706 : i32 to index
        %get3A_708 = arith.constant 0 : index
        %get3A_709 = tpu.vector_load %arg15[%get3A_707, %get3A_708] {strides = array<i32>} : memref<641x64xi32, #tpu.memory_space<vmem>>, vector<16xi32>,
        %bitcast3A_710 = vector.bitcast %get3A_709 : vector<16xi32> to vector<32xbf16>
        %get3A_711 = arith.index_cast %squeeze3A_706 : i32 to index
        %get3A_712 = arith.constant 16 : index
        %get3A_713 = tpu.vector_load %arg15[%get3A_711, %get3A_712] {strides = array<i32>} : memref<641x64xi32, #tpu.memory_space<vmem>>, vector<16xi32>,
        %bitcast3A_714 = vector.bitcast %get3A_713 : vector<16xi32> to vector<32xbf16>
        %get3A_715 = arith.index_cast %squeeze3A_706 : i32 to index
        %get3A_716 = arith.constant 32 : index
        %get3A_717 = tpu.vector_load %arg15[%get3A_715, %get3A_716] {strides = array<i32>} : memref<641x64xi32, #tpu.memory_space<vmem>>, vector<16xi32>,
        %bitcast3A_718 = vector.bitcast %get3A_717 : vector<16xi32> to vector<32xbf16>
        %get3A_719 = arith.index_cast %squeeze3A_706 : i32 to index
        %get3A_720 = arith.constant 48 : index
        %get3A_721 = tpu.vector_load %arg15[%get3A_719, %get3A_720] {strides = array<i32>} : memref<641x64xi32, #tpu.memory_space<vmem>>, vector<16xi32>,
        %bitcast3A_722 = vector.bitcast %get3A_721 : vector<16xi32> to vector<32xbf16>
        %mul3A_723 = arith.constant 16 : i32
        %mul3A_724 = arith.muli %scan3A_187, %mul3A_723 : i32
        %add3A_725 = arith.constant 7 : i32
        %add3A_726 = arith.addi %mul3A_724, %add3A_725 : i32
        %get3A_727 = arith.index_cast %and3A_159 : i32 to index
        %get3A_728 = arith.index_cast %add3A_726 : i32 to index
        %get3A_729 = arith.constant 0 : index
        %get3A_730 = tpu.vector_load %arg14[%get3A_727, %get3A_728, %get3A_729] {strides = array<i32>} : memref<2x64x64xi32, #tpu.memory_space<vmem>>, vector<16xi32>,
        %bitcast3A_731 = vector.bitcast %get3A_730 : vector<16xi32> to vector<32xbf16>
        %mul3A_732 = arith.constant 16 : i32
        %mul3A_733 = arith.muli %scan3A_187, %mul3A_732 : i32
        %add3A_734 = arith.constant 7 : i32
        %add3A_735 = arith.addi %mul3A_733, %add3A_734 : i32
        %get3A_736 = arith.index_cast %and3A_159 : i32 to index
        %get3A_737 = arith.index_cast %add3A_735 : i32 to index
        %get3A_738 = arith.constant 16 : index
        %get3A_739 = tpu.vector_load %arg14[%get3A_736, %get3A_737, %get3A_738] {strides = array<i32>} : memref<2x64x64xi32, #tpu.memory_space<vmem>>, vector<16xi32>,
        %bitcast3A_740 = vector.bitcast %get3A_739 : vector<16xi32> to vector<32xbf16>
        %mul3A_741 = arith.constant 16 : i32
        %mul3A_742 = arith.muli %scan3A_187, %mul3A_741 : i32
        %add3A_743 = arith.constant 7 : i32
        %add3A_744 = arith.addi %mul3A_742, %add3A_743 : i32
        %get3A_745 = arith.index_cast %and3A_159 : i32 to index
        %get3A_746 = arith.index_cast %add3A_744 : i32 to index
        %get3A_747 = arith.constant 32 : index
        %get3A_748 = tpu.vector_load %arg14[%get3A_745, %get3A_746, %get3A_747] {strides = array<i32>} : memref<2x64x64xi32, #tpu.memory_space<vmem>>, vector<16xi32>,
        %bitcast3A_749 = vector.bitcast %get3A_748 : vector<16xi32> to vector<32xbf16>
        %mul3A_750 = arith.constant 16 : i32
        %mul3A_751 = arith.muli %scan3A_187, %mul3A_750 : i32
        %add3A_752 = arith.constant 7 : i32
        %add3A_753 = arith.addi %mul3A_751, %add3A_752 : i32
        %get3A_754 = arith.index_cast %and3A_159 : i32 to index
        %get3A_755 = arith.index_cast %add3A_753 : i32 to index
        %get3A_756 = arith.constant 48 : index
        %get3A_757 = tpu.vector_load %arg14[%get3A_754, %get3A_755, %get3A_756] {strides = array<i32>} : memref<2x64x64xi32, #tpu.memory_space<vmem>>, vector<16xi32>,
        %bitcast3A_758 = vector.bitcast %get3A_757 : vector<16xi32> to vector<32xbf16>
        %max3A_759 = arith.maximumf %bitcast3A_710, %bitcast3A_731 : vector<32xbf16>
        %max3A_760 = arith.maximumf %bitcast3A_714, %bitcast3A_740 : vector<32xbf16>
        %max3A_761 = arith.maximumf %bitcast3A_718, %bitcast3A_749 : vector<32xbf16>
        %max3A_762 = arith.maximumf %bitcast3A_722, %bitcast3A_758 : vector<32xbf16>
        %bitcast3A_763 = vector.bitcast %max3A_759 : vector<32xbf16> to vector<16xi32>
        %swap3A_764 = arith.index_cast %squeeze3A_706 : i32 to index
        %swap3A_765 = arith.constant 0 : index
        %swap3A_766 = tpu.vector_load %arg15[%swap3A_764, %swap3A_765] {strides = array<i32>} : memref<641x64xi32, #tpu.memory_space<vmem>>, vector<16xi32>,
        tpu.vector_store %arg15[%swap3A_764, %swap3A_765], %bitcast3A_763 {strides = array<i32>} : memref<641x64xi32, #tpu.memory_space<vmem>>, vector<16xi32>,
        %bitcast3A_767 = vector.bitcast %max3A_760 : vector<32xbf16> to vector<16xi32>
        %swap3A_768 = arith.index_cast %squeeze3A_706 : i32 to index
        %swap3A_769 = arith.constant 16 : index
        %swap3A_770 = tpu.vector_load %arg15[%swap3A_768, %swap3A_769] {strides = array<i32>} : memref<641x64xi32, #tpu.memory_space<vmem>>, vector<16xi32>,
        tpu.vector_store %arg15[%swap3A_768, %swap3A_769], %bitcast3A_767 {strides = array<i32>} : memref<641x64xi32, #tpu.memory_space<vmem>>, vector<16xi32>,
        %bitcast3A_771 = vector.bitcast %max3A_761 : vector<32xbf16> to vector<16xi32>
        %swap3A_772 = arith.index_cast %squeeze3A_706 : i32 to index
        %swap3A_773 = arith.constant 32 : index
        %swap3A_774 = tpu.vector_load %arg15[%swap3A_772, %swap3A_773] {strides = array<i32>} : memref<641x64xi32, #tpu.memory_space<vmem>>, vector<16xi32>,
        tpu.vector_store %arg15[%swap3A_772, %swap3A_773], %bitcast3A_771 {strides = array<i32>} : memref<641x64xi32, #tpu.memory_space<vmem>>, vector<16xi32>,
        %bitcast3A_775 = vector.bitcast %max3A_762 : vector<32xbf16> to vector<16xi32>
        %swap3A_776 = arith.index_cast %squeeze3A_706 : i32 to index
        %swap3A_777 = arith.constant 48 : index
        %swap3A_778 = tpu.vector_load %arg15[%swap3A_776, %swap3A_777] {strides = array<i32>} : memref<641x64xi32, #tpu.memory_space<vmem>>, vector<16xi32>,
        tpu.vector_store %arg15[%swap3A_776, %swap3A_777], %bitcast3A_775 {strides = array<i32>} : memref<641x64xi32, #tpu.memory_space<vmem>>, vector<16xi32>,
        %slice3A_779 = vector.extract_strided_slice %get3A_191 {offsets = [8], sizes = [1], strides = [1]} : vector<16xi32> to vector<1xi32>
        %squeeze3A_780 = vector.extract %slice3A_779[0] : i32 from vector<1xi32>
        %get3A_781 = arith.index_cast %squeeze3A_780 : i32 to index
        %get3A_782 = arith.constant 0 : index
        %get3A_783 = tpu.vector_load %arg15[%get3A_781, %get3A_782] {strides = array<i32>} : memref<641x64xi32, #tpu.memory_space<vmem>>, vector<16xi32>,
        %bitcast3A_784 = vector.bitcast %get3A_783 : vector<16xi32> to vector<32xbf16>
        %get3A_785 = arith.index_cast %squeeze3A_780 : i32 to index
        %get3A_786 = arith.constant 16 : index
        %get3A_787 = tpu.vector_load %arg15[%get3A_785, %get3A_786] {strides = array<i32>} : memref<641x64xi32, #tpu.memory_space<vmem>>, vector<16xi32>,
        %bitcast3A_788 = vector.bitcast %get3A_787 : vector<16xi32> to vector<32xbf16>
        %get3A_789 = arith.index_cast %squeeze3A_780 : i32 to index
        %get3A_790 = arith.constant 32 : index
        %get3A_791 = tpu.vector_load %arg15[%get3A_789, %get3A_790] {strides = array<i32>} : memref<641x64xi32, #tpu.memory_space<vmem>>, vector<16xi32>,
        %bitcast3A_792 = vector.bitcast %get3A_791 : vector<16xi32> to vector<32xbf16>
        %get3A_793 = arith.index_cast %squeeze3A_780 : i32 to index
        %get3A_794 = arith.constant 48 : index
        %get3A_795 = tpu.vector_load %arg15[%get3A_793, %get3A_794] {strides = array<i32>} : memref<641x64xi32, #tpu.memory_space<vmem>>, vector<16xi32>,
        %bitcast3A_796 = vector.bitcast %get3A_795 : vector<16xi32> to vector<32xbf16>
        %mul3A_797 = arith.constant 16 : i32
        %mul3A_798 = arith.muli %scan3A_187, %mul3A_797 : i32
        %add3A_799 = arith.constant 8 : i32
        %add3A_800 = arith.addi %mul3A_798, %add3A_799 : i32
        %get3A_801 = arith.index_cast %and3A_159 : i32 to index
        %get3A_802 = arith.index_cast %add3A_800 : i32 to index
        %get3A_803 = arith.constant 0 : index
        %get3A_804 = tpu.vector_load %arg14[%get3A_801, %get3A_802, %get3A_803] {strides = array<i32>} : memref<2x64x64xi32, #tpu.memory_space<vmem>>, vector<16xi32>,
        %bitcast3A_805 = vector.bitcast %get3A_804 : vector<16xi32> to vector<32xbf16>
        %mul3A_806 = arith.constant 16 : i32
        %mul3A_807 = arith.muli %scan3A_187, %mul3A_806 : i32
        %add3A_808 = arith.constant 8 : i32
        %add3A_809 = arith.addi %mul3A_807, %add3A_808 : i32
        %get3A_810 = arith.index_cast %and3A_159 : i32 to index
        %get3A_811 = arith.index_cast %add3A_809 : i32 to index
        %get3A_812 = arith.constant 16 : index
        %get3A_813 = tpu.vector_load %arg14[%get3A_810, %get3A_811, %get3A_812] {strides = array<i32>} : memref<2x64x64xi32, #tpu.memory_space<vmem>>, vector<16xi32>,
        %bitcast3A_814 = vector.bitcast %get3A_813 : vector<16xi32> to vector<32xbf16>
        %mul3A_815 = arith.constant 16 : i32
        %mul3A_816 = arith.muli %scan3A_187, %mul3A_815 : i32
        %add3A_817 = arith.constant 8 : i32
        %add3A_818 = arith.addi %mul3A_816, %add3A_817 : i32
        %get3A_819 = arith.index_cast %and3A_159 : i32 to index
        %get3A_820 = arith.index_cast %add3A_818 : i32 to index
        %get3A_821 = arith.constant 32 : index
        %get3A_822 = tpu.vector_load %arg14[%get3A_819, %get3A_820, %get3A_821] {strides = array<i32>} : memref<2x64x64xi32, #tpu.memory_space<vmem>>, vector<16xi32>,
        %bitcast3A_823 = vector.bitcast %get3A_822 : vector<16xi32> to vector<32xbf16>
        %mul3A_824 = arith.constant 16 : i32
        %mul3A_825 = arith.muli %scan3A_187, %mul3A_824 : i32
        %add3A_826 = arith.constant 8 : i32
        %add3A_827 = arith.addi %mul3A_825, %add3A_826 : i32
        %get3A_828 = arith.index_cast %and3A_159 : i32 to index
        %get3A_829 = arith.index_cast %add3A_827 : i32 to index
        %get3A_830 = arith.constant 48 : index
        %get3A_831 = tpu.vector_load %arg14[%get3A_828, %get3A_829, %get3A_830] {strides = array<i32>} : memref<2x64x64xi32, #tpu.memory_space<vmem>>, vector<16xi32>,
        %bitcast3A_832 = vector.bitcast %get3A_831 : vector<16xi32> to vector<32xbf16>
        %max3A_833 = arith.maximumf %bitcast3A_784, %bitcast3A_805 : vector<32xbf16>
        %max3A_834 = arith.maximumf %bitcast3A_788, %bitcast3A_814 : vector<32xbf16>
        %max3A_835 = arith.maximumf %bitcast3A_792, %bitcast3A_823 : vector<32xbf16>
        %max3A_836 = arith.maximumf %bitcast3A_796, %bitcast3A_832 : vector<32xbf16>
        %bitcast3A_837 = vector.bitcast %max3A_833 : vector<32xbf16> to vector<16xi32>
        %swap3A_838 = arith.index_cast %squeeze3A_780 : i32 to index
        %swap3A_839 = arith.constant 0 : index
        %swap3A_840 = tpu.vector_load %arg15[%swap3A_838, %swap3A_839] {strides = array<i32>} : memref<641x64xi32, #tpu.memory_space<vmem>>, vector<16xi32>,
        tpu.vector_store %arg15[%swap3A_838, %swap3A_839], %bitcast3A_837 {strides = array<i32>} : memref<641x64xi32, #tpu.memory_space<vmem>>, vector<16xi32>,
        %bitcast3A_841 = vector.bitcast %max3A_834 : vector<32xbf16> to vector<16xi32>
        %swap3A_842 = arith.index_cast %squeeze3A_780 : i32 to index
        %swap3A_843 = arith.constant 16 : index
        %swap3A_844 = tpu.vector_load %arg15[%swap3A_842, %swap3A_843] {strides = array<i32>} : memref<641x64xi32, #tpu.memory_space<vmem>>, vector<16xi32>,
        tpu.vector_store %arg15[%swap3A_842, %swap3A_843], %bitcast3A_841 {strides = array<i32>} : memref<641x64xi32, #tpu.memory_space<vmem>>, vector<16xi32>,
        %bitcast3A_845 = vector.bitcast %max3A_835 : vector<32xbf16> to vector<16xi32>
        %swap3A_846 = arith.index_cast %squeeze3A_780 : i32 to index
        %swap3A_847 = arith.constant 32 : index
        %swap3A_848 = tpu.vector_load %arg15[%swap3A_846, %swap3A_847] {strides = array<i32>} : memref<641x64xi32, #tpu.memory_space<vmem>>, vector<16xi32>,
        tpu.vector_store %arg15[%swap3A_846, %swap3A_847], %bitcast3A_845 {strides = array<i32>} : memref<641x64xi32, #tpu.memory_space<vmem>>, vector<16xi32>,
        %bitcast3A_849 = vector.bitcast %max3A_836 : vector<32xbf16> to vector<16xi32>
        %swap3A_850 = arith.index_cast %squeeze3A_780 : i32 to index
        %swap3A_851 = arith.constant 48 : index
        %swap3A_852 = tpu.vector_load %arg15[%swap3A_850, %swap3A_851] {strides = array<i32>} : memref<641x64xi32, #tpu.memory_space<vmem>>, vector<16xi32>,
        tpu.vector_store %arg15[%swap3A_850, %swap3A_851], %bitcast3A_849 {strides = array<i32>} : memref<641x64xi32, #tpu.memory_space<vmem>>, vector<16xi32>,
        %slice3A_853 = vector.extract_strided_slice %get3A_191 {offsets = [9], sizes = [1], strides = [1]} : vector<16xi32> to vector<1xi32>
        %squeeze3A_854 = vector.extract %slice3A_853[0] : i32 from vector<1xi32>
        %get3A_855 = arith.index_cast %squeeze3A_854 : i32 to index
        %get3A_856 = arith.constant 0 : index
        %get3A_857 = tpu.vector_load %arg15[%get3A_855, %get3A_856] {strides = array<i32>} : memref<641x64xi32, #tpu.memory_space<vmem>>, vector<16xi32>,
        %bitcast3A_858 = vector.bitcast %get3A_857 : vector<16xi32> to vector<32xbf16>
        %get3A_859 = arith.index_cast %squeeze3A_854 : i32 to index
        %get3A_860 = arith.constant 16 : index
        %get3A_861 = tpu.vector_load %arg15[%get3A_859, %get3A_860] {strides = array<i32>} : memref<641x64xi32, #tpu.memory_space<vmem>>, vector<16xi32>,
        %bitcast3A_862 = vector.bitcast %get3A_861 : vector<16xi32> to vector<32xbf16>
        %get3A_863 = arith.index_cast %squeeze3A_854 : i32 to index
        %get3A_864 = arith.constant 32 : index
        %get3A_865 = tpu.vector_load %arg15[%get3A_863, %get3A_864] {strides = array<i32>} : memref<641x64xi32, #tpu.memory_space<vmem>>, vector<16xi32>,
        %bitcast3A_866 = vector.bitcast %get3A_865 : vector<16xi32> to vector<32xbf16>
        %get3A_867 = arith.index_cast %squeeze3A_854 : i32 to index
        %get3A_868 = arith.constant 48 : index
        %get3A_869 = tpu.vector_load %arg15[%get3A_867, %get3A_868] {strides = array<i32>} : memref<641x64xi32, #tpu.memory_space<vmem>>, vector<16xi32>,
        %bitcast3A_870 = vector.bitcast %get3A_869 : vector<16xi32> to vector<32xbf16>
        %mul3A_871 = arith.constant 16 : i32
        %mul3A_872 = arith.muli %scan3A_187, %mul3A_871 : i32
        %add3A_873 = arith.constant 9 : i32
        %add3A_874 = arith.addi %mul3A_872, %add3A_873 : i32
        %get3A_875 = arith.index_cast %and3A_159 : i32 to index
        %get3A_876 = arith.index_cast %add3A_874 : i32 to index
        %get3A_877 = arith.constant 0 : index
        %get3A_878 = tpu.vector_load %arg14[%get3A_875, %get3A_876, %get3A_877] {strides = array<i32>} : memref<2x64x64xi32, #tpu.memory_space<vmem>>, vector<16xi32>,
        %bitcast3A_879 = vector.bitcast %get3A_878 : vector<16xi32> to vector<32xbf16>
        %mul3A_880 = arith.constant 16 : i32
        %mul3A_881 = arith.muli %scan3A_187, %mul3A_880 : i32
        %add3A_882 = arith.constant 9 : i32
        %add3A_883 = arith.addi %mul3A_881, %add3A_882 : i32
        %get3A_884 = arith.index_cast %and3A_159 : i32 to index
        %get3A_885 = arith.index_cast %add3A_883 : i32 to index
        %get3A_886 = arith.constant 16 : index
        %get3A_887 = tpu.vector_load %arg14[%get3A_884, %get3A_885, %get3A_886] {strides = array<i32>} : memref<2x64x64xi32, #tpu.memory_space<vmem>>, vector<16xi32>,
        %bitcast3A_888 = vector.bitcast %get3A_887 : vector<16xi32> to vector<32xbf16>
        %mul3A_889 = arith.constant 16 : i32
        %mul3A_890 = arith.muli %scan3A_187, %mul3A_889 : i32
        %add3A_891 = arith.constant 9 : i32
        %add3A_892 = arith.addi %mul3A_890, %add3A_891 : i32
        %get3A_893 = arith.index_cast %and3A_159 : i32 to index
        %get3A_894 = arith.index_cast %add3A_892 : i32 to index
        %get3A_895 = arith.constant 32 : index
        %get3A_896 = tpu.vector_load %arg14[%get3A_893, %get3A_894, %get3A_895] {strides = array<i32>} : memref<2x64x64xi32, #tpu.memory_space<vmem>>, vector<16xi32>,
        %bitcast3A_897 = vector.bitcast %get3A_896 : vector<16xi32> to vector<32xbf16>
        %mul3A_898 = arith.constant 16 : i32
        %mul3A_899 = arith.muli %scan3A_187, %mul3A_898 : i32
        %add3A_900 = arith.constant 9 : i32
        %add3A_901 = arith.addi %mul3A_899, %add3A_900 : i32
        %get3A_902 = arith.index_cast %and3A_159 : i32 to index
        %get3A_903 = arith.index_cast %add3A_901 : i32 to index
        %get3A_904 = arith.constant 48 : index
        %get3A_905 = tpu.vector_load %arg14[%get3A_902, %get3A_903, %get3A_904] {strides = array<i32>} : memref<2x64x64xi32, #tpu.memory_space<vmem>>, vector<16xi32>,
        %bitcast3A_906 = vector.bitcast %get3A_905 : vector<16xi32> to vector<32xbf16>
        %max3A_907 = arith.maximumf %bitcast3A_858, %bitcast3A_879 : vector<32xbf16>
        %max3A_908 = arith.maximumf %bitcast3A_862, %bitcast3A_888 : vector<32xbf16>
        %max3A_909 = arith.maximumf %bitcast3A_866, %bitcast3A_897 : vector<32xbf16>
        %max3A_910 = arith.maximumf %bitcast3A_870, %bitcast3A_906 : vector<32xbf16>
        %bitcast3A_911 = vector.bitcast %max3A_907 : vector<32xbf16> to vector<16xi32>
        %swap3A_912 = arith.index_cast %squeeze3A_854 : i32 to index
        %swap3A_913 = arith.constant 0 : index
        %swap3A_914 = tpu.vector_load %arg15[%swap3A_912, %swap3A_913] {strides = array<i32>} : memref<641x64xi32, #tpu.memory_space<vmem>>, vector<16xi32>,
        tpu.vector_store %arg15[%swap3A_912, %swap3A_913], %bitcast3A_911 {strides = array<i32>} : memref<641x64xi32, #tpu.memory_space<vmem>>, vector<16xi32>,
        %bitcast3A_915 = vector.bitcast %max3A_908 : vector<32xbf16> to vector<16xi32>
        %swap3A_916 = arith.index_cast %squeeze3A_854 : i32 to index
        %swap3A_917 = arith.constant 16 : index
        %swap3A_918 = tpu.vector_load %arg15[%swap3A_916, %swap3A_917] {strides = array<i32>} : memref<641x64xi32, #tpu.memory_space<vmem>>, vector<16xi32>,
        tpu.vector_store %arg15[%swap3A_916, %swap3A_917], %bitcast3A_915 {strides = array<i32>} : memref<641x64xi32, #tpu.memory_space<vmem>>, vector<16xi32>,
        %bitcast3A_919 = vector.bitcast %max3A_909 : vector<32xbf16> to vector<16xi32>
        %swap3A_920 = arith.index_cast %squeeze3A_854 : i32 to index
        %swap3A_921 = arith.constant 32 : index
        %swap3A_922 = tpu.vector_load %arg15[%swap3A_920, %swap3A_921] {strides = array<i32>} : memref<641x64xi32, #tpu.memory_space<vmem>>, vector<16xi32>,
        tpu.vector_store %arg15[%swap3A_920, %swap3A_921], %bitcast3A_919 {strides = array<i32>} : memref<641x64xi32, #tpu.memory_space<vmem>>, vector<16xi32>,
        %bitcast3A_923 = vector.bitcast %max3A_910 : vector<32xbf16> to vector<16xi32>
        %swap3A_924 = arith.index_cast %squeeze3A_854 : i32 to index
        %swap3A_925 = arith.constant 48 : index
        %swap3A_926 = tpu.vector_load %arg15[%swap3A_924, %swap3A_925] {strides = array<i32>} : memref<641x64xi32, #tpu.memory_space<vmem>>, vector<16xi32>,
        tpu.vector_store %arg15[%swap3A_924, %swap3A_925], %bitcast3A_923 {strides = array<i32>} : memref<641x64xi32, #tpu.memory_space<vmem>>, vector<16xi32>,
        %slice3A_927 = vector.extract_strided_slice %get3A_191 {offsets = [10], sizes = [1], strides = [1]} : vector<16xi32> to vector<1xi32>
        %squeeze3A_928 = vector.extract %slice3A_927[0] : i32 from vector<1xi32>
        %get3A_929 = arith.index_cast %squeeze3A_928 : i32 to index
        %get3A_930 = arith.constant 0 : index
        %get3A_931 = tpu.vector_load %arg15[%get3A_929, %get3A_930] {strides = array<i32>} : memref<641x64xi32, #tpu.memory_space<vmem>>, vector<16xi32>,
        %bitcast3A_932 = vector.bitcast %get3A_931 : vector<16xi32> to vector<32xbf16>
        %get3A_933 = arith.index_cast %squeeze3A_928 : i32 to index
        %get3A_934 = arith.constant 16 : index
        %get3A_935 = tpu.vector_load %arg15[%get3A_933, %get3A_934] {strides = array<i32>} : memref<641x64xi32, #tpu.memory_space<vmem>>, vector<16xi32>,
        %bitcast3A_936 = vector.bitcast %get3A_935 : vector<16xi32> to vector<32xbf16>
        %get3A_937 = arith.index_cast %squeeze3A_928 : i32 to index
        %get3A_938 = arith.constant 32 : index
        %get3A_939 = tpu.vector_load %arg15[%get3A_937, %get3A_938] {strides = array<i32>} : memref<641x64xi32, #tpu.memory_space<vmem>>, vector<16xi32>,
        %bitcast3A_940 = vector.bitcast %get3A_939 : vector<16xi32> to vector<32xbf16>
        %get3A_941 = arith.index_cast %squeeze3A_928 : i32 to index
        %get3A_942 = arith.constant 48 : index
        %get3A_943 = tpu.vector_load %arg15[%get3A_941, %get3A_942] {strides = array<i32>} : memref<641x64xi32, #tpu.memory_space<vmem>>, vector<16xi32>,
        %bitcast3A_944 = vector.bitcast %get3A_943 : vector<16xi32> to vector<32xbf16>
        %mul3A_945 = arith.constant 16 : i32
        %mul3A_946 = arith.muli %scan3A_187, %mul3A_945 : i32
        %add3A_947 = arith.constant 10 : i32
        %add3A_948 = arith.addi %mul3A_946, %add3A_947 : i32
        %get3A_949 = arith.index_cast %and3A_159 : i32 to index
        %get3A_950 = arith.index_cast %add3A_948 : i32 to index
        %get3A_951 = arith.constant 0 : index
        %get3A_952 = tpu.vector_load %arg14[%get3A_949, %get3A_950, %get3A_951] {strides = array<i32>} : memref<2x64x64xi32, #tpu.memory_space<vmem>>, vector<16xi32>,
        %bitcast3A_953 = vector.bitcast %get3A_952 : vector<16xi32> to vector<32xbf16>
        %mul3A_954 = arith.constant 16 : i32
        %mul3A_955 = arith.muli %scan3A_187, %mul3A_954 : i32
        %add3A_956 = arith.constant 10 : i32
        %add3A_957 = arith.addi %mul3A_955, %add3A_956 : i32
        %get3A_958 = arith.index_cast %and3A_159 : i32 to index
        %get3A_959 = arith.index_cast %add3A_957 : i32 to index
        %get3A_960 = arith.constant 16 : index
        %get3A_961 = tpu.vector_load %arg14[%get3A_958, %get3A_959, %get3A_960] {strides = array<i32>} : memref<2x64x64xi32, #tpu.memory_space<vmem>>, vector<16xi32>,
        %bitcast3A_962 = vector.bitcast %get3A_961 : vector<16xi32> to vector<32xbf16>
        %mul3A_963 = arith.constant 16 : i32
        %mul3A_964 = arith.muli %scan3A_187, %mul3A_963 : i32
        %add3A_965 = arith.constant 10 : i32
        %add3A_966 = arith.addi %mul3A_964, %add3A_965 : i32
        %get3A_967 = arith.index_cast %and3A_159 : i32 to index
        %get3A_968 = arith.index_cast %add3A_966 : i32 to index
        %get3A_969 = arith.constant 32 : index
        %get3A_970 = tpu.vector_load %arg14[%get3A_967, %get3A_968, %get3A_969] {strides = array<i32>} : memref<2x64x64xi32, #tpu.memory_space<vmem>>, vector<16xi32>,
        %bitcast3A_971 = vector.bitcast %get3A_970 : vector<16xi32> to vector<32xbf16>
        %mul3A_972 = arith.constant 16 : i32
        %mul3A_973 = arith.muli %scan3A_187, %mul3A_972 : i32
        %add3A_974 = arith.constant 10 : i32
        %add3A_975 = arith.addi %mul3A_973, %add3A_974 : i32
        %get3A_976 = arith.index_cast %and3A_159 : i32 to index
        %get3A_977 = arith.index_cast %add3A_975 : i32 to index
        %get3A_978 = arith.constant 48 : index
        %get3A_979 = tpu.vector_load %arg14[%get3A_976, %get3A_977, %get3A_978] {strides = array<i32>} : memref<2x64x64xi32, #tpu.memory_space<vmem>>, vector<16xi32>,
        %bitcast3A_980 = vector.bitcast %get3A_979 : vector<16xi32> to vector<32xbf16>
        %max3A_981 = arith.maximumf %bitcast3A_932, %bitcast3A_953 : vector<32xbf16>
        %max3A_982 = arith.maximumf %bitcast3A_936, %bitcast3A_962 : vector<32xbf16>
        %max3A_983 = arith.maximumf %bitcast3A_940, %bitcast3A_971 : vector<32xbf16>
        %max3A_984 = arith.maximumf %bitcast3A_944, %bitcast3A_980 : vector<32xbf16>
        %bitcast3A_985 = vector.bitcast %max3A_981 : vector<32xbf16> to vector<16xi32>
        %swap3A_986 = arith.index_cast %squeeze3A_928 : i32 to index
        %swap3A_987 = arith.constant 0 : index
        %swap3A_988 = tpu.vector_load %arg15[%swap3A_986, %swap3A_987] {strides = array<i32>} : memref<641x64xi32, #tpu.memory_space<vmem>>, vector<16xi32>,
        tpu.vector_store %arg15[%swap3A_986, %swap3A_987], %bitcast3A_985 {strides = array<i32>} : memref<641x64xi32, #tpu.memory_space<vmem>>, vector<16xi32>,
        %bitcast3A_989 = vector.bitcast %max3A_982 : vector<32xbf16> to vector<16xi32>
        %swap3A_990 = arith.index_cast %squeeze3A_928 : i32 to index
        %swap3A_991 = arith.constant 16 : index
        %swap3A_992 = tpu.vector_load %arg15[%swap3A_990, %swap3A_991] {strides = array<i32>} : memref<641x64xi32, #tpu.memory_space<vmem>>, vector<16xi32>,
        tpu.vector_store %arg15[%swap3A_990, %swap3A_991], %bitcast3A_989 {strides = array<i32>} : memref<641x64xi32, #tpu.memory_space<vmem>>, vector<16xi32>,
        %bitcast3A_993 = vector.bitcast %max3A_983 : vector<32xbf16> to vector<16xi32>
        %swap3A_994 = arith.index_cast %squeeze3A_928 : i32 to index
        %swap3A_995 = arith.constant 32 : index
        %swap3A_996 = tpu.vector_load %arg15[%swap3A_994, %swap3A_995] {strides = array<i32>} : memref<641x64xi32, #tpu.memory_space<vmem>>, vector<16xi32>,
        tpu.vector_store %arg15[%swap3A_994, %swap3A_995], %bitcast3A_993 {strides = array<i32>} : memref<641x64xi32, #tpu.memory_space<vmem>>, vector<16xi32>,
        %bitcast3A_997 = vector.bitcast %max3A_984 : vector<32xbf16> to vector<16xi32>
        %swap3A_998 = arith.index_cast %squeeze3A_928 : i32 to index
        %swap3A_999 = arith.constant 48 : index
        %swap3A_1000 = tpu.vector_load %arg15[%swap3A_998, %swap3A_999] {strides = array<i32>} : memref<641x64xi32, #tpu.memory_space<vmem>>, vector<16xi32>,
        tpu.vector_store %arg15[%swap3A_998, %swap3A_999], %bitcast3A_997 {strides = array<i32>} : memref<641x64xi32, #tpu.memory_space<vmem>>, vector<16xi32>,
        %slice3A_1001 = vector.extract_strided_slice %get3A_191 {offsets = [11], sizes = [1], strides = [1]} : vector<16xi32> to vector<1xi32>
        %squeeze3A_1002 = vector.extract %slice3A_1001[0] : i32 from vector<1xi32>
        %get3A_1003 = arith.index_cast %squeeze3A_1002 : i32 to index
        %get3A_1004 = arith.constant 0 : index
        %get3A_1005 = tpu.vector_load %arg15[%get3A_1003, %get3A_1004] {strides = array<i32>} : memref<641x64xi32, #tpu.memory_space<vmem>>, vector<16xi32>,
        %bitcast3A_1006 = vector.bitcast %get3A_1005 : vector<16xi32> to vector<32xbf16>
        %get3A_1007 = arith.index_cast %squeeze3A_1002 : i32 to index
        %get3A_1008 = arith.constant 16 : index
        %get3A_1009 = tpu.vector_load %arg15[%get3A_1007, %get3A_1008] {strides = array<i32>} : memref<641x64xi32, #tpu.memory_space<vmem>>, vector<16xi32>,
        %bitcast3A_1010 = vector.bitcast %get3A_1009 : vector<16xi32> to vector<32xbf16>
        %get3A_1011 = arith.index_cast %squeeze3A_1002 : i32 to index
        %get3A_1012 = arith.constant 32 : index
        %get3A_1013 = tpu.vector_load %arg15[%get3A_1011, %get3A_1012] {strides = array<i32>} : memref<641x64xi32, #tpu.memory_space<vmem>>, vector<16xi32>,
        %bitcast3A_1014 = vector.bitcast %get3A_1013 : vector<16xi32> to vector<32xbf16>
        %get3A_1015 = arith.index_cast %squeeze3A_1002 : i32 to index
        %get3A_1016 = arith.constant 48 : index
        %get3A_1017 = tpu.vector_load %arg15[%get3A_1015, %get3A_1016] {strides = array<i32>} : memref<641x64xi32, #tpu.memory_space<vmem>>, vector<16xi32>,
        %bitcast3A_1018 = vector.bitcast %get3A_1017 : vector<16xi32> to vector<32xbf16>
        %mul3A_1019 = arith.constant 16 : i32
        %mul3A_1020 = arith.muli %scan3A_187, %mul3A_1019 : i32
        %add3A_1021 = arith.constant 11 : i32
        %add3A_1022 = arith.addi %mul3A_1020, %add3A_1021 : i32
        %get3A_1023 = arith.index_cast %and3A_159 : i32 to index
        %get3A_1024 = arith.index_cast %add3A_1022 : i32 to index
        %get3A_1025 = arith.constant 0 : index
        %get3A_1026 = tpu.vector_load %arg14[%get3A_1023, %get3A_1024, %get3A_1025] {strides = array<i32>} : memref<2x64x64xi32, #tpu.memory_space<vmem>>, vector<16xi32>,
        %bitcast3A_1027 = vector.bitcast %get3A_1026 : vector<16xi32> to vector<32xbf16>
        %mul3A_1028 = arith.constant 16 : i32
        %mul3A_1029 = arith.muli %scan3A_187, %mul3A_1028 : i32
        %add3A_1030 = arith.constant 11 : i32
        %add3A_1031 = arith.addi %mul3A_1029, %add3A_1030 : i32
        %get3A_1032 = arith.index_cast %and3A_159 : i32 to index
        %get3A_1033 = arith.index_cast %add3A_1031 : i32 to index
        %get3A_1034 = arith.constant 16 : index
        %get3A_1035 = tpu.vector_load %arg14[%get3A_1032, %get3A_1033, %get3A_1034] {strides = array<i32>} : memref<2x64x64xi32, #tpu.memory_space<vmem>>, vector<16xi32>,
        %bitcast3A_1036 = vector.bitcast %get3A_1035 : vector<16xi32> to vector<32xbf16>
        %mul3A_1037 = arith.constant 16 : i32
        %mul3A_1038 = arith.muli %scan3A_187, %mul3A_1037 : i32
        %add3A_1039 = arith.constant 11 : i32
        %add3A_1040 = arith.addi %mul3A_1038, %add3A_1039 : i32
        %get3A_1041 = arith.index_cast %and3A_159 : i32 to index
        %get3A_1042 = arith.index_cast %add3A_1040 : i32 to index
        %get3A_1043 = arith.constant 32 : index
        %get3A_1044 = tpu.vector_load %arg14[%get3A_1041, %get3A_1042, %get3A_1043] {strides = array<i32>} : memref<2x64x64xi32, #tpu.memory_space<vmem>>, vector<16xi32>,
        %bitcast3A_1045 = vector.bitcast %get3A_1044 : vector<16xi32> to vector<32xbf16>
        %mul3A_1046 = arith.constant 16 : i32
        %mul3A_1047 = arith.muli %scan3A_187, %mul3A_1046 : i32
        %add3A_1048 = arith.constant 11 : i32
        %add3A_1049 = arith.addi %mul3A_1047, %add3A_1048 : i32
        %get3A_1050 = arith.index_cast %and3A_159 : i32 to index
        %get3A_1051 = arith.index_cast %add3A_1049 : i32 to index
        %get3A_1052 = arith.constant 48 : index
        %get3A_1053 = tpu.vector_load %arg14[%get3A_1050, %get3A_1051, %get3A_1052] {strides = array<i32>} : memref<2x64x64xi32, #tpu.memory_space<vmem>>, vector<16xi32>,
        %bitcast3A_1054 = vector.bitcast %get3A_1053 : vector<16xi32> to vector<32xbf16>
        %max3A_1055 = arith.maximumf %bitcast3A_1006, %bitcast3A_1027 : vector<32xbf16>
        %max3A_1056 = arith.maximumf %bitcast3A_1010, %bitcast3A_1036 : vector<32xbf16>
        %max3A_1057 = arith.maximumf %bitcast3A_1014, %bitcast3A_1045 : vector<32xbf16>
        %max3A_1058 = arith.maximumf %bitcast3A_1018, %bitcast3A_1054 : vector<32xbf16>
        %bitcast3A_1059 = vector.bitcast %max3A_1055 : vector<32xbf16> to vector<16xi32>
        %swap3A_1060 = arith.index_cast %squeeze3A_1002 : i32 to index
        %swap3A_1061 = arith.constant 0 : index
        %swap3A_1062 = tpu.vector_load %arg15[%swap3A_1060, %swap3A_1061] {strides = array<i32>} : memref<641x64xi32, #tpu.memory_space<vmem>>, vector<16xi32>,
        tpu.vector_store %arg15[%swap3A_1060, %swap3A_1061], %bitcast3A_1059 {strides = array<i32>} : memref<641x64xi32, #tpu.memory_space<vmem>>, vector<16xi32>,
        %bitcast3A_1063 = vector.bitcast %max3A_1056 : vector<32xbf16> to vector<16xi32>
        %swap3A_1064 = arith.index_cast %squeeze3A_1002 : i32 to index
        %swap3A_1065 = arith.constant 16 : index
        %swap3A_1066 = tpu.vector_load %arg15[%swap3A_1064, %swap3A_1065] {strides = array<i32>} : memref<641x64xi32, #tpu.memory_space<vmem>>, vector<16xi32>,
        tpu.vector_store %arg15[%swap3A_1064, %swap3A_1065], %bitcast3A_1063 {strides = array<i32>} : memref<641x64xi32, #tpu.memory_space<vmem>>, vector<16xi32>,
        %bitcast3A_1067 = vector.bitcast %max3A_1057 : vector<32xbf16> to vector<16xi32>
        %swap3A_1068 = arith.index_cast %squeeze3A_1002 : i32 to index
        %swap3A_1069 = arith.constant 32 : index
        %swap3A_1070 = tpu.vector_load %arg15[%swap3A_1068, %swap3A_1069] {strides = array<i32>} : memref<641x64xi32, #tpu.memory_space<vmem>>, vector<16xi32>,
        tpu.vector_store %arg15[%swap3A_1068, %swap3A_1069], %bitcast3A_1067 {strides = array<i32>} : memref<641x64xi32, #tpu.memory_space<vmem>>, vector<16xi32>,
        %bitcast3A_1071 = vector.bitcast %max3A_1058 : vector<32xbf16> to vector<16xi32>
        %swap3A_1072 = arith.index_cast %squeeze3A_1002 : i32 to index
        %swap3A_1073 = arith.constant 48 : index
        %swap3A_1074 = tpu.vector_load %arg15[%swap3A_1072, %swap3A_1073] {strides = array<i32>} : memref<641x64xi32, #tpu.memory_space<vmem>>, vector<16xi32>,
        tpu.vector_store %arg15[%swap3A_1072, %swap3A_1073], %bitcast3A_1071 {strides = array<i32>} : memref<641x64xi32, #tpu.memory_space<vmem>>, vector<16xi32>,
        %slice3A_1075 = vector.extract_strided_slice %get3A_191 {offsets = [12], sizes = [1], strides = [1]} : vector<16xi32> to vector<1xi32>
        %squeeze3A_1076 = vector.extract %slice3A_1075[0] : i32 from vector<1xi32>
        %get3A_1077 = arith.index_cast %squeeze3A_1076 : i32 to index
        %get3A_1078 = arith.constant 0 : index
        %get3A_1079 = tpu.vector_load %arg15[%get3A_1077, %get3A_1078] {strides = array<i32>} : memref<641x64xi32, #tpu.memory_space<vmem>>, vector<16xi32>,
        %bitcast3A_1080 = vector.bitcast %get3A_1079 : vector<16xi32> to vector<32xbf16>
        %get3A_1081 = arith.index_cast %squeeze3A_1076 : i32 to index
        %get3A_1082 = arith.constant 16 : index
        %get3A_1083 = tpu.vector_load %arg15[%get3A_1081, %get3A_1082] {strides = array<i32>} : memref<641x64xi32, #tpu.memory_space<vmem>>, vector<16xi32>,
        %bitcast3A_1084 = vector.bitcast %get3A_1083 : vector<16xi32> to vector<32xbf16>
        %get3A_1085 = arith.index_cast %squeeze3A_1076 : i32 to index
        %get3A_1086 = arith.constant 32 : index
        %get3A_1087 = tpu.vector_load %arg15[%get3A_1085, %get3A_1086] {strides = array<i32>} : memref<641x64xi32, #tpu.memory_space<vmem>>, vector<16xi32>,
        %bitcast3A_1088 = vector.bitcast %get3A_1087 : vector<16xi32> to vector<32xbf16>
        %get3A_1089 = arith.index_cast %squeeze3A_1076 : i32 to index
        %get3A_1090 = arith.constant 48 : index
        %get3A_1091 = tpu.vector_load %arg15[%get3A_1089, %get3A_1090] {strides = array<i32>} : memref<641x64xi32, #tpu.memory_space<vmem>>, vector<16xi32>,
        %bitcast3A_1092 = vector.bitcast %get3A_1091 : vector<16xi32> to vector<32xbf16>
        %mul3A_1093 = arith.constant 16 : i32
        %mul3A_1094 = arith.muli %scan3A_187, %mul3A_1093 : i32
        %add3A_1095 = arith.constant 12 : i32
        %add3A_1096 = arith.addi %mul3A_1094, %add3A_1095 : i32
        %get3A_1097 = arith.index_cast %and3A_159 : i32 to index
        %get3A_1098 = arith.index_cast %add3A_1096 : i32 to index
        %get3A_1099 = arith.constant 0 : index
        %get3A_1100 = tpu.vector_load %arg14[%get3A_1097, %get3A_1098, %get3A_1099] {strides = array<i32>} : memref<2x64x64xi32, #tpu.memory_space<vmem>>, vector<16xi32>,
        %bitcast3A_1101 = vector.bitcast %get3A_1100 : vector<16xi32> to vector<32xbf16>
        %mul3A_1102 = arith.constant 16 : i32
        %mul3A_1103 = arith.muli %scan3A_187, %mul3A_1102 : i32
        %add3A_1104 = arith.constant 12 : i32
        %add3A_1105 = arith.addi %mul3A_1103, %add3A_1104 : i32
        %get3A_1106 = arith.index_cast %and3A_159 : i32 to index
        %get3A_1107 = arith.index_cast %add3A_1105 : i32 to index
        %get3A_1108 = arith.constant 16 : index
        %get3A_1109 = tpu.vector_load %arg14[%get3A_1106, %get3A_1107, %get3A_1108] {strides = array<i32>} : memref<2x64x64xi32, #tpu.memory_space<vmem>>, vector<16xi32>,
        %bitcast3A_1110 = vector.bitcast %get3A_1109 : vector<16xi32> to vector<32xbf16>
        %mul3A_1111 = arith.constant 16 : i32
        %mul3A_1112 = arith.muli %scan3A_187, %mul3A_1111 : i32
        %add3A_1113 = arith.constant 12 : i32
        %add3A_1114 = arith.addi %mul3A_1112, %add3A_1113 : i32
        %get3A_1115 = arith.index_cast %and3A_159 : i32 to index
        %get3A_1116 = arith.index_cast %add3A_1114 : i32 to index
        %get3A_1117 = arith.constant 32 : index
        %get3A_1118 = tpu.vector_load %arg14[%get3A_1115, %get3A_1116, %get3A_1117] {strides = array<i32>} : memref<2x64x64xi32, #tpu.memory_space<vmem>>, vector<16xi32>,
        %bitcast3A_1119 = vector.bitcast %get3A_1118 : vector<16xi32> to vector<32xbf16>
        %mul3A_1120 = arith.constant 16 : i32
        %mul3A_1121 = arith.muli %scan3A_187, %mul3A_1120 : i32
        %add3A_1122 = arith.constant 12 : i32
        %add3A_1123 = arith.addi %mul3A_1121, %add3A_1122 : i32
        %get3A_1124 = arith.index_cast %and3A_159 : i32 to index
        %get3A_1125 = arith.index_cast %add3A_1123 : i32 to index
        %get3A_1126 = arith.constant 48 : index
        %get3A_1127 = tpu.vector_load %arg14[%get3A_1124, %get3A_1125, %get3A_1126] {strides = array<i32>} : memref<2x64x64xi32, #tpu.memory_space<vmem>>, vector<16xi32>,
        %bitcast3A_1128 = vector.bitcast %get3A_1127 : vector<16xi32> to vector<32xbf16>
        %max3A_1129 = arith.maximumf %bitcast3A_1080, %bitcast3A_1101 : vector<32xbf16>
        %max3A_1130 = arith.maximumf %bitcast3A_1084, %bitcast3A_1110 : vector<32xbf16>
        %max3A_1131 = arith.maximumf %bitcast3A_1088, %bitcast3A_1119 : vector<32xbf16>
        %max3A_1132 = arith.maximumf %bitcast3A_1092, %bitcast3A_1128 : vector<32xbf16>
        %bitcast3A_1133 = vector.bitcast %max3A_1129 : vector<32xbf16> to vector<16xi32>
        %swap3A_1134 = arith.index_cast %squeeze3A_1076 : i32 to index
        %swap3A_1135 = arith.constant 0 : index
        %swap3A_1136 = tpu.vector_load %arg15[%swap3A_1134, %swap3A_1135] {strides = array<i32>} : memref<641x64xi32, #tpu.memory_space<vmem>>, vector<16xi32>,
        tpu.vector_store %arg15[%swap3A_1134, %swap3A_1135], %bitcast3A_1133 {strides = array<i32>} : memref<641x64xi32, #tpu.memory_space<vmem>>, vector<16xi32>,
        %bitcast3A_1137 = vector.bitcast %max3A_1130 : vector<32xbf16> to vector<16xi32>
        %swap3A_1138 = arith.index_cast %squeeze3A_1076 : i32 to index
        %swap3A_1139 = arith.constant 16 : index
        %swap3A_1140 = tpu.vector_load %arg15[%swap3A_1138, %swap3A_1139] {strides = array<i32>} : memref<641x64xi32, #tpu.memory_space<vmem>>, vector<16xi32>,
        tpu.vector_store %arg15[%swap3A_1138, %swap3A_1139], %bitcast3A_1137 {strides = array<i32>} : memref<641x64xi32, #tpu.memory_space<vmem>>, vector<16xi32>,
        %bitcast3A_1141 = vector.bitcast %max3A_1131 : vector<32xbf16> to vector<16xi32>
        %swap3A_1142 = arith.index_cast %squeeze3A_1076 : i32 to index
        %swap3A_1143 = arith.constant 32 : index
        %swap3A_1144 = tpu.vector_load %arg15[%swap3A_1142, %swap3A_1143] {strides = array<i32>} : memref<641x64xi32, #tpu.memory_space<vmem>>, vector<16xi32>,
        tpu.vector_store %arg15[%swap3A_1142, %swap3A_1143], %bitcast3A_1141 {strides = array<i32>} : memref<641x64xi32, #tpu.memory_space<vmem>>, vector<16xi32>,
        %bitcast3A_1145 = vector.bitcast %max3A_1132 : vector<32xbf16> to vector<16xi32>
        %swap3A_1146 = arith.index_cast %squeeze3A_1076 : i32 to index
        %swap3A_1147 = arith.constant 48 : index
        %swap3A_1148 = tpu.vector_load %arg15[%swap3A_1146, %swap3A_1147] {strides = array<i32>} : memref<641x64xi32, #tpu.memory_space<vmem>>, vector<16xi32>,
        tpu.vector_store %arg15[%swap3A_1146, %swap3A_1147], %bitcast3A_1145 {strides = array<i32>} : memref<641x64xi32, #tpu.memory_space<vmem>>, vector<16xi32>,
        %slice3A_1149 = vector.extract_strided_slice %get3A_191 {offsets = [13], sizes = [1], strides = [1]} : vector<16xi32> to vector<1xi32>
        %squeeze3A_1150 = vector.extract %slice3A_1149[0] : i32 from vector<1xi32>
        %get3A_1151 = arith.index_cast %squeeze3A_1150 : i32 to index
        %get3A_1152 = arith.constant 0 : index
        %get3A_1153 = tpu.vector_load %arg15[%get3A_1151, %get3A_1152] {strides = array<i32>} : memref<641x64xi32, #tpu.memory_space<vmem>>, vector<16xi32>,
        %bitcast3A_1154 = vector.bitcast %get3A_1153 : vector<16xi32> to vector<32xbf16>
        %get3A_1155 = arith.index_cast %squeeze3A_1150 : i32 to index
        %get3A_1156 = arith.constant 16 : index
        %get3A_1157 = tpu.vector_load %arg15[%get3A_1155, %get3A_1156] {strides = array<i32>} : memref<641x64xi32, #tpu.memory_space<vmem>>, vector<16xi32>,
        %bitcast3A_1158 = vector.bitcast %get3A_1157 : vector<16xi32> to vector<32xbf16>
        %get3A_1159 = arith.index_cast %squeeze3A_1150 : i32 to index
        %get3A_1160 = arith.constant 32 : index
        %get3A_1161 = tpu.vector_load %arg15[%get3A_1159, %get3A_1160] {strides = array<i32>} : memref<641x64xi32, #tpu.memory_space<vmem>>, vector<16xi32>,
        %bitcast3A_1162 = vector.bitcast %get3A_1161 : vector<16xi32> to vector<32xbf16>
        %get3A_1163 = arith.index_cast %squeeze3A_1150 : i32 to index
        %get3A_1164 = arith.constant 48 : index
        %get3A_1165 = tpu.vector_load %arg15[%get3A_1163, %get3A_1164] {strides = array<i32>} : memref<641x64xi32, #tpu.memory_space<vmem>>, vector<16xi32>,
        %bitcast3A_1166 = vector.bitcast %get3A_1165 : vector<16xi32> to vector<32xbf16>
        %mul3A_1167 = arith.constant 16 : i32
        %mul3A_1168 = arith.muli %scan3A_187, %mul3A_1167 : i32
        %add3A_1169 = arith.constant 13 : i32
        %add3A_1170 = arith.addi %mul3A_1168, %add3A_1169 : i32
        %get3A_1171 = arith.index_cast %and3A_159 : i32 to index
        %get3A_1172 = arith.index_cast %add3A_1170 : i32 to index
        %get3A_1173 = arith.constant 0 : index
        %get3A_1174 = tpu.vector_load %arg14[%get3A_1171, %get3A_1172, %get3A_1173] {strides = array<i32>} : memref<2x64x64xi32, #tpu.memory_space<vmem>>, vector<16xi32>,
        %bitcast3A_1175 = vector.bitcast %get3A_1174 : vector<16xi32> to vector<32xbf16>
        %mul3A_1176 = arith.constant 16 : i32
        %mul3A_1177 = arith.muli %scan3A_187, %mul3A_1176 : i32
        %add3A_1178 = arith.constant 13 : i32
        %add3A_1179 = arith.addi %mul3A_1177, %add3A_1178 : i32
        %get3A_1180 = arith.index_cast %and3A_159 : i32 to index
        %get3A_1181 = arith.index_cast %add3A_1179 : i32 to index
        %get3A_1182 = arith.constant 16 : index
        %get3A_1183 = tpu.vector_load %arg14[%get3A_1180, %get3A_1181, %get3A_1182] {strides = array<i32>} : memref<2x64x64xi32, #tpu.memory_space<vmem>>, vector<16xi32>,
        %bitcast3A_1184 = vector.bitcast %get3A_1183 : vector<16xi32> to vector<32xbf16>
        %mul3A_1185 = arith.constant 16 : i32
        %mul3A_1186 = arith.muli %scan3A_187, %mul3A_1185 : i32
        %add3A_1187 = arith.constant 13 : i32
        %add3A_1188 = arith.addi %mul3A_1186, %add3A_1187 : i32
        %get3A_1189 = arith.index_cast %and3A_159 : i32 to index
        %get3A_1190 = arith.index_cast %add3A_1188 : i32 to index
        %get3A_1191 = arith.constant 32 : index
        %get3A_1192 = tpu.vector_load %arg14[%get3A_1189, %get3A_1190, %get3A_1191] {strides = array<i32>} : memref<2x64x64xi32, #tpu.memory_space<vmem>>, vector<16xi32>,
        %bitcast3A_1193 = vector.bitcast %get3A_1192 : vector<16xi32> to vector<32xbf16>
        %mul3A_1194 = arith.constant 16 : i32
        %mul3A_1195 = arith.muli %scan3A_187, %mul3A_1194 : i32
        %add3A_1196 = arith.constant 13 : i32
        %add3A_1197 = arith.addi %mul3A_1195, %add3A_1196 : i32
        %get3A_1198 = arith.index_cast %and3A_159 : i32 to index
        %get3A_1199 = arith.index_cast %add3A_1197 : i32 to index
        %get3A_1200 = arith.constant 48 : index
        %get3A_1201 = tpu.vector_load %arg14[%get3A_1198, %get3A_1199, %get3A_1200] {strides = array<i32>} : memref<2x64x64xi32, #tpu.memory_space<vmem>>, vector<16xi32>,
        %bitcast3A_1202 = vector.bitcast %get3A_1201 : vector<16xi32> to vector<32xbf16>
        %max3A_1203 = arith.maximumf %bitcast3A_1154, %bitcast3A_1175 : vector<32xbf16>
        %max3A_1204 = arith.maximumf %bitcast3A_1158, %bitcast3A_1184 : vector<32xbf16>
        %max3A_1205 = arith.maximumf %bitcast3A_1162, %bitcast3A_1193 : vector<32xbf16>
        %max3A_1206 = arith.maximumf %bitcast3A_1166, %bitcast3A_1202 : vector<32xbf16>
        %bitcast3A_1207 = vector.bitcast %max3A_1203 : vector<32xbf16> to vector<16xi32>
        %swap3A_1208 = arith.index_cast %squeeze3A_1150 : i32 to index
        %swap3A_1209 = arith.constant 0 : index
        %swap3A_1210 = tpu.vector_load %arg15[%swap3A_1208, %swap3A_1209] {strides = array<i32>} : memref<641x64xi32, #tpu.memory_space<vmem>>, vector<16xi32>,
        tpu.vector_store %arg15[%swap3A_1208, %swap3A_1209], %bitcast3A_1207 {strides = array<i32>} : memref<641x64xi32, #tpu.memory_space<vmem>>, vector<16xi32>,
        %bitcast3A_1211 = vector.bitcast %max3A_1204 : vector<32xbf16> to vector<16xi32>
        %swap3A_1212 = arith.index_cast %squeeze3A_1150 : i32 to index
        %swap3A_1213 = arith.constant 16 : index
        %swap3A_1214 = tpu.vector_load %arg15[%swap3A_1212, %swap3A_1213] {strides = array<i32>} : memref<641x64xi32, #tpu.memory_space<vmem>>, vector<16xi32>,
        tpu.vector_store %arg15[%swap3A_1212, %swap3A_1213], %bitcast3A_1211 {strides = array<i32>} : memref<641x64xi32, #tpu.memory_space<vmem>>, vector<16xi32>,
        %bitcast3A_1215 = vector.bitcast %max3A_1205 : vector<32xbf16> to vector<16xi32>
        %swap3A_1216 = arith.index_cast %squeeze3A_1150 : i32 to index
        %swap3A_1217 = arith.constant 32 : index
        %swap3A_1218 = tpu.vector_load %arg15[%swap3A_1216, %swap3A_1217] {strides = array<i32>} : memref<641x64xi32, #tpu.memory_space<vmem>>, vector<16xi32>,
        tpu.vector_store %arg15[%swap3A_1216, %swap3A_1217], %bitcast3A_1215 {strides = array<i32>} : memref<641x64xi32, #tpu.memory_space<vmem>>, vector<16xi32>,
        %bitcast3A_1219 = vector.bitcast %max3A_1206 : vector<32xbf16> to vector<16xi32>
        %swap3A_1220 = arith.index_cast %squeeze3A_1150 : i32 to index
        %swap3A_1221 = arith.constant 48 : index
        %swap3A_1222 = tpu.vector_load %arg15[%swap3A_1220, %swap3A_1221] {strides = array<i32>} : memref<641x64xi32, #tpu.memory_space<vmem>>, vector<16xi32>,
        tpu.vector_store %arg15[%swap3A_1220, %swap3A_1221], %bitcast3A_1219 {strides = array<i32>} : memref<641x64xi32, #tpu.memory_space<vmem>>, vector<16xi32>,
        %slice3A_1223 = vector.extract_strided_slice %get3A_191 {offsets = [14], sizes = [1], strides = [1]} : vector<16xi32> to vector<1xi32>
        %squeeze3A_1224 = vector.extract %slice3A_1223[0] : i32 from vector<1xi32>
        %get3A_1225 = arith.index_cast %squeeze3A_1224 : i32 to index
        %get3A_1226 = arith.constant 0 : index
        %get3A_1227 = tpu.vector_load %arg15[%get3A_1225, %get3A_1226] {strides = array<i32>} : memref<641x64xi32, #tpu.memory_space<vmem>>, vector<16xi32>,
        %bitcast3A_1228 = vector.bitcast %get3A_1227 : vector<16xi32> to vector<32xbf16>
        %get3A_1229 = arith.index_cast %squeeze3A_1224 : i32 to index
        %get3A_1230 = arith.constant 16 : index
        %get3A_1231 = tpu.vector_load %arg15[%get3A_1229, %get3A_1230] {strides = array<i32>} : memref<641x64xi32, #tpu.memory_space<vmem>>, vector<16xi32>,
        %bitcast3A_1232 = vector.bitcast %get3A_1231 : vector<16xi32> to vector<32xbf16>
        %get3A_1233 = arith.index_cast %squeeze3A_1224 : i32 to index
        %get3A_1234 = arith.constant 32 : index
        %get3A_1235 = tpu.vector_load %arg15[%get3A_1233, %get3A_1234] {strides = array<i32>} : memref<641x64xi32, #tpu.memory_space<vmem>>, vector<16xi32>,
        %bitcast3A_1236 = vector.bitcast %get3A_1235 : vector<16xi32> to vector<32xbf16>
        %get3A_1237 = arith.index_cast %squeeze3A_1224 : i32 to index
        %get3A_1238 = arith.constant 48 : index
        %get3A_1239 = tpu.vector_load %arg15[%get3A_1237, %get3A_1238] {strides = array<i32>} : memref<641x64xi32, #tpu.memory_space<vmem>>, vector<16xi32>,
        %bitcast3A_1240 = vector.bitcast %get3A_1239 : vector<16xi32> to vector<32xbf16>
        %mul3A_1241 = arith.constant 16 : i32
        %mul3A_1242 = arith.muli %scan3A_187, %mul3A_1241 : i32
        %add3A_1243 = arith.constant 14 : i32
        %add3A_1244 = arith.addi %mul3A_1242, %add3A_1243 : i32
        %get3A_1245 = arith.index_cast %and3A_159 : i32 to index
        %get3A_1246 = arith.index_cast %add3A_1244 : i32 to index
        %get3A_1247 = arith.constant 0 : index
        %get3A_1248 = tpu.vector_load %arg14[%get3A_1245, %get3A_1246, %get3A_1247] {strides = array<i32>} : memref<2x64x64xi32, #tpu.memory_space<vmem>>, vector<16xi32>,
        %bitcast3A_1249 = vector.bitcast %get3A_1248 : vector<16xi32> to vector<32xbf16>
        %mul3A_1250 = arith.constant 16 : i32
        %mul3A_1251 = arith.muli %scan3A_187, %mul3A_1250 : i32
        %add3A_1252 = arith.constant 14 : i32
        %add3A_1253 = arith.addi %mul3A_1251, %add3A_1252 : i32
        %get3A_1254 = arith.index_cast %and3A_159 : i32 to index
        %get3A_1255 = arith.index_cast %add3A_1253 : i32 to index
        %get3A_1256 = arith.constant 16 : index
        %get3A_1257 = tpu.vector_load %arg14[%get3A_1254, %get3A_1255, %get3A_1256] {strides = array<i32>} : memref<2x64x64xi32, #tpu.memory_space<vmem>>, vector<16xi32>,
        %bitcast3A_1258 = vector.bitcast %get3A_1257 : vector<16xi32> to vector<32xbf16>
        %mul3A_1259 = arith.constant 16 : i32
        %mul3A_1260 = arith.muli %scan3A_187, %mul3A_1259 : i32
        %add3A_1261 = arith.constant 14 : i32
        %add3A_1262 = arith.addi %mul3A_1260, %add3A_1261 : i32
        %get3A_1263 = arith.index_cast %and3A_159 : i32 to index
        %get3A_1264 = arith.index_cast %add3A_1262 : i32 to index
        %get3A_1265 = arith.constant 32 : index
        %get3A_1266 = tpu.vector_load %arg14[%get3A_1263, %get3A_1264, %get3A_1265] {strides = array<i32>} : memref<2x64x64xi32, #tpu.memory_space<vmem>>, vector<16xi32>,
        %bitcast3A_1267 = vector.bitcast %get3A_1266 : vector<16xi32> to vector<32xbf16>
        %mul3A_1268 = arith.constant 16 : i32
        %mul3A_1269 = arith.muli %scan3A_187, %mul3A_1268 : i32
        %add3A_1270 = arith.constant 14 : i32
        %add3A_1271 = arith.addi %mul3A_1269, %add3A_1270 : i32
        %get3A_1272 = arith.index_cast %and3A_159 : i32 to index
        %get3A_1273 = arith.index_cast %add3A_1271 : i32 to index
        %get3A_1274 = arith.constant 48 : index
        %get3A_1275 = tpu.vector_load %arg14[%get3A_1272, %get3A_1273, %get3A_1274] {strides = array<i32>} : memref<2x64x64xi32, #tpu.memory_space<vmem>>, vector<16xi32>,
        %bitcast3A_1276 = vector.bitcast %get3A_1275 : vector<16xi32> to vector<32xbf16>
        %max3A_1277 = arith.maximumf %bitcast3A_1228, %bitcast3A_1249 : vector<32xbf16>
        %max3A_1278 = arith.maximumf %bitcast3A_1232, %bitcast3A_1258 : vector<32xbf16>
        %max3A_1279 = arith.maximumf %bitcast3A_1236, %bitcast3A_1267 : vector<32xbf16>
        %max3A_1280 = arith.maximumf %bitcast3A_1240, %bitcast3A_1276 : vector<32xbf16>
        %bitcast3A_1281 = vector.bitcast %max3A_1277 : vector<32xbf16> to vector<16xi32>
        %swap3A_1282 = arith.index_cast %squeeze3A_1224 : i32 to index
        %swap3A_1283 = arith.constant 0 : index
        %swap3A_1284 = tpu.vector_load %arg15[%swap3A_1282, %swap3A_1283] {strides = array<i32>} : memref<641x64xi32, #tpu.memory_space<vmem>>, vector<16xi32>,
        tpu.vector_store %arg15[%swap3A_1282, %swap3A_1283], %bitcast3A_1281 {strides = array<i32>} : memref<641x64xi32, #tpu.memory_space<vmem>>, vector<16xi32>,
        %bitcast3A_1285 = vector.bitcast %max3A_1278 : vector<32xbf16> to vector<16xi32>
        %swap3A_1286 = arith.index_cast %squeeze3A_1224 : i32 to index
        %swap3A_1287 = arith.constant 16 : index
        %swap3A_1288 = tpu.vector_load %arg15[%swap3A_1286, %swap3A_1287] {strides = array<i32>} : memref<641x64xi32, #tpu.memory_space<vmem>>, vector<16xi32>,
        tpu.vector_store %arg15[%swap3A_1286, %swap3A_1287], %bitcast3A_1285 {strides = array<i32>} : memref<641x64xi32, #tpu.memory_space<vmem>>, vector<16xi32>,
        %bitcast3A_1289 = vector.bitcast %max3A_1279 : vector<32xbf16> to vector<16xi32>
        %swap3A_1290 = arith.index_cast %squeeze3A_1224 : i32 to index
        %swap3A_1291 = arith.constant 32 : index
        %swap3A_1292 = tpu.vector_load %arg15[%swap3A_1290, %swap3A_1291] {strides = array<i32>} : memref<641x64xi32, #tpu.memory_space<vmem>>, vector<16xi32>,
        tpu.vector_store %arg15[%swap3A_1290, %swap3A_1291], %bitcast3A_1289 {strides = array<i32>} : memref<641x64xi32, #tpu.memory_space<vmem>>, vector<16xi32>,
        %bitcast3A_1293 = vector.bitcast %max3A_1280 : vector<32xbf16> to vector<16xi32>
        %swap3A_1294 = arith.index_cast %squeeze3A_1224 : i32 to index
        %swap3A_1295 = arith.constant 48 : index
        %swap3A_1296 = tpu.vector_load %arg15[%swap3A_1294, %swap3A_1295] {strides = array<i32>} : memref<641x64xi32, #tpu.memory_space<vmem>>, vector<16xi32>,
        tpu.vector_store %arg15[%swap3A_1294, %swap3A_1295], %bitcast3A_1293 {strides = array<i32>} : memref<641x64xi32, #tpu.memory_space<vmem>>, vector<16xi32>,
        %slice3A_1297 = vector.extract_strided_slice %get3A_191 {offsets = [15], sizes = [1], strides = [1]} : vector<16xi32> to vector<1xi32>
        %squeeze3A_1298 = vector.extract %slice3A_1297[0] : i32 from vector<1xi32>
        %get3A_1299 = arith.index_cast %squeeze3A_1298 : i32 to index
        %get3A_1300 = arith.constant 0 : index
        %get3A_1301 = tpu.vector_load %arg15[%get3A_1299, %get3A_1300] {strides = array<i32>} : memref<641x64xi32, #tpu.memory_space<vmem>>, vector<16xi32>,
        %bitcast3A_1302 = vector.bitcast %get3A_1301 : vector<16xi32> to vector<32xbf16>
        %get3A_1303 = arith.index_cast %squeeze3A_1298 : i32 to index
        %get3A_1304 = arith.constant 16 : index
        %get3A_1305 = tpu.vector_load %arg15[%get3A_1303, %get3A_1304] {strides = array<i32>} : memref<641x64xi32, #tpu.memory_space<vmem>>, vector<16xi32>,
        %bitcast3A_1306 = vector.bitcast %get3A_1305 : vector<16xi32> to vector<32xbf16>
        %get3A_1307 = arith.index_cast %squeeze3A_1298 : i32 to index
        %get3A_1308 = arith.constant 32 : index
        %get3A_1309 = tpu.vector_load %arg15[%get3A_1307, %get3A_1308] {strides = array<i32>} : memref<641x64xi32, #tpu.memory_space<vmem>>, vector<16xi32>,
        %bitcast3A_1310 = vector.bitcast %get3A_1309 : vector<16xi32> to vector<32xbf16>
        %get3A_1311 = arith.index_cast %squeeze3A_1298 : i32 to index
        %get3A_1312 = arith.constant 48 : index
        %get3A_1313 = tpu.vector_load %arg15[%get3A_1311, %get3A_1312] {strides = array<i32>} : memref<641x64xi32, #tpu.memory_space<vmem>>, vector<16xi32>,
        %bitcast3A_1314 = vector.bitcast %get3A_1313 : vector<16xi32> to vector<32xbf16>
        %mul3A_1315 = arith.constant 16 : i32
        %mul3A_1316 = arith.muli %scan3A_187, %mul3A_1315 : i32
        %add3A_1317 = arith.constant 15 : i32
        %add3A_1318 = arith.addi %mul3A_1316, %add3A_1317 : i32
        %get3A_1319 = arith.index_cast %and3A_159 : i32 to index
        %get3A_1320 = arith.index_cast %add3A_1318 : i32 to index
        %get3A_1321 = arith.constant 0 : index
        %get3A_1322 = tpu.vector_load %arg14[%get3A_1319, %get3A_1320, %get3A_1321] {strides = array<i32>} : memref<2x64x64xi32, #tpu.memory_space<vmem>>, vector<16xi32>,
        %bitcast3A_1323 = vector.bitcast %get3A_1322 : vector<16xi32> to vector<32xbf16>
        %mul3A_1324 = arith.constant 16 : i32
        %mul3A_1325 = arith.muli %scan3A_187, %mul3A_1324 : i32
        %add3A_1326 = arith.constant 15 : i32
        %add3A_1327 = arith.addi %mul3A_1325, %add3A_1326 : i32
        %get3A_1328 = arith.index_cast %and3A_159 : i32 to index
        %get3A_1329 = arith.index_cast %add3A_1327 : i32 to index
        %get3A_1330 = arith.constant 16 : index
        %get3A_1331 = tpu.vector_load %arg14[%get3A_1328, %get3A_1329, %get3A_1330] {strides = array<i32>} : memref<2x64x64xi32, #tpu.memory_space<vmem>>, vector<16xi32>,
        %bitcast3A_1332 = vector.bitcast %get3A_1331 : vector<16xi32> to vector<32xbf16>
        %mul3A_1333 = arith.constant 16 : i32
        %mul3A_1334 = arith.muli %scan3A_187, %mul3A_1333 : i32
        %add3A_1335 = arith.constant 15 : i32
        %add3A_1336 = arith.addi %mul3A_1334, %add3A_1335 : i32
        %get3A_1337 = arith.index_cast %and3A_159 : i32 to index
        %get3A_1338 = arith.index_cast %add3A_1336 : i32 to index
        %get3A_1339 = arith.constant 32 : index
        %get3A_1340 = tpu.vector_load %arg14[%get3A_1337, %get3A_1338, %get3A_1339] {strides = array<i32>} : memref<2x64x64xi32, #tpu.memory_space<vmem>>, vector<16xi32>,
        %bitcast3A_1341 = vector.bitcast %get3A_1340 : vector<16xi32> to vector<32xbf16>
        %mul3A_1342 = arith.constant 16 : i32
        %mul3A_1343 = arith.muli %scan3A_187, %mul3A_1342 : i32
        %add3A_1344 = arith.constant 15 : i32
        %add3A_1345 = arith.addi %mul3A_1343, %add3A_1344 : i32
        %get3A_1346 = arith.index_cast %and3A_159 : i32 to index
        %get3A_1347 = arith.index_cast %add3A_1345 : i32 to index
        %get3A_1348 = arith.constant 48 : index
        %get3A_1349 = tpu.vector_load %arg14[%get3A_1346, %get3A_1347, %get3A_1348] {strides = array<i32>} : memref<2x64x64xi32, #tpu.memory_space<vmem>>, vector<16xi32>,
        %bitcast3A_1350 = vector.bitcast %get3A_1349 : vector<16xi32> to vector<32xbf16>
        %max3A_1351 = arith.maximumf %bitcast3A_1302, %bitcast3A_1323 : vector<32xbf16>
        %max3A_1352 = arith.maximumf %bitcast3A_1306, %bitcast3A_1332 : vector<32xbf16>
        %max3A_1353 = arith.maximumf %bitcast3A_1310, %bitcast3A_1341 : vector<32xbf16>
        %max3A_1354 = arith.maximumf %bitcast3A_1314, %bitcast3A_1350 : vector<32xbf16>
        %bitcast3A_1355 = vector.bitcast %max3A_1351 : vector<32xbf16> to vector<16xi32>
        %swap3A_1356 = arith.index_cast %squeeze3A_1298 : i32 to index
        %swap3A_1357 = arith.constant 0 : index
        %swap3A_1358 = tpu.vector_load %arg15[%swap3A_1356, %swap3A_1357] {strides = array<i32>} : memref<641x64xi32, #tpu.memory_space<vmem>>, vector<16xi32>,
        tpu.vector_store %arg15[%swap3A_1356, %swap3A_1357], %bitcast3A_1355 {strides = array<i32>} : memref<641x64xi32, #tpu.memory_space<vmem>>, vector<16xi32>,
        %bitcast3A_1359 = vector.bitcast %max3A_1352 : vector<32xbf16> to vector<16xi32>
        %swap3A_1360 = arith.index_cast %squeeze3A_1298 : i32 to index
        %swap3A_1361 = arith.constant 16 : index
        %swap3A_1362 = tpu.vector_load %arg15[%swap3A_1360, %swap3A_1361] {strides = array<i32>} : memref<641x64xi32, #tpu.memory_space<vmem>>, vector<16xi32>,
        tpu.vector_store %arg15[%swap3A_1360, %swap3A_1361], %bitcast3A_1359 {strides = array<i32>} : memref<641x64xi32, #tpu.memory_space<vmem>>, vector<16xi32>,
        %bitcast3A_1363 = vector.bitcast %max3A_1353 : vector<32xbf16> to vector<16xi32>
        %swap3A_1364 = arith.index_cast %squeeze3A_1298 : i32 to index
        %swap3A_1365 = arith.constant 32 : index
        %swap3A_1366 = tpu.vector_load %arg15[%swap3A_1364, %swap3A_1365] {strides = array<i32>} : memref<641x64xi32, #tpu.memory_space<vmem>>, vector<16xi32>,
        tpu.vector_store %arg15[%swap3A_1364, %swap3A_1365], %bitcast3A_1363 {strides = array<i32>} : memref<641x64xi32, #tpu.memory_space<vmem>>, vector<16xi32>,
        %bitcast3A_1367 = vector.bitcast %max3A_1354 : vector<32xbf16> to vector<16xi32>
        %swap3A_1368 = arith.index_cast %squeeze3A_1298 : i32 to index
        %swap3A_1369 = arith.constant 48 : index
        %swap3A_1370 = tpu.vector_load %arg15[%swap3A_1368, %swap3A_1369] {strides = array<i32>} : memref<641x64xi32, #tpu.memory_space<vmem>>, vector<16xi32>,
        tpu.vector_store %arg15[%swap3A_1368, %swap3A_1369], %bitcast3A_1367 {strides = array<i32>} : memref<641x64xi32, #tpu.memory_space<vmem>>, vector<16xi32>,
      }
      %scan3A_184 = arith.constant 4 : i32
      %add3A_185 = arith.constant 1 : i32
      %add3A_186 = arith.addi %while3A_146, %add3A_185 : i32
      scf.yield %select_n3A_157, %add3A_186 : i32, i32
    }
    %eq3A = arith.constant 1 : i32
    %eq3A_103 = arith.cmpi eq, %and3A_0, %eq3A : i32
    %mul3A_104 = arith.constant 320 : i32
    %mul3A_105 = arith.muli %shift_right_logical3A_1, %mul3A_104 : i32
    %add3A_106 = arith.constant 8 : i32
    %add3A_107 = arith.addi %add3A_106, %shift_right_logical3A_1 : i32
    %mul3A_108 = arith.constant 320 : i32
    %mul3A_109 = arith.muli %add3A_107, %mul3A_108 : i32
    %select_n3A = arith.select %eq3A_103, %mul3A_105, %mul3A_109 : i32
    %eq3A_110 = arith.constant 0 : i32
    %eq3A_111 = arith.cmpi eq, %and3A_0, %eq3A_110 : i32
    %mul3A_112 = arith.constant 320 : i32
    %mul3A_113 = arith.muli %shift_right_logical3A_1, %mul3A_112 : i32
    %add3A_114 = arith.constant 8 : i32
    %add3A_115 = arith.addi %add3A_114, %shift_right_logical3A_1 : i32
    %mul3A_116 = arith.constant 320 : i32
    %mul3A_117 = arith.muli %add3A_115, %mul3A_116 : i32
    %select_n3A_118 = arith.select %eq3A_111, %mul3A_113, %mul3A_117 : i32
    %mul3A_119 = arith.constant 320 : i32
    %mul3A_120 = arith.muli %and3A_0, %mul3A_119 : i32
    %sub3A = arith.constant 1 : i32
    %sub3A_121 = arith.subi %sub3A, %and3A_0 : i32
    %mul3A_122 = arith.constant 320 : i32
    %mul3A_123 = arith.muli %sub3A_121, %mul3A_122 : i32
    "tpu.region"() ({
      %run_scoped3A_145 = tpu.sem_alloc : memref<!tpu.dma_semaphore, #tpu.memory_space<semaphore_mem>>
      %dma_start3A_146 = arith.constant 0 : i32
      %dma_start3A_147 = tpu.memref_slice %arg15[%mul3A_123, %dma_start3A_146] : memref<641x64xi32, #tpu.memory_space<vmem>> -> memref<320x64xi32, #tpu.memory_space<vmem>>
      %dma_start3A_148 = arith.constant 0 : i32
      %dma_start3A_149 = tpu.memref_slice %arg19[%select_n3A, %dma_start3A_148] : memref<5120x64xi32, #tpu.memory_space<vmem_shared>> -> memref<320x64xi32, #tpu.memory_space<vmem_shared>>
      %dma_start3A_150 = arith.constant 0 : i32
      %dma_start3A_151 = tpu.memref_slice %arg19[%select_n3A, %dma_start3A_150] : memref<5120x64xi32, #tpu.memory_space<vmem_shared>> -> memref<320x64xi32, #tpu.memory_space<vmem_shared>>
      %dma_start3A_152 = arith.constant 0 : i32
      %dma_start3A_153 = tpu.memref_slice %arg15[%mul3A_123, %dma_start3A_152] : memref<641x64xi32, #tpu.memory_space<vmem>> -> memref<320x64xi32, #tpu.memory_space<vmem>>
      tpu.enqueue_dma source(%dma_start3A_153 : memref<320x64xi32, #tpu.memory_space<vmem>>) target(%dma_start3A_151 : memref<320x64xi32, #tpu.memory_space<vmem_shared>>) target_semaphore(%run_scoped3A_145 : memref<!tpu.dma_semaphore, #tpu.memory_space<semaphore_mem>>)
      %dma_wait3A = arith.constant 0 : i32
      %dma_wait3A_154 = tpu.memref_slice %arg15[%mul3A_123, %dma_wait3A] : memref<641x64xi32, #tpu.memory_space<vmem>> -> memref<320x64xi32, #tpu.memory_space<vmem>>
      %dma_wait3A_155 = arith.constant 0 : i32
      %dma_wait3A_156 = tpu.memref_slice %arg19[%select_n3A, %dma_wait3A_155] : memref<5120x64xi32, #tpu.memory_space<vmem_shared>> -> memref<320x64xi32, #tpu.memory_space<vmem_shared>>
      %dma_wait3A_157 = arith.constant 0 : i32
      %dma_wait3A_158 = tpu.memref_slice %arg19[%select_n3A, %dma_wait3A_157] : memref<5120x64xi32, #tpu.memory_space<vmem_shared>> -> memref<320x64xi32, #tpu.memory_space<vmem_shared>>
      %dma_wait3A_159 = arith.constant 0 : i32
      %dma_wait3A_160 = tpu.memref_slice %arg15[%mul3A_123, %dma_wait3A_159] : memref<641x64xi32, #tpu.memory_space<vmem>> -> memref<320x64xi32, #tpu.memory_space<vmem>>
      tpu.wait_dma2 semaphore(%run_scoped3A_145 : memref<!tpu.dma_semaphore, #tpu.memory_space<semaphore_mem>>) src(%dma_wait3A_160 : memref<320x64xi32, #tpu.memory_space<vmem>>) dst(%dma_wait3A_158 : memref<320x64xi32, #tpu.memory_space<vmem_shared>>)
      tpu.yield
    }) : () -> ()
    %barrier3A_124 = arith.constant 0 : index
    tpu.barrier barrier_id(%barrier3A_124)
    %scan3A_125 = arith.constant 0 : i32
    %scan3A_126 = arith.constant 0 : i32
    %scan3A_127 = arith.constant 5 : i32
    %scan3A_128 = arith.addi %scan3A_126, %scan3A_127 : i32
    %scan3A_129 = arith.constant 1 : i32
    scf.for %scan3A_145 = %scan3A_126 to %scan3A_128 step %scan3A_129  : i32 {
      %mul3A_146 = arith.constant 64 : i32
      %mul3A_147 = arith.muli %scan3A_145, %mul3A_146 : i32
      %add3A_148 = arith.addi %select_n3A_118, %mul3A_147 : i32
      %run_scoped3A_149 = arith.constant 0 : i32
      "tpu.region"() ({
        %run_scoped3A_156 = tpu.sem_alloc : memref<!tpu.dma_semaphore, #tpu.memory_space<semaphore_mem>>
        %dma_start3A_157 = arith.constant 0 : i32
        %dma_start3A_158 = arith.constant 0 : i32
        %dma_start3A_159 = tpu.memref_slice %arg14[%run_scoped3A_149, %dma_start3A_157, %dma_start3A_158] : memref<2x64x64xi32, #tpu.memory_space<vmem>> -> memref<1x64x64xi32, #tpu.memory_space<vmem>>
        %dma_start3A_160 = tpu.memref_squeeze %dma_start3A_159 : memref<1x64x64xi32, #tpu.memory_space<vmem>> -> memref<64x64xi32, #tpu.memory_space<vmem>>
        %dma_start3A_161 = arith.constant 0 : i32
        %dma_start3A_162 = tpu.memref_slice %arg19[%add3A_148, %dma_start3A_161] : memref<5120x64xi32, #tpu.memory_space<vmem_shared>> -> memref<64x64xi32, #tpu.memory_space<vmem_shared>>
        %dma_start3A_163 = arith.constant 0 : i32
        %dma_start3A_164 = arith.constant 0 : i32
        %dma_start3A_165 = tpu.memref_slice %arg14[%run_scoped3A_149, %dma_start3A_163, %dma_start3A_164] : memref<2x64x64xi32, #tpu.memory_space<vmem>> -> memref<1x64x64xi32, #tpu.memory_space<vmem>>
        %dma_start3A_166 = tpu.memref_squeeze %dma_start3A_165 : memref<1x64x64xi32, #tpu.memory_space<vmem>> -> memref<64x64xi32, #tpu.memory_space<vmem>>
        %dma_start3A_167 = arith.constant 0 : i32
        %dma_start3A_168 = tpu.memref_slice %arg19[%add3A_148, %dma_start3A_167] : memref<5120x64xi32, #tpu.memory_space<vmem_shared>> -> memref<64x64xi32, #tpu.memory_space<vmem_shared>>
        tpu.enqueue_dma source(%dma_start3A_168 : memref<64x64xi32, #tpu.memory_space<vmem_shared>>) target(%dma_start3A_166 : memref<64x64xi32, #tpu.memory_space<vmem>>) target_semaphore(%run_scoped3A_156 : memref<!tpu.dma_semaphore, #tpu.memory_space<semaphore_mem>>)
        %dma_wait3A = arith.constant 0 : i32
        %dma_wait3A_169 = arith.constant 0 : i32
        %dma_wait3A_170 = tpu.memref_slice %arg14[%run_scoped3A_149, %dma_wait3A, %dma_wait3A_169] : memref<2x64x64xi32, #tpu.memory_space<vmem>> -> memref<1x64x64xi32, #tpu.memory_space<vmem>>
        %dma_wait3A_171 = tpu.memref_squeeze %dma_wait3A_170 : memref<1x64x64xi32, #tpu.memory_space<vmem>> -> memref<64x64xi32, #tpu.memory_space<vmem>>
        %dma_wait3A_172 = arith.constant 0 : i32
        %dma_wait3A_173 = tpu.memref_slice %arg19[%add3A_148, %dma_wait3A_172] : memref<5120x64xi32, #tpu.memory_space<vmem_shared>> -> memref<64x64xi32, #tpu.memory_space<vmem_shared>>
        %dma_wait3A_174 = arith.constant 0 : i32
        %dma_wait3A_175 = arith.constant 0 : i32
        %dma_wait3A_176 = tpu.memref_slice %arg14[%run_scoped3A_149, %dma_wait3A_174, %dma_wait3A_175] : memref<2x64x64xi32, #tpu.memory_space<vmem>> -> memref<1x64x64xi32, #tpu.memory_space<vmem>>
        %dma_wait3A_177 = tpu.memref_squeeze %dma_wait3A_176 : memref<1x64x64xi32, #tpu.memory_space<vmem>> -> memref<64x64xi32, #tpu.memory_space<vmem>>
        %dma_wait3A_178 = arith.constant 0 : i32
        %dma_wait3A_179 = tpu.memref_slice %arg19[%add3A_148, %dma_wait3A_178] : memref<5120x64xi32, #tpu.memory_space<vmem_shared>> -> memref<64x64xi32, #tpu.memory_space<vmem_shared>>
        tpu.wait_dma2 semaphore(%run_scoped3A_156 : memref<!tpu.dma_semaphore, #tpu.memory_space<semaphore_mem>>) src(%dma_wait3A_179 : memref<64x64xi32, #tpu.memory_space<vmem_shared>>) dst(%dma_wait3A_177 : memref<64x64xi32, #tpu.memory_space<vmem>>)
        tpu.yield
      }) : () -> ()
      %scan3A_150 = arith.constant 0 : i32
      %scan3A_151 = arith.constant 0 : i32
      %scan3A_152 = arith.constant 64 : i32
      %scan3A_153 = arith.addi %scan3A_151, %scan3A_152 : i32
      %scan3A_154 = arith.constant 1 : i32
      scf.for %scan3A_156 = %scan3A_151 to %scan3A_153 step %scan3A_154  : i32 {
        %mul3A_157 = arith.constant 64 : i32
        %mul3A_158 = arith.muli %scan3A_145, %mul3A_157 : i32
        %add3A_159 = arith.addi %mul3A_120, %mul3A_158 : i32
        %add3A_160 = arith.addi %add3A_159, %scan3A_156 : i32
        %get3A = arith.index_cast %add3A_160 : i32 to index
        %get3A_161 = arith.constant 0 : index
        %get3A_162 = tpu.vector_load %arg15[%get3A, %get3A_161] {strides = array<i32>} : memref<641x64xi32, #tpu.memory_space<vmem>>, vector<16xi32>,
        %bitcast3A = vector.bitcast %get3A_162 : vector<16xi32> to vector<32xbf16>
        %get3A_163 = arith.index_cast %add3A_160 : i32 to index
        %get3A_164 = arith.constant 16 : index
        %get3A_165 = tpu.vector_load %arg15[%get3A_163, %get3A_164] {strides = array<i32>} : memref<641x64xi32, #tpu.memory_space<vmem>>, vector<16xi32>,
        %bitcast3A_166 = vector.bitcast %get3A_165 : vector<16xi32> to vector<32xbf16>
        %get3A_167 = arith.index_cast %add3A_160 : i32 to index
        %get3A_168 = arith.constant 32 : index
        %get3A_169 = tpu.vector_load %arg15[%get3A_167, %get3A_168] {strides = array<i32>} : memref<641x64xi32, #tpu.memory_space<vmem>>, vector<16xi32>,
        %bitcast3A_170 = vector.bitcast %get3A_169 : vector<16xi32> to vector<32xbf16>
        %get3A_171 = arith.index_cast %add3A_160 : i32 to index
        %get3A_172 = arith.constant 48 : index
        %get3A_173 = tpu.vector_load %arg15[%get3A_171, %get3A_172] {strides = array<i32>} : memref<641x64xi32, #tpu.memory_space<vmem>>, vector<16xi32>,
        %bitcast3A_174 = vector.bitcast %get3A_173 : vector<16xi32> to vector<32xbf16>
        %get3A_175 = arith.constant 0 : i32
        %get3A_176 = arith.index_cast %get3A_175 : i32 to index
        %get3A_177 = arith.index_cast %scan3A_156 : i32 to index
        %get3A_178 = arith.constant 0 : index
        %get3A_179 = tpu.vector_load %arg14[%get3A_176, %get3A_177, %get3A_178] {strides = array<i32>} : memref<2x64x64xi32, #tpu.memory_space<vmem>>, vector<16xi32>,
        %bitcast3A_180 = vector.bitcast %get3A_179 : vector<16xi32> to vector<32xbf16>
        %get3A_181 = arith.constant 0 : i32
        %get3A_182 = arith.index_cast %get3A_181 : i32 to index
        %get3A_183 = arith.index_cast %scan3A_156 : i32 to index
        %get3A_184 = arith.constant 16 : index
        %get3A_185 = tpu.vector_load %arg14[%get3A_182, %get3A_183, %get3A_184] {strides = array<i32>} : memref<2x64x64xi32, #tpu.memory_space<vmem>>, vector<16xi32>,
        %bitcast3A_186 = vector.bitcast %get3A_185 : vector<16xi32> to vector<32xbf16>
        %get3A_187 = arith.constant 0 : i32
        %get3A_188 = arith.index_cast %get3A_187 : i32 to index
        %get3A_189 = arith.index_cast %scan3A_156 : i32 to index
        %get3A_190 = arith.constant 32 : index
        %get3A_191 = tpu.vector_load %arg14[%get3A_188, %get3A_189, %get3A_190] {strides = array<i32>} : memref<2x64x64xi32, #tpu.memory_space<vmem>>, vector<16xi32>,
        %bitcast3A_192 = vector.bitcast %get3A_191 : vector<16xi32> to vector<32xbf16>
        %get3A_193 = arith.constant 0 : i32
        %get3A_194 = arith.index_cast %get3A_193 : i32 to index
        %get3A_195 = arith.index_cast %scan3A_156 : i32 to index
        %get3A_196 = arith.constant 48 : index
        %get3A_197 = tpu.vector_load %arg14[%get3A_194, %get3A_195, %get3A_196] {strides = array<i32>} : memref<2x64x64xi32, #tpu.memory_space<vmem>>, vector<16xi32>,
        %bitcast3A_198 = vector.bitcast %get3A_197 : vector<16xi32> to vector<32xbf16>
        %max3A = arith.maximumf %bitcast3A, %bitcast3A_180 : vector<32xbf16>
        %max3A_199 = arith.maximumf %bitcast3A_166, %bitcast3A_186 : vector<32xbf16>
        %max3A_200 = arith.maximumf %bitcast3A_170, %bitcast3A_192 : vector<32xbf16>
        %max3A_201 = arith.maximumf %bitcast3A_174, %bitcast3A_198 : vector<32xbf16>
        %bitcast3A_202 = vector.bitcast %max3A : vector<32xbf16> to vector<16xi32>
        %swap3A = arith.index_cast %add3A_160 : i32 to index
        %swap3A_203 = arith.constant 0 : index
        %swap3A_204 = tpu.vector_load %arg15[%swap3A, %swap3A_203] {strides = array<i32>} : memref<641x64xi32, #tpu.memory_space<vmem>>, vector<16xi32>,
        tpu.vector_store %arg15[%swap3A, %swap3A_203], %bitcast3A_202 {strides = array<i32>} : memref<641x64xi32, #tpu.memory_space<vmem>>, vector<16xi32>,
        %bitcast3A_205 = vector.bitcast %max3A_199 : vector<32xbf16> to vector<16xi32>
        %swap3A_206 = arith.index_cast %add3A_160 : i32 to index
        %swap3A_207 = arith.constant 16 : index
        %swap3A_208 = tpu.vector_load %arg15[%swap3A_206, %swap3A_207] {strides = array<i32>} : memref<641x64xi32, #tpu.memory_space<vmem>>, vector<16xi32>,
        tpu.vector_store %arg15[%swap3A_206, %swap3A_207], %bitcast3A_205 {strides = array<i32>} : memref<641x64xi32, #tpu.memory_space<vmem>>, vector<16xi32>,
        %bitcast3A_209 = vector.bitcast %max3A_200 : vector<32xbf16> to vector<16xi32>
        %swap3A_210 = arith.index_cast %add3A_160 : i32 to index
        %swap3A_211 = arith.constant 32 : index
        %swap3A_212 = tpu.vector_load %arg15[%swap3A_210, %swap3A_211] {strides = array<i32>} : memref<641x64xi32, #tpu.memory_space<vmem>>, vector<16xi32>,
        tpu.vector_store %arg15[%swap3A_210, %swap3A_211], %bitcast3A_209 {strides = array<i32>} : memref<641x64xi32, #tpu.memory_space<vmem>>, vector<16xi32>,
        %bitcast3A_213 = vector.bitcast %max3A_201 : vector<32xbf16> to vector<16xi32>
        %swap3A_214 = arith.index_cast %add3A_160 : i32 to index
        %swap3A_215 = arith.constant 48 : index
        %swap3A_216 = tpu.vector_load %arg15[%swap3A_214, %swap3A_215] {strides = array<i32>} : memref<641x64xi32, #tpu.memory_space<vmem>>, vector<16xi32>,
        tpu.vector_store %arg15[%swap3A_214, %swap3A_215], %bitcast3A_213 {strides = array<i32>} : memref<641x64xi32, #tpu.memory_space<vmem>>, vector<16xi32>,
      }
      %scan3A_155 = arith.constant 64 : i32
    }
    %scan3A_130 = arith.constant 5 : i32
    %add3A_131 = arith.addi %mul3A_4, %mul3A_120 : i32
    %run_scoped3A = arith.constant 0 : i32
    "tpu.region"() ({
      %run_scoped3A_145 = tpu.sem_alloc : memref<!tpu.dma_semaphore, #tpu.memory_space<semaphore_mem>>
      %dma_start3A_146 = arith.constant 0 : i32
      %dma_start3A_147 = tpu.memref_slice %arg16[%run_scoped3A, %dma_start3A_146] : memref<4x64xf32, #tpu.memory_space<vmem>> -> memref<1x64xf32, #tpu.memory_space<vmem>>
      %dma_start3A_148 = tpu.memref_squeeze %dma_start3A_147 : memref<1x64xf32, #tpu.memory_space<vmem>> -> memref<64xf32, #tpu.memory_space<vmem>>
      %dma_start3A_149 = arith.constant 0 : i32
      %dma_start3A_150 = tpu.memref_slice %arg16[%run_scoped3A, %dma_start3A_149] : memref<4x64xf32, #tpu.memory_space<vmem>> -> memref<1x64xf32, #tpu.memory_space<vmem>>
      %dma_start3A_151 = tpu.memref_squeeze %dma_start3A_150 : memref<1x64xf32, #tpu.memory_space<vmem>> -> memref<64xf32, #tpu.memory_space<vmem>>
      tpu.enqueue_dma source(%arg5 : memref<64xf32, #tpu.memory_space<hbm>>) target(%dma_start3A_151 : memref<64xf32, #tpu.memory_space<vmem>>) target_semaphore(%run_scoped3A_145 : memref<!tpu.dma_semaphore, #tpu.memory_space<semaphore_mem>>)
      %dma_wait3A = arith.constant 0 : i32
      %dma_wait3A_152 = tpu.memref_slice %arg16[%run_scoped3A, %dma_wait3A] : memref<4x64xf32, #tpu.memory_space<vmem>> -> memref<1x64xf32, #tpu.memory_space<vmem>>
      %dma_wait3A_153 = tpu.memref_squeeze %dma_wait3A_152 : memref<1x64xf32, #tpu.memory_space<vmem>> -> memref<64xf32, #tpu.memory_space<vmem>>
      %dma_wait3A_154 = arith.constant 0 : i32
      %dma_wait3A_155 = tpu.memref_slice %arg16[%run_scoped3A, %dma_wait3A_154] : memref<4x64xf32, #tpu.memory_space<vmem>> -> memref<1x64xf32, #tpu.memory_space<vmem>>
      %dma_wait3A_156 = tpu.memref_squeeze %dma_wait3A_155 : memref<1x64xf32, #tpu.memory_space<vmem>> -> memref<64xf32, #tpu.memory_space<vmem>>
      tpu.wait_dma2 semaphore(%run_scoped3A_145 : memref<!tpu.dma_semaphore, #tpu.memory_space<semaphore_mem>>) src(%arg5 : memref<64xf32, #tpu.memory_space<hbm>>) dst(%dma_wait3A_156 : memref<64xf32, #tpu.memory_space<vmem>>)
      tpu.yield
    }) : () -> ()
    %run_scoped3A_132 = arith.constant 1 : i32
    "tpu.region"() ({
      %run_scoped3A_145 = tpu.sem_alloc : memref<!tpu.dma_semaphore, #tpu.memory_space<semaphore_mem>>
      %dma_start3A_146 = arith.constant 0 : i32
      %dma_start3A_147 = tpu.memref_slice %arg16[%run_scoped3A_132, %dma_start3A_146] : memref<4x64xf32, #tpu.memory_space<vmem>> -> memref<1x64xf32, #tpu.memory_space<vmem>>
      %dma_start3A_148 = tpu.memref_squeeze %dma_start3A_147 : memref<1x64xf32, #tpu.memory_space<vmem>> -> memref<64xf32, #tpu.memory_space<vmem>>
      %dma_start3A_149 = arith.constant 0 : i32
      %dma_start3A_150 = tpu.memref_slice %arg16[%run_scoped3A_132, %dma_start3A_149] : memref<4x64xf32, #tpu.memory_space<vmem>> -> memref<1x64xf32, #tpu.memory_space<vmem>>
      %dma_start3A_151 = tpu.memref_squeeze %dma_start3A_150 : memref<1x64xf32, #tpu.memory_space<vmem>> -> memref<64xf32, #tpu.memory_space<vmem>>
      tpu.enqueue_dma source(%arg6 : memref<64xf32, #tpu.memory_space<hbm>>) target(%dma_start3A_151 : memref<64xf32, #tpu.memory_space<vmem>>) target_semaphore(%run_scoped3A_145 : memref<!tpu.dma_semaphore, #tpu.memory_space<semaphore_mem>>)
      %dma_wait3A = arith.constant 0 : i32
      %dma_wait3A_152 = tpu.memref_slice %arg16[%run_scoped3A_132, %dma_wait3A] : memref<4x64xf32, #tpu.memory_space<vmem>> -> memref<1x64xf32, #tpu.memory_space<vmem>>
      %dma_wait3A_153 = tpu.memref_squeeze %dma_wait3A_152 : memref<1x64xf32, #tpu.memory_space<vmem>> -> memref<64xf32, #tpu.memory_space<vmem>>
      %dma_wait3A_154 = arith.constant 0 : i32
      %dma_wait3A_155 = tpu.memref_slice %arg16[%run_scoped3A_132, %dma_wait3A_154] : memref<4x64xf32, #tpu.memory_space<vmem>> -> memref<1x64xf32, #tpu.memory_space<vmem>>
      %dma_wait3A_156 = tpu.memref_squeeze %dma_wait3A_155 : memref<1x64xf32, #tpu.memory_space<vmem>> -> memref<64xf32, #tpu.memory_space<vmem>>
      tpu.wait_dma2 semaphore(%run_scoped3A_145 : memref<!tpu.dma_semaphore, #tpu.memory_space<semaphore_mem>>) src(%arg6 : memref<64xf32, #tpu.memory_space<hbm>>) dst(%dma_wait3A_156 : memref<64xf32, #tpu.memory_space<vmem>>)
      tpu.yield
    }) : () -> ()
    %run_scoped3A_133 = arith.constant 2 : i32
    "tpu.region"() ({
      %run_scoped3A_145 = tpu.sem_alloc : memref<!tpu.dma_semaphore, #tpu.memory_space<semaphore_mem>>
      %dma_start3A_146 = arith.constant 0 : i32
      %dma_start3A_147 = tpu.memref_slice %arg16[%run_scoped3A_133, %dma_start3A_146] : memref<4x64xf32, #tpu.memory_space<vmem>> -> memref<1x64xf32, #tpu.memory_space<vmem>>
      %dma_start3A_148 = tpu.memref_squeeze %dma_start3A_147 : memref<1x64xf32, #tpu.memory_space<vmem>> -> memref<64xf32, #tpu.memory_space<vmem>>
      %dma_start3A_149 = arith.constant 0 : i32
      %dma_start3A_150 = tpu.memref_slice %arg16[%run_scoped3A_133, %dma_start3A_149] : memref<4x64xf32, #tpu.memory_space<vmem>> -> memref<1x64xf32, #tpu.memory_space<vmem>>
      %dma_start3A_151 = tpu.memref_squeeze %dma_start3A_150 : memref<1x64xf32, #tpu.memory_space<vmem>> -> memref<64xf32, #tpu.memory_space<vmem>>
      tpu.enqueue_dma source(%arg7 : memref<64xf32, #tpu.memory_space<hbm>>) target(%dma_start3A_151 : memref<64xf32, #tpu.memory_space<vmem>>) target_semaphore(%run_scoped3A_145 : memref<!tpu.dma_semaphore, #tpu.memory_space<semaphore_mem>>)
      %dma_wait3A = arith.constant 0 : i32
      %dma_wait3A_152 = tpu.memref_slice %arg16[%run_scoped3A_133, %dma_wait3A] : memref<4x64xf32, #tpu.memory_space<vmem>> -> memref<1x64xf32, #tpu.memory_space<vmem>>
      %dma_wait3A_153 = tpu.memref_squeeze %dma_wait3A_152 : memref<1x64xf32, #tpu.memory_space<vmem>> -> memref<64xf32, #tpu.memory_space<vmem>>
      %dma_wait3A_154 = arith.constant 0 : i32
      %dma_wait3A_155 = tpu.memref_slice %arg16[%run_scoped3A_133, %dma_wait3A_154] : memref<4x64xf32, #tpu.memory_space<vmem>> -> memref<1x64xf32, #tpu.memory_space<vmem>>
      %dma_wait3A_156 = tpu.memref_squeeze %dma_wait3A_155 : memref<1x64xf32, #tpu.memory_space<vmem>> -> memref<64xf32, #tpu.memory_space<vmem>>
      tpu.wait_dma2 semaphore(%run_scoped3A_145 : memref<!tpu.dma_semaphore, #tpu.memory_space<semaphore_mem>>) src(%arg7 : memref<64xf32, #tpu.memory_space<hbm>>) dst(%dma_wait3A_156 : memref<64xf32, #tpu.memory_space<vmem>>)
      tpu.yield
    }) : () -> ()
    %run_scoped3A_134 = arith.constant 3 : i32
    "tpu.region"() ({
      %run_scoped3A_145 = tpu.sem_alloc : memref<!tpu.dma_semaphore, #tpu.memory_space<semaphore_mem>>
      %dma_start3A_146 = arith.constant 0 : i32
      %dma_start3A_147 = tpu.memref_slice %arg16[%run_scoped3A_134, %dma_start3A_146] : memref<4x64xf32, #tpu.memory_space<vmem>> -> memref<1x64xf32, #tpu.memory_space<vmem>>
      %dma_start3A_148 = tpu.memref_squeeze %dma_start3A_147 : memref<1x64xf32, #tpu.memory_space<vmem>> -> memref<64xf32, #tpu.memory_space<vmem>>
      %dma_start3A_149 = arith.constant 0 : i32
      %dma_start3A_150 = tpu.memref_slice %arg16[%run_scoped3A_134, %dma_start3A_149] : memref<4x64xf32, #tpu.memory_space<vmem>> -> memref<1x64xf32, #tpu.memory_space<vmem>>
      %dma_start3A_151 = tpu.memref_squeeze %dma_start3A_150 : memref<1x64xf32, #tpu.memory_space<vmem>> -> memref<64xf32, #tpu.memory_space<vmem>>
      tpu.enqueue_dma source(%arg8 : memref<64xf32, #tpu.memory_space<hbm>>) target(%dma_start3A_151 : memref<64xf32, #tpu.memory_space<vmem>>) target_semaphore(%run_scoped3A_145 : memref<!tpu.dma_semaphore, #tpu.memory_space<semaphore_mem>>)
      %dma_wait3A = arith.constant 0 : i32
      %dma_wait3A_152 = tpu.memref_slice %arg16[%run_scoped3A_134, %dma_wait3A] : memref<4x64xf32, #tpu.memory_space<vmem>> -> memref<1x64xf32, #tpu.memory_space<vmem>>
      %dma_wait3A_153 = tpu.memref_squeeze %dma_wait3A_152 : memref<1x64xf32, #tpu.memory_space<vmem>> -> memref<64xf32, #tpu.memory_space<vmem>>
      %dma_wait3A_154 = arith.constant 0 : i32
      %dma_wait3A_155 = tpu.memref_slice %arg16[%run_scoped3A_134, %dma_wait3A_154] : memref<4x64xf32, #tpu.memory_space<vmem>> -> memref<1x64xf32, #tpu.memory_space<vmem>>
      %dma_wait3A_156 = tpu.memref_squeeze %dma_wait3A_155 : memref<1x64xf32, #tpu.memory_space<vmem>> -> memref<64xf32, #tpu.memory_space<vmem>>
      tpu.wait_dma2 semaphore(%run_scoped3A_145 : memref<!tpu.dma_semaphore, #tpu.memory_space<semaphore_mem>>) src(%arg8 : memref<64xf32, #tpu.memory_space<hbm>>) dst(%dma_wait3A_156 : memref<64xf32, #tpu.memory_space<vmem>>)
      tpu.yield
    }) : () -> ()
    %broadcast_in_dim3A_135 = arith.constant 0xFF800000 : f32
    %broadcast_in_dim3A_136 = vector.broadcast %broadcast_in_dim3A_135 : f32 to vector<16xf32>
    %broadcast_in_dim3A_137 = arith.constant 0.000000e+00 : f32
    %broadcast_in_dim3A_138 = vector.broadcast %broadcast_in_dim3A_137 : f32 to vector<16xf32>
    %scan3A_139 = arith.constant 0 : i32
    %scan3A_140 = arith.constant 0 : i32
    %scan3A_141 = arith.constant 5 : i32
    %scan3A_142 = arith.addi %scan3A_140, %scan3A_141 : i32
    %scan3A_143 = arith.constant 1 : i32
    scf.for %scan3A_145 = %scan3A_140 to %scan3A_142 step %scan3A_143  : i32 {
      %mul3A_146 = arith.constant 64 : i32
      %mul3A_147 = arith.muli %scan3A_145, %mul3A_146 : i32
      %add3A_148 = arith.addi %add3A_131, %mul3A_147 : i32
      %run_scoped3A_149 = arith.constant 1 : i32
      "tpu.region"() ({
        %run_scoped3A_156 = tpu.sem_alloc : memref<!tpu.dma_semaphore, #tpu.memory_space<semaphore_mem>>
        %dma_start3A_157 = arith.constant 0 : i32
        %dma_start3A_158 = arith.constant 0 : i32
        %dma_start3A_159 = tpu.memref_slice %arg14[%run_scoped3A_149, %dma_start3A_157, %dma_start3A_158] : memref<2x64x64xi32, #tpu.memory_space<vmem>> -> memref<1x64x64xi32, #tpu.memory_space<vmem>>
        %dma_start3A_160 = tpu.memref_squeeze %dma_start3A_159 : memref<1x64x64xi32, #tpu.memory_space<vmem>> -> memref<64x64xi32, #tpu.memory_space<vmem>>
        %dma_start3A_161 = arith.constant 0 : i32
        %dma_start3A_162 = tpu.memref_slice %arg4[%add3A_148, %dma_start3A_161] : memref<10240x64xi32, #tpu.memory_space<hbm>> -> memref<64x64xi32, #tpu.memory_space<hbm>>
        %dma_start3A_163 = arith.constant 0 : i32
        %dma_start3A_164 = arith.constant 0 : i32
        %dma_start3A_165 = tpu.memref_slice %arg14[%run_scoped3A_149, %dma_start3A_163, %dma_start3A_164] : memref<2x64x64xi32, #tpu.memory_space<vmem>> -> memref<1x64x64xi32, #tpu.memory_space<vmem>>
        %dma_start3A_166 = tpu.memref_squeeze %dma_start3A_165 : memref<1x64x64xi32, #tpu.memory_space<vmem>> -> memref<64x64xi32, #tpu.memory_space<vmem>>
        %dma_start3A_167 = arith.constant 0 : i32
        %dma_start3A_168 = tpu.memref_slice %arg4[%add3A_148, %dma_start3A_167] : memref<10240x64xi32, #tpu.memory_space<hbm>> -> memref<64x64xi32, #tpu.memory_space<hbm>>
        tpu.enqueue_dma source(%dma_start3A_168 : memref<64x64xi32, #tpu.memory_space<hbm>>) target(%dma_start3A_166 : memref<64x64xi32, #tpu.memory_space<vmem>>) target_semaphore(%run_scoped3A_156 : memref<!tpu.dma_semaphore, #tpu.memory_space<semaphore_mem>>)
        %dma_wait3A = arith.constant 0 : i32
        %dma_wait3A_169 = arith.constant 0 : i32
        %dma_wait3A_170 = tpu.memref_slice %arg14[%run_scoped3A_149, %dma_wait3A, %dma_wait3A_169] : memref<2x64x64xi32, #tpu.memory_space<vmem>> -> memref<1x64x64xi32, #tpu.memory_space<vmem>>
        %dma_wait3A_171 = tpu.memref_squeeze %dma_wait3A_170 : memref<1x64x64xi32, #tpu.memory_space<vmem>> -> memref<64x64xi32, #tpu.memory_space<vmem>>
        %dma_wait3A_172 = arith.constant 0 : i32
        %dma_wait3A_173 = tpu.memref_slice %arg4[%add3A_148, %dma_wait3A_172] : memref<10240x64xi32, #tpu.memory_space<hbm>> -> memref<64x64xi32, #tpu.memory_space<hbm>>
        %dma_wait3A_174 = arith.constant 0 : i32
        %dma_wait3A_175 = arith.constant 0 : i32
        %dma_wait3A_176 = tpu.memref_slice %arg14[%run_scoped3A_149, %dma_wait3A_174, %dma_wait3A_175] : memref<2x64x64xi32, #tpu.memory_space<vmem>> -> memref<1x64x64xi32, #tpu.memory_space<vmem>>
        %dma_wait3A_177 = tpu.memref_squeeze %dma_wait3A_176 : memref<1x64x64xi32, #tpu.memory_space<vmem>> -> memref<64x64xi32, #tpu.memory_space<vmem>>
        %dma_wait3A_178 = arith.constant 0 : i32
        %dma_wait3A_179 = tpu.memref_slice %arg4[%add3A_148, %dma_wait3A_178] : memref<10240x64xi32, #tpu.memory_space<hbm>> -> memref<64x64xi32, #tpu.memory_space<hbm>>
        tpu.wait_dma2 semaphore(%run_scoped3A_156 : memref<!tpu.dma_semaphore, #tpu.memory_space<semaphore_mem>>) src(%dma_wait3A_179 : memref<64x64xi32, #tpu.memory_space<hbm>>) dst(%dma_wait3A_177 : memref<64x64xi32, #tpu.memory_space<vmem>>)
        tpu.yield
      }) : () -> ()
      %scan3A_150 = arith.constant 0 : i32
      %scan3A_151 = arith.constant 0 : i32
      %scan3A_152 = arith.constant 64 : i32
      %scan3A_153 = arith.addi %scan3A_151, %scan3A_152 : i32
      %scan3A_154 = arith.constant 1 : i32
      scf.for %scan3A_156 = %scan3A_151 to %scan3A_153 step %scan3A_154  : i32 {
        %mul3A_157 = arith.constant 64 : i32
        %mul3A_158 = arith.muli %scan3A_145, %mul3A_157 : i32
        %add3A_159 = arith.addi %mul3A_158, %scan3A_156 : i32
        %add3A_160 = arith.addi %mul3A_120, %add3A_159 : i32
        %get3A = arith.index_cast %add3A_160 : i32 to index
        %get3A_161 = arith.constant 0 : index
        %get3A_162 = tpu.vector_load %arg15[%get3A, %get3A_161] {strides = array<i32>} : memref<641x64xi32, #tpu.memory_space<vmem>>, vector<16xi32>,
        %shift_left3A = arith.constant 16 : i32
        %shift_left3A_163 = vector.broadcast %shift_left3A : i32 to vector<16xi32>
        %shift_left3A_164 = arith.shli %get3A_162, %shift_left3A_163 : vector<16xi32>
        %bitcast3A = vector.bitcast %shift_left3A_164 : vector<16xi32> to vector<16xf32>
        %broadcast_in_dim3A_165 = arith.constant -65536 : i32
        %broadcast_in_dim3A_166 = vector.broadcast %broadcast_in_dim3A_165 : i32 to vector<16xi32>
        %and3A_167 = arith.andi %get3A_162, %broadcast_in_dim3A_166 : vector<16xi32>
        %bitcast3A_168 = vector.bitcast %and3A_167 : vector<16xi32> to vector<16xf32>
        %eq3A_169 = arith.cmpf oeq, %bitcast3A, %broadcast_in_dim3A_136 : vector<16xf32>
        %select_n3A_170 = arith.select %eq3A_169, %broadcast_in_dim3A_138, %bitcast3A : vector<16xi1>, vector<16xf32>
        %eq3A_171 = arith.cmpf oeq, %bitcast3A_168, %broadcast_in_dim3A_136 : vector<16xf32>
        %select_n3A_172 = arith.select %eq3A_171, %broadcast_in_dim3A_138, %bitcast3A_168 : vector<16xi1>, vector<16xf32>
        %get3A_173 = arith.constant 1 : i32
        %get3A_174 = arith.index_cast %get3A_173 : i32 to index
        %get3A_175 = arith.index_cast %scan3A_156 : i32 to index
        %get3A_176 = arith.constant 0 : index
        %get3A_177 = tpu.vector_load %arg14[%get3A_174, %get3A_175, %get3A_176] {strides = array<i32>} : memref<2x64x64xi32, #tpu.memory_space<vmem>>, vector<16xi32>,
        %get3A_178 = arith.constant 0 : i32
        %get3A_179 = arith.index_cast %get3A_178 : i32 to index
        %get3A_180 = arith.constant 0 : index
        %get3A_181 = tpu.vector_load %arg16[%get3A_179, %get3A_180] {strides = array<i32>} : memref<4x64xf32, #tpu.memory_space<vmem>>, vector<16xf32>,
        %mul3A_182 = arith.mulf %select_n3A_170, %get3A_181 : vector<16xf32>
        %add3A_183 = arith.addf %broadcast_in_dim3A_138, %mul3A_182 : vector<16xf32>
        %get3A_184 = arith.constant 1 : i32
        %get3A_185 = arith.index_cast %get3A_184 : i32 to index
        %get3A_186 = arith.constant 0 : index
        %get3A_187 = tpu.vector_load %arg16[%get3A_185, %get3A_186] {strides = array<i32>} : memref<4x64xf32, #tpu.memory_space<vmem>>, vector<16xf32>,
        %mul3A_188 = arith.mulf %select_n3A_172, %get3A_187 : vector<16xf32>
        %add3A_189 = arith.addf %add3A_183, %mul3A_188 : vector<16xf32>
        %shift_left3A_190 = arith.constant 16 : i32
        %shift_left3A_191 = vector.broadcast %shift_left3A_190 : i32 to vector<16xi32>
        %shift_left3A_192 = arith.shli %get3A_177, %shift_left3A_191 : vector<16xi32>
        %bitcast3A_193 = vector.bitcast %shift_left3A_192 : vector<16xi32> to vector<16xf32>
        %get3A_194 = arith.constant 2 : i32
        %get3A_195 = arith.index_cast %get3A_194 : i32 to index
        %get3A_196 = arith.constant 0 : index
        %get3A_197 = tpu.vector_load %arg16[%get3A_195, %get3A_196] {strides = array<i32>} : memref<4x64xf32, #tpu.memory_space<vmem>>, vector<16xf32>,
        %mul3A_198 = arith.mulf %bitcast3A_193, %get3A_197 : vector<16xf32>
        %add3A_199 = arith.addf %add3A_189, %mul3A_198 : vector<16xf32>
        %broadcast_in_dim3A_200 = arith.constant -65536 : i32
        %broadcast_in_dim3A_201 = vector.broadcast %broadcast_in_dim3A_200 : i32 to vector<16xi32>
        %and3A_202 = arith.andi %get3A_177, %broadcast_in_dim3A_201 : vector<16xi32>
        %bitcast3A_203 = vector.bitcast %and3A_202 : vector<16xi32> to vector<16xf32>
        %get3A_204 = arith.constant 3 : i32
        %get3A_205 = arith.index_cast %get3A_204 : i32 to index
        %get3A_206 = arith.constant 0 : index
        %get3A_207 = tpu.vector_load %arg16[%get3A_205, %get3A_206] {strides = array<i32>} : memref<4x64xf32, #tpu.memory_space<vmem>>, vector<16xf32>,
        %mul3A_208 = arith.mulf %bitcast3A_203, %get3A_207 : vector<16xf32>
        %add3A_209 = arith.addf %add3A_199, %mul3A_208 : vector<16xf32>
        %add3A_210 = arith.addi %mul3A_120, %add3A_159 : i32
        %get3A_211 = arith.index_cast %add3A_210 : i32 to index
        %get3A_212 = arith.constant 16 : index
        %get3A_213 = tpu.vector_load %arg15[%get3A_211, %get3A_212] {strides = array<i32>} : memref<641x64xi32, #tpu.memory_space<vmem>>, vector<16xi32>,
        %shift_left3A_214 = arith.constant 16 : i32
        %shift_left3A_215 = vector.broadcast %shift_left3A_214 : i32 to vector<16xi32>
        %shift_left3A_216 = arith.shli %get3A_213, %shift_left3A_215 : vector<16xi32>
        %bitcast3A_217 = vector.bitcast %shift_left3A_216 : vector<16xi32> to vector<16xf32>
        %broadcast_in_dim3A_218 = arith.constant -65536 : i32
        %broadcast_in_dim3A_219 = vector.broadcast %broadcast_in_dim3A_218 : i32 to vector<16xi32>
        %and3A_220 = arith.andi %get3A_213, %broadcast_in_dim3A_219 : vector<16xi32>
        %bitcast3A_221 = vector.bitcast %and3A_220 : vector<16xi32> to vector<16xf32>
        %eq3A_222 = arith.cmpf oeq, %bitcast3A_217, %broadcast_in_dim3A_136 : vector<16xf32>
        %select_n3A_223 = arith.select %eq3A_222, %broadcast_in_dim3A_138, %bitcast3A_217 : vector<16xi1>, vector<16xf32>
        %eq3A_224 = arith.cmpf oeq, %bitcast3A_221, %broadcast_in_dim3A_136 : vector<16xf32>
        %select_n3A_225 = arith.select %eq3A_224, %broadcast_in_dim3A_138, %bitcast3A_221 : vector<16xi1>, vector<16xf32>
        %get3A_226 = arith.constant 1 : i32
        %get3A_227 = arith.index_cast %get3A_226 : i32 to index
        %get3A_228 = arith.index_cast %scan3A_156 : i32 to index
        %get3A_229 = arith.constant 16 : index
        %get3A_230 = tpu.vector_load %arg14[%get3A_227, %get3A_228, %get3A_229] {strides = array<i32>} : memref<2x64x64xi32, #tpu.memory_space<vmem>>, vector<16xi32>,
        %get3A_231 = arith.constant 0 : i32
        %get3A_232 = arith.index_cast %get3A_231 : i32 to index
        %get3A_233 = arith.constant 16 : index
        %get3A_234 = tpu.vector_load %arg16[%get3A_232, %get3A_233] {strides = array<i32>} : memref<4x64xf32, #tpu.memory_space<vmem>>, vector<16xf32>,
        %mul3A_235 = arith.mulf %select_n3A_223, %get3A_234 : vector<16xf32>
        %add3A_236 = arith.addf %add3A_209, %mul3A_235 : vector<16xf32>
        %get3A_237 = arith.constant 1 : i32
        %get3A_238 = arith.index_cast %get3A_237 : i32 to index
        %get3A_239 = arith.constant 16 : index
        %get3A_240 = tpu.vector_load %arg16[%get3A_238, %get3A_239] {strides = array<i32>} : memref<4x64xf32, #tpu.memory_space<vmem>>, vector<16xf32>,
        %mul3A_241 = arith.mulf %select_n3A_225, %get3A_240 : vector<16xf32>
        %add3A_242 = arith.addf %add3A_236, %mul3A_241 : vector<16xf32>
        %shift_left3A_243 = arith.constant 16 : i32
        %shift_left3A_244 = vector.broadcast %shift_left3A_243 : i32 to vector<16xi32>
        %shift_left3A_245 = arith.shli %get3A_230, %shift_left3A_244 : vector<16xi32>
        %bitcast3A_246 = vector.bitcast %shift_left3A_245 : vector<16xi32> to vector<16xf32>
        %get3A_247 = arith.constant 2 : i32
        %get3A_248 = arith.index_cast %get3A_247 : i32 to index
        %get3A_249 = arith.constant 16 : index
        %get3A_250 = tpu.vector_load %arg16[%get3A_248, %get3A_249] {strides = array<i32>} : memref<4x64xf32, #tpu.memory_space<vmem>>, vector<16xf32>,
        %mul3A_251 = arith.mulf %bitcast3A_246, %get3A_250 : vector<16xf32>
        %add3A_252 = arith.addf %add3A_242, %mul3A_251 : vector<16xf32>
        %broadcast_in_dim3A_253 = arith.constant -65536 : i32
        %broadcast_in_dim3A_254 = vector.broadcast %broadcast_in_dim3A_253 : i32 to vector<16xi32>
        %and3A_255 = arith.andi %get3A_230, %broadcast_in_dim3A_254 : vector<16xi32>
        %bitcast3A_256 = vector.bitcast %and3A_255 : vector<16xi32> to vector<16xf32>
        %get3A_257 = arith.constant 3 : i32
        %get3A_258 = arith.index_cast %get3A_257 : i32 to index
        %get3A_259 = arith.constant 16 : index
        %get3A_260 = tpu.vector_load %arg16[%get3A_258, %get3A_259] {strides = array<i32>} : memref<4x64xf32, #tpu.memory_space<vmem>>, vector<16xf32>,
        %mul3A_261 = arith.mulf %bitcast3A_256, %get3A_260 : vector<16xf32>
        %add3A_262 = arith.addf %add3A_252, %mul3A_261 : vector<16xf32>
        %add3A_263 = arith.addi %mul3A_120, %add3A_159 : i32
        %get3A_264 = arith.index_cast %add3A_263 : i32 to index
        %get3A_265 = arith.constant 32 : index
        %get3A_266 = tpu.vector_load %arg15[%get3A_264, %get3A_265] {strides = array<i32>} : memref<641x64xi32, #tpu.memory_space<vmem>>, vector<16xi32>,
        %shift_left3A_267 = arith.constant 16 : i32
        %shift_left3A_268 = vector.broadcast %shift_left3A_267 : i32 to vector<16xi32>
        %shift_left3A_269 = arith.shli %get3A_266, %shift_left3A_268 : vector<16xi32>
        %bitcast3A_270 = vector.bitcast %shift_left3A_269 : vector<16xi32> to vector<16xf32>
        %broadcast_in_dim3A_271 = arith.constant -65536 : i32
        %broadcast_in_dim3A_272 = vector.broadcast %broadcast_in_dim3A_271 : i32 to vector<16xi32>
        %and3A_273 = arith.andi %get3A_266, %broadcast_in_dim3A_272 : vector<16xi32>
        %bitcast3A_274 = vector.bitcast %and3A_273 : vector<16xi32> to vector<16xf32>
        %eq3A_275 = arith.cmpf oeq, %bitcast3A_270, %broadcast_in_dim3A_136 : vector<16xf32>
        %select_n3A_276 = arith.select %eq3A_275, %broadcast_in_dim3A_138, %bitcast3A_270 : vector<16xi1>, vector<16xf32>
        %eq3A_277 = arith.cmpf oeq, %bitcast3A_274, %broadcast_in_dim3A_136 : vector<16xf32>
        %select_n3A_278 = arith.select %eq3A_277, %broadcast_in_dim3A_138, %bitcast3A_274 : vector<16xi1>, vector<16xf32>
        %get3A_279 = arith.constant 1 : i32
        %get3A_280 = arith.index_cast %get3A_279 : i32 to index
        %get3A_281 = arith.index_cast %scan3A_156 : i32 to index
        %get3A_282 = arith.constant 32 : index
        %get3A_283 = tpu.vector_load %arg14[%get3A_280, %get3A_281, %get3A_282] {strides = array<i32>} : memref<2x64x64xi32, #tpu.memory_space<vmem>>, vector<16xi32>,
        %get3A_284 = arith.constant 0 : i32
        %get3A_285 = arith.index_cast %get3A_284 : i32 to index
        %get3A_286 = arith.constant 32 : index
        %get3A_287 = tpu.vector_load %arg16[%get3A_285, %get3A_286] {strides = array<i32>} : memref<4x64xf32, #tpu.memory_space<vmem>>, vector<16xf32>,
        %mul3A_288 = arith.mulf %select_n3A_276, %get3A_287 : vector<16xf32>
        %add3A_289 = arith.addf %add3A_262, %mul3A_288 : vector<16xf32>
        %get3A_290 = arith.constant 1 : i32
        %get3A_291 = arith.index_cast %get3A_290 : i32 to index
        %get3A_292 = arith.constant 32 : index
        %get3A_293 = tpu.vector_load %arg16[%get3A_291, %get3A_292] {strides = array<i32>} : memref<4x64xf32, #tpu.memory_space<vmem>>, vector<16xf32>,
        %mul3A_294 = arith.mulf %select_n3A_278, %get3A_293 : vector<16xf32>
        %add3A_295 = arith.addf %add3A_289, %mul3A_294 : vector<16xf32>
        %shift_left3A_296 = arith.constant 16 : i32
        %shift_left3A_297 = vector.broadcast %shift_left3A_296 : i32 to vector<16xi32>
        %shift_left3A_298 = arith.shli %get3A_283, %shift_left3A_297 : vector<16xi32>
        %bitcast3A_299 = vector.bitcast %shift_left3A_298 : vector<16xi32> to vector<16xf32>
        %get3A_300 = arith.constant 2 : i32
        %get3A_301 = arith.index_cast %get3A_300 : i32 to index
        %get3A_302 = arith.constant 32 : index
        %get3A_303 = tpu.vector_load %arg16[%get3A_301, %get3A_302] {strides = array<i32>} : memref<4x64xf32, #tpu.memory_space<vmem>>, vector<16xf32>,
        %mul3A_304 = arith.mulf %bitcast3A_299, %get3A_303 : vector<16xf32>
        %add3A_305 = arith.addf %add3A_295, %mul3A_304 : vector<16xf32>
        %broadcast_in_dim3A_306 = arith.constant -65536 : i32
        %broadcast_in_dim3A_307 = vector.broadcast %broadcast_in_dim3A_306 : i32 to vector<16xi32>
        %and3A_308 = arith.andi %get3A_283, %broadcast_in_dim3A_307 : vector<16xi32>
        %bitcast3A_309 = vector.bitcast %and3A_308 : vector<16xi32> to vector<16xf32>
        %get3A_310 = arith.constant 3 : i32
        %get3A_311 = arith.index_cast %get3A_310 : i32 to index
        %get3A_312 = arith.constant 32 : index
        %get3A_313 = tpu.vector_load %arg16[%get3A_311, %get3A_312] {strides = array<i32>} : memref<4x64xf32, #tpu.memory_space<vmem>>, vector<16xf32>,
        %mul3A_314 = arith.mulf %bitcast3A_309, %get3A_313 : vector<16xf32>
        %add3A_315 = arith.addf %add3A_305, %mul3A_314 : vector<16xf32>
        %add3A_316 = arith.addi %mul3A_120, %add3A_159 : i32
        %get3A_317 = arith.index_cast %add3A_316 : i32 to index
        %get3A_318 = arith.constant 48 : index
        %get3A_319 = tpu.vector_load %arg15[%get3A_317, %get3A_318] {strides = array<i32>} : memref<641x64xi32, #tpu.memory_space<vmem>>, vector<16xi32>,
        %shift_left3A_320 = arith.constant 16 : i32
        %shift_left3A_321 = vector.broadcast %shift_left3A_320 : i32 to vector<16xi32>
        %shift_left3A_322 = arith.shli %get3A_319, %shift_left3A_321 : vector<16xi32>
        %bitcast3A_323 = vector.bitcast %shift_left3A_322 : vector<16xi32> to vector<16xf32>
        %broadcast_in_dim3A_324 = arith.constant -65536 : i32
        %broadcast_in_dim3A_325 = vector.broadcast %broadcast_in_dim3A_324 : i32 to vector<16xi32>
        %and3A_326 = arith.andi %get3A_319, %broadcast_in_dim3A_325 : vector<16xi32>
        %bitcast3A_327 = vector.bitcast %and3A_326 : vector<16xi32> to vector<16xf32>
        %eq3A_328 = arith.cmpf oeq, %bitcast3A_323, %broadcast_in_dim3A_136 : vector<16xf32>
        %select_n3A_329 = arith.select %eq3A_328, %broadcast_in_dim3A_138, %bitcast3A_323 : vector<16xi1>, vector<16xf32>
        %eq3A_330 = arith.cmpf oeq, %bitcast3A_327, %broadcast_in_dim3A_136 : vector<16xf32>
        %select_n3A_331 = arith.select %eq3A_330, %broadcast_in_dim3A_138, %bitcast3A_327 : vector<16xi1>, vector<16xf32>
        %get3A_332 = arith.constant 1 : i32
        %get3A_333 = arith.index_cast %get3A_332 : i32 to index
        %get3A_334 = arith.index_cast %scan3A_156 : i32 to index
        %get3A_335 = arith.constant 48 : index
        %get3A_336 = tpu.vector_load %arg14[%get3A_333, %get3A_334, %get3A_335] {strides = array<i32>} : memref<2x64x64xi32, #tpu.memory_space<vmem>>, vector<16xi32>,
        %get3A_337 = arith.constant 0 : i32
        %get3A_338 = arith.index_cast %get3A_337 : i32 to index
        %get3A_339 = arith.constant 48 : index
        %get3A_340 = tpu.vector_load %arg16[%get3A_338, %get3A_339] {strides = array<i32>} : memref<4x64xf32, #tpu.memory_space<vmem>>, vector<16xf32>,
        %mul3A_341 = arith.mulf %select_n3A_329, %get3A_340 : vector<16xf32>
        %add3A_342 = arith.addf %add3A_315, %mul3A_341 : vector<16xf32>
        %get3A_343 = arith.constant 1 : i32
        %get3A_344 = arith.index_cast %get3A_343 : i32 to index
        %get3A_345 = arith.constant 48 : index
        %get3A_346 = tpu.vector_load %arg16[%get3A_344, %get3A_345] {strides = array<i32>} : memref<4x64xf32, #tpu.memory_space<vmem>>, vector<16xf32>,
        %mul3A_347 = arith.mulf %select_n3A_331, %get3A_346 : vector<16xf32>
        %add3A_348 = arith.addf %add3A_342, %mul3A_347 : vector<16xf32>
        %shift_left3A_349 = arith.constant 16 : i32
        %shift_left3A_350 = vector.broadcast %shift_left3A_349 : i32 to vector<16xi32>
        %shift_left3A_351 = arith.shli %get3A_336, %shift_left3A_350 : vector<16xi32>
        %bitcast3A_352 = vector.bitcast %shift_left3A_351 : vector<16xi32> to vector<16xf32>
        %get3A_353 = arith.constant 2 : i32
        %get3A_354 = arith.index_cast %get3A_353 : i32 to index
        %get3A_355 = arith.constant 48 : index
        %get3A_356 = tpu.vector_load %arg16[%get3A_354, %get3A_355] {strides = array<i32>} : memref<4x64xf32, #tpu.memory_space<vmem>>, vector<16xf32>,
        %mul3A_357 = arith.mulf %bitcast3A_352, %get3A_356 : vector<16xf32>
        %add3A_358 = arith.addf %add3A_348, %mul3A_357 : vector<16xf32>
        %broadcast_in_dim3A_359 = arith.constant -65536 : i32
        %broadcast_in_dim3A_360 = vector.broadcast %broadcast_in_dim3A_359 : i32 to vector<16xi32>
        %and3A_361 = arith.andi %get3A_336, %broadcast_in_dim3A_360 : vector<16xi32>
        %bitcast3A_362 = vector.bitcast %and3A_361 : vector<16xi32> to vector<16xf32>
        %get3A_363 = arith.constant 3 : i32
        %get3A_364 = arith.index_cast %get3A_363 : i32 to index
        %get3A_365 = arith.constant 48 : index
        %get3A_366 = tpu.vector_load %arg16[%get3A_364, %get3A_365] {strides = array<i32>} : memref<4x64xf32, #tpu.memory_space<vmem>>, vector<16xf32>,
        %mul3A_367 = arith.mulf %bitcast3A_362, %get3A_366 : vector<16xf32>
        %add3A_368 = arith.addf %add3A_358, %mul3A_367 : vector<16xf32>
        %reduce_sum3A = arith.constant true
        %reduce_sum3A_369 = vector.broadcast %reduce_sum3A : i1 to vector<16xi1>
        %reduce_sum3A_370 = tpu.scan <sum>, %add3A_368 masked %reduce_sum3A_369 : vector<16xf32>, vector<16xi1> -> vector<16xf32>
        %reduce_sum3A_371 = vector.extract %reduce_sum3A_370[15] : f32 from vector<16xf32>
        %broadcast_in_dim3A_372 = vector.broadcast %add3A_159 : i32 to vector<16xi32>
        %broadcast_in_dim3A_373 = vector.broadcast %reduce_sum3A_371 : f32 to vector<16xf32>
        %eq3A_374 = arith.constant 0 : i32
        %eq3A_375 = vector.broadcast %eq3A_374 : i32 to vector<16xi32>
        %eq3A_376 = arith.cmpi eq, %iota3A, %eq3A_375 : vector<16xi32>
        tpu.vector_store_idx %arg17[%broadcast_in_dim3A_372], %broadcast_in_dim3A_373 masked %eq3A_376 : memref<320xf32, #tpu.memory_space<vmem>>[vector<16xi32>], vector<16xf32>, vector<16xi1>
      }
      %scan3A_155 = arith.constant 64 : i32
    }
    %scan3A_144 = arith.constant 5 : i32
    "tpu.region"() ({
      %run_scoped3A_145 = tpu.sem_alloc : memref<!tpu.dma_semaphore, #tpu.memory_space<semaphore_mem>>
      %dma_start3A_146 = tpu.memref_slice %arg9[%add3A_131] : memref<10240xf32, #tpu.memory_space<hbm>> -> memref<320xf32, #tpu.memory_space<hbm>>
      %dma_start3A_147 = tpu.memref_slice %arg9[%add3A_131] : memref<10240xf32, #tpu.memory_space<hbm>> -> memref<320xf32, #tpu.memory_space<hbm>>
      tpu.enqueue_dma source(%arg17 : memref<320xf32, #tpu.memory_space<vmem>>) target(%dma_start3A_147 : memref<320xf32, #tpu.memory_space<hbm>>) target_semaphore(%run_scoped3A_145 : memref<!tpu.dma_semaphore, #tpu.memory_space<semaphore_mem>>)
      %dma_wait3A = tpu.memref_slice %arg9[%add3A_131] : memref<10240xf32, #tpu.memory_space<hbm>> -> memref<320xf32, #tpu.memory_space<hbm>>
      %dma_wait3A_148 = tpu.memref_slice %arg9[%add3A_131] : memref<10240xf32, #tpu.memory_space<hbm>> -> memref<320xf32, #tpu.memory_space<hbm>>
      tpu.wait_dma2 semaphore(%run_scoped3A_145 : memref<!tpu.dma_semaphore, #tpu.memory_space<semaphore_mem>>) src(%arg17 : memref<320xf32, #tpu.memory_space<vmem>>) dst(%dma_wait3A_148 : memref<320xf32, #tpu.memory_space<hbm>>)
      tpu.yield
    }) : () -> ()
    return
  }
}

</mosaic_0001>

<sc_bundles>
// kernel: _sc_call.3.cloned.1.call-start
scs
__scs_entry_jumppad:
0x0: {  	(pc) =	sbr.rel $0x88, $3  }
0x1: {  	(tag) =	ssettag $0x0;
	lr =	simm.s32 $0x1  }
0x2: {  	[smem:$0x3F9A] =	sst lr;
	_ =	strace $0xD0000000  }
0x3: {  	_ = 	snop  }
0x4: {  	_ = 	snop  }
0x5: {  	_ = 	snop  }
0x6: {  	_ = 	snop  }
0x7: {  	_ = 	snop  }
__scs_overlays_trampoline_lowered:
0x8: {  	[smem:$0x3FA9] =	sst s0  }
0x9: {  	[smem:$0x3FAA] =	sst s1  }
0xa: {  	[smem:$0x3FAB] =	sst s2  }
0xb: {  	[smem:$0x3FAC] =	sst s3  }
0xc: {  	[smem:$0x3FAD] =	sst s4  }
0xd: {  	[smem:$0x3FAE] =	sst s5  }
0xe: {  	[smem:$0x3FAF] =	sst s6  }
0xf: {  	[smem:$0x3FB0] =	sst s7  }
0x10: {  	[smem:$0x3FB1] =	sst s8  }
0x11: {  	[smem:$0x3FB2] =	sst s9;
	s0 =	simm.s32 @!p0 $0x0  }
0x12: {  	s1 =	sld [smem:$0x3F98];
	s0 =	simm.s32 @p0 $0x1  }
0x13: {  	[smem:$0x3FB3] =	sst s0;
	s0 =	simm.s32 @!p1 $0x0  }
0x14: {  	s2 =	sld [smem:$0x3F97];
	s0 =	simm.s32 @p1 $0x1  }
0x15: {  	[smem:$0x3FB4] =	sst s0;
	s0 =	simm.s32 @!p2 $0x0  }
0x16: {  	s3 =	sld [smem:$0x3FDB];
	s0 =	simm.s32 @p2 $0x1  }
0x17: {  	s4 =	simm.s32 $0x1BF5;
	[smem:$0x3FB6] =	sst s0  }
0x18: {  	s0 =	sld [smem:$0x3F99];
	_ =	swait.ge [sflag:s4], $0x0  }
0x19: {  	s7 =	sld [smem:$0x3F9A]  }
0x1a: {  	s8 =	sadd.s32 $0xFFFFE003, lr  }
0x1b: {  	s9 =	sadd.s32 $0xFFFFFEF7, lr;
	s5 =	simm.s32 $0xFFFFFFFF;
	p2 =	slt.u32 s8, $0xFFFFF086  }
0x1c: {  	p1 =	slt.u32 s9, $0xF7A;
	s5 =	simm.s32 @!p2 $0x0  }
0x1d: {  	s5 =	simm.s32 @p1 $0x1;
	p0 =	seq.s32 s7, s2  }
0x1e: {  	s7 =	smul.u32 @!p0 $0xF7A, s2;
	p2 =	seq.s32 @!p0 s5, $0x0  }
0x1f: {  	s9 =	smul.u32 $0xF7A, s1;
	s8 =	simm.s32 @!p0 $0x1BF5;
	p2 =	por !p2, p0  }
0x20: {  	[sflag:s8] =	ssyncset.s32 @!p0 $0xFFFFF086;
	s6 =	sadd.s32 @!p0 s3, s7;
	s7 =	simm.s32 @!p0 $0x108  }
0x21: {  	s3 =	sadd.s32 s3, s9;
	s6 =	sadd.s32 @!p0 $0x88, s6;
	s7 =	simm.s32 @p2 $0x1082  }
0x22: {  	[simem:s7], [sflag:s8] =	dma.local @!p0 [hbm:s6], $0xF7A  }
0x23: {  	s9 =	sor.u32 $0xD0000000, s2;
	s6 =	simm.s32 $0x108;
	_ =	swait.ge @!p0 [sflag:s8], $0x0  }
0x24: {  	s3 =	sadd.s32 $0x88, s3;
	s6 =	simm.s32 @!p1 $0x1082;
	[sflag:s4] =	ssyncset.s32 $0xFFFFF086  }
0x25: {  	[simem:s6], [sflag:s4] =	dma.local [hbm:s3], $0xF7A  }
0x26: {  	[smem:$0x3F9A] =	sst s1;
	(tag) =	ssettag s2;
	_ =	strace s9  }
0x27: {  	s1 =	sld [smem:$0x3FAA]  }
0x28: {  	s2 =	sld [smem:$0x3FAB]  }
0x29: {  	s4 =	sld [smem:$0x3FAD]  }
0x2a: {  	p0 =	seq.s32 s5, $0x0;
	s5 =	sld [smem:$0x3FAE]  }
0x2b: {  	s6 =	sld [smem:$0x3FAF]  }
0x2c: {  	s7 =	sld [smem:$0x3FB0]  }
0x2d: {  	s3 =	simm.s32 $0x108;
	s8 =	sld [smem:$0x3FB1]  }
0x2e: {  	s3 =	simm.s32 @!p0 $0x1082;
	s9 =	sld [smem:$0x3FB2]  }
0x2f: {  	lr =	sadd.s32 s0, s3;
	s0 =	sld [smem:$0x3FA9]  }
0x30: {  	s3 =	sld [smem:$0x3FAC]  }
0x31: {  	[smem:$0x3FB5] =	sst s10  }
0x32: {  	s10 =	sld [smem:$0x3FB3];
	_ =	sdelay $0x3  }
0x33: {  	p0 =	seq.s32 s10, $0x1;
	s10 =	sld [smem:$0x3FB5];
	_ =	sdelay $0x3  }
0x34: {  	[smem:$0x3FB5] =	sst s10  }
0x35: {  	s10 =	sld [smem:$0x3FB4];
	_ =	sdelay $0x3  }
0x36: {  	p1 =	seq.s32 s10, $0x1;
	s10 =	sld [smem:$0x3FB5];
	_ =	sdelay $0x3  }
0x37: {  	[smem:$0x3FB5] =	sst s10  }
0x38: {  	s10 =	sld [smem:$0x3FB6]  }
0x39: {  	_ = 	snop;
	(pc) =	sbr.ind lr, $3  }
0x3a: {  	_ = 	snop  }
0x3b: {  	_ = 	snop  }
0x3c: {  	p2 =	seq.s32 s10, $0x1;
	s10 =	sld [smem:$0x3FB5]  }
0x3d: {  	_ =	shalt  }
0x3e: {  	_ =	shalt  }
0x3f: {  	_ =	shalt  }
0x40: {  	_ =	shalt  }
0x41: {  	_ =	shalt  }
0x42: {  	_ =	shalt  }
0x43: {  	_ =	shalt  }
0x44: {  	_ =	shalt  }
0x45: {  	_ =	shalt  }
0x46: {  	_ =	shalt  }
0x47: {  	_ =	shalt  }
0x48: {  	_ =	shalt  }
0x49: {  	_ =	shalt  }
0x4a: {  	_ =	shalt  }
0x4b: {  	_ =	shalt  }
0x4c: {  	_ =	shalt  }
0x4d: {  	_ =	shalt  }
0x4e: {  	_ =	shalt  }
0x4f: {  	_ =	shalt  }
0x50: {  	_ =	shalt  }
0x51: {  	_ =	shalt  }
0x52: {  	_ =	shalt  }
0x53: {  	_ =	shalt  }
0x54: {  	_ =	shalt  }
0x55: {  	_ =	shalt  }
0x56: {  	_ =	shalt  }
0x57: {  	_ =	shalt  }
0x58: {  	_ =	shalt  }
0x59: {  	_ =	shalt  }
0x5a: {  	_ =	shalt  }
0x5b: {  	_ =	shalt  }
0x5c: {  	_ =	shalt  }
0x5d: {  	_ =	shalt  }
0x5e: {  	_ =	shalt  }
0x5f: {  	_ =	shalt  }
0x60: {  	_ =	shalt  }
0x61: {  	_ =	shalt  }
0x62: {  	_ =	shalt  }
0x63: {  	_ =	shalt  }
0x64: {  	_ =	shalt  }
0x65: {  	_ =	shalt  }
0x66: {  	_ =	shalt  }
0x67: {  	_ =	shalt  }
0x68: {  	_ =	shalt  }
0x69: {  	_ =	shalt  }
0x6a: {  	_ =	shalt  }
0x6b: {  	_ =	shalt  }
0x6c: {  	_ =	shalt  }
0x6d: {  	_ =	shalt  }
0x6e: {  	_ =	shalt  }
0x6f: {  	_ =	shalt  }
0x70: {  	_ =	shalt  }
0x71: {  	_ =	shalt  }
0x72: {  	_ =	shalt  }
0x73: {  	_ =	shalt  }
0x74: {  	_ =	shalt  }
0x75: {  	_ =	shalt  }
0x76: {  	_ =	shalt  }
0x77: {  	_ =	shalt  }
0x78: {  	_ =	shalt  }
0x79: {  	_ =	shalt  }
0x7a: {  	_ =	shalt  }
0x7b: {  	_ =	shalt  }
0x7c: {  	_ =	shalt  }
0x7d: {  	_ =	shalt  }
0x7e: {  	_ =	shalt  }
0x7f: {  	_ =	shalt  }
0x80: {  	_ =	shalt  }
0x81: {  	_ =	shalt  }
0x82: {  	_ =	shalt  }
0x83: {  	_ =	shalt  }
0x84: {  	_ =	shalt  }
0x85: {  	_ =	shalt  }
0x86: {  	_ =	shalt  }
0x87: {  	_ =	shalt  }
.Lfunc_end0:
.L_simem_size_0:
called_computation_lowered:
.L_overlay_start_0:
0x88: {  	s2 =	sld [smem:$0x3FD9]  }
0x89: {  	s3 =	sld [smem:$0x3FFE];
	_ =	sdelay $0x1  }
0x8a: {  	s1 =	srdreg.scid  }
0x8b: {  	s0 =	sand.u32 $0x1, s1  }
0x8c: {  	s17 =	sshll.u32 s0, $0xA;
	s2 =	sadd.s32 s3, s2  }
0x8d: {  	s2 =	sadd.s32 s2, s17  }
0x8e: {  	[smem:$0x3FC1] =	sst s2  }
0x8f: {  	_ = 	snop  }
0x90: {  	s2 =	sld [smem:$0x3FC9]  }
0x91: {  	s18 =	sld [smem:$0x3FC8]  }
0x92: {  	s4 =	sld [smem:$0x3FC6]  }
0x93: {  	s5 =	sld [smem:$0x3FC5]  }
0x94: {  	s6 =	sld [smem:$0x3FC4]  }
0x95: {  	s7 =	sld [smem:$0x3FC3]  }
0x96: {  	s8 =	sld [smem:$0x3FD0];
	(tm) =	ssettm $0x1  }
0x97: {  	s9 =	sld [smem:$0x3FFB];
	_ =	sdelay $0x3  }
0x98: {  	_ =	strace s9  }
0x99: {  	s9 =	sld [smem:$0x3FFC];
	_ =	sdelay $0x3  }
0x9a: {  	_ =	strace s9  }
0x9b: {  	s9 =	sld [smem:$0x3FFD];
	_ =	sdelay $0x3  }
0x9c: {  	_ =	strace s9  }
0x9d: {  	_ =	strace $0x8FFFFFFF  }
0x9e: {  	s19 =	sld [smem:$0x3FDB];
	_ =	sdelay $0x1  }
0x9f: {  	s10 =	simm.s32 $_scs_section_size  }
0xa0: {  	s11 =	simm.s32 $_size__tile_overlayer_lowered;
	s12 =	simm.s32 $_tile_overlayer_lowered  }
0xa1: {  	s22 =	simm.s32 $0x1BFF;
	s21 =	sshll.u32 s12, $0x1;
	s9 =	sadd.s32 s10, s19  }
0xa2: {  	s13 =	simm.s32 $0x0;
	s20 =	sshll.u32 s11, $0x1;
	s11 =	sadd.s32 s21, s9  }
0xa3: {  	[timem:s13], [sflag:s22] =	dma.local [hbm:s11], s20  }
0xa4: {  	_ =	swait.ge [sflag:s22], s20  }
0xa5: {  	s10 =	ssub.s32 $0x0, s20;
	[sflag:s22] =	ssyncset.done $0x0  }
0xa6: {  	[sflag:s22] =	ssyncadd.s32 s10;
	_ =	sdelay $0x1  }
0xa7: {  	s23 =	simm.s32 $0x1B8B  }
0xa8: {  	_ =	swait.ge [sflag:s23], $0x1  }
0xa9: {  	[sflag:s23] =	ssyncset.done $0x0  }
0xaa: {  	s25 =	simm.s32 $0x1B8E;
	s24 =	sld [smem:$0x3FFE];
	[sflag:s23] =	ssyncadd.s32 $0xFFFFFFFF  }
0xab: {  	s26 =	simm.s32 $execute0_lowered;
	[smem:$0x3FD2] =	sst s25  }
0xac: {  	s11 =	sshll.u32 s26, $0x1;
	_ =	strace $0x80000046;
	[dreg:$0x1] =	wrdreg $0xFFFFFFFF  }
0xad: {  	s28 =	simm.s32 $_size_execute0_lowered;
	s9 =	sadd.s32 s9, s11;
	[dreg:$0x0] =	wrdreg $0x0  }
0xae: {  	s11 =	sshll.u32 s28, $0x1;
	[dreg:$0x2] =	wrdreg s9  }
0xaf: {  	[dreg:$0x3] =	wrdreg s11  }
0xb0: {  	[dreg:$0x4] =	wrdreg $0xC0  }
0xb1: {  	_ =	task [dreg:s13], $0x5FFFF  }
0xb2: {  	[dreg:$0x1] =	wrdreg $0xFFFFFFFF  }
0xb3: {  	[dreg:$0x0] =	wrdreg $0x60  }
0xb4: {  	[dreg:$0x2] =	wrdreg s2  }
0xb5: {  	[dreg:$0x3] =	wrdreg s18  }
0xb6: {  	[dreg:$0x4] =	wrdreg s24  }
0xb7: {  	[dreg:$0x5] =	wrdreg s4  }
0xb8: {  	[dreg:$0x6] =	wrdreg s5  }
0xb9: {  	[dreg:$0x7] =	wrdreg s6  }
0xba: {  	[dreg:$0x8] =	wrdreg s7  }
0xbb: {  	[dreg:$0x9] =	wrdreg s8  }
0xbc: {  	[dreg:$0xa] =	wrdreg $0xFB800  }
0xbd: {  	[dreg:$0xb] =	wrdreg $0x19B800  }
0xbe: {  	[dreg:$0xc] =	wrdreg $0x9  }
0xbf: {  	_ =	task.clear_ibuf [dreg:s13], $0xDFFFF;
	_ =	strace $0x90000046  }
0xc0: {  	s29 =	simm.s32 $0x9;
	_ =	strace $0x80000048  }
0xc1: {  	_ =	swait.ge [sflag:s29], $0x1  }
0xc2: {  	[sflag:s29] =	ssyncadd.s32 $0xFFFFFFFF  }
0xc3: {  	_ =	strace $0x90000048  }
0xc4: {  	_ =	sfence  }
0xc5: {  	s30 =	sld [smem:$0x0];
	_ =	sdelay $0x2  }
0xc6: {  	s31 =	sshll.u32 s1, $0xD;
	s1 =	sshrl.u32 s1, $0x2  }
0xc7: {  	s3 =	sand.u32 $0x4000, s31;
	s1 =	sadd.s32 s1, s30  }
0xc8: {  	s0 =	sor.u32 s3, s0;
	s1 =	sshll.u32 s1, $0x11  }
0xc9: {  	s0 =	sor.u32 s1, s0  }
0xca: {  	s0 =	sadd.s32 $0x8F2B, s0  }
0xcb: {  	[sflag:s0] =	ssyncadd.remote.s32 $0x1  }
0xcc: {  	_ =	sfence.sel $0xFFFF  }
0xcd: {  	[dreg:$0x0] =	wrdreg $0xFFFFFFFF;
	(pc) =	sbr.abs _section_cstart, $3  }
0xce: {  	[dreg:$0x1] =	wrdreg $0xFFFFFFFF  }
0xcf: {  	_ =	task.clear_ibuf [dreg:s13], $0x2FFFF;
	_ =	strace $0x9FFFFFFF  }
0xd0: {  	(tm) =	ssettm $0x7FFFFFFF  }
0xd1: {  	_ =	shalt  }
tec
execute0_lowered:
.L_overlay_start_1:
0x0: {  	(tag) =	ssettag $0x1  }
0x1: {  	s0 =	rddreg [dreg:$0x0]  }
0x2: {  	s1 =	rddreg [dreg:$0x1]  }
0x3: {  	s2 =	rddreg [dreg:$0x2]  }
0x4: {  	s3 =	rddreg [dreg:$0x7]  }
0x5: {  	s7 =	rddreg [dreg:$0x8]  }
0x6: {  	s8 =	rddreg [dreg:$0x9]  }
0x7: {  	s4 =	simm.s32 $0x0;
	s17 =	srdreg.scid;
	s12 =	stileid.u32  }
0x8: {  	s29 =	simm.s32 $0x1900;
	s30 =	simm.s32 $0x2900;
	s31 =	simm.s32 $0x3900  }
0x9: {  	[smem:$0x7FF] =	sst s4;
	s11 =	sadd.s32 $0x400, s2;
	s18 =	sand.u32 $0x1, s17  }
0xa: {  	s5 =	sshrl.u32 s12, $0x1;
	s9 =	smul.u32 $0xA000, s12;
	s19 =	sand.u32 $0x1, s12  }
0xb: {  	s20 =	sshll.u32 s12, $0x6;
	_ =	strace $0x80000047;
	s21 =	smul.u32 $0x140, s19  }
0xc: {  	s4 =	ssub.s32 $0x2, s18;
	s2 =	sshll.u32 s18, $0x3;
	s13 =	smul.u32 $0x27100, s19  }
0xd: {  	p0 =	seq.s32 s19, $0x0;
	s17 =	smul.u32 $0x4E20, s19;
	s22 =	sxor.u32 $0x1, s19  }
0xe: {  	s6 =	sshrl.u32 s4, $0x1;
	s2 =	sor.u32 s5, s2;
	s10 =	sadd.s32 s9, s7  }
0xf: {  	s9 =	sshrl.u32 s9, $0x3;
	s5 =	smul.u32 $0x140, s5;
	s4 =	ssub.s32 s4, s6  }
0x10: {  	s2 =	smul.u32 $0x280, s2;
	s9 =	sadd.s32 s11, s9;
	s23 =	sadd.s32 s1, s17  }
0x11: {  	s6 =	smul.u32 $0x14000, s19;
	s25 =	sadd.s32 s0, s17;
	[dreg:$0xb] =	wrdreg s9  }
0x12: {  	s14 =	sadd.s32 $0xA00, s5;
	s16 =	smov.u32 s5;
	[dreg:$0xe] =	wrdreg s23  }
0x13: {  	s9 =	sor.u32 $0x1C05, s20;
	[dreg:$0xf] =	wrdreg s25;
	s25 =	sshrl.u32 s10, $0x3  }
0x14: {  	s16 =	smov.u32 @p0 s14;
	s15 =	sadd.s32 s21, s2;
	s14 =	smov.u32 @p0 s5  }
0x15: {  	[dreg:$0xc] =	wrdreg s9;
	s5 =	smul.u32 $0x14000, s22;
	s22 =	smax.u32 s4, $0x1  }
0x16: {  	s28 =	sshrl.u32 s6, $0x2;
	s6 =	simm.s32 $0xFA40;
	s9 =	simm.s32 $0x0  }
0x17: {  	s12 =	sshrl.u32 s15, $0x3;
	s24 =	sshll.u32 s16, $0x6;
	s23 =	sadd.s32 $0x5900, s28  }
0x18: {  	v2 =	vimm.s32 $0xFF80FF80;
	v3 =	vimm.s32 $0x0;
	v4 =	vlaneseq.u32;
	s3 =	sadd.s32 s3, s12;
	s26 =	sshrl.u32 s5, $0x2;
	s5 =	simm.s32 $0x4900  }
0x19: {  	v5 =	vimm.s32 $0x280;
	v6 =	vor.u32 $0x10, v4;
	v0 =	vmov s2;
	[dreg:$0xd] =	wrdreg s3;
	s3 =	sadd.s32 s24, s8;
	s21 =	sadd.s32 $0x5900, s26  }
0x1a: {  	v7 =	vor.u32 $0x20, v4;
	v8 =	vor.u32 $0x30, v4;
	v1 =	vadd.s32 $0x280, v0;
	s24 =	sadd.s32 $0x5930, s28;
	s26 =	simm.s32 $0x5;
	[dreg:$0x10] =	wrdreg s3  }
.LBB2_1:
0x1b: {  	s2 =	rddreg [dreg:$0xb]  }
0x1c: {  	s3 =	rddreg [dreg:$0xc]  }
0x1d: {  	[spmem:s25], [sflag:s3] =	dma.local [hbm:s2], $0x1400  }
0x1e: {  	_ =	swait.ge [sflag:s26], $0x1400  }
0x1f: {  	[sflag:s26] =	ssyncset.done $0x0  }
0x20: {  	s3 =	simm.s32 $0x100;
	s2 =	simm.s32 $0x0;
	[sflag:s26] =	ssyncadd.s32 $0xFFFFEC00  }
.LBB2_2:
0x21: {  	p0 =	sne.s32 s3, $0x28000;
	[tilespmem:s2+$0x5930] =	vst v2;
	s4 =	smov.u32 s3;
	s3 =	sadd.s32 $0x100, s3  }
.Ltmp0:
0x22: {  	[tilespmem:s2+$0x5920] =	vst v2;
	(pc) =	sbr.rel @p0 .LBB2_2-.Ltmp0, $3  }
0x23: {  	[tilespmem:s2+$0x5900] =	vst v2  }
0x24: {  	[tilespmem:s2+$0x5910] =	vst v2;
	_ =	sdelay $0x1  }
0x25: {  	s2 =	sshra.s32 s4, $0x2  }
0x26: {  	[tilespmem:s2+$0x5930] =	vst v2  }
0x27: {  	[tilespmem:s2+$0x5920] =	vst v2  }
0x28: {  	[tilespmem:s2+$0x5900] =	vst v2  }
0x29: {  	[tilespmem:s2+$0x5910] =	vst v2  }
0x2a: {  	[bflag:$0x0] =	sbarrier.arrive $0xFFFF  }
.Ltmp1:
0x2b: {  	s28 =	simm.s32 $0x0;
	s19 =	rddreg [dreg:$0xe];
	(pc) =	sbr.rel .LBB2_5-.Ltmp1, $4  }
0x2c: {  	[tilespmem:s28], [sflag:$0x1] =	stream.linear.gather [hbm4b:s19+s28], $0x640, $0x38;
	[tilespmem:$0x1EB80] =	vst v63  }
0x2d: {  	s3 =	simm.s32 $0xC80;
	s20 =	rddreg [dreg:$0xf]  }
0x2e: {  	[tilespmem:s3], [sflag:$0x1] =	stream.linear.gather [hbm4b:s20+s28], $0x640, $0x38;
	[tilespmem:$0x1EB80] =	vst v63  }
0x2f: {  	v9 =	vimm.s32 $0x0;
	p0 =	por $0x0, $0x0;
	s10 =	simm.s32 $0x0;
	s3 =	simm.s32 $0x0  }
.LBB2_4:
0x30: {  	p1 =	seq.s32 s10, $0x64  }
.Ltmp2:
0x31: {  	_ = 	snop;
	(pc) =	sbr.rel @p1 .LBB2_13-.Ltmp2, $2  }
0x32: {  	_ =	sdelay $0x2  }
0x33: {  	p0 =	por !p0, !p0  }
.LBB2_5:
0x34: {  	s2 =	smov.u32 s10  }
0x35: {  	s10 =	sadd.s32 $0x1, s10;
	p1 =	seq.s32 s2, $0x63  }
0x36: {  	s4 =	smul.u32 @!p1 $0x640, s10  }
0x37: {  	s2 =	sand.u32 $0x1, s2  }
0x38: {  	s12 =	sxor.u32 @!p1 $0x1, s2;
	s4 =	sadd.s32 @!p1 s13, s4  }
0x39: {  	s16 =	smul.u32 @!p1 $0x640, s12;
	s4 =	sshrl.u32 @!p1 s4, $0x3  }
0x3a: {  	s18 =	simm.s32 @!p1 $0x0;
	s12 =	sadd.s32 @!p1 $0x1, s12;
	s17 =	sadd.s32 @!p1 s1, s4  }
0x3b: {  	[tilespmem:s16], [sflag:s12] =	stream.linear.gather @!p1 [hbm4b:s17+s18], $0x640, $0x38;
	[tilespmem:$0x1EB80] =	vst v63  }
0x3c: {  	s2 =	sadd.s32 $0x1, s2;
	s4 =	sadd.s32 @!p1 s0, s4;
	s16 =	sadd.s32 @!p1 $0xC80, s16  }
0x3d: {  	[tilespmem:s16], [sflag:s12] =	stream.linear.gather @!p1 [hbm4b:s4+s18], $0x640, $0x38;
	[tilespmem:$0x1EB80] =	vst v63  }
0x3e: {  	_ =	swait.ge [sflag:s2], $0x640  }
0x3f: {  	[sflag:s2] =	ssyncset.done $0x0  }
0x40: {  	[sflag:s2] =	ssyncadd.s32 $0xFFFFF9C0  }
0x41: {  	v10 =	vxor.u32 $0x80000000, v9;
	_ =	swait.ge [sflag:s2], $0x640  }
0x42: {  	(xrf0) =	vmax.scan.msk.u32 $0xffff, v10;
	_ =	sdelay $0x5  }
0x43: {  	v10, _, _ =	vpop (xrf0)  }
0x44: {  	(v2sf) =	vpush v10, $0xF;
	_ =	sdelay $0xe  }
0x45: {  	s12 =	sshll.u32 s3, $0x6;
	s18 =	spop (v2sf)  }
0x46: {  	s20 =	ssub.s32 s3, s28;
	s19 =	sadd.s32 $0x40, s12;
	s4 =	sxor.u32 $0x80000000, s18  }
0x47: {  	p2 =	slt.s32 s20, $0x2;
	p4 =	sle.s32 s19, s4  }
0x48: {  	p1 =	por !p2, !p4  }
0x49: {  	p1 =	por !p1, !p1  }
0x4a: {  	[sflag:s2] =	ssyncset.done $0x0;
	s16 =	sand.u32 @p1 $0x1, s3;
	s12 =	sand.u32 @p1 $0xFC0, s12  }
0x4b: {  	[sflag:s2] =	ssyncadd.s32 $0xFFFFF9C0;
	s17 =	sshll.u32 @p1 s16, $0xC;
	s12 =	sadd.s32 @p1 $0x1900, s12  }
0x4c: {  	s16 =	sadd.s32 @p1 $0x3, s16;
	s2 =	sadd.s32 @p1 $0x3900, s17;
	s17 =	simm.s32 @p1 $0x40  }
0x4d: {  	[tilespmem:s2], [sflag:s16] =	stream.indirect.gather @p1 [spmem:s7], $0x40, s12, s17, $0xb8;
	[tilespmem:$0x1EB80] =	vst v63  }
0x4e: {  	s2 =	simm.s32 $0x1  }
0x4f: {  	s2 =	simm.s32 @!p1 $0x0  }
0x50: {  	s2 =	sadd.s32 s2, s3  }
0x51: {  	s12 =	simm.s32 $0x1;
	s3 =	sshll.u32 s2, $0x6  }
0x52: {  	s12 =	simm.s32 @!p0 $0x0;
	s19 =	ssub.s32 s2, s28;
	s18 =	sadd.s32 $0x40, s3  }
0x53: {  	s20 =	smul.u32 $0x1900, s12;
	p6 =	slt.s32 s19, $0x2;
	p5 =	sle.s32 s18, s4  }
0x54: {  	p1 =	por !p6, !p5  }
0x55: {  	s4 =	sshrl.u32 s20, $0x2;
	p1 =	por !p1, !p1  }
0x56: {  	v13 =	vmov s4;
	s12 =	sand.u32 @p1 $0x1, s2  }
0x57: {  	s3 =	sand.u32 @p1 $0xFC0, s3;
	s17 =	simm.s32 @p1 $0x40;
	s16 =	sshll.u32 @p1 s12, $0xC  }
0x58: {  	s3 =	sadd.s32 @p1 $0x1900, s3;
	s12 =	sadd.s32 @p1 $0x3, s12;
	s16 =	sadd.s32 @p1 $0x3900, s16  }
0x59: {  	[tilespmem:s16], [sflag:s12] =	stream.indirect.gather @p1 [spmem:s7], $0x40, s3, s17, $0xb8;
	[tilespmem:$0x1EB80] =	vst v63  }
0x5a: {  	s4 =	sadd.s32 $0xC80, s4;
	s3 =	simm.s32 $0x0  }
0x5b: {  	v12 =	vmov v9;
	v11 =	vmov s4;
	s4 =	simm.s32 $0x40;
	v10 =	vld.idx.msk [tilespmem:v13+s3+$0x0 ss:$0x1], $0xffff  }
.LBB2_6:
0x5c: {  	p2 =	sne.s32 s4, $0x18C0;
	_ =	sdelay $0x4  }
0x5d: {  	vm0 =	vge.s32 v10, v0;
	vm1 =	vlt.s32 v10, v1  }
0x5e: {  	vm0 =	vmand vm0, vm1  }
0x5f: {  	v14 =	vsel vm0, $0x1, v3;
	v15 =	vmpcnt.ones.xlane vm0  }
0x60: {  	(xrf0) =	vadd.scan.msk.s32 $0xffff, v14  }
0x61: {  	v9 =	vadd.s32 v9, v15;
	_ =	sdelay $0x3  }
0x62: {  	v14 =	vsel vm0, $0xFFFFFFFF, v3  }
0x63: {  	v14 =	vadd.s32 v14, v12;
	v12 =	vmov v9;
	v15, _, _ =	vpop (xrf0)  }
0x64: {  	v16 =	vld.idx.msk [tilespmem:v11+s3+$0x0 ss:$0x1], $0xffff;
	v14 =	vadd.s32 v15, v14  }
0x65: {  	v14 =	vand.u32 $0xFFF, v14;
	_ =	sdelay $0x2  }
.Ltmp3:
0x66: {  	(pc) =	sbr.rel @p2 .LBB2_6-.Ltmp3, $4  }
0x67: {  	_ = 	snop  }
0x68: {  	v10 =	vsub.s32 v10, v0;
	[tilespmem:v14+s29+$0x0] =	vst.idx.msk vm0, v16  }
0x69: {  	s3 =	sshra.s32 s4, $0x2;
	[tilespmem:v14+s30+$0x0] =	vst.idx.msk vm0, v10  }
0x6a: {  	s4 =	sadd.s32 $0x40, s4;
	v10 =	vld.idx.msk [tilespmem:v13+s3+$0x0 ss:$0x1], $0xffff  }
0x6b: {  	_ =	sdelay $0x3  }
0x6c: {  	vm0 =	vge.s32 v10, v0;
	vm1 =	vlt.s32 v10, v1  }
0x6d: {  	vm0 =	vmand vm0, vm1  }
0x6e: {  	v13 =	vmpcnt.ones.xlane vm0;
	_ =	sdelay $0x1  }
0x6f: {  	v14 =	vsel vm0, $0x1, v3;
	v9 =	vadd.s32 v9, v13  }
0x70: {  	(xrf0) =	vadd.scan.msk.s32 $0xffff, v14;
	v13 =	vxor.u32 $0x80000000, v9  }
0x71: {  	(xrf0) =	vmax.scan.msk.u32 $0xffff, v13;
	_ =	sdelay $0x4  }
0x72: {  	v61, _, _ =	vpop (xrf0)  }
0x73: {  	v62, _, _ =	vpop (xrf0)  }
0x74: {  	(v2sf) =	vpush v62, $0xF;
	_ =	sdelay $0xb  }
0x75: {  	s4 =	simm.s32 $0x1  }
0x76: {  	s4 =	simm.s32 @!p1 $0x0;
	v63 =	vsel vm0, $0xFFFFFFFF, v3  }
0x77: {  	s12 =	sadd.s32 s4, s2;
	v12 =	vadd.s32 v63, v12  }
0x78: {  	s16 =	sshll.u32 s12, $0x6;
	v12 =	vadd.s32 v61, v12;
	s2 =	spop (v2sf)  }
0x79: {  	v11 =	vld.idx.msk [tilespmem:v11+s3+$0x0 ss:$0x1], $0xffff;
	s18 =	ssub.s32 s12, s28;
	s17 =	sadd.s32 $0x40, s16;
	v12 =	vand.u32 $0xFFF, v12;
	s4 =	sxor.u32 $0x80000000, s2  }
0x7a: {  	p2 =	slt.s32 s18, $0x2;
	p4 =	sle.s32 s17, s4  }
0x7b: {  	p1 =	por !p2, !p4  }
0x7c: {  	p1 =	por !p1, !p1  }
0x7d: {  	s3 =	sand.u32 @p1 $0x1, s12  }
0x7e: {  	v10 =	vsub.s32 v10, v0;
	[tilespmem:v12+s29+$0x0] =	vst.idx.msk vm0, v11;
	s16 =	sand.u32 @p1 $0xFC0, s16;
	s18 =	simm.s32 @p1 $0x40;
	s17 =	sshll.u32 @p1 s3, $0xC  }
0x7f: {  	[tilespmem:v12+s30+$0x0] =	vst.idx.msk vm0, v10;
	s16 =	sadd.s32 @p1 $0x1900, s16;
	s3 =	sadd.s32 @p1 $0x3, s3;
	s17 =	sadd.s32 @p1 $0x3900, s17  }
0x80: {  	[tilespmem:s17], [sflag:s3] =	stream.indirect.gather @p1 [spmem:s7], $0x40, s16, s18, $0xb8;
	[tilespmem:$0x1EB80] =	vst v63  }
0x81: {  	s3 =	simm.s32 $0x1  }
0x82: {  	s3 =	simm.s32 @!p1 $0x0  }
0x83: {  	s3 =	sadd.s32 s3, s12  }
0x84: {  	s12 =	sshll.u32 s3, $0x6  }
0x85: {  	s19 =	ssub.s32 s3, s28;
	s18 =	sadd.s32 $0x40, s12  }
0x86: {  	p6 =	slt.s32 s19, $0x2;
	p5 =	sle.s32 s18, s4  }
0x87: {  	p1 =	por !p6, !p5  }
0x88: {  	p1 =	por !p1, !p1  }
0x89: {  	s16 =	sand.u32 @p1 $0x1, s3  }
0x8a: {  	s12 =	sand.u32 @p1 $0xFC0, s12;
	s18 =	simm.s32 @p1 $0x40;
	s17 =	sshll.u32 @p1 s16, $0xC  }
0x8b: {  	s12 =	sadd.s32 @p1 $0x1900, s12;
	s16 =	sadd.s32 @p1 $0x3, s16;
	s17 =	sadd.s32 @p1 $0x3900, s17  }
0x8c: {  	[tilespmem:s17], [sflag:s16] =	stream.indirect.gather @p1 [spmem:s7], $0x40, s12, s18, $0xb8;
	[tilespmem:$0x1EB80] =	vst v63  }
0x8d: {  	s12 =	sshll.u32 s28, $0x6  }
0x8e: {  	s16 =	simm.s32 $0x1;
	s20 =	ssub.s32 s4, s12  }
0x8f: {  	s16 =	simm.s32 @!p1 $0x0;
	p1 =	sgt.s32 s20, $0x940  }
.Ltmp4:
0x90: {  	_ = 	snop;
	(pc) =	sbr.rel @!p1 .LBB2_4-.Ltmp4, $2  }
0x91: {  	_ =	sdelay $0x2  }
0x92: {  	s3 =	sadd.s32 s16, s3  }
0x93: {  	s16 =	ssub.s32 s2, s12  }
0x94: {  	s16 =	sadd.s32 $0x7FFFF6BF, s16  }
0x95: {  	s16 =	sshrl.u32 s16, $0x6  }
0x96: {  	s17 =	sand.u32 $0x1, s28;
	s16 =	sadd.s32 s16, s28  }
0x97: {  	p1 =	seq.s32 s17, $0x1;
	s16 =	sadd.s32 $0x1, s16  }
.LBB2_9:
0x98: {  	s17 =	sshll.u32 s3, $0x6  }
0x99: {  	s19 =	ssub.s32 s3, s28;
	s18 =	sadd.s32 $0x40, s17  }
0x9a: {  	p3 =	slt.s32 s19, $0x2;
	p2 =	sle.s32 s18, s4  }
0x9b: {  	p2 =	por !p2, !p3  }
0x9c: {  	p2 =	por !p2, !p2  }
0x9d: {  	s18 =	sand.u32 @p2 $0x1, s3  }
0x9e: {  	s17 =	sand.u32 @p2 $0xFC0, s17;
	s20 =	simm.s32 @p2 $0x40;
	s19 =	sshll.u32 @p2 s18, $0xC  }
0x9f: {  	s17 =	sadd.s32 @p2 $0x1900, s17;
	s18 =	sadd.s32 @p2 $0x3, s18;
	s19 =	sadd.s32 @p2 $0x3900, s19  }
0xa0: {  	[tilespmem:s19], [sflag:s18] =	stream.indirect.gather @p2 [spmem:s7], $0x40, s17, s20, $0xb8;
	[tilespmem:$0x1EB80] =	vst v63  }
0xa1: {  	s20 =	sand.u32 $0xFC0, s12  }
0xa2: {  	s19 =	sand.u32 $0x1, s28;
	s20 =	sadd.s32 $0x2900, s20  }
0xa3: {  	s18 =	simm.s32 $0x1;
	s19 =	sadd.s32 $0x3, s19;
	v10 =	vmov s20  }
0xa4: {  	s18 =	simm.s32 @!p1 $0x0;
	_ =	swait.ge [sflag:s19], $0x1000  }
0xa5: {  	s18 =	sshll.u32 s18, $0xC;
	[sflag:s19] =	ssyncset.done $0x0  }
0xa6: {  	s17 =	sadd.s32 $0x3B00, s18;
	s18 =	simm.s32 $0x0;
	[sflag:s19] =	ssyncadd.s32 $0xFFFFF000  }
.LBB2_10:
0xa7: {  	s19 =	sshra.s32 s18, $0x2  }
0xa8: {  	v11 =	vld.idx.msk [tilespmem:v10+s19+$0x0 ss:$0x1], $0xffff;
	_ =	sdelay $0x4  }
0xa9: {  	v11 =	vshll.u32 v11, $0x8  }
0xaa: {  	v11 =	vshra.s32 v11, $0x2  }
0xab: {  	(v2sf) =	vpush v11, $0x0;
	_ =	sdelay $0x9  }
0xac: {  	(v2sf) =	vpush v11, $0x1;
	_ =	sdelay $0x1  }
0xad: {  	v16 =	vld [tilespmem:s17+$0xFFFFFE00]  }
0xae: {  	v17 =	vld [tilespmem:s17+$0xFFFFFE10]  }
0xaf: {  	v18 =	vld [tilespmem:s17+$0xFFFFFE20]  }
0xb0: {  	v19 =	vld [tilespmem:s17+$0xFFFFFE30];
	s20 =	spop (v2sf)  }
0xb1: {  	v12 =	vld [tilespmem:s20+$0x5900]  }
0xb2: {  	v13 =	vld [tilespmem:s20+$0x5910]  }
0xb3: {  	v14 =	vld [tilespmem:s20+$0x5920]  }
0xb4: {  	v15 =	vld [tilespmem:s20+$0x5930];
	_ =	sdelay $0x1  }
0xb5: {  	v12 =	vmax.bf16 v12, v16  }
0xb6: {  	v13 =	vmax.bf16 v13, v17;
	[tilespmem:s20+$0x5900] =	vst v12  }
0xb7: {  	v32 =	vmax.bf16 v14, v18;
	[tilespmem:s20+$0x5910] =	vst v13  }
0xb8: {  	v33 =	vmax.bf16 v15, v19;
	[tilespmem:s20+$0x5920] =	vst v32  }
0xb9: {  	[tilespmem:s20+$0x5930] =	vst v33;
	s20 =	spop (v2sf)  }
0xba: {  	v12 =	vld [tilespmem:s20+$0x5900]  }
0xbb: {  	v13 =	vld [tilespmem:s20+$0x5910]  }
0xbc: {  	(v2sf) =	vpush v11, $0x2;
	v34 =	vld [tilespmem:s20+$0x5920]  }
0xbd: {  	v35 =	vld [tilespmem:s20+$0x5930]  }
0xbe: {  	v36 =	vld [tilespmem:s17+$0xFFFFFE40]  }
0xbf: {  	v37 =	vld [tilespmem:s17+$0xFFFFFE50]  }
0xc0: {  	v38 =	vld [tilespmem:s17+$0xFFFFFE60]  }
0xc1: {  	v39 =	vld [tilespmem:s17+$0xFFFFFE70];
	_ =	sdelay $0x1  }
0xc2: {  	v12 =	vmax.bf16 v12, v36  }
0xc3: {  	v13 =	vmax.bf16 v13, v37;
	[tilespmem:s20+$0x5900] =	vst v12  }
0xc4: {  	v40 =	vmax.bf16 v34, v38;
	[tilespmem:s20+$0x5910] =	vst v13  }
0xc5: {  	(v2sf) =	vpush v11, $0x3;
	v41 =	vmax.bf16 v35, v39;
	[tilespmem:s20+$0x5920] =	vst v40  }
0xc6: {  	[tilespmem:s20+$0x5930] =	vst v41  }
0xc7: {  	v44 =	vld [tilespmem:s17+$0xFFFFFE80]  }
0xc8: {  	v45 =	vld [tilespmem:s17+$0xFFFFFE90]  }
0xc9: {  	v46 =	vld [tilespmem:s17+$0xFFFFFEA0]  }
0xca: {  	s20 =	spop (v2sf);
	v47 =	vld [tilespmem:s17+$0xFFFFFEB0]  }
0xcb: {  	v12 =	vld [tilespmem:s20+$0x5900]  }
0xcc: {  	v13 =	vld [tilespmem:s20+$0x5910]  }
0xcd: {  	v42 =	vld [tilespmem:s20+$0x5920]  }
0xce: {  	v43 =	vld [tilespmem:s20+$0x5930];
	_ =	sdelay $0x1  }
0xcf: {  	v12 =	vmax.bf16 v12, v44  }
0xd0: {  	v13 =	vmax.bf16 v13, v45;
	[tilespmem:s20+$0x5900] =	vst v12  }
0xd1: {  	v48 =	vmax.bf16 v42, v46;
	[tilespmem:s20+$0x5910] =	vst v13  }
0xd2: {  	v49 =	vmax.bf16 v43, v47;
	[tilespmem:s20+$0x5920] =	vst v48  }
0xd3: {  	[tilespmem:s20+$0x5930] =	vst v49;
	s20 =	spop (v2sf)  }
0xd4: {  	v12 =	vld [tilespmem:s20+$0x5900]  }
0xd5: {  	v13 =	vld [tilespmem:s20+$0x5910]  }
0xd6: {  	(v2sf) =	vpush v11, $0x4;
	v50 =	vld [tilespmem:s20+$0x5920]  }
0xd7: {  	v51 =	vld [tilespmem:s20+$0x5930]  }
0xd8: {  	v52 =	vld [tilespmem:s17+$0xFFFFFEC0]  }
0xd9: {  	v53 =	vld [tilespmem:s17+$0xFFFFFED0]  }
0xda: {  	v54 =	vld [tilespmem:s17+$0xFFFFFEE0]  }
0xdb: {  	v55 =	vld [tilespmem:s17+$0xFFFFFEF0];
	_ =	sdelay $0x1  }
0xdc: {  	v12 =	vmax.bf16 v12, v52  }
0xdd: {  	v13 =	vmax.bf16 v13, v53;
	[tilespmem:s20+$0x5900] =	vst v12  }
0xde: {  	v56 =	vmax.bf16 v50, v54;
	[tilespmem:s20+$0x5910] =	vst v13  }
0xdf: {  	(v2sf) =	vpush v11, $0x5;
	v57 =	vmax.bf16 v51, v55;
	[tilespmem:s20+$0x5920] =	vst v56  }
0xe0: {  	[tilespmem:s20+$0x5930] =	vst v57  }
0xe1: {  	v60 =	vld [tilespmem:s17+$0xFFFFFF00]  }
0xe2: {  	v61 =	vld [tilespmem:s17+$0xFFFFFF10]  }
0xe3: {  	v62 =	vld [tilespmem:s17+$0xFFFFFF20]  }
0xe4: {  	s20 =	spop (v2sf);
	v63 =	vld [tilespmem:s17+$0xFFFFFF30]  }
0xe5: {  	v12 =	vld [tilespmem:s20+$0x5900]  }
0xe6: {  	v13 =	vld [tilespmem:s20+$0x5910]  }
0xe7: {  	v58 =	vld [tilespmem:s20+$0x5920]  }
0xe8: {  	v59 =	vld [tilespmem:s20+$0x5930];
	_ =	sdelay $0x1  }
0xe9: {  	v12 =	vmax.bf16 v12, v60  }
0xea: {  	v13 =	vmax.bf16 v13, v61;
	[tilespmem:s20+$0x5900] =	vst v12  }
0xeb: {  	v20 =	vmax.bf16 v58, v62;
	[tilespmem:s20+$0x5910] =	vst v13  }
0xec: {  	v21 =	vmax.bf16 v59, v63;
	[tilespmem:s20+$0x5920] =	vst v20  }
0xed: {  	[tilespmem:s20+$0x5930] =	vst v21;
	s20 =	spop (v2sf)  }
0xee: {  	v12 =	vld [tilespmem:s20+$0x5900]  }
0xef: {  	v13 =	vld [tilespmem:s20+$0x5910]  }
0xf0: {  	(v2sf) =	vpush v11, $0x6;
	v22 =	vld [tilespmem:s20+$0x5920]  }
0xf1: {  	v23 =	vld [tilespmem:s20+$0x5930]  }
0xf2: {  	v24 =	vld [tilespmem:s17+$0xFFFFFF40]  }
0xf3: {  	v25 =	vld [tilespmem:s17+$0xFFFFFF50]  }
0xf4: {  	v26 =	vld [tilespmem:s17+$0xFFFFFF60]  }
0xf5: {  	v27 =	vld [tilespmem:s17+$0xFFFFFF70];
	_ =	sdelay $0x1  }
0xf6: {  	v12 =	vmax.bf16 v12, v24  }
0xf7: {  	v13 =	vmax.bf16 v13, v25;
	[tilespmem:s20+$0x5900] =	vst v12  }
0xf8: {  	v28 =	vmax.bf16 v22, v26;
	[tilespmem:s20+$0x5910] =	vst v13  }
0xf9: {  	(v2sf) =	vpush v11, $0x7;
	v29 =	vmax.bf16 v23, v27;
	[tilespmem:s20+$0x5920] =	vst v28  }
0xfa: {  	[tilespmem:s20+$0x5930] =	vst v29  }
0xfb: {  	v32 =	vld [tilespmem:s17+$0xFFFFFF80]  }
0xfc: {  	v33 =	vld [tilespmem:s17+$0xFFFFFF90]  }
0xfd: {  	v34 =	vld [tilespmem:s17+$0xFFFFFFA0]  }
0xfe: {  	s20 =	spop (v2sf);
	v35 =	vld [tilespmem:s17+$0xFFFFFFB0]  }
0xff: {  	v12 =	vld [tilespmem:s20+$0x5900]  }
0x100: {  	v13 =	vld [tilespmem:s20+$0x5910]  }
0x101: {  	v30 =	vld [tilespmem:s20+$0x5920]  }
0x102: {  	v31 =	vld [tilespmem:s20+$0x5930];
	_ =	sdelay $0x1  }
0x103: {  	v12 =	vmax.bf16 v12, v32  }
0x104: {  	v13 =	vmax.bf16 v13, v33;
	[tilespmem:s20+$0x5900] =	vst v12  }
0x105: {  	v36 =	vmax.bf16 v30, v34;
	[tilespmem:s20+$0x5910] =	vst v13  }
0x106: {  	v37 =	vmax.bf16 v31, v35;
	[tilespmem:s20+$0x5920] =	vst v36  }
0x107: {  	[tilespmem:s20+$0x5930] =	vst v37;
	s20 =	spop (v2sf)  }
0x108: {  	v12 =	vld [tilespmem:s20+$0x5900]  }
0x109: {  	v13 =	vld [tilespmem:s20+$0x5910]  }
0x10a: {  	(v2sf) =	vpush v11, $0x8;
	v38 =	vld [tilespmem:s20+$0x5920]  }
0x10b: {  	v39 =	vld [tilespmem:s20+$0x5930]  }
0x10c: {  	v40 =	vld [tilespmem:s17+$0xFFFFFFC0]  }
0x10d: {  	v41 =	vld [tilespmem:s17+$0xFFFFFFD0]  }
0x10e: {  	v42 =	vld [tilespmem:s17+$0xFFFFFFE0]  }
0x10f: {  	v43 =	vld [tilespmem:s17+$0xFFFFFFF0];
	_ =	sdelay $0x1  }
0x110: {  	v12 =	vmax.bf16 v12, v40  }
0x111: {  	v13 =	vmax.bf16 v13, v41;
	[tilespmem:s20+$0x5900] =	vst v12  }
0x112: {  	v44 =	vmax.bf16 v38, v42;
	[tilespmem:s20+$0x5910] =	vst v13  }
0x113: {  	(v2sf) =	vpush v11, $0x9;
	v45 =	vmax.bf16 v39, v43;
	[tilespmem:s20+$0x5920] =	vst v44  }
0x114: {  	[tilespmem:s20+$0x5930] =	vst v45  }
0x115: {  	v48 =	vld [tilespmem:s17+$0x0]  }
0x116: {  	v49 =	vld [tilespmem:s17+$0x10]  }
0x117: {  	v50 =	vld [tilespmem:s17+$0x20]  }
0x118: {  	s20 =	spop (v2sf);
	v51 =	vld [tilespmem:s17+$0x30]  }
0x119: {  	v12 =	vld [tilespmem:s20+$0x5900]  }
0x11a: {  	v13 =	vld [tilespmem:s20+$0x5910]  }
0x11b: {  	v46 =	vld [tilespmem:s20+$0x5920]  }
0x11c: {  	v47 =	vld [tilespmem:s20+$0x5930];
	_ =	sdelay $0x1  }
0x11d: {  	v12 =	vmax.bf16 v12, v48  }
0x11e: {  	v13 =	vmax.bf16 v13, v49;
	[tilespmem:s20+$0x5900] =	vst v12  }
0x11f: {  	v52 =	vmax.bf16 v46, v50;
	[tilespmem:s20+$0x5910] =	vst v13  }
0x120: {  	v53 =	vmax.bf16 v47, v51;
	[tilespmem:s20+$0x5920] =	vst v52  }
0x121: {  	[tilespmem:s20+$0x5930] =	vst v53;
	s20 =	spop (v2sf)  }
0x122: {  	v12 =	vld [tilespmem:s20+$0x5900]  }
0x123: {  	v13 =	vld [tilespmem:s20+$0x5910]  }
0x124: {  	(v2sf) =	vpush v11, $0xA;
	v54 =	vld [tilespmem:s20+$0x5920]  }
0x125: {  	v55 =	vld [tilespmem:s20+$0x5930]  }
0x126: {  	v56 =	vld [tilespmem:s17+$0x40]  }
0x127: {  	v57 =	vld [tilespmem:s17+$0x50]  }
0x128: {  	v58 =	vld [tilespmem:s17+$0x60]  }
0x129: {  	v59 =	vld [tilespmem:s17+$0x70];
	_ =	sdelay $0x1  }
0x12a: {  	v12 =	vmax.bf16 v12, v56  }
0x12b: {  	v13 =	vmax.bf16 v13, v57;
	[tilespmem:s20+$0x5900] =	vst v12  }
0x12c: {  	v60 =	vmax.bf16 v54, v58;
	[tilespmem:s20+$0x5910] =	vst v13  }
0x12d: {  	(v2sf) =	vpush v11, $0xB;
	v61 =	vmax.bf16 v55, v59;
	[tilespmem:s20+$0x5920] =	vst v60  }
0x12e: {  	[tilespmem:s20+$0x5930] =	vst v61  }
0x12f: {  	v21 =	vld [tilespmem:s17+$0x80]  }
0x130: {  	v22 =	vld [tilespmem:s17+$0x90]  }
0x131: {  	v23 =	vld [tilespmem:s17+$0xA0]  }
0x132: {  	s20 =	spop (v2sf);
	v24 =	vld [tilespmem:s17+$0xB0]  }
0x133: {  	v12 =	vld [tilespmem:s20+$0x5900]  }
0x134: {  	v13 =	vld [tilespmem:s20+$0x5910]  }
0x135: {  	v62 =	vld [tilespmem:s20+$0x5920]  }
0x136: {  	v63 =	vld [tilespmem:s20+$0x5930];
	_ =	sdelay $0x1  }
0x137: {  	v12 =	vmax.bf16 v12, v21  }
0x138: {  	v13 =	vmax.bf16 v13, v22;
	[tilespmem:s20+$0x5900] =	vst v12  }
0x139: {  	v25 =	vmax.bf16 v62, v23;
	[tilespmem:s20+$0x5910] =	vst v13  }
0x13a: {  	v26 =	vmax.bf16 v63, v24;
	[tilespmem:s20+$0x5920] =	vst v25  }
0x13b: {  	[tilespmem:s20+$0x5930] =	vst v26;
	s20 =	spop (v2sf)  }
0x13c: {  	v12 =	vld [tilespmem:s20+$0x5900]  }
0x13d: {  	v13 =	vld [tilespmem:s20+$0x5910]  }
0x13e: {  	(v2sf) =	vpush v11, $0xC;
	v27 =	vld [tilespmem:s20+$0x5920]  }
0x13f: {  	v28 =	vld [tilespmem:s20+$0x5930]  }
0x140: {  	v29 =	vld [tilespmem:s17+$0xC0]  }
0x141: {  	v30 =	vld [tilespmem:s17+$0xD0]  }
0x142: {  	v31 =	vld [tilespmem:s17+$0xE0]  }
0x143: {  	v32 =	vld [tilespmem:s17+$0xF0];
	_ =	sdelay $0x1  }
0x144: {  	v12 =	vmax.bf16 v12, v29  }
0x145: {  	v13 =	vmax.bf16 v13, v30;
	[tilespmem:s20+$0x5900] =	vst v12  }
0x146: {  	v33 =	vmax.bf16 v27, v31;
	[tilespmem:s20+$0x5910] =	vst v13  }
0x147: {  	(v2sf) =	vpush v11, $0xD;
	v34 =	vmax.bf16 v28, v32;
	[tilespmem:s20+$0x5920] =	vst v33  }
0x148: {  	[tilespmem:s20+$0x5930] =	vst v34  }
0x149: {  	v37 =	vld [tilespmem:s17+$0x100]  }
0x14a: {  	v38 =	vld [tilespmem:s17+$0x110]  }
0x14b: {  	v39 =	vld [tilespmem:s17+$0x120]  }
0x14c: {  	s20 =	spop (v2sf);
	v40 =	vld [tilespmem:s17+$0x130]  }
0x14d: {  	v12 =	vld [tilespmem:s20+$0x5900]  }
0x14e: {  	v13 =	vld [tilespmem:s20+$0x5910]  }
0x14f: {  	v35 =	vld [tilespmem:s20+$0x5920]  }
0x150: {  	v36 =	vld [tilespmem:s20+$0x5930];
	_ =	sdelay $0x1  }
0x151: {  	v12 =	vmax.bf16 v12, v37  }
0x152: {  	v13 =	vmax.bf16 v13, v38;
	[tilespmem:s20+$0x5900] =	vst v12  }
0x153: {  	v41 =	vmax.bf16 v35, v39;
	[tilespmem:s20+$0x5910] =	vst v13  }
0x154: {  	v42 =	vmax.bf16 v36, v40;
	[tilespmem:s20+$0x5920] =	vst v41  }
0x155: {  	[tilespmem:s20+$0x5930] =	vst v42;
	s20 =	spop (v2sf)  }
0x156: {  	v12 =	vld [tilespmem:s20+$0x5900]  }
0x157: {  	v13 =	vld [tilespmem:s20+$0x5910]  }
0x158: {  	(v2sf) =	vpush v11, $0xE;
	v43 =	vld [tilespmem:s20+$0x5920]  }
0x159: {  	v44 =	vld [tilespmem:s20+$0x5930]  }
0x15a: {  	v45 =	vld [tilespmem:s17+$0x140]  }
0x15b: {  	v46 =	vld [tilespmem:s17+$0x150]  }
0x15c: {  	v47 =	vld [tilespmem:s17+$0x160]  }
0x15d: {  	v48 =	vld [tilespmem:s17+$0x170];
	_ =	sdelay $0x1  }
0x15e: {  	v12 =	vmax.bf16 v12, v45  }
0x15f: {  	v13 =	vmax.bf16 v13, v46;
	[tilespmem:s20+$0x5900] =	vst v12  }
0x160: {  	v49 =	vmax.bf16 v43, v47;
	[tilespmem:s20+$0x5910] =	vst v13  }
0x161: {  	(v2sf) =	vpush v11, $0xF;
	v50 =	vmax.bf16 v44, v48;
	[tilespmem:s20+$0x5920] =	vst v49  }
0x162: {  	[tilespmem:s20+$0x5930] =	vst v50  }
0x163: {  	v52 =	vld [tilespmem:s17+$0x180]  }
0x164: {  	v53 =	vld [tilespmem:s17+$0x190]  }
0x165: {  	v54 =	vld [tilespmem:s17+$0x1A0]  }
0x166: {  	s20 =	spop (v2sf);
	v55 =	vld [tilespmem:s17+$0x1B0]  }
0x167: {  	v11 =	vld [tilespmem:s20+$0x5900]  }
0x168: {  	v12 =	vld [tilespmem:s20+$0x5910]  }
0x169: {  	v51 =	vld [tilespmem:s20+$0x5930]  }
0x16a: {  	v13 =	vld [tilespmem:s20+$0x5920];
	_ =	sdelay $0x1  }
0x16b: {  	v11 =	vmax.bf16 v11, v52  }
0x16c: {  	v12 =	vmax.bf16 v12, v53;
	[tilespmem:s20+$0x5900] =	vst v11  }
0x16d: {  	v56 =	vmax.bf16 v51, v55;
	[tilespmem:s20+$0x5910] =	vst v12  }
0x16e: {  	v11 =	vmax.bf16 v13, v54;
	[tilespmem:s20+$0x5930] =	vst v56  }
0x16f: {  	[tilespmem:s20+$0x5920] =	vst v11;
	s20 =	spop (v2sf)  }
0x170: {  	v11 =	vld [tilespmem:s20+$0x5900]  }
0x171: {  	v12 =	vld [tilespmem:s20+$0x5910]  }
0x172: {  	v57 =	vld [tilespmem:s20+$0x5920]  }
0x173: {  	v58 =	vld [tilespmem:s20+$0x5930]  }
0x174: {  	v59 =	vld [tilespmem:s17+$0x1C0]  }
0x175: {  	v60 =	vld [tilespmem:s17+$0x1D0]  }
0x176: {  	v62 =	vld [tilespmem:s17+$0x1F0]  }
0x177: {  	v61 =	vld [tilespmem:s17+$0x1E0]  }
0x178: {  	p3 =	sne.s32 s18, $0xC0  }
.Ltmp5:
0x179: {  	v11 =	vmax.bf16 v11, v59;
	(pc) =	sbr.rel @p3 .LBB2_10-.Ltmp5, $4  }
0x17a: {  	v12 =	vmax.bf16 v12, v60;
	[tilespmem:s20+$0x5900] =	vst v11  }
0x17b: {  	v63 =	vmax.bf16 v58, v62;
	[tilespmem:s20+$0x5910] =	vst v12  }
0x17c: {  	v11 =	vmax.bf16 v57, v61;
	[tilespmem:s20+$0x5930] =	vst v63  }
0x17d: {  	s18 =	sadd.s32 $0x40, s18;
	s17 =	sadd.s32 $0x400, s17;
	[tilespmem:s20+$0x5920] =	vst v11  }
0x17e: {  	s17 =	simm.s32 $0x1;
	s28 =	sadd.s32 $0x1, s28  }
0x17f: {  	s17 =	simm.s32 @!p2 $0x0;
	p2 =	seq.s32 s28, s16  }
.Ltmp6:
0x180: {  	_ = 	snop;
	(pc) =	sbr.rel @!p2 .LBB2_9-.Ltmp6, $2  }
0x181: {  	_ =	sdelay $0x2  }
0x182: {  	s12 =	sadd.s32 $0x40, s12;
	p1 =	por !p1, !p1;
	s3 =	sadd.s32 s17, s3  }
.Ltmp7:
0x183: {  	(pc) =	sbr.rel .LBB2_4-.Ltmp7, $2  }
0x184: {  	_ =	sdelay $0x2  }
0x185: {  	s28 =	smov.u32 s16  }
.LBB2_13:
0x186: {  	v10 =	vadd.s32 v4, v9  }
0x187: {  	v10 =	vand.u32 $0xFFF, v10  }
0x188: {  	v11 =	vadd.s32 v6, v9  }
0x189: {  	v11 =	vand.u32 $0xFFF, v11  }
0x18a: {  	v12 =	vadd.s32 v7, v9  }
0x18b: {  	v12 =	vand.u32 $0xFFF, v12  }
0x18c: {  	v9 =	vadd.s32 v8, v9;
	s2 =	sadd.s32 $0x8000003F, s2;
	[tilespmem:v10+s29+$0x0] =	vst.idx.msk $0xffff, v3  }
0x18d: {  	s4 =	sshll.u32 s28, $0x6;
	v9 =	vand.u32 $0xFFF, v9;
	s2 =	sand.u32 $0xFFFFFFC0, s2;
	[tilespmem:v10+s30+$0x0] =	vst.idx.msk $0xffff, v5  }
0x18e: {  	p0 =	sge.s32 s4, s2;
	[tilespmem:v11+s29+$0x0] =	vst.idx.msk $0xffff, v3  }
.Ltmp8:
0x18f: {  	[tilespmem:v11+s30+$0x0] =	vst.idx.msk $0xffff, v5;
	(pc) =	sbr.rel @p0 .LBB2_18-.Ltmp8, $4  }
0x190: {  	[tilespmem:v12+s29+$0x0] =	vst.idx.msk $0xffff, v3  }
0x191: {  	[tilespmem:v12+s30+$0x0] =	vst.idx.msk $0xffff, v5  }
0x192: {  	[tilespmem:v9+s29+$0x0] =	vst.idx.msk $0xffff, v3  }
0x193: {  	[tilespmem:v9+s30+$0x0] =	vst.idx.msk $0xffff, v5  }
0x194: {  	s10 =	sand.u32 $0x1, s28  }
0x195: {  	p0 =	seq.s32 s10, $0x1  }
.LBB2_15:
0x196: {  	s10 =	sshll.u32 s3, $0x6  }
0x197: {  	s16 =	ssub.s32 s3, s28;
	s12 =	sadd.s32 $0x40, s10  }
0x198: {  	p2 =	slt.s32 s16, $0x2;
	p1 =	sle.s32 s12, s2  }
0x199: {  	p1 =	por !p1, !p2  }
0x19a: {  	p1 =	por !p1, !p1  }
0x19b: {  	s18 =	sand.u32 $0xFC0, s4;
	s12 =	sand.u32 @p1 $0x1, s3  }
0x19c: {  	s10 =	sand.u32 @p1 $0xFC0, s10;
	s17 =	simm.s32 @p1 $0x40;
	s16 =	sshll.u32 @p1 s12, $0xC  }
0x19d: {  	s10 =	sadd.s32 @p1 $0x1900, s10;
	s12 =	sadd.s32 @p1 $0x3, s12;
	s16 =	sadd.s32 @p1 $0x3900, s16  }
0x19e: {  	[tilespmem:s16], [sflag:s12] =	stream.indirect.gather @p1 [spmem:s7], $0x40, s10, s17, $0xb8;
	[tilespmem:$0x1EB80] =	vst v63  }
0x19f: {  	s19 =	sadd.s32 $0x2900, s18;
	s16 =	sand.u32 $0x1, s28  }
0x1a0: {  	v9 =	vmov s19;
	s12 =	simm.s32 $0x1;
	s17 =	sadd.s32 $0x3, s16  }
0x1a1: {  	s12 =	simm.s32 @!p0 $0x0;
	_ =	swait.ge [sflag:s17], $0x1000  }
0x1a2: {  	s20 =	sshll.u32 s12, $0xC;
	[sflag:s17] =	ssyncset.done $0x0  }
0x1a3: {  	s12 =	simm.s32 $0x0;
	s10 =	sadd.s32 $0x3B00, s20;
	[sflag:s17] =	ssyncadd.s32 $0xFFFFF000  }
.LBB2_16:
0x1a4: {  	s16 =	sshra.s32 s12, $0x2  }
0x1a5: {  	v10 =	vld.idx.msk [tilespmem:v9+s16+$0x0 ss:$0x1], $0xffff;
	_ =	sdelay $0x4  }
0x1a6: {  	v10 =	vshll.u32 v10, $0x8  }
0x1a7: {  	v10 =	vshra.s32 v10, $0x2  }
0x1a8: {  	(v2sf) =	vpush v10, $0x0;
	_ =	sdelay $0x9  }
0x1a9: {  	(v2sf) =	vpush v10, $0x1;
	_ =	sdelay $0x1  }
0x1aa: {  	v15 =	vld [tilespmem:s10+$0xFFFFFE00]  }
0x1ab: {  	v16 =	vld [tilespmem:s10+$0xFFFFFE10]  }
0x1ac: {  	v17 =	vld [tilespmem:s10+$0xFFFFFE20]  }
0x1ad: {  	v18 =	vld [tilespmem:s10+$0xFFFFFE30];
	s17 =	spop (v2sf)  }
0x1ae: {  	v11 =	vld [tilespmem:s17+$0x5900]  }
0x1af: {  	v12 =	vld [tilespmem:s17+$0x5910]  }
0x1b0: {  	v14 =	vld [tilespmem:s17+$0x5930]  }
0x1b1: {  	v13 =	vld [tilespmem:s17+$0x5920];
	_ =	sdelay $0x1  }
0x1b2: {  	v11 =	vmax.bf16 v11, v15  }
0x1b3: {  	v12 =	vmax.bf16 v12, v16;
	[tilespmem:s17+$0x5900] =	vst v11  }
0x1b4: {  	v47 =	vmax.bf16 v14, v18;
	[tilespmem:s17+$0x5910] =	vst v12  }
0x1b5: {  	(v2sf) =	vpush v10, $0x2;
	v11 =	vmax.bf16 v13, v17;
	[tilespmem:s17+$0x5930] =	vst v47  }
0x1b6: {  	s18 =	spop (v2sf);
	[tilespmem:s17+$0x5920] =	vst v11  }
0x1b7: {  	v11 =	vld [tilespmem:s18+$0x5900]  }
0x1b8: {  	v12 =	vld [tilespmem:s18+$0x5910]  }
0x1b9: {  	v48 =	vld [tilespmem:s18+$0x5920]  }
0x1ba: {  	v49 =	vld [tilespmem:s18+$0x5930]  }
0x1bb: {  	v50 =	vld [tilespmem:s10+$0xFFFFFE40]  }
0x1bc: {  	v51 =	vld [tilespmem:s10+$0xFFFFFE50]  }
0x1bd: {  	v53 =	vld [tilespmem:s10+$0xFFFFFE70]  }
0x1be: {  	v52 =	vld [tilespmem:s10+$0xFFFFFE60];
	_ =	sdelay $0x1  }
0x1bf: {  	v11 =	vmax.bf16 v11, v50  }
0x1c0: {  	v12 =	vmax.bf16 v12, v51;
	[tilespmem:s18+$0x5900] =	vst v11  }
0x1c1: {  	v54 =	vmax.bf16 v49, v53;
	[tilespmem:s18+$0x5910] =	vst v12  }
0x1c2: {  	(v2sf) =	vpush v10, $0x3;
	v11 =	vmax.bf16 v48, v52;
	[tilespmem:s18+$0x5930] =	vst v54  }
0x1c3: {  	s19 =	spop (v2sf);
	[tilespmem:s18+$0x5920] =	vst v11  }
0x1c4: {  	v11 =	vld [tilespmem:s19+$0x5900]  }
0x1c5: {  	v12 =	vld [tilespmem:s19+$0x5910]  }
0x1c6: {  	v55 =	vld [tilespmem:s19+$0x5920]  }
0x1c7: {  	v56 =	vld [tilespmem:s19+$0x5930]  }
0x1c8: {  	v57 =	vld [tilespmem:s10+$0xFFFFFE80]  }
0x1c9: {  	v58 =	vld [tilespmem:s10+$0xFFFFFE90]  }
0x1ca: {  	v60 =	vld [tilespmem:s10+$0xFFFFFEB0]  }
0x1cb: {  	v59 =	vld [tilespmem:s10+$0xFFFFFEA0];
	_ =	sdelay $0x1  }
0x1cc: {  	v11 =	vmax.bf16 v11, v57  }
0x1cd: {  	v12 =	vmax.bf16 v12, v58;
	[tilespmem:s19+$0x5900] =	vst v11  }
0x1ce: {  	v61 =	vmax.bf16 v56, v60;
	[tilespmem:s19+$0x5910] =	vst v12  }
0x1cf: {  	(v2sf) =	vpush v10, $0x4;
	v11 =	vmax.bf16 v55, v59;
	[tilespmem:s19+$0x5930] =	vst v61  }
0x1d0: {  	s20 =	spop (v2sf);
	[tilespmem:s19+$0x5920] =	vst v11  }
0x1d1: {  	v11 =	vld [tilespmem:s20+$0x5900]  }
0x1d2: {  	v12 =	vld [tilespmem:s20+$0x5910]  }
0x1d3: {  	v62 =	vld [tilespmem:s20+$0x5920]  }
0x1d4: {  	v63 =	vld [tilespmem:s20+$0x5930]  }
0x1d5: {  	v21 =	vld [tilespmem:s10+$0xFFFFFEC0]  }
0x1d6: {  	v22 =	vld [tilespmem:s10+$0xFFFFFED0]  }
0x1d7: {  	v24 =	vld [tilespmem:s10+$0xFFFFFEF0]  }
0x1d8: {  	v23 =	vld [tilespmem:s10+$0xFFFFFEE0];
	_ =	sdelay $0x1  }
0x1d9: {  	v11 =	vmax.bf16 v11, v21  }
0x1da: {  	v12 =	vmax.bf16 v12, v22;
	[tilespmem:s20+$0x5900] =	vst v11  }
0x1db: {  	v25 =	vmax.bf16 v63, v24;
	[tilespmem:s20+$0x5910] =	vst v12  }
0x1dc: {  	(v2sf) =	vpush v10, $0x5;
	v11 =	vmax.bf16 v62, v23;
	[tilespmem:s20+$0x5930] =	vst v25  }
0x1dd: {  	s17 =	spop (v2sf);
	[tilespmem:s20+$0x5920] =	vst v11  }
0x1de: {  	v11 =	vld [tilespmem:s17+$0x5900]  }
0x1df: {  	v12 =	vld [tilespmem:s17+$0x5910]  }
0x1e0: {  	v26 =	vld [tilespmem:s17+$0x5920]  }
0x1e1: {  	v27 =	vld [tilespmem:s17+$0x5930]  }
0x1e2: {  	v28 =	vld [tilespmem:s10+$0xFFFFFF00]  }
0x1e3: {  	v29 =	vld [tilespmem:s10+$0xFFFFFF10]  }
0x1e4: {  	v31 =	vld [tilespmem:s10+$0xFFFFFF30]  }
0x1e5: {  	v30 =	vld [tilespmem:s10+$0xFFFFFF20];
	_ =	sdelay $0x1  }
0x1e6: {  	v11 =	vmax.bf16 v11, v28  }
0x1e7: {  	v12 =	vmax.bf16 v12, v29;
	[tilespmem:s17+$0x5900] =	vst v11  }
0x1e8: {  	v32 =	vmax.bf16 v27, v31;
	[tilespmem:s17+$0x5910] =	vst v12  }
0x1e9: {  	(v2sf) =	vpush v10, $0x6;
	v11 =	vmax.bf16 v26, v30;
	[tilespmem:s17+$0x5930] =	vst v32  }
0x1ea: {  	s18 =	spop (v2sf);
	[tilespmem:s17+$0x5920] =	vst v11  }
0x1eb: {  	v11 =	vld [tilespmem:s18+$0x5900]  }
0x1ec: {  	v12 =	vld [tilespmem:s18+$0x5910]  }
0x1ed: {  	v33 =	vld [tilespmem:s18+$0x5920]  }
0x1ee: {  	v34 =	vld [tilespmem:s18+$0x5930]  }
0x1ef: {  	v35 =	vld [tilespmem:s10+$0xFFFFFF40]  }
0x1f0: {  	v36 =	vld [tilespmem:s10+$0xFFFFFF50]  }
0x1f1: {  	v38 =	vld [tilespmem:s10+$0xFFFFFF70]  }
0x1f2: {  	v37 =	vld [tilespmem:s10+$0xFFFFFF60];
	_ =	sdelay $0x1  }
0x1f3: {  	v11 =	vmax.bf16 v11, v35  }
0x1f4: {  	v12 =	vmax.bf16 v12, v36;
	[tilespmem:s18+$0x5900] =	vst v11  }
0x1f5: {  	v39 =	vmax.bf16 v34, v38;
	[tilespmem:s18+$0x5910] =	vst v12  }
0x1f6: {  	(v2sf) =	vpush v10, $0x7;
	v11 =	vmax.bf16 v33, v37;
	[tilespmem:s18+$0x5930] =	vst v39  }
0x1f7: {  	s19 =	spop (v2sf);
	[tilespmem:s18+$0x5920] =	vst v11  }
0x1f8: {  	v11 =	vld [tilespmem:s19+$0x5900]  }
0x1f9: {  	v12 =	vld [tilespmem:s19+$0x5910]  }
0x1fa: {  	v40 =	vld [tilespmem:s19+$0x5920]  }
0x1fb: {  	v41 =	vld [tilespmem:s19+$0x5930]  }
0x1fc: {  	v42 =	vld [tilespmem:s10+$0xFFFFFF80]  }
0x1fd: {  	v43 =	vld [tilespmem:s10+$0xFFFFFF90]  }
0x1fe: {  	v45 =	vld [tilespmem:s10+$0xFFFFFFB0]  }
0x1ff: {  	v44 =	vld [tilespmem:s10+$0xFFFFFFA0];
	_ =	sdelay $0x1  }
0x200: {  	v11 =	vmax.bf16 v11, v42  }
0x201: {  	v12 =	vmax.bf16 v12, v43;
	[tilespmem:s19+$0x5900] =	vst v11  }
0x202: {  	v46 =	vmax.bf16 v41, v45;
	[tilespmem:s19+$0x5910] =	vst v12  }
0x203: {  	(v2sf) =	vpush v10, $0x8;
	v11 =	vmax.bf16 v40, v44;
	[tilespmem:s19+$0x5930] =	vst v46  }
0x204: {  	s20 =	spop (v2sf);
	[tilespmem:s19+$0x5920] =	vst v11  }
0x205: {  	v11 =	vld [tilespmem:s20+$0x5900]  }
0x206: {  	v12 =	vld [tilespmem:s20+$0x5910]  }
0x207: {  	v47 =	vld [tilespmem:s20+$0x5920]  }
0x208: {  	v48 =	vld [tilespmem:s20+$0x5930]  }
0x209: {  	v49 =	vld [tilespmem:s10+$0xFFFFFFC0]  }
0x20a: {  	v50 =	vld [tilespmem:s10+$0xFFFFFFD0]  }
0x20b: {  	v52 =	vld [tilespmem:s10+$0xFFFFFFF0]  }
0x20c: {  	v51 =	vld [tilespmem:s10+$0xFFFFFFE0];
	_ =	sdelay $0x1  }
0x20d: {  	v11 =	vmax.bf16 v11, v49  }
0x20e: {  	v12 =	vmax.bf16 v12, v50;
	[tilespmem:s20+$0x5900] =	vst v11  }
0x20f: {  	v53 =	vmax.bf16 v48, v52;
	[tilespmem:s20+$0x5910] =	vst v12  }
0x210: {  	(v2sf) =	vpush v10, $0x9;
	v11 =	vmax.bf16 v47, v51;
	[tilespmem:s20+$0x5930] =	vst v53  }
0x211: {  	s17 =	spop (v2sf);
	[tilespmem:s20+$0x5920] =	vst v11  }
0x212: {  	v11 =	vld [tilespmem:s17+$0x5900]  }
0x213: {  	v12 =	vld [tilespmem:s17+$0x5910]  }
0x214: {  	v54 =	vld [tilespmem:s17+$0x5920]  }
0x215: {  	v55 =	vld [tilespmem:s17+$0x5930]  }
0x216: {  	v56 =	vld [tilespmem:s10+$0x0]  }
0x217: {  	v57 =	vld [tilespmem:s10+$0x10]  }
0x218: {  	v59 =	vld [tilespmem:s10+$0x30]  }
0x219: {  	v58 =	vld [tilespmem:s10+$0x20];
	_ =	sdelay $0x1  }
0x21a: {  	v11 =	vmax.bf16 v11, v56  }
0x21b: {  	v12 =	vmax.bf16 v12, v57;
	[tilespmem:s17+$0x5900] =	vst v11  }
0x21c: {  	v60 =	vmax.bf16 v55, v59;
	[tilespmem:s17+$0x5910] =	vst v12  }
0x21d: {  	(v2sf) =	vpush v10, $0xA;
	v11 =	vmax.bf16 v54, v58;
	[tilespmem:s17+$0x5930] =	vst v60  }
0x21e: {  	s18 =	spop (v2sf);
	[tilespmem:s17+$0x5920] =	vst v11  }
0x21f: {  	v11 =	vld [tilespmem:s18+$0x5900]  }
0x220: {  	v12 =	vld [tilespmem:s18+$0x5910]  }
0x221: {  	v61 =	vld [tilespmem:s18+$0x5920]  }
0x222: {  	v62 =	vld [tilespmem:s18+$0x5930]  }
0x223: {  	v63 =	vld [tilespmem:s10+$0x40]  }
0x224: {  	v21 =	vld [tilespmem:s10+$0x50]  }
0x225: {  	v23 =	vld [tilespmem:s10+$0x70]  }
0x226: {  	v22 =	vld [tilespmem:s10+$0x60];
	_ =	sdelay $0x1  }
0x227: {  	v11 =	vmax.bf16 v11, v63  }
0x228: {  	v12 =	vmax.bf16 v12, v21;
	[tilespmem:s18+$0x5900] =	vst v11  }
0x229: {  	v24 =	vmax.bf16 v62, v23;
	[tilespmem:s18+$0x5910] =	vst v12  }
0x22a: {  	(v2sf) =	vpush v10, $0xB;
	v11 =	vmax.bf16 v61, v22;
	[tilespmem:s18+$0x5930] =	vst v24  }
0x22b: {  	s19 =	spop (v2sf);
	[tilespmem:s18+$0x5920] =	vst v11  }
0x22c: {  	v11 =	vld [tilespmem:s19+$0x5900]  }
0x22d: {  	v12 =	vld [tilespmem:s19+$0x5910]  }
0x22e: {  	v25 =	vld [tilespmem:s19+$0x5920]  }
0x22f: {  	v26 =	vld [tilespmem:s19+$0x5930]  }
0x230: {  	v27 =	vld [tilespmem:s10+$0x80]  }
0x231: {  	v28 =	vld [tilespmem:s10+$0x90]  }
0x232: {  	v30 =	vld [tilespmem:s10+$0xB0]  }
0x233: {  	v29 =	vld [tilespmem:s10+$0xA0];
	_ =	sdelay $0x1  }
0x234: {  	v11 =	vmax.bf16 v11, v27  }
0x235: {  	v12 =	vmax.bf16 v12, v28;
	[tilespmem:s19+$0x5900] =	vst v11  }
0x236: {  	v31 =	vmax.bf16 v26, v30;
	[tilespmem:s19+$0x5910] =	vst v12  }
0x237: {  	(v2sf) =	vpush v10, $0xC;
	v11 =	vmax.bf16 v25, v29;
	[tilespmem:s19+$0x5930] =	vst v31  }
0x238: {  	s20 =	spop (v2sf);
	[tilespmem:s19+$0x5920] =	vst v11  }
0x239: {  	v11 =	vld [tilespmem:s20+$0x5900]  }
0x23a: {  	v12 =	vld [tilespmem:s20+$0x5910]  }
0x23b: {  	v32 =	vld [tilespmem:s20+$0x5920]  }
0x23c: {  	v33 =	vld [tilespmem:s20+$0x5930]  }
0x23d: {  	v34 =	vld [tilespmem:s10+$0xC0]  }
0x23e: {  	v35 =	vld [tilespmem:s10+$0xD0]  }
0x23f: {  	v37 =	vld [tilespmem:s10+$0xF0]  }
0x240: {  	v36 =	vld [tilespmem:s10+$0xE0];
	_ =	sdelay $0x1  }
0x241: {  	v11 =	vmax.bf16 v11, v34  }
0x242: {  	v12 =	vmax.bf16 v12, v35;
	[tilespmem:s20+$0x5900] =	vst v11  }
0x243: {  	v38 =	vmax.bf16 v33, v37;
	[tilespmem:s20+$0x5910] =	vst v12  }
0x244: {  	(v2sf) =	vpush v10, $0xD;
	v11 =	vmax.bf16 v32, v36;
	[tilespmem:s20+$0x5930] =	vst v38  }
0x245: {  	s17 =	spop (v2sf);
	[tilespmem:s20+$0x5920] =	vst v11  }
0x246: {  	v11 =	vld [tilespmem:s17+$0x5900]  }
0x247: {  	v12 =	vld [tilespmem:s17+$0x5910]  }
0x248: {  	v39 =	vld [tilespmem:s17+$0x5920]  }
0x249: {  	v40 =	vld [tilespmem:s17+$0x5930]  }
0x24a: {  	v41 =	vld [tilespmem:s10+$0x100]  }
0x24b: {  	v42 =	vld [tilespmem:s10+$0x110]  }
0x24c: {  	v44 =	vld [tilespmem:s10+$0x130]  }
0x24d: {  	v43 =	vld [tilespmem:s10+$0x120];
	_ =	sdelay $0x1  }
0x24e: {  	v11 =	vmax.bf16 v11, v41  }
0x24f: {  	v12 =	vmax.bf16 v12, v42;
	[tilespmem:s17+$0x5900] =	vst v11  }
0x250: {  	v45 =	vmax.bf16 v40, v44;
	[tilespmem:s17+$0x5910] =	vst v12  }
0x251: {  	(v2sf) =	vpush v10, $0xE;
	v11 =	vmax.bf16 v39, v43;
	[tilespmem:s17+$0x5930] =	vst v45  }
0x252: {  	s18 =	spop (v2sf);
	[tilespmem:s17+$0x5920] =	vst v11  }
0x253: {  	v11 =	vld [tilespmem:s18+$0x5900]  }
0x254: {  	v12 =	vld [tilespmem:s18+$0x5910]  }
0x255: {  	v46 =	vld [tilespmem:s18+$0x5920]  }
0x256: {  	v47 =	vld [tilespmem:s18+$0x5930]  }
0x257: {  	v48 =	vld [tilespmem:s10+$0x140]  }
0x258: {  	v49 =	vld [tilespmem:s10+$0x150]  }
0x259: {  	v51 =	vld [tilespmem:s10+$0x170]  }
0x25a: {  	v50 =	vld [tilespmem:s10+$0x160];
	_ =	sdelay $0x1  }
0x25b: {  	v11 =	vmax.bf16 v11, v48  }
0x25c: {  	v12 =	vmax.bf16 v12, v49;
	[tilespmem:s18+$0x5900] =	vst v11  }
0x25d: {  	v52 =	vmax.bf16 v47, v51;
	[tilespmem:s18+$0x5910] =	vst v12  }
0x25e: {  	(v2sf) =	vpush v10, $0xF;
	v11 =	vmax.bf16 v46, v50;
	[tilespmem:s18+$0x5930] =	vst v52  }
0x25f: {  	s19 =	spop (v2sf);
	[tilespmem:s18+$0x5920] =	vst v11  }
0x260: {  	v10 =	vld [tilespmem:s19+$0x5900]  }
0x261: {  	v11 =	vld [tilespmem:s19+$0x5910]  }
0x262: {  	v12 =	vld [tilespmem:s19+$0x5920]  }
0x263: {  	v53 =	vld [tilespmem:s19+$0x5930]  }
0x264: {  	v54 =	vld [tilespmem:s10+$0x180]  }
0x265: {  	v55 =	vld [tilespmem:s10+$0x190]  }
0x266: {  	v56 =	vld [tilespmem:s10+$0x1A0]  }
0x267: {  	v57 =	vld [tilespmem:s10+$0x1B0];
	_ =	sdelay $0x1  }
0x268: {  	v10 =	vmax.bf16 v10, v54  }
0x269: {  	v11 =	vmax.bf16 v11, v55;
	[tilespmem:s19+$0x5900] =	vst v10  }
0x26a: {  	v10 =	vmax.bf16 v12, v56;
	[tilespmem:s19+$0x5910] =	vst v11  }
0x26b: {  	v11 =	vmax.bf16 v53, v57;
	[tilespmem:s19+$0x5920] =	vst v10  }
0x26c: {  	s20 =	spop (v2sf);
	[tilespmem:s19+$0x5930] =	vst v11  }
0x26d: {  	v10 =	vld [tilespmem:s20+$0x5900]  }
0x26e: {  	v11 =	vld [tilespmem:s20+$0x5910]  }
0x26f: {  	v58 =	vld [tilespmem:s20+$0x5920]  }
0x270: {  	v59 =	vld [tilespmem:s20+$0x5930]  }
0x271: {  	v60 =	vld [tilespmem:s10+$0x1C0]  }
0x272: {  	v61 =	vld [tilespmem:s10+$0x1D0]  }
0x273: {  	v62 =	vld [tilespmem:s10+$0x1E0]  }
0x274: {  	v63 =	vld [tilespmem:s10+$0x1F0]  }
0x275: {  	p2 =	sne.s32 s12, $0xC0  }
.Ltmp9:
0x276: {  	v10 =	vmax.bf16 v10, v60;
	(pc) =	sbr.rel @p2 .LBB2_16-.Ltmp9, $4  }
0x277: {  	v11 =	vmax.bf16 v11, v61;
	[tilespmem:s20+$0x5900] =	vst v10  }
0x278: {  	v10 =	vmax.bf16 v58, v62;
	[tilespmem:s20+$0x5910] =	vst v11  }
0x279: {  	v11 =	vmax.bf16 v59, v63;
	[tilespmem:s20+$0x5920] =	vst v10  }
0x27a: {  	s12 =	sadd.s32 $0x40, s12;
	s10 =	sadd.s32 $0x400, s10;
	[tilespmem:s20+$0x5930] =	vst v11  }
0x27b: {  	s28 =	sadd.s32 $0x1, s28  }
0x27c: {  	s10 =	simm.s32 $0x1;
	s12 =	sshll.u32 s28, $0x6  }
0x27d: {  	s10 =	simm.s32 @!p1 $0x0;
	p1 =	slt.s32 s12, s2  }
.Ltmp10:
0x27e: {  	_ = 	snop;
	(pc) =	sbr.rel @p1 .LBB2_15-.Ltmp10, $2  }
0x27f: {  	_ =	sdelay $0x2  }
0x280: {  	s4 =	sadd.s32 $0x40, s4;
	p0 =	por !p0, !p0;
	s3 =	sadd.s32 s10, s3  }
.LBB2_18:
0x281: {  	s2 =	rddreg [dreg:$0x10]  }
0x282: {  	[spmem:s2] =	stream.linear.scatter [tilespmem:s21], [sflag:$0x5], $0x5000, $0x38;
	[tilespmem:$0x1EB80] =	vst v63  }
0x283: {  	_ =	swait.ge [sflag:s26], $0x5000  }
0x284: {  	[sflag:s26] =	ssyncset.done $0x0  }
0x285: {  	[sflag:s26] =	ssyncadd.s32 $0xFFFFB000  }
0x286: {  	s3 =	smov.u32 s23;
	s2 =	simm.s32 $0x0;
	[bflag:$0x0] =	sbarrier.arrive $0xFFFF  }
.LBB2_19:
0x287: {  	s4 =	sshll.u32 s2, $0x6  }
0x288: {  	s4 =	sadd.s32 s14, s4  }
0x289: {  	s4 =	sshll.u32 s4, $0x6  }
0x28a: {  	s4 =	sand.u32 $0x3FFFFFC0, s4  }
0x28b: {  	s4 =	sadd.s32 s4, s8  }
0x28c: {  	v9 =	vmov s3;
	[tilespmem:s31], [sflag:$0x5] =	stream.linear.gather [spmem:s4], $0x1000, $0x38;
	[tilespmem:$0x1EB80] =	vst v63  }
0x28d: {  	_ =	swait.ge [sflag:s26], $0x1000  }
0x28e: {  	[sflag:s26] =	ssyncset.done $0x0  }
0x28f: {  	s4 =	simm.s32 $0x0;
	[sflag:s26] =	ssyncadd.s32 $0xFFFFF000  }
0x290: {  	v14 =	vld [tilespmem:s4+$0x3910]  }
0x291: {  	v15 =	vld.idx.msk [tilespmem:v9+s4+$0x10 ss:$0x1], $0xffff  }
0x292: {  	v16 =	vld.idx.msk [tilespmem:v9+s4+$0x0 ss:$0x1], $0xffff  }
0x293: {  	v17 =	vld [tilespmem:s4+$0x3900]  }
0x294: {  	v10 =	vld.idx.msk [tilespmem:v9+s4+$0x20 ss:$0x1], $0xffff  }
0x295: {  	v11 =	vld.idx.msk [tilespmem:v9+s4+$0x30 ss:$0x1], $0xffff  }
0x296: {  	v13 =	vld [tilespmem:s4+$0x3920]  }
0x297: {  	v12 =	vld [tilespmem:s4+$0x3930];
	_ =	sdelay $0x1  }
0x298: {  	s10 =	simm.s32 $0x100;
	v14 =	vmax.bf16 v15, v14;
	v15 =	vmax.bf16 v16, v17  }
.LBB2_20:
0x299: {  	p0 =	sne.s32 s10, $0x3F00;
	[tilespmem:v9+s4+$0x0 ss:$0x1] =	vst.idx.msk $0xffff, v15;
	s12 =	smov.u32 s10;
	s10 =	sadd.s32 $0x100, s10  }
0x29a: {  	v10 =	vmax.bf16 v10, v13;
	[tilespmem:v9+s4+$0x10 ss:$0x1] =	vst.idx.msk $0xffff, v14  }
0x29b: {  	v11 =	vmax.bf16 v11, v12;
	[tilespmem:v9+s4+$0x20 ss:$0x1] =	vst.idx.msk $0xffff, v10  }
0x29c: {  	[tilespmem:v9+s4+$0x30 ss:$0x1] =	vst.idx.msk $0xffff, v11;
	s4 =	sshra.s32 s12, $0x2  }
0x29d: {  	v10 =	vld.idx.msk [tilespmem:v9+s4+$0x20 ss:$0x1], $0xffff  }
0x29e: {  	v14 =	vld [tilespmem:s4+$0x3910]  }
0x29f: {  	v15 =	vld.idx.msk [tilespmem:v9+s4+$0x10 ss:$0x1], $0xffff  }
0x2a0: {  	v16 =	vld.idx.msk [tilespmem:v9+s4+$0x0 ss:$0x1], $0xffff  }
0x2a1: {  	v17 =	vld [tilespmem:s4+$0x3900]  }
.Ltmp11:
0x2a2: {  	v11 =	vld.idx.msk [tilespmem:v9+s4+$0x30 ss:$0x1], $0xffff;
	(pc) =	sbr.rel @p0 .LBB2_20-.Ltmp11, $4  }
0x2a3: {  	v13 =	vld [tilespmem:s4+$0x3920]  }
0x2a4: {  	v12 =	vld [tilespmem:s4+$0x3930]  }
0x2a5: {  	v14 =	vmax.bf16 v15, v14  }
0x2a6: {  	v15 =	vmax.bf16 v16, v17  }
0x2a7: {  	_ = 	snop  }
0x2a8: {  	s2 =	sadd.s32 $0x1, s2  }
0x2a9: {  	p0 =	sne.s32 s2, $0x5  }
.Ltmp12:
0x2aa: {  	_ = 	snop;
	(pc) =	sbr.rel @p0 .LBB2_19-.Ltmp12, $4  }
0x2ab: {  	[tilespmem:v9+s4+$0x0 ss:$0x1] =	vst.idx.msk $0xffff, v15  }
0x2ac: {  	v10 =	vmax.bf16 v10, v13;
	[tilespmem:v9+s4+$0x10 ss:$0x1] =	vst.idx.msk $0xffff, v14  }
0x2ad: {  	v11 =	vmax.bf16 v11, v12;
	[tilespmem:v9+s4+$0x20 ss:$0x1] =	vst.idx.msk $0xffff, v10  }
0x2ae: {  	s3 =	sadd.s32 $0x1000, s3;
	[tilespmem:v9+s4+$0x30 ss:$0x1] =	vst.idx.msk $0xffff, v11  }
0x2af: {  	s2 =	simm.s32 $0x0;
	s3 =	rddreg [dreg:$0x3];
	s4 =	simm.s32 $0xF940  }
0x2b0: {  	[tilespmem:s4], [sflag:$0x5] =	stream.linear.gather [hbm4b:s3+s2], $0x40, $0x38;
	[tilespmem:$0x1EB80] =	vst v63  }
0x2b1: {  	_ =	swait.ge [sflag:s26], $0x40  }
0x2b2: {  	[sflag:s26] =	ssyncset.done $0x0  }
0x2b3: {  	[sflag:s26] =	ssyncadd.s32 $0xFFFFFFC0  }
0x2b4: {  	s17 =	simm.s32 $0xF980;
	s16 =	rddreg [dreg:$0x4]  }
0x2b5: {  	[tilespmem:s17], [sflag:$0x5] =	stream.linear.gather [hbm4b:s16+s2], $0x40, $0x38;
	[tilespmem:$0x1EB80] =	vst v63  }
0x2b6: {  	_ =	swait.ge [sflag:s26], $0x40  }
0x2b7: {  	[sflag:s26] =	ssyncset.done $0x0  }
0x2b8: {  	[sflag:s26] =	ssyncadd.s32 $0xFFFFFFC0  }
0x2b9: {  	s19 =	simm.s32 $0xF9C0;
	s18 =	rddreg [dreg:$0x5]  }
0x2ba: {  	[tilespmem:s19], [sflag:$0x5] =	stream.linear.gather [hbm4b:s18+s2], $0x40, $0x38;
	[tilespmem:$0x1EB80] =	vst v63  }
0x2bb: {  	_ =	swait.ge [sflag:s26], $0x40  }
0x2bc: {  	[sflag:s26] =	ssyncset.done $0x0  }
0x2bd: {  	[sflag:s26] =	ssyncadd.s32 $0xFFFFFFC0  }
0x2be: {  	s28 =	simm.s32 $0xFA00;
	s20 =	rddreg [dreg:$0x6]  }
0x2bf: {  	[tilespmem:s28], [sflag:$0x5] =	stream.linear.gather [hbm4b:s20+s2], $0x40, $0x38;
	[tilespmem:$0x1EB80] =	vst v63  }
0x2c0: {  	_ =	swait.ge [sflag:s26], $0x40  }
0x2c1: {  	s10 =	simm.s32 $0x0;
	[sflag:s26] =	ssyncset.done $0x0  }
0x2c2: {  	s3 =	smov.u32 s24;
	s4 =	simm.s32 $0x0;
	[sflag:s26] =	ssyncadd.s32 $0xFFFFFFC0  }
.LBB2_23:
0x2c3: {  	s12 =	sshll.u32 s10, $0x6  }
0x2c4: {  	s12 =	sadd.s32 s15, s12  }
0x2c5: {  	s12 =	sshll.u32 s12, $0x3  }
0x2c6: {  	s12 =	sand.u32 $0x1FFFFE00, s12  }
0x2c7: {  	v9 =	vmov s3;
	s12 =	sadd.s32 s11, s12  }
0x2c8: {  	[tilespmem:s5], [sflag:$0x5] =	stream.linear.gather [hbm4b:s12+s2], $0x1000, $0x38;
	[tilespmem:$0x1EB80] =	vst v63  }
0x2c9: {  	_ =	swait.ge [sflag:s26], $0x1000  }
0x2ca: {  	[sflag:s26] =	ssyncset.done $0x0  }
0x2cb: {  	s28 =	simm.s32 $0x0;
	[sflag:s26] =	ssyncadd.s32 $0xFFFFF000  }
0x2cc: {  	v10 =	vld.idx.msk [tilespmem:v9+s28+$0xFFFFFFD0 ss:$0x1], $0xffff;
	_ =	sdelay $0x2  }
0x2cd: {  	v11 =	vld [tilespmem:$0xF940];
	_ =	sdelay $0x1  }
0x2ce: {  	v13 =	vld [tilespmem:$0xF980];
	v12 =	vshll.u32 v10, $0x10  }
0x2cf: {  	v14 =	vld [tilespmem:s28+$0x4900];
	vm0 =	veq.f32 v12, $-Inf  }
0x2d0: {  	v15 =	vld [tilespmem:$0xF9C0];
	v10 =	vand.u32 $0xFFFF0000, v10;
	v12 =	vsel vm0, $0x0, v12  }
0x2d1: {  	v16 =	vld.idx.msk [tilespmem:v9+s28+$0xFFFFFFE0 ss:$0x1], $0xffff;
	vm9 =	veq.f32 v10, $-Inf;
	v11 =	vmul.f32 v12, v11  }
0x2d2: {  	v35 =	vld [tilespmem:$0xFA00];
	v10 =	vsel vm9, $0x0, v10  }
0x2d3: {  	v10 =	vmul.f32 v10, v13;
	v11 =	vadd.f32 $0.0e+00, v11  }
0x2d4: {  	v17 =	vld [tilespmem:$0xF950];
	v36 =	vshll.u32 v14, $0x10  }
0x2d5: {  	v10 =	vadd.f32 v11, v10;
	v11 =	vmul.f32 v36, v15  }
0x2d6: {  	v39 =	vld [tilespmem:$0xF990];
	v37 =	vand.u32 $0xFFFF0000, v14;
	v38 =	vshll.u32 v16, $0x10  }
0x2d7: {  	v40 =	vld [tilespmem:s28+$0x4910];
	vm10 =	veq.f32 v38, $-Inf;
	v10 =	vadd.f32 v10, v11;
	v11 =	vmul.f32 v37, v35  }
0x2d8: {  	v41 =	vld [tilespmem:$0xF9D0];
	v16 =	vand.u32 $0xFFFF0000, v16;
	v14 =	vsel vm10, $0x0, v38  }
0x2d9: {  	v18 =	vld.idx.msk [tilespmem:v9+s28+$0xFFFFFFF0 ss:$0x1], $0xffff;
	vm11 =	veq.f32 v16, $-Inf;
	v10 =	vadd.f32 v10, v11;
	v11 =	vmul.f32 v14, v17  }
0x2da: {  	v43 =	vld [tilespmem:$0xFA10];
	v42 =	vsel vm11, $0x0, v16  }
0x2db: {  	v10 =	vadd.f32 v11, v10;
	v11 =	vmul.f32 v42, v39  }
0x2dc: {  	v45 =	vld [tilespmem:$0xF960];
	v44 =	vshll.u32 v40, $0x10  }
0x2dd: {  	v10 =	vadd.f32 v10, v11;
	v11 =	vmul.f32 v44, v41  }
0x2de: {  	v47 =	vld [tilespmem:$0xF9A0];
	v46 =	vshll.u32 v18, $0x10;
	v12 =	vand.u32 $0xFFFF0000, v40  }
0x2df: {  	v48 =	vld [tilespmem:s28+$0x4920];
	vm12 =	veq.f32 v46, $-Inf;
	v10 =	vadd.f32 v10, v11;
	v11 =	vmul.f32 v12, v43  }
0x2e0: {  	v49 =	vld [tilespmem:$0xF9E0];
	v50 =	vand.u32 $0xFFFF0000, v18;
	v13 =	vsel vm12, $0x0, v46  }
0x2e1: {  	v51 =	vld.idx.msk [tilespmem:v9+s28+$0x0 ss:$0x1], $0xffff;
	vm13 =	veq.f32 v50, $-Inf;
	v10 =	vadd.f32 v10, v11;
	v11 =	vmul.f32 v13, v45  }
0x2e2: {  	v53 =	vld [tilespmem:$0xFA20];
	v52 =	vsel vm13, $0x0, v50  }
0x2e3: {  	v10 =	vadd.f32 v11, v10;
	v11 =	vmul.f32 v52, v47  }
0x2e4: {  	v55 =	vld [tilespmem:$0xF970];
	v54 =	vshll.u32 v48, $0x10  }
0x2e5: {  	v10 =	vadd.f32 v10, v11;
	v11 =	vmul.f32 v54, v49  }
0x2e6: {  	v57 =	vld [tilespmem:$0xF9B0];
	v56 =	vshll.u32 v51, $0x10;
	v12 =	vand.u32 $0xFFFF0000, v48  }
0x2e7: {  	v58 =	vld [tilespmem:s28+$0x4930];
	vm14 =	veq.f32 v56, $-Inf;
	v10 =	vadd.f32 v10, v11;
	v11 =	vmul.f32 v12, v53  }
0x2e8: {  	v60 =	vld [tilespmem:$0xF9F0];
	v59 =	vand.u32 $0xFFFF0000, v51;
	v13 =	vsel vm14, $0x0, v56  }
0x2e9: {  	vm15 =	veq.f32 v59, $-Inf;
	v10 =	vadd.f32 v10, v11;
	v11 =	vmul.f32 v13, v55  }
0x2ea: {  	v62 =	vld [tilespmem:$0xFA30];
	v61 =	vsel vm15, $0x0, v59  }
0x2eb: {  	v10 =	vadd.f32 v11, v10;
	v11 =	vmul.f32 v61, v57  }
0x2ec: {  	v63 =	vshll.u32 v58, $0x10  }
0x2ed: {  	v10 =	vadd.f32 v10, v11;
	v11 =	vmul.f32 v63, v60  }
0x2ee: {  	v12 =	vand.u32 $0xFFFF0000, v58  }
0x2ef: {  	v10 =	vadd.f32 v10, v11;
	v11 =	vmul.f32 v12, v62;
	_ =	sdelay $0x1  }
0x2f0: {  	v10 =	vadd.f32 v10, v11;
	_ =	sdelay $0x1  }
0x2f1: {  	(xrf2) =	vadd.scan.msk.f32 $0xffff, v10;
	_ =	sdelay $0x7  }
0x2f2: {  	v10 =	vmov s4;
	_ =	sdelay $0x1  }
0x2f3: {  	v11, _, _ =	vpop (xrf2)  }
0x2f4: {  	v11 =	vbroadcast v11, $0xF;
	_ =	sdelay $0x1  }
0x2f5: {  	s16 =	simm.s32 $0x40;
	s17 =	simm.s32 $0x200;
	s12 =	smov.u32 s4;
	[tilespmem:v10+s6+$0x0] =	vst.idx.msk $0x1, v11  }
.LBB2_24:
0x2f6: {  	p0 =	sne.s32 s17, $0x3F00;
	v10 =	vld.idx.msk [tilespmem:v9+s16+$0xFFFFFFD0 ss:$0x1], $0xffff;
	_ =	sdelay $0x3  }
0x2f7: {  	v11 =	vld [tilespmem:$0xF940]  }
0x2f8: {  	v12 =	vld [tilespmem:$0xF9C0]  }
0x2f9: {  	v13 =	vshll.u32 v10, $0x10;
	v14 =	vld [tilespmem:$0xF980]  }
0x2fa: {  	vm0 =	veq.f32 v13, $-Inf;
	v15 =	vld [tilespmem:s16+$0x4900]  }
0x2fb: {  	v10 =	vand.u32 $0xFFFF0000, v10;
	v13 =	vsel vm0, $0x0, v13;
	v16 =	vld.idx.msk [tilespmem:v9+s16+$0xFFFFFFE0 ss:$0x1], $0xffff  }
0x2fc: {  	vm0 =	veq.f32 v10, $-Inf;
	v11 =	vmul.f32 v13, v11  }
0x2fd: {  	v10 =	vsel vm0, $0x0, v10;
	v13 =	vld [tilespmem:$0xFA00]  }
0x2fe: {  	v11 =	vadd.f32 $0.0e+00, v11;
	v10 =	vmul.f32 v10, v14  }
0x2ff: {  	v14 =	vshll.u32 v15, $0x10;
	v17 =	vld [tilespmem:$0xF950]  }
0x300: {  	v10 =	vadd.f32 v11, v10;
	v11 =	vmul.f32 v14, v12;
	v12 =	vld [tilespmem:$0xF9D0]  }
0x301: {  	v14 =	vand.u32 $0xFFFF0000, v15;
	v15 =	vshll.u32 v16, $0x10;
	v18 =	vld [tilespmem:$0xF990]  }
0x302: {  	vm0 =	veq.f32 v15, $-Inf;
	v10 =	vadd.f32 v10, v11;
	v11 =	vmul.f32 v14, v13;
	v13 =	vld [tilespmem:s16+$0x4910]  }
0x303: {  	v14 =	vand.u32 $0xFFFF0000, v16;
	v15 =	vsel vm0, $0x0, v15;
	v16 =	vld.idx.msk [tilespmem:v9+s16+$0xFFFFFFF0 ss:$0x1], $0xffff  }
0x304: {  	vm0 =	veq.f32 v14, $-Inf;
	v10 =	vadd.f32 v10, v11;
	v11 =	vmul.f32 v15, v17  }
0x305: {  	v14 =	vsel vm0, $0x0, v14;
	v15 =	vld [tilespmem:$0xFA10]  }
0x306: {  	v10 =	vadd.f32 v11, v10;
	v11 =	vmul.f32 v14, v18  }
0x307: {  	v14 =	vshll.u32 v13, $0x10;
	v17 =	vld [tilespmem:$0xF960]  }
0x308: {  	v10 =	vadd.f32 v10, v11;
	v11 =	vmul.f32 v14, v12;
	v12 =	vld [tilespmem:$0xF9E0]  }
0x309: {  	v13 =	vand.u32 $0xFFFF0000, v13;
	v14 =	vshll.u32 v16, $0x10;
	v18 =	vld [tilespmem:$0xF9A0]  }
0x30a: {  	vm0 =	veq.f32 v14, $-Inf;
	v10 =	vadd.f32 v10, v11;
	v11 =	vmul.f32 v13, v15;
	v13 =	vld [tilespmem:s16+$0x4920]  }
0x30b: {  	v15 =	vand.u32 $0xFFFF0000, v16;
	v14 =	vsel vm0, $0x0, v14;
	v16 =	vld.idx.msk [tilespmem:v9+s16+$0x0 ss:$0x1], $0xffff  }
0x30c: {  	vm0 =	veq.f32 v15, $-Inf;
	v10 =	vadd.f32 v10, v11;
	v11 =	vmul.f32 v14, v17  }
0x30d: {  	v14 =	vsel vm0, $0x0, v15;
	v15 =	vld [tilespmem:$0xFA20]  }
0x30e: {  	v10 =	vadd.f32 v11, v10;
	v11 =	vmul.f32 v14, v18  }
0x30f: {  	v14 =	vshll.u32 v13, $0x10;
	v17 =	vld [tilespmem:$0xF970]  }
0x310: {  	v10 =	vadd.f32 v10, v11;
	v11 =	vmul.f32 v14, v12  }
0x311: {  	v12 =	vand.u32 $0xFFFF0000, v13;
	v13 =	vshll.u32 v16, $0x10;
	v14 =	vld [tilespmem:$0xF9B0]  }
0x312: {  	vm0 =	veq.f32 v13, $-Inf;
	v10 =	vadd.f32 v10, v11;
	v11 =	vmul.f32 v12, v15;
	v12 =	vld [tilespmem:s16+$0x4930]  }
0x313: {  	v15 =	vand.u32 $0xFFFF0000, v16;
	v13 =	vsel vm0, $0x0, v13;
	v16 =	vld [tilespmem:$0xF9F0]  }
0x314: {  	vm0 =	veq.f32 v15, $-Inf;
	v10 =	vadd.f32 v10, v11;
	v11 =	vmul.f32 v13, v17  }
0x315: {  	v13 =	vsel vm0, $0x0, v15;
	v15 =	vld [tilespmem:$0xFA30]  }
0x316: {  	v10 =	vadd.f32 v11, v10;
	v11 =	vmul.f32 v13, v14  }
0x317: {  	v13 =	vshll.u32 v12, $0x10  }
0x318: {  	v10 =	vadd.f32 v10, v11;
	v11 =	vmul.f32 v13, v16  }
0x319: {  	v12 =	vand.u32 $0xFFFF0000, v12  }
0x31a: {  	v10 =	vadd.f32 v10, v11;
	v11 =	vmul.f32 v12, v15;
	_ =	sdelay $0x1  }
0x31b: {  	v10 =	vadd.f32 v10, v11;
	_ =	sdelay $0x1  }
0x31c: {  	(xrf2) =	vadd.scan.msk.f32 $0xffff, v10;
	_ =	sdelay $0x6  }
0x31d: {  	s12 =	sadd.s32 $0x1, s12  }
0x31e: {  	v10 =	vmov s12  }
.Ltmp13:
0x31f: {  	(pc) =	sbr.rel @p0 .LBB2_24-.Ltmp13, $3  }
0x320: {  	v11, _, _ =	vpop (xrf2)  }
0x321: {  	v11 =	vbroadcast v11, $0xF;
	_ =	sdelay $0x1  }
0x322: {  	s16 =	sshra.s32 s17, $0x2;
	s17 =	sadd.s32 $0x100, s17;
	[tilespmem:v10+s6+$0x0] =	vst.idx.msk $0x1, v11  }
0x323: {  	_ =	sdelay $0x3  }
0x324: {  	v10 =	vld.idx.msk [tilespmem:v9+s16+$0xFFFFFFD0 ss:$0x1], $0xffff;
	_ =	sdelay $0x2  }
0x325: {  	v11 =	vld [tilespmem:$0xF940];
	_ =	sdelay $0x1  }
0x326: {  	v13 =	vld [tilespmem:$0xF980];
	v12 =	vshll.u32 v10, $0x10  }
0x327: {  	v14 =	vld [tilespmem:s16+$0x4900];
	vm0 =	veq.f32 v12, $-Inf  }
0x328: {  	v15 =	vld [tilespmem:$0xF9C0];
	v10 =	vand.u32 $0xFFFF0000, v10;
	v12 =	vsel vm0, $0x0, v12  }
0x329: {  	v16 =	vld.idx.msk [tilespmem:v9+s16+$0xFFFFFFE0 ss:$0x1], $0xffff;
	vm9 =	veq.f32 v10, $-Inf;
	v11 =	vmul.f32 v12, v11  }
0x32a: {  	v39 =	vld [tilespmem:$0xFA00];
	v10 =	vsel vm9, $0x0, v10  }
0x32b: {  	v10 =	vmul.f32 v10, v13;
	v11 =	vadd.f32 $0.0e+00, v11  }
0x32c: {  	v17 =	vld [tilespmem:$0xF950];
	v40 =	vshll.u32 v14, $0x10  }
0x32d: {  	v10 =	vadd.f32 v11, v10;
	v11 =	vmul.f32 v40, v15  }
0x32e: {  	v43 =	vld [tilespmem:$0xF990];
	v41 =	vand.u32 $0xFFFF0000, v14;
	v42 =	vshll.u32 v16, $0x10  }
0x32f: {  	v44 =	vld [tilespmem:s16+$0x4910];
	vm10 =	veq.f32 v42, $-Inf;
	v10 =	vadd.f32 v10, v11;
	v11 =	vmul.f32 v41, v39  }
0x330: {  	v45 =	vld [tilespmem:$0xF9D0];
	v16 =	vand.u32 $0xFFFF0000, v16;
	v14 =	vsel vm10, $0x0, v42  }
0x331: {  	v18 =	vld.idx.msk [tilespmem:v9+s16+$0xFFFFFFF0 ss:$0x1], $0xffff;
	vm11 =	veq.f32 v16, $-Inf;
	v10 =	vadd.f32 v10, v11;
	v11 =	vmul.f32 v14, v17  }
0x332: {  	v47 =	vld [tilespmem:$0xFA10];
	v46 =	vsel vm11, $0x0, v16  }
0x333: {  	v10 =	vadd.f32 v11, v10;
	v11 =	vmul.f32 v46, v43  }
0x334: {  	v49 =	vld [tilespmem:$0xF960];
	v48 =	vshll.u32 v44, $0x10  }
0x335: {  	v10 =	vadd.f32 v10, v11;
	v11 =	vmul.f32 v48, v45  }
0x336: {  	v51 =	vld [tilespmem:$0xF9A0];
	v50 =	vshll.u32 v18, $0x10;
	v12 =	vand.u32 $0xFFFF0000, v44  }
0x337: {  	v52 =	vld [tilespmem:s16+$0x4920];
	vm12 =	veq.f32 v50, $-Inf;
	v10 =	vadd.f32 v10, v11;
	v11 =	vmul.f32 v12, v47  }
0x338: {  	v53 =	vld [tilespmem:$0xF9E0];
	v54 =	vand.u32 $0xFFFF0000, v18;
	v13 =	vsel vm12, $0x0, v50  }
0x339: {  	v9 =	vld.idx.msk [tilespmem:v9+s16+$0x0 ss:$0x1], $0xffff;
	vm13 =	veq.f32 v54, $-Inf;
	v10 =	vadd.f32 v10, v11;
	v11 =	vmul.f32 v13, v49  }
0x33a: {  	v56 =	vld [tilespmem:$0xFA20];
	v55 =	vsel vm13, $0x0, v54  }
0x33b: {  	v10 =	vadd.f32 v11, v10;
	v11 =	vmul.f32 v55, v51  }
0x33c: {  	v58 =	vld [tilespmem:$0xF970];
	v57 =	vshll.u32 v52, $0x10  }
0x33d: {  	v10 =	vadd.f32 v10, v11;
	v11 =	vmul.f32 v57, v53  }
0x33e: {  	v60 =	vld [tilespmem:$0xF9B0];
	v59 =	vshll.u32 v9, $0x10;
	v12 =	vand.u32 $0xFFFF0000, v52  }
0x33f: {  	v61 =	vld [tilespmem:s16+$0x4930];
	vm14 =	veq.f32 v59, $-Inf;
	v10 =	vadd.f32 v10, v11;
	v11 =	vmul.f32 v12, v56  }
0x340: {  	v62 =	vld [tilespmem:$0xF9F0];
	v9 =	vand.u32 $0xFFFF0000, v9;
	v13 =	vsel vm14, $0x0, v59  }
0x341: {  	vm15 =	veq.f32 v9, $-Inf;
	v10 =	vadd.f32 v10, v11;
	v11 =	vmul.f32 v13, v58  }
0x342: {  	v63 =	vld [tilespmem:$0xFA30];
	v9 =	vsel vm15, $0x0, v9  }
0x343: {  	v9 =	vmul.f32 v9, v60;
	v10 =	vadd.f32 v11, v10  }
0x344: {  	v11 =	vshll.u32 v61, $0x10  }
0x345: {  	v9 =	vadd.f32 v10, v9;
	v10 =	vmul.f32 v11, v62  }
0x346: {  	v11 =	vand.u32 $0xFFFF0000, v61  }
0x347: {  	v9 =	vadd.f32 v9, v10;
	v10 =	vmul.f32 v11, v63;
	_ =	sdelay $0x1  }
0x348: {  	v9 =	vadd.f32 v9, v10;
	_ =	sdelay $0x1  }
0x349: {  	(xrf2) =	vadd.scan.msk.f32 $0xffff, v9;
	_ =	sdelay $0x6  }
0x34a: {  	s12 =	sadd.s32 $0x1, s12;
	s10 =	sadd.s32 $0x1, s10  }
0x34b: {  	p0 =	sne.s32 s10, $0x5;
	v9 =	vmov s12  }
.Ltmp14:
0x34c: {  	_ = 	snop;
	(pc) =	sbr.rel @p0 .LBB2_23-.Ltmp14, $3  }
0x34d: {  	v10, _, _ =	vpop (xrf2)  }
0x34e: {  	v10 =	vbroadcast v10, $0xF;
	_ =	sdelay $0x1  }
0x34f: {  	s4 =	sadd.s32 $0x40, s4;
	s3 =	sadd.s32 $0x1000, s3;
	[tilespmem:v9+s6+$0x0] =	vst.idx.msk $0x1, v10  }
0x350: {  	s9 =	sadd.s32 $0x1, s9  }
0x351: {  	p0 =	sne.s32 s9, s22  }
.Ltmp15:
0x352: {  	s2 =	simm.s32 $0x0;
	s3 =	rddreg [dreg:$0xd];
	(pc) =	sbr.rel @p0 .LBB2_1-.Ltmp15, $4  }
0x353: {  	[hbm4b:s3+s2] =	stream.linear.scatter [tilespmem:s6], [sflag:$0x5], $0x140, $0x38;
	[tilespmem:$0x1EB80] =	vst v63  }
0x354: {  	_ =	swait.ge [sflag:s26], $0x140  }
0x355: {  	[sflag:s26] =	ssyncset.done $0x0  }
0x356: {  	[sflag:s26] =	ssyncadd.s32 $0xFFFFFEC0  }
0x357: {  	_ =	sfence.sel $0x180000  }
0x358: {  	[bflag:$0x0] =	sbarrier.arrive $0xFFFF  }
0x359: {  	_ =	strace $0x90000047  }
0x35a: {  	s0 =	stileid.u32;
	[bflag:$0x2] =	sbarrier.arrive $0xFFFF  }
0x35b: {  	p0 =	sne.s32 s0, $0x0;
	s0 =	rddreg [dreg:$0xa]  }
0x35c: {  	s0 =	sadd.s32 @!p0 $0x100000, s0  }
0x35d: {  	[sflag:s0] =	ssyncadd.tile.s32 @!p0 $0x1;
	_ =	shalt  }
.Lfunc_end2:
_tile_overlayer_lowered:
.L_overlay_start_2:
0x35e: {  	(tag) =	ssettag $0x2  }
0x35f: {  	s0 =	rddreg [dreg:$0x0];
	s2 =	stileid.u32  }
0x360: {  	s1 =	rddreg [dreg:$0x1];
	p0 =	sne.s32 s2, $0x0  }
0x361: {  	s3 =	rddreg [dreg:$0x2];
	[bflag:$0x3] =	sbarrier.arrive $0xFFFF;
	s2 =	simm.s32 @!p0 $0x1C05  }
0x362: {  	[timem:s3], [sflag:s2] =	dma.local @!p0 [hbm:s0], s1  }
0x363: {  	s0 =	simm.s32 @!p0 $0x5  }
0x364: {  	_ =	swait.ge @!p0 [sflag:s0], s1  }
0x365: {  	s1 =	ssub.s32 @!p0 $0x0, s1;
	[sflag:s0] =	ssyncset.done @!p0 $0x0  }
0x366: {  	[sflag:s0] =	ssyncadd.s32 @!p0 s1  }
0x367: {  	[bflag:$0x3] =	sbarrier.arrive $0xFFFF  }
0x368: {  	_ =	shalt  }

</sc_bundles>
